<compile_context>
chip_gen: v7x
topology: tpu7x:2x2x1
jax: 0.10.2.dev20260603
libtpu: 0.0.44.dev20260713+nightly
codegen_flags: <defaults>
</compile_context>

<pallas_src>
import functools

import jax
import jax.numpy as jnp
from jax import lax
from jax.experimental import pallas as pl
from jax.experimental.pallas import tpu as pltpu
from jax.experimental.pallas import tpu_sc as plsc

N_NODES = 10000
N_EDGES = 160000
PAGE = 125
NPAGES = N_EDGES // PAGE
NW = 32
GB = 4
CH = 4
NPS = N_NODES // 16
B_EDGE = 6400
B_NODE = 2000
CHUNKS = (32000, 64000, 64000)


def _gather_rows(x, src3, base_page, n_edges):
    ppw = n_edges // PAGE // NW
    mesh = plsc.VectorSubcoreMesh(core_axis_name="c", subcore_axis_name="s")

    @functools.partial(
        pl.kernel,
        out_type=jax.ShapeDtypeStruct((n_edges, 128), jnp.float32),
        mesh=mesh,
        scratch_types=[
            pltpu.VMEM((ppw, PAGE), jnp.int32),
            pltpu.VMEM((GB * PAGE, 128), jnp.float32),
            pltpu.SemaphoreType.DMA,
        ],
        compiler_params=pltpu.CompilerParams(use_tc_tiling_on_sc=False),
    )
    def k(x_hbm, src_hbm, out_hbm, idx_v, rows_v, sem):
        cid = lax.axis_index("c")
        sid = lax.axis_index("s")
        wid = sid * 2 + cid
        pltpu.sync_copy(src_hbm.at[pl.ds(base_page + wid * ppw, ppw)], idx_v)

        def batch(b, carry):
            descs = [
                pltpu.async_copy(
                    x_hbm.at[idx_v.at[b * GB + j]],
                    rows_v.at[pl.ds(j * PAGE, PAGE)], sem)
                for j in range(GB)
            ]
            for dsc in descs:
                dsc.wait()
            pltpu.sync_copy(
                rows_v,
                out_hbm.at[pl.ds((wid * ppw + b * GB) * PAGE, GB * PAGE)])
            return carry

        lax.fori_loop(0, ppw // GB, batch, 0)

    return k(x, src3)


def _scatter_add(ev3, dst3, zeros, base_page, n_edges):
    ppw = n_edges // PAGE // NW
    nch = ppw // CH
    mesh = plsc.VectorSubcoreMesh(core_axis_name="c", subcore_axis_name="s")

    @functools.partial(
        pl.kernel,
        out_type=jax.ShapeDtypeStruct((2, N_NODES, 64), jnp.float32),
        mesh=mesh,
        scratch_types=[
            pltpu.VMEM((ppw, PAGE), jnp.int32),
            pltpu.VMEM((CH, PAGE, 64), jnp.float32),
            pltpu.VMEM_SHARED((N_NODES, 64), jnp.float32),
            pltpu.SemaphoreType.DMA,
        ],
        compiler_params=pltpu.CompilerParams(use_tc_tiling_on_sc=False),
    )
    def k(ev_hbm, dst_hbm, z_hbm, out_hbm, idx_v, vals_v, acc_sh, sem0):
        cid = lax.axis_index("c")
        sid = lax.axis_index("s")
        wid = sid * 2 + cid

        pltpu.sync_copy(dst_hbm.at[pl.ds(base_page + wid * ppw, ppw)], idx_v)
        pltpu.sync_copy(z_hbm.at[pl.ds(sid * NPS, NPS)],
                        acc_sh.at[pl.ds(sid * NPS, NPS)])
        plsc.subcore_barrier()

        def chunk(c, _):
            pltpu.async_copy(
                ev_hbm.at[pl.ds(wid * ppw + c * CH, CH), slice(None),
                          pl.ds(0, 64)],
                vals_v, sem0).wait()
            for j in range(CH):
                pltpu.sync_copy(vals_v.at[j],
                                acc_sh.at[idx_v.at[c * CH + j]],
                                add=True)
            return _

        lax.fori_loop(0, nch, chunk, 0)
        plsc.subcore_barrier()

        pltpu.sync_copy(acc_sh.at[pl.ds(sid * NPS, NPS)],
                        out_hbm.at[cid, pl.ds(sid * NPS, NPS)])

    return k(ev3, dst3, zeros)


def _edge_body(elb_ref, xst_ref, sht_ref, w1_ref, w2p_ref, sq_ref, q2_ref,
               t_ref, out_ref):
    dn = (((0,), (0,)), ((), ()))
    h = lax.dot_general(elb_ref[...], w1_ref[...], dn,
                        preferred_element_type=jnp.float32)
    h = h * jax.nn.sigmoid(h)
    vwp = jnp.dot(h, w2p_ref[...], preferred_element_type=jnp.float32)
    xs32 = jnp.dot(xst_ref[...], t_ref[...],
                   preferred_element_type=jnp.float32)
    prod = vwp * xs32
    te = jnp.dot(prod, sq_ref[...], preferred_element_type=jnp.float32)
    she = lax.dot_general(sht_ref[...], q2_ref[...], dn,
                          preferred_element_type=jnp.float32)
    out_ref[...] = te * she


def _edge_values(elb, xst, sht, w1s, w2p, sq, q2, t_tile, base_edge,
                 n_edges):
    off = base_edge // B_EDGE
    return pl.pallas_call(
        _edge_body,
        grid=(n_edges // B_EDGE,),
        in_specs=[
            pl.BlockSpec((10, B_EDGE), lambda i: (0, i + off)),
            pl.BlockSpec((B_EDGE, 128), lambda i: (i, 0)),
            pl.BlockSpec((4, B_EDGE), lambda i: (0, i + off)),
            pl.BlockSpec((10, 32), lambda i: (0, 0)),
            pl.BlockSpec((32, 512), lambda i: (0, 0)),
            pl.BlockSpec((512, 128), lambda i: (0, 0)),
            pl.BlockSpec((4, 128), lambda i: (0, 0)),
            pl.BlockSpec((128, 512), lambda i: (0, 0)),
        ],
        out_specs=pl.BlockSpec((B_EDGE, 128), lambda i: (i, 0)),
        out_shape=jax.ShapeDtypeStruct((n_edges, 128), jnp.float32),
        compiler_params=pltpu.CompilerParams(
            dimension_semantics=("arbitrary",)),
    )(elb, xst, sht, w1s, w2p, sq, q2, t_tile)


def _ln_body(p_ref, q_ref, r_ref, g_ref, b_ref, mlo_ref, mhi_ref, out_ref):
    v = (p_ref[0] + p_ref[1]) + (q_ref[0] + q_ref[1]) + (r_ref[0] + r_ref[1])
    mlo = mlo_ref[...]
    mhi = mhi_ref[...]
    s_lo = jnp.sum(v * mlo, axis=-1, keepdims=True) * (1.0 / 64.0)
    s_hi = jnp.sum(v * mhi, axis=-1, keepdims=True) * (1.0 / 64.0)
    m = s_lo * mlo + s_hi * mhi
    d = v - m
    v_lo = jnp.sum(d * d * mlo, axis=-1, keepdims=True) * (1.0 / 64.0)
    v_hi = jnp.sum(d * d * mhi, axis=-1, keepdims=True) * (1.0 / 64.0)
    var = v_lo * mlo + v_hi * mhi
    out_ref[...] = d * lax.rsqrt(var + 1e-5) * g_ref[...] + b_ref[...]


def _layernorm(p1, p2, p3, gamma2, beta2, mlo, mhi):
    grid = (N_NODES // B_NODE,)
    bn = B_NODE // 2
    return pl.pallas_call(
        _ln_body,
        grid=grid,
        in_specs=[
            pl.BlockSpec((2, bn, 128), lambda i: (0, i, 0)),
            pl.BlockSpec((2, bn, 128), lambda i: (0, i, 0)),
            pl.BlockSpec((2, bn, 128), lambda i: (0, i, 0)),
            pl.BlockSpec((1, 128), lambda i: (0, 0)),
            pl.BlockSpec((1, 128), lambda i: (0, 0)),
            pl.BlockSpec((1, 128), lambda i: (0, 0)),
            pl.BlockSpec((1, 128), lambda i: (0, 0)),
        ],
        out_specs=pl.BlockSpec((bn, 128), lambda i: (i, 0)),
        out_shape=jax.ShapeDtypeStruct((N_NODES // 2, 128), jnp.float32),
        compiler_params=pltpu.CompilerParams(
            dimension_semantics=("arbitrary",)),
    )(p1, p2, p3, gamma2, beta2, mlo, mhi)


def kernel(x, edge_sh, edge_length_embedded, edge_src, edge_dst,
           avg_num_neighbors, W1, W2, ln_gamma, ln_beta):
    src3 = edge_src.astype(jnp.int32).reshape(NPAGES, PAGE)
    dst3 = edge_dst.astype(jnp.int32).reshape(NPAGES, PAGE)

    inv_fan = 1.0 / jnp.sqrt(jnp.float32(16))
    inv_nb = 1.0 / jnp.sqrt(jnp.float32(avg_num_neighbors))
    w1s = W1 / jnp.sqrt(jnp.float32(10))
    w0p = W2[:, :256].reshape(32, 16, 16).transpose(0, 2, 1).reshape(32, 256)
    w1p = W2[:, 256:].reshape(32, 16, 16).transpose(0, 2, 1).reshape(32, 256)
    w2p = jnp.concatenate([w0p, w1p], axis=1) / jnp.sqrt(jnp.float32(32))
    jj = jnp.arange(512)[:, None] // 16
    gg = jnp.arange(32)[None, :]
    s_mat = (jj == gg).astype(jnp.float32) * (inv_fan * inv_nb)
    r32 = jnp.arange(32)[:, None]
    c64 = jnp.arange(64)[None, :]
    q1 = jnp.where(c64 < 16, r32 == c64,
                   r32 == 16 + (c64 - 16) // 3).astype(jnp.float32)
    sq = s_mat @ q1
    r4 = jnp.arange(4)[:, None]
    q2 = jnp.where(c64 < 16, r4 == 0,
                   r4 == 1 + (c64 - 16) % 3).astype(jnp.float32)
    t_tile = (jnp.arange(512)[None, :] % 16
              == jnp.arange(128)[:, None]).astype(jnp.float32)
    sq128 = jnp.pad(sq, ((0, 0), (0, 64)))
    q2p = jnp.pad(q2, ((0, 0), (0, 64)))

    x128 = jnp.pad(x, ((0, 0), (0, 112)))
    sht = edge_sh.T
    elbt = edge_length_embedded.T
    zeros = jnp.zeros((N_NODES, 64), jnp.float32)
    lane = jnp.arange(128)[None, :]
    mlo = (lane < 64).astype(jnp.float32)
    mhi = (lane >= 64).astype(jnp.float32)
    gamma2 = jnp.tile(ln_gamma, 2).reshape(1, 128)
    beta2 = jnp.tile(ln_beta, 2).reshape(1, 128)

    nc = len(CHUNKS)
    bases = [sum(CHUNKS[:i]) for i in range(nc)]
    xs, ev, ps = [None] * nc, [None] * nc, [None] * nc
    for i in range(nc):
        xs[i] = _gather_rows(x128, src3, bases[i] // PAGE, CHUNKS[i])
        ev[i] = _edge_values(elbt, xs[i], sht, w1s, w2p, sq128, q2p,
                             t_tile, bases[i], CHUNKS[i])
    for i in range(nc):
        ev3 = ev[i].reshape(CHUNKS[i] // PAGE, PAGE, 128)
        ps[i] = _scatter_add(ev3, dst3, zeros, bases[i] // PAGE,
                             CHUNKS[i]).reshape(2, N_NODES // 2, 128)
    out2 = _layernorm(ps[0], ps[1], ps[2], gamma2, beta2, mlo, mhi)
    return out2.reshape(N_NODES, 64)

# --- scband reference (transcript-rebuilt; emitter-appended) ---
"""Pipeline reference for scband-interaction-block-58222576664742 (READ-ONLY COPY).

The authoritative reference and input builder live on the scoring server;
editing this copy changes nothing except your own understanding.
"""

import jax, jax.numpy as jnp
import numpy as np

N_NODES = 10000
N_EDGES = 160000
IN_MUL = 16          # 16x0e input
OUT_MUL0 = 16        # 16x0e output
OUT_MUL1 = 16        # 16x1o output
NUM_BASIS = 10
MID = 32
WEIGHT_NUMEL = IN_MUL * OUT_MUL0 + IN_MUL * OUT_MUL1  # 512
OUT_DIM = OUT_MUL0 + 3 * OUT_MUL1  # 64


def setup_inputs(seed: int = 0) -> dict:
    key = jax.random.key(seed)
    ks = jax.random.split(key, 9)
    x = jax.random.normal(ks[0], (N_NODES, IN_MUL), dtype=jnp.float32)
    edge_sh = jax.random.normal(ks[1], (N_EDGES, 4), dtype=jnp.float32)
    edge_length_embedded = jax.random.uniform(ks[2], (N_EDGES, NUM_BASIS), dtype=jnp.float32)
    edge_src = jax.random.randint(ks[3], (N_EDGES,), 0, N_NODES, dtype=jnp.int64) if jax.config.jax_enable_x64 else jax.random.randint(ks[3], (N_EDGES,), 0, N_NODES, dtype=jnp.int32)
    edge_dst = jax.random.randint(ks[4], (N_EDGES,), 0, N_NODES, dtype=jnp.int32)
    # FullyConnectedNet hs=[10, 32, 512] parameters (e3nn-style unit-variance init)
    W1 = jax.random.normal(ks[5], (NUM_BASIS, MID), dtype=jnp.float32)
    W2 = jax.random.normal(ks[6], (MID, WEIGHT_NUMEL), dtype=jnp.float32)
    # LayerNorm affine params over irreps_output.dim = 64
    ln_gamma = jnp.ones((OUT_DIM,), dtype=jnp.float32)
    ln_beta = jnp.zeros((OUT_DIM,), dtype=jnp.float32)
    return {
        "x": x,
        "edge_sh": edge_sh,
        "edge_length_embedded": edge_length_embedded,
        "edge_src": edge_src,
        "edge_dst": edge_dst,
        "avg_num_neighbors": 16,
        "W1": W1,
        "W2": W2,
        "ln_gamma": ln_gamma,
        "ln_beta": ln_beta,
    }


def reference(x, edge_sh, edge_length_embedded, edge_src, edge_dst, avg_num_neighbors, W1, W2, ln_gamma, ln_beta):
    # --- FullyConnectedNet([10, 32, 512], silu), e3nn-style fan-in normalization ---
    h = jax.nn.silu(edge_length_embedded @ W1 / jnp.sqrt(jnp.float32(NUM_BASIS)))
    value_weights = h @ W2 / jnp.sqrt(jnp.float32(MID))  # [E, 512]

    # --- FullyConnectedTensorProduct(16x0e, 1x0e+1x1o -> 16x0e+16x1o), shared_weights=False ---
    w0 = value_weights[:, : IN_MUL * OUT_MUL0].reshape(-1, IN_MUL, OUT_MUL0)
    w1 = value_weights[:, IN_MUL * OUT_MUL0 :].reshape(-1, IN_MUL, OUT_MUL1)
    xs = x[edge_src]                      # gather: [E, 16]
    sh0 = edge_sh[:, 0:1]                 # [E, 1]  (0e)
    sh1 = edge_sh[:, 1:4]                 # [E, 3]  (1o)
    inv_sqrt_fanin = 1.0 / jnp.sqrt(jnp.float32(IN_MUL))
    out0 = jnp.einsum("eiu,ei->eu", w0, xs) * sh0 * inv_sqrt_fanin          # [E, 16]
    out1 = jnp.einsum("eiu,ei,em->eum", w1, xs, sh1) * inv_sqrt_fanin       # [E, 16, 3]
    edge_values = jnp.concatenate([out0, out1.reshape(-1, 3 * OUT_MUL1)], axis=1)  # [E, 64]

    # --- scatter-add over destination nodes ---
    node_values = jax.ops.segment_sum(edge_values, edge_dst, num_segments=x.shape[0])  # [N, 64]
    node_values = node_values / jnp.sqrt(jnp.float32(avg_num_neighbors))

    # --- LayerNorm over last dim ---
    mean = jnp.mean(node_values, axis=-1, keepdims=True)
    var = jnp.var(node_values, axis=-1, keepdims=True)
    out = (node_values - mean) / jnp.sqrt(var + 1e-5) * ln_gamma + ln_beta
    return out

if __name__ == "__main__":
    import jax
    _d = setup_inputs()
    print(jax.jit(kernel)(*tuple(_d.values())))

</pallas_src>

<mosaic_0001>
#map = affine_map<(d0, d1) -> (0, 0)>
module attributes {stable_mosaic.version = 14 : i64} {
  func.func @k(%arg0: i32, %arg1: i32, %arg2: memref<10000x128xf32, #tpu.memory_space<hbm>>, %arg3: memref<1280x125xi32, #tpu.memory_space<hbm>>, %arg4: memref<32000x128xf32, #tpu.memory_space<hbm>>, %arg5: memref<8x125xi32, #tpu.memory_space<vmem>>, %arg6: memref<500x128xf32, #tpu.memory_space<vmem>>, %arg7: memref<!tpu.dma_semaphore, #tpu.memory_space<semaphore_mem>>) attributes {dimension_semantics = [#tpu.dimension_semantics<core_parallel>, #tpu.dimension_semantics<subcore_parallel>], iteration_bounds = array<i64: 2, 16>, scalar_prefetch = 0 : i64, scratch_operands = 3 : i64, tpu.core_type = #tpu.core_type<sc_vector_subcore>, window_params = [{transform_indices = #map}, {transform_indices = #map}, {transform_indices = #map}]} {
    %mul3A = arith.constant 2 : i32
    %mul3A_0 = arith.muli %arg1, %mul3A : i32
    %add3A = arith.addi %mul3A_0, %arg0 : i32
    %mul3A_1 = arith.constant 8 : i32
    %mul3A_2 = arith.muli %add3A, %mul3A_1 : i32
    %add3A_3 = arith.constant 0 : i32
    %add3A_4 = arith.addi %add3A_3, %mul3A_2 : i32
    "tpu.region"() ({
      %run_scoped3A = tpu.sem_alloc : memref<!tpu.dma_semaphore, #tpu.memory_space<semaphore_mem>>
      %dma_start3A = arith.constant 0 : i32
      %dma_start3A_10 = tpu.memref_slice %arg3[%add3A_4, %dma_start3A] : memref<1280x125xi32, #tpu.memory_space<hbm>> -> memref<8x125xi32, #tpu.memory_space<hbm>>
      %dma_start3A_11 = arith.constant 0 : i32
      %dma_start3A_12 = tpu.memref_slice %arg3[%add3A_4, %dma_start3A_11] : memref<1280x125xi32, #tpu.memory_space<hbm>> -> memref<8x125xi32, #tpu.memory_space<hbm>>
      tpu.enqueue_dma source(%dma_start3A_12 : memref<8x125xi32, #tpu.memory_space<hbm>>) target(%arg5 : memref<8x125xi32, #tpu.memory_space<vmem>>) target_semaphore(%run_scoped3A : memref<!tpu.dma_semaphore, #tpu.memory_space<semaphore_mem>>)
      %dma_wait3A = arith.constant 0 : i32
      %dma_wait3A_13 = tpu.memref_slice %arg3[%add3A_4, %dma_wait3A] : memref<1280x125xi32, #tpu.memory_space<hbm>> -> memref<8x125xi32, #tpu.memory_space<hbm>>
      %dma_wait3A_14 = arith.constant 0 : i32
      %dma_wait3A_15 = tpu.memref_slice %arg3[%add3A_4, %dma_wait3A_14] : memref<1280x125xi32, #tpu.memory_space<hbm>> -> memref<8x125xi32, #tpu.memory_space<hbm>>
      tpu.wait_dma2 semaphore(%run_scoped3A : memref<!tpu.dma_semaphore, #tpu.memory_space<semaphore_mem>>) src(%dma_wait3A_15 : memref<8x125xi32, #tpu.memory_space<hbm>>) dst(%arg5 : memref<8x125xi32, #tpu.memory_space<vmem>>)
      tpu.yield
    }) : () -> ()
    %scan3A = arith.constant 0 : i32
    %scan3A_5 = arith.constant 0 : i32
    %scan3A_6 = arith.constant 2 : i32
    %scan3A_7 = arith.addi %scan3A_5, %scan3A_6 : i32
    %scan3A_8 = arith.constant 1 : i32
    scf.for %scan3A_10 = %scan3A_5 to %scan3A_7 step %scan3A_8  : i32 {
      %mul3A_11 = arith.constant 4 : i32
      %mul3A_12 = arith.muli %scan3A_10, %mul3A_11 : i32
      %add3A_13 = arith.constant 0 : i32
      %add3A_14 = arith.addi %mul3A_12, %add3A_13 : i32
      %dma_start3A = arith.constant 0 : i32
      %dma_start3A_15 = arith.constant 0 : i32
      %dma_start3A_16 = tpu.memref_slice %arg6[%dma_start3A, %dma_start3A_15] : memref<500x128xf32, #tpu.memory_space<vmem>> -> memref<125x128xf32, #tpu.memory_space<vmem>>
      %dma_start3A_17 = arith.constant 0 : i32
      %dma_start3A_18 = tpu.memref_slice %arg5[%add3A_14, %dma_start3A_17] : memref<8x125xi32, #tpu.memory_space<vmem>> -> memref<1x125xi32, #tpu.memory_space<vmem>>
      %dma_start3A_19 = tpu.memref_squeeze %dma_start3A_18 : memref<1x125xi32, #tpu.memory_space<vmem>> -> memref<125xi32, #tpu.memory_space<vmem>>
      %dma_start3A_20 = arith.constant 0 : i32
      %dma_start3A_21 = arith.constant 0 : i32
      %dma_start3A_22 = tpu.memref_slice %arg2[%dma_start3A_20, %dma_start3A_21] : memref<10000x128xf32, #tpu.memory_space<hbm>> -> memref<10000x128xf32, #tpu.memory_space<hbm>>
      tpu.enqueue_indirect_dma source(%dma_start3A_22 : memref<10000x128xf32, #tpu.memory_space<hbm>>) target(%dma_start3A_16 : memref<125x128xf32, #tpu.memory_space<vmem>>) offsets(%dma_start3A_19 : memref<125xi32, #tpu.memory_space<vmem>>) semaphore(%arg7 : memref<!tpu.dma_semaphore, #tpu.memory_space<semaphore_mem>>)
      %mul3A_23 = arith.constant 4 : i32
      %mul3A_24 = arith.muli %scan3A_10, %mul3A_23 : i32
      %add3A_25 = arith.constant 1 : i32
      %add3A_26 = arith.addi %mul3A_24, %add3A_25 : i32
      %dma_start3A_27 = arith.constant 125 : i32
      %dma_start3A_28 = arith.constant 0 : i32
      %dma_start3A_29 = tpu.memref_slice %arg6[%dma_start3A_27, %dma_start3A_28] : memref<500x128xf32, #tpu.memory_space<vmem>> -> memref<125x128xf32, #tpu.memory_space<vmem>>
      %dma_start3A_30 = arith.constant 0 : i32
      %dma_start3A_31 = tpu.memref_slice %arg5[%add3A_26, %dma_start3A_30] : memref<8x125xi32, #tpu.memory_space<vmem>> -> memref<1x125xi32, #tpu.memory_space<vmem>>
      %dma_start3A_32 = tpu.memref_squeeze %dma_start3A_31 : memref<1x125xi32, #tpu.memory_space<vmem>> -> memref<125xi32, #tpu.memory_space<vmem>>
      %dma_start3A_33 = arith.constant 0 : i32
      %dma_start3A_34 = arith.constant 0 : i32
      %dma_start3A_35 = tpu.memref_slice %arg2[%dma_start3A_33, %dma_start3A_34] : memref<10000x128xf32, #tpu.memory_space<hbm>> -> memref<10000x128xf32, #tpu.memory_space<hbm>>
      tpu.enqueue_indirect_dma source(%dma_start3A_35 : memref<10000x128xf32, #tpu.memory_space<hbm>>) target(%dma_start3A_29 : memref<125x128xf32, #tpu.memory_space<vmem>>) offsets(%dma_start3A_32 : memref<125xi32, #tpu.memory_space<vmem>>) semaphore(%arg7 : memref<!tpu.dma_semaphore, #tpu.memory_space<semaphore_mem>>)
      %mul3A_36 = arith.constant 4 : i32
      %mul3A_37 = arith.muli %scan3A_10, %mul3A_36 : i32
      %add3A_38 = arith.constant 2 : i32
      %add3A_39 = arith.addi %mul3A_37, %add3A_38 : i32
      %dma_start3A_40 = arith.constant 250 : i32
      %dma_start3A_41 = arith.constant 0 : i32
      %dma_start3A_42 = tpu.memref_slice %arg6[%dma_start3A_40, %dma_start3A_41] : memref<500x128xf32, #tpu.memory_space<vmem>> -> memref<125x128xf32, #tpu.memory_space<vmem>>
      %dma_start3A_43 = arith.constant 0 : i32
      %dma_start3A_44 = tpu.memref_slice %arg5[%add3A_39, %dma_start3A_43] : memref<8x125xi32, #tpu.memory_space<vmem>> -> memref<1x125xi32, #tpu.memory_space<vmem>>
      %dma_start3A_45 = tpu.memref_squeeze %dma_start3A_44 : memref<1x125xi32, #tpu.memory_space<vmem>> -> memref<125xi32, #tpu.memory_space<vmem>>
      %dma_start3A_46 = arith.constant 0 : i32
      %dma_start3A_47 = arith.constant 0 : i32
      %dma_start3A_48 = tpu.memref_slice %arg2[%dma_start3A_46, %dma_start3A_47] : memref<10000x128xf32, #tpu.memory_space<hbm>> -> memref<10000x128xf32, #tpu.memory_space<hbm>>
      tpu.enqueue_indirect_dma source(%dma_start3A_48 : memref<10000x128xf32, #tpu.memory_space<hbm>>) target(%dma_start3A_42 : memref<125x128xf32, #tpu.memory_space<vmem>>) offsets(%dma_start3A_45 : memref<125xi32, #tpu.memory_space<vmem>>) semaphore(%arg7 : memref<!tpu.dma_semaphore, #tpu.memory_space<semaphore_mem>>)
      %mul3A_49 = arith.constant 4 : i32
      %mul3A_50 = arith.muli %scan3A_10, %mul3A_49 : i32
      %add3A_51 = arith.constant 3 : i32
      %add3A_52 = arith.addi %mul3A_50, %add3A_51 : i32
      %dma_start3A_53 = arith.constant 375 : i32
      %dma_start3A_54 = arith.constant 0 : i32
      %dma_start3A_55 = tpu.memref_slice %arg6[%dma_start3A_53, %dma_start3A_54] : memref<500x128xf32, #tpu.memory_space<vmem>> -> memref<125x128xf32, #tpu.memory_space<vmem>>
      %dma_start3A_56 = arith.constant 0 : i32
      %dma_start3A_57 = tpu.memref_slice %arg5[%add3A_52, %dma_start3A_56] : memref<8x125xi32, #tpu.memory_space<vmem>> -> memref<1x125xi32, #tpu.memory_space<vmem>>
      %dma_start3A_58 = tpu.memref_squeeze %dma_start3A_57 : memref<1x125xi32, #tpu.memory_space<vmem>> -> memref<125xi32, #tpu.memory_space<vmem>>
      %dma_start3A_59 = arith.constant 0 : i32
      %dma_start3A_60 = arith.constant 0 : i32
      %dma_start3A_61 = tpu.memref_slice %arg2[%dma_start3A_59, %dma_start3A_60] : memref<10000x128xf32, #tpu.memory_space<hbm>> -> memref<10000x128xf32, #tpu.memory_space<hbm>>
      tpu.enqueue_indirect_dma source(%dma_start3A_61 : memref<10000x128xf32, #tpu.memory_space<hbm>>) target(%dma_start3A_55 : memref<125x128xf32, #tpu.memory_space<vmem>>) offsets(%dma_start3A_58 : memref<125xi32, #tpu.memory_space<vmem>>) semaphore(%arg7 : memref<!tpu.dma_semaphore, #tpu.memory_space<semaphore_mem>>)
      %dma_wait3A = arith.constant 0 : i32
      %dma_wait3A_62 = arith.constant 0 : i32
      %dma_wait3A_63 = tpu.memref_slice %arg6[%dma_wait3A, %dma_wait3A_62] : memref<500x128xf32, #tpu.memory_space<vmem>> -> memref<125x128xf32, #tpu.memory_space<vmem>>
      %dma_wait3A_64 = arith.constant 0 : i32
      %dma_wait3A_65 = tpu.memref_slice %arg5[%add3A_14, %dma_wait3A_64] : memref<8x125xi32, #tpu.memory_space<vmem>> -> memref<1x125xi32, #tpu.memory_space<vmem>>
      %dma_wait3A_66 = tpu.memref_squeeze %dma_wait3A_65 : memref<1x125xi32, #tpu.memory_space<vmem>> -> memref<125xi32, #tpu.memory_space<vmem>>
      %dma_wait3A_67 = arith.constant 0 : i32
      %dma_wait3A_68 = arith.constant 0 : i32
      %dma_wait3A_69 = tpu.memref_slice %arg2[%dma_wait3A_67, %dma_wait3A_68] : memref<10000x128xf32, #tpu.memory_space<hbm>> -> memref<10000x128xf32, #tpu.memory_space<hbm>>
      tpu.wait_indirect_dma semaphore(%arg7 : memref<!tpu.dma_semaphore, #tpu.memory_space<semaphore_mem>>) src(%dma_wait3A_69 : memref<10000x128xf32, #tpu.memory_space<hbm>>) dst(%dma_wait3A_63 : memref<125x128xf32, #tpu.memory_space<vmem>>)
      %dma_wait3A_70 = arith.constant 125 : i32
      %dma_wait3A_71 = arith.constant 0 : i32
      %dma_wait3A_72 = tpu.memref_slice %arg6[%dma_wait3A_70, %dma_wait3A_71] : memref<500x128xf32, #tpu.memory_space<vmem>> -> memref<125x128xf32, #tpu.memory_space<vmem>>
      %dma_wait3A_73 = arith.constant 0 : i32
      %dma_wait3A_74 = tpu.memref_slice %arg5[%add3A_26, %dma_wait3A_73] : memref<8x125xi32, #tpu.memory_space<vmem>> -> memref<1x125xi32, #tpu.memory_space<vmem>>
      %dma_wait3A_75 = tpu.memref_squeeze %dma_wait3A_74 : memref<1x125xi32, #tpu.memory_space<vmem>> -> memref<125xi32, #tpu.memory_space<vmem>>
      %dma_wait3A_76 = arith.constant 0 : i32
      %dma_wait3A_77 = arith.constant 0 : i32
      %dma_wait3A_78 = tpu.memref_slice %arg2[%dma_wait3A_76, %dma_wait3A_77] : memref<10000x128xf32, #tpu.memory_space<hbm>> -> memref<10000x128xf32, #tpu.memory_space<hbm>>
      tpu.wait_indirect_dma semaphore(%arg7 : memref<!tpu.dma_semaphore, #tpu.memory_space<semaphore_mem>>) src(%dma_wait3A_78 : memref<10000x128xf32, #tpu.memory_space<hbm>>) dst(%dma_wait3A_72 : memref<125x128xf32, #tpu.memory_space<vmem>>)
      %dma_wait3A_79 = arith.constant 250 : i32
      %dma_wait3A_80 = arith.constant 0 : i32
      %dma_wait3A_81 = tpu.memref_slice %arg6[%dma_wait3A_79, %dma_wait3A_80] : memref<500x128xf32, #tpu.memory_space<vmem>> -> memref<125x128xf32, #tpu.memory_space<vmem>>
      %dma_wait3A_82 = arith.constant 0 : i32
      %dma_wait3A_83 = tpu.memref_slice %arg5[%add3A_39, %dma_wait3A_82] : memref<8x125xi32, #tpu.memory_space<vmem>> -> memref<1x125xi32, #tpu.memory_space<vmem>>
      %dma_wait3A_84 = tpu.memref_squeeze %dma_wait3A_83 : memref<1x125xi32, #tpu.memory_space<vmem>> -> memref<125xi32, #tpu.memory_space<vmem>>
      %dma_wait3A_85 = arith.constant 0 : i32
      %dma_wait3A_86 = arith.constant 0 : i32
      %dma_wait3A_87 = tpu.memref_slice %arg2[%dma_wait3A_85, %dma_wait3A_86] : memref<10000x128xf32, #tpu.memory_space<hbm>> -> memref<10000x128xf32, #tpu.memory_space<hbm>>
      tpu.wait_indirect_dma semaphore(%arg7 : memref<!tpu.dma_semaphore, #tpu.memory_space<semaphore_mem>>) src(%dma_wait3A_87 : memref<10000x128xf32, #tpu.memory_space<hbm>>) dst(%dma_wait3A_81 : memref<125x128xf32, #tpu.memory_space<vmem>>)
      %dma_wait3A_88 = arith.constant 375 : i32
      %dma_wait3A_89 = arith.constant 0 : i32
      %dma_wait3A_90 = tpu.memref_slice %arg6[%dma_wait3A_88, %dma_wait3A_89] : memref<500x128xf32, #tpu.memory_space<vmem>> -> memref<125x128xf32, #tpu.memory_space<vmem>>
      %dma_wait3A_91 = arith.constant 0 : i32
      %dma_wait3A_92 = tpu.memref_slice %arg5[%add3A_52, %dma_wait3A_91] : memref<8x125xi32, #tpu.memory_space<vmem>> -> memref<1x125xi32, #tpu.memory_space<vmem>>
      %dma_wait3A_93 = tpu.memref_squeeze %dma_wait3A_92 : memref<1x125xi32, #tpu.memory_space<vmem>> -> memref<125xi32, #tpu.memory_space<vmem>>
      %dma_wait3A_94 = arith.constant 0 : i32
      %dma_wait3A_95 = arith.constant 0 : i32
      %dma_wait3A_96 = tpu.memref_slice %arg2[%dma_wait3A_94, %dma_wait3A_95] : memref<10000x128xf32, #tpu.memory_space<hbm>> -> memref<10000x128xf32, #tpu.memory_space<hbm>>
      tpu.wait_indirect_dma semaphore(%arg7 : memref<!tpu.dma_semaphore, #tpu.memory_space<semaphore_mem>>) src(%dma_wait3A_96 : memref<10000x128xf32, #tpu.memory_space<hbm>>) dst(%dma_wait3A_90 : memref<125x128xf32, #tpu.memory_space<vmem>>)
      %mul3A_97 = arith.constant 8 : i32
      %mul3A_98 = arith.muli %add3A, %mul3A_97 : i32
      %mul3A_99 = arith.constant 4 : i32
      %mul3A_100 = arith.muli %scan3A_10, %mul3A_99 : i32
      %add3A_101 = arith.addi %mul3A_98, %mul3A_100 : i32
      %mul3A_102 = arith.constant 125 : i32
      %mul3A_103 = arith.muli %add3A_101, %mul3A_102 : i32
      "tpu.region"() ({
        %run_scoped3A = tpu.sem_alloc : memref<!tpu.dma_semaphore, #tpu.memory_space<semaphore_mem>>
        %dma_start3A_104 = arith.constant 0 : i32
        %dma_start3A_105 = tpu.memref_slice %arg4[%mul3A_103, %dma_start3A_104] : memref<32000x128xf32, #tpu.memory_space<hbm>> -> memref<500x128xf32, #tpu.memory_space<hbm>>
        %dma_start3A_106 = arith.constant 0 : i32
        %dma_start3A_107 = tpu.memref_slice %arg4[%mul3A_103, %dma_start3A_106] : memref<32000x128xf32, #tpu.memory_space<hbm>> -> memref<500x128xf32, #tpu.memory_space<hbm>>
        tpu.enqueue_dma source(%arg6 : memref<500x128xf32, #tpu.memory_space<vmem>>) target(%dma_start3A_107 : memref<500x128xf32, #tpu.memory_space<hbm>>) target_semaphore(%run_scoped3A : memref<!tpu.dma_semaphore, #tpu.memory_space<semaphore_mem>>)
        %dma_wait3A_108 = arith.constant 0 : i32
        %dma_wait3A_109 = tpu.memref_slice %arg4[%mul3A_103, %dma_wait3A_108] : memref<32000x128xf32, #tpu.memory_space<hbm>> -> memref<500x128xf32, #tpu.memory_space<hbm>>
        %dma_wait3A_110 = arith.constant 0 : i32
        %dma_wait3A_111 = tpu.memref_slice %arg4[%mul3A_103, %dma_wait3A_110] : memref<32000x128xf32, #tpu.memory_space<hbm>> -> memref<500x128xf32, #tpu.memory_space<hbm>>
        tpu.wait_dma2 semaphore(%run_scoped3A : memref<!tpu.dma_semaphore, #tpu.memory_space<semaphore_mem>>) src(%arg6 : memref<500x128xf32, #tpu.memory_space<vmem>>) dst(%dma_wait3A_111 : memref<500x128xf32, #tpu.memory_space<hbm>>)
        tpu.yield
      }) : () -> ()
    }
    %scan3A_9 = arith.constant 2 : i32
    return
  }
}

#map = affine_map<(d0, d1) -> (0, 0, 0)>
#map1 = affine_map<(d0, d1) -> (0, 0)>
module attributes {stable_mosaic.version = 14 : i64} {
  func.func @k(%arg0: i32, %arg1: i32, %arg2: memref<512x125x128xf32, #tpu.memory_space<hbm>>, %arg3: memref<1280x125xi32, #tpu.memory_space<hbm>>, %arg4: memref<10000x64xf32, #tpu.memory_space<hbm>>, %arg5: memref<2x10000x64xf32, #tpu.memory_space<hbm>>, %arg6: memref<16x125xi32, #tpu.memory_space<vmem>>, %arg7: memref<4x125x64xf32, #tpu.memory_space<vmem>>, %arg8: memref<10000x64xf32, #tpu.memory_space<vmem_shared>>, %arg9: memref<!tpu.dma_semaphore, #tpu.memory_space<semaphore_mem>>) attributes {dimension_semantics = [#tpu.dimension_semantics<core_parallel>, #tpu.dimension_semantics<subcore_parallel>], iteration_bounds = array<i64: 2, 16>, scalar_prefetch = 0 : i64, scratch_operands = 4 : i64, tpu.core_type = #tpu.core_type<sc_vector_subcore>, window_params = [{transform_indices = #map}, {transform_indices = #map1}, {transform_indices = #map1}, {transform_indices = #map}]} {
    %mul3A = arith.constant 2 : i32
    %mul3A_0 = arith.muli %arg1, %mul3A : i32
    %add3A = arith.addi %mul3A_0, %arg0 : i32
    %mul3A_1 = arith.constant 16 : i32
    %mul3A_2 = arith.muli %add3A, %mul3A_1 : i32
    %add3A_3 = arith.constant 256 : i32
    %add3A_4 = arith.addi %add3A_3, %mul3A_2 : i32
    "tpu.region"() ({
      %run_scoped3A = tpu.sem_alloc : memref<!tpu.dma_semaphore, #tpu.memory_space<semaphore_mem>>
      %dma_start3A = arith.constant 0 : i32
      %dma_start3A_19 = tpu.memref_slice %arg3[%add3A_4, %dma_start3A] : memref<1280x125xi32, #tpu.memory_space<hbm>> -> memref<16x125xi32, #tpu.memory_space<hbm>>
      %dma_start3A_20 = arith.constant 0 : i32
      %dma_start3A_21 = tpu.memref_slice %arg3[%add3A_4, %dma_start3A_20] : memref<1280x125xi32, #tpu.memory_space<hbm>> -> memref<16x125xi32, #tpu.memory_space<hbm>>
      tpu.enqueue_dma source(%dma_start3A_21 : memref<16x125xi32, #tpu.memory_space<hbm>>) target(%arg6 : memref<16x125xi32, #tpu.memory_space<vmem>>) target_semaphore(%run_scoped3A : memref<!tpu.dma_semaphore, #tpu.memory_space<semaphore_mem>>)
      %dma_wait3A = arith.constant 0 : i32
      %dma_wait3A_22 = tpu.memref_slice %arg3[%add3A_4, %dma_wait3A] : memref<1280x125xi32, #tpu.memory_space<hbm>> -> memref<16x125xi32, #tpu.memory_space<hbm>>
      %dma_wait3A_23 = arith.constant 0 : i32
      %dma_wait3A_24 = tpu.memref_slice %arg3[%add3A_4, %dma_wait3A_23] : memref<1280x125xi32, #tpu.memory_space<hbm>> -> memref<16x125xi32, #tpu.memory_space<hbm>>
      tpu.wait_dma2 semaphore(%run_scoped3A : memref<!tpu.dma_semaphore, #tpu.memory_space<semaphore_mem>>) src(%dma_wait3A_24 : memref<16x125xi32, #tpu.memory_space<hbm>>) dst(%arg6 : memref<16x125xi32, #tpu.memory_space<vmem>>)
      tpu.yield
    }) : () -> ()
    %mul3A_5 = arith.constant 625 : i32
    %mul3A_6 = arith.muli %arg1, %mul3A_5 : i32
    %mul3A_7 = arith.constant 625 : i32
    %mul3A_8 = arith.muli %arg1, %mul3A_7 : i32
    "tpu.region"() ({
      %run_scoped3A = tpu.sem_alloc : memref<!tpu.dma_semaphore, #tpu.memory_space<semaphore_mem>>
      %dma_start3A = arith.constant 0 : i32
      %dma_start3A_19 = tpu.memref_slice %arg8[%mul3A_8, %dma_start3A] : memref<10000x64xf32, #tpu.memory_space<vmem_shared>> -> memref<625x64xf32, #tpu.memory_space<vmem_shared>>
      %dma_start3A_20 = arith.constant 0 : i32
      %dma_start3A_21 = tpu.memref_slice %arg4[%mul3A_6, %dma_start3A_20] : memref<10000x64xf32, #tpu.memory_space<hbm>> -> memref<625x64xf32, #tpu.memory_space<hbm>>
      tpu.enqueue_dma source(%dma_start3A_21 : memref<625x64xf32, #tpu.memory_space<hbm>>) target(%dma_start3A_19 : memref<625x64xf32, #tpu.memory_space<vmem_shared>>) target_semaphore(%run_scoped3A : memref<!tpu.dma_semaphore, #tpu.memory_space<semaphore_mem>>)
      %dma_wait3A = arith.constant 0 : i32
      %dma_wait3A_22 = tpu.memref_slice %arg8[%mul3A_8, %dma_wait3A] : memref<10000x64xf32, #tpu.memory_space<vmem_shared>> -> memref<625x64xf32, #tpu.memory_space<vmem_shared>>
      %dma_wait3A_23 = arith.constant 0 : i32
      %dma_wait3A_24 = tpu.memref_slice %arg4[%mul3A_6, %dma_wait3A_23] : memref<10000x64xf32, #tpu.memory_space<hbm>> -> memref<625x64xf32, #tpu.memory_space<hbm>>
      tpu.wait_dma2 semaphore(%run_scoped3A : memref<!tpu.dma_semaphore, #tpu.memory_space<semaphore_mem>>) src(%dma_wait3A_24 : memref<625x64xf32, #tpu.memory_space<hbm>>) dst(%dma_wait3A_22 : memref<625x64xf32, #tpu.memory_space<vmem_shared>>)
      tpu.yield
    }) : () -> ()
    %barrier3A = arith.constant 0 : index
    tpu.barrier barrier_id(%barrier3A)
    %scan3A = arith.constant 0 : i32
    %scan3A_9 = arith.constant 0 : i32
    %scan3A_10 = arith.constant 4 : i32
    %scan3A_11 = arith.addi %scan3A_9, %scan3A_10 : i32
    %scan3A_12 = arith.constant 1 : i32
    scf.for %scan3A_19 = %scan3A_9 to %scan3A_11 step %scan3A_12  : i32 {
      %mul3A_20 = arith.constant 16 : i32
      %mul3A_21 = arith.muli %add3A, %mul3A_20 : i32
      %mul3A_22 = arith.constant 4 : i32
      %mul3A_23 = arith.muli %scan3A_19, %mul3A_22 : i32
      %add3A_24 = arith.addi %mul3A_21, %mul3A_23 : i32
      %dma_start3A = arith.constant 0 : i32
      %dma_start3A_25 = arith.constant 0 : i32
      %dma_start3A_26 = tpu.memref_slice %arg2[%add3A_24, %dma_start3A, %dma_start3A_25] : memref<512x125x128xf32, #tpu.memory_space<hbm>> -> memref<4x125x64xf32, #tpu.memory_space<hbm>>
      %dma_start3A_27 = arith.constant 0 : i32
      %dma_start3A_28 = arith.constant 0 : i32
      %dma_start3A_29 = tpu.memref_slice %arg2[%add3A_24, %dma_start3A_27, %dma_start3A_28] : memref<512x125x128xf32, #tpu.memory_space<hbm>> -> memref<4x125x64xf32, #tpu.memory_space<hbm>>
      tpu.enqueue_dma source(%dma_start3A_29 : memref<4x125x64xf32, #tpu.memory_space<hbm>>) target(%arg7 : memref<4x125x64xf32, #tpu.memory_space<vmem>>) target_semaphore(%arg9 : memref<!tpu.dma_semaphore, #tpu.memory_space<semaphore_mem>>)
      %dma_wait3A = arith.constant 0 : i32
      %dma_wait3A_30 = arith.constant 0 : i32
      %dma_wait3A_31 = tpu.memref_slice %arg2[%add3A_24, %dma_wait3A, %dma_wait3A_30] : memref<512x125x128xf32, #tpu.memory_space<hbm>> -> memref<4x125x64xf32, #tpu.memory_space<hbm>>
      %dma_wait3A_32 = arith.constant 0 : i32
      %dma_wait3A_33 = arith.constant 0 : i32
      %dma_wait3A_34 = tpu.memref_slice %arg2[%add3A_24, %dma_wait3A_32, %dma_wait3A_33] : memref<512x125x128xf32, #tpu.memory_space<hbm>> -> memref<4x125x64xf32, #tpu.memory_space<hbm>>
      tpu.wait_dma2 semaphore(%arg9 : memref<!tpu.dma_semaphore, #tpu.memory_space<semaphore_mem>>) src(%dma_wait3A_34 : memref<4x125x64xf32, #tpu.memory_space<hbm>>) dst(%arg7 : memref<4x125x64xf32, #tpu.memory_space<vmem>>)
      %mul3A_35 = arith.constant 4 : i32
      %mul3A_36 = arith.muli %scan3A_19, %mul3A_35 : i32
      %add3A_37 = arith.constant 0 : i32
      %add3A_38 = arith.addi %mul3A_36, %add3A_37 : i32
      %run_scoped3A = arith.constant 0 : i32
      "tpu.region"() ({
        %run_scoped3A_54 = tpu.sem_alloc : memref<!tpu.dma_semaphore, #tpu.memory_space<semaphore_mem>>
        %dma_start3A_55 = arith.constant 0 : i32
        %dma_start3A_56 = arith.constant 0 : i32
        %dma_start3A_57 = tpu.memref_slice %arg7[%run_scoped3A, %dma_start3A_55, %dma_start3A_56] : memref<4x125x64xf32, #tpu.memory_space<vmem>> -> memref<1x125x64xf32, #tpu.memory_space<vmem>>
        %dma_start3A_58 = tpu.memref_squeeze %dma_start3A_57 : memref<1x125x64xf32, #tpu.memory_space<vmem>> -> memref<125x64xf32, #tpu.memory_space<vmem>>
        %dma_start3A_59 = arith.constant 0 : i32
        %dma_start3A_60 = tpu.memref_slice %arg6[%add3A_38, %dma_start3A_59] : memref<16x125xi32, #tpu.memory_space<vmem>> -> memref<1x125xi32, #tpu.memory_space<vmem>>
        %dma_start3A_61 = tpu.memref_squeeze %dma_start3A_60 : memref<1x125xi32, #tpu.memory_space<vmem>> -> memref<125xi32, #tpu.memory_space<vmem>>
        %dma_start3A_62 = arith.constant 0 : i32
        %dma_start3A_63 = arith.constant 0 : i32
        %dma_start3A_64 = tpu.memref_slice %arg8[%dma_start3A_62, %dma_start3A_63] : memref<10000x64xf32, #tpu.memory_space<vmem_shared>> -> memref<10000x64xf32, #tpu.memory_space<vmem_shared>>
        tpu.enqueue_indirect_dma source(%dma_start3A_58 : memref<125x64xf32, #tpu.memory_space<vmem>>) target(%dma_start3A_64 : memref<10000x64xf32, #tpu.memory_space<vmem_shared>>) offsets(%dma_start3A_61 : memref<125xi32, #tpu.memory_space<vmem>>) semaphore(%run_scoped3A_54 : memref<!tpu.dma_semaphore, #tpu.memory_space<semaphore_mem>>) {add = true}
        %dma_wait3A_65 = arith.constant 0 : i32
        %dma_wait3A_66 = arith.constant 0 : i32
        %dma_wait3A_67 = tpu.memref_slice %arg7[%run_scoped3A, %dma_wait3A_65, %dma_wait3A_66] : memref<4x125x64xf32, #tpu.memory_space<vmem>> -> memref<1x125x64xf32, #tpu.memory_space<vmem>>
        %dma_wait3A_68 = tpu.memref_squeeze %dma_wait3A_67 : memref<1x125x64xf32, #tpu.memory_space<vmem>> -> memref<125x64xf32, #tpu.memory_space<vmem>>
        %dma_wait3A_69 = arith.constant 0 : i32
        %dma_wait3A_70 = tpu.memref_slice %arg6[%add3A_38, %dma_wait3A_69] : memref<16x125xi32, #tpu.memory_space<vmem>> -> memref<1x125xi32, #tpu.memory_space<vmem>>
        %dma_wait3A_71 = tpu.memref_squeeze %dma_wait3A_70 : memref<1x125xi32, #tpu.memory_space<vmem>> -> memref<125xi32, #tpu.memory_space<vmem>>
        %dma_wait3A_72 = arith.constant 0 : i32
        %dma_wait3A_73 = arith.constant 0 : i32
        %dma_wait3A_74 = tpu.memref_slice %arg8[%dma_wait3A_72, %dma_wait3A_73] : memref<10000x64xf32, #tpu.memory_space<vmem_shared>> -> memref<10000x64xf32, #tpu.memory_space<vmem_shared>>
        tpu.wait_indirect_dma semaphore(%run_scoped3A_54 : memref<!tpu.dma_semaphore, #tpu.memory_space<semaphore_mem>>) src(%dma_wait3A_68 : memref<125x64xf32, #tpu.memory_space<vmem>>) dst(%dma_wait3A_74 : memref<10000x64xf32, #tpu.memory_space<vmem_shared>>)
        tpu.yield
      }) : () -> ()
      %mul3A_39 = arith.constant 4 : i32
      %mul3A_40 = arith.muli %scan3A_19, %mul3A_39 : i32
      %add3A_41 = arith.constant 1 : i32
      %add3A_42 = arith.addi %mul3A_40, %add3A_41 : i32
      %run_scoped3A_43 = arith.constant 1 : i32
      "tpu.region"() ({
        %run_scoped3A_54 = tpu.sem_alloc : memref<!tpu.dma_semaphore, #tpu.memory_space<semaphore_mem>>
        %dma_start3A_55 = arith.constant 0 : i32
        %dma_start3A_56 = arith.constant 0 : i32
        %dma_start3A_57 = tpu.memref_slice %arg7[%run_scoped3A_43, %dma_start3A_55, %dma_start3A_56] : memref<4x125x64xf32, #tpu.memory_space<vmem>> -> memref<1x125x64xf32, #tpu.memory_space<vmem>>
        %dma_start3A_58 = tpu.memref_squeeze %dma_start3A_57 : memref<1x125x64xf32, #tpu.memory_space<vmem>> -> memref<125x64xf32, #tpu.memory_space<vmem>>
        %dma_start3A_59 = arith.constant 0 : i32
        %dma_start3A_60 = tpu.memref_slice %arg6[%add3A_42, %dma_start3A_59] : memref<16x125xi32, #tpu.memory_space<vmem>> -> memref<1x125xi32, #tpu.memory_space<vmem>>
        %dma_start3A_61 = tpu.memref_squeeze %dma_start3A_60 : memref<1x125xi32, #tpu.memory_space<vmem>> -> memref<125xi32, #tpu.memory_space<vmem>>
        %dma_start3A_62 = arith.constant 0 : i32
        %dma_start3A_63 = arith.constant 0 : i32
        %dma_start3A_64 = tpu.memref_slice %arg8[%dma_start3A_62, %dma_start3A_63] : memref<10000x64xf32, #tpu.memory_space<vmem_shared>> -> memref<10000x64xf32, #tpu.memory_space<vmem_shared>>
        tpu.enqueue_indirect_dma source(%dma_start3A_58 : memref<125x64xf32, #tpu.memory_space<vmem>>) target(%dma_start3A_64 : memref<10000x64xf32, #tpu.memory_space<vmem_shared>>) offsets(%dma_start3A_61 : memref<125xi32, #tpu.memory_space<vmem>>) semaphore(%run_scoped3A_54 : memref<!tpu.dma_semaphore, #tpu.memory_space<semaphore_mem>>) {add = true}
        %dma_wait3A_65 = arith.constant 0 : i32
        %dma_wait3A_66 = arith.constant 0 : i32
        %dma_wait3A_67 = tpu.memref_slice %arg7[%run_scoped3A_43, %dma_wait3A_65, %dma_wait3A_66] : memref<4x125x64xf32, #tpu.memory_space<vmem>> -> memref<1x125x64xf32, #tpu.memory_space<vmem>>
        %dma_wait3A_68 = tpu.memref_squeeze %dma_wait3A_67 : memref<1x125x64xf32, #tpu.memory_space<vmem>> -> memref<125x64xf32, #tpu.memory_space<vmem>>
        %dma_wait3A_69 = arith.constant 0 : i32
        %dma_wait3A_70 = tpu.memref_slice %arg6[%add3A_42, %dma_wait3A_69] : memref<16x125xi32, #tpu.memory_space<vmem>> -> memref<1x125xi32, #tpu.memory_space<vmem>>
        %dma_wait3A_71 = tpu.memref_squeeze %dma_wait3A_70 : memref<1x125xi32, #tpu.memory_space<vmem>> -> memref<125xi32, #tpu.memory_space<vmem>>
        %dma_wait3A_72 = arith.constant 0 : i32
        %dma_wait3A_73 = arith.constant 0 : i32
        %dma_wait3A_74 = tpu.memref_slice %arg8[%dma_wait3A_72, %dma_wait3A_73] : memref<10000x64xf32, #tpu.memory_space<vmem_shared>> -> memref<10000x64xf32, #tpu.memory_space<vmem_shared>>
        tpu.wait_indirect_dma semaphore(%run_scoped3A_54 : memref<!tpu.dma_semaphore, #tpu.memory_space<semaphore_mem>>) src(%dma_wait3A_68 : memref<125x64xf32, #tpu.memory_space<vmem>>) dst(%dma_wait3A_74 : memref<10000x64xf32, #tpu.memory_space<vmem_shared>>)
        tpu.yield
      }) : () -> ()
      %mul3A_44 = arith.constant 4 : i32
      %mul3A_45 = arith.muli %scan3A_19, %mul3A_44 : i32
      %add3A_46 = arith.constant 2 : i32
      %add3A_47 = arith.addi %mul3A_45, %add3A_46 : i32
      %run_scoped3A_48 = arith.constant 2 : i32
      "tpu.region"() ({
        %run_scoped3A_54 = tpu.sem_alloc : memref<!tpu.dma_semaphore, #tpu.memory_space<semaphore_mem>>
        %dma_start3A_55 = arith.constant 0 : i32
        %dma_start3A_56 = arith.constant 0 : i32
        %dma_start3A_57 = tpu.memref_slice %arg7[%run_scoped3A_48, %dma_start3A_55, %dma_start3A_56] : memref<4x125x64xf32, #tpu.memory_space<vmem>> -> memref<1x125x64xf32, #tpu.memory_space<vmem>>
        %dma_start3A_58 = tpu.memref_squeeze %dma_start3A_57 : memref<1x125x64xf32, #tpu.memory_space<vmem>> -> memref<125x64xf32, #tpu.memory_space<vmem>>
        %dma_start3A_59 = arith.constant 0 : i32
        %dma_start3A_60 = tpu.memref_slice %arg6[%add3A_47, %dma_start3A_59] : memref<16x125xi32, #tpu.memory_space<vmem>> -> memref<1x125xi32, #tpu.memory_space<vmem>>
        %dma_start3A_61 = tpu.memref_squeeze %dma_start3A_60 : memref<1x125xi32, #tpu.memory_space<vmem>> -> memref<125xi32, #tpu.memory_space<vmem>>
        %dma_start3A_62 = arith.constant 0 : i32
        %dma_start3A_63 = arith.constant 0 : i32
        %dma_start3A_64 = tpu.memref_slice %arg8[%dma_start3A_62, %dma_start3A_63] : memref<10000x64xf32, #tpu.memory_space<vmem_shared>> -> memref<10000x64xf32, #tpu.memory_space<vmem_shared>>
        tpu.enqueue_indirect_dma source(%dma_start3A_58 : memref<125x64xf32, #tpu.memory_space<vmem>>) target(%dma_start3A_64 : memref<10000x64xf32, #tpu.memory_space<vmem_shared>>) offsets(%dma_start3A_61 : memref<125xi32, #tpu.memory_space<vmem>>) semaphore(%run_scoped3A_54 : memref<!tpu.dma_semaphore, #tpu.memory_space<semaphore_mem>>) {add = true}
        %dma_wait3A_65 = arith.constant 0 : i32
        %dma_wait3A_66 = arith.constant 0 : i32
        %dma_wait3A_67 = tpu.memref_slice %arg7[%run_scoped3A_48, %dma_wait3A_65, %dma_wait3A_66] : memref<4x125x64xf32, #tpu.memory_space<vmem>> -> memref<1x125x64xf32, #tpu.memory_space<vmem>>
        %dma_wait3A_68 = tpu.memref_squeeze %dma_wait3A_67 : memref<1x125x64xf32, #tpu.memory_space<vmem>> -> memref<125x64xf32, #tpu.memory_space<vmem>>
        %dma_wait3A_69 = arith.constant 0 : i32
        %dma_wait3A_70 = tpu.memref_slice %arg6[%add3A_47, %dma_wait3A_69] : memref<16x125xi32, #tpu.memory_space<vmem>> -> memref<1x125xi32, #tpu.memory_space<vmem>>
        %dma_wait3A_71 = tpu.memref_squeeze %dma_wait3A_70 : memref<1x125xi32, #tpu.memory_space<vmem>> -> memref<125xi32, #tpu.memory_space<vmem>>
        %dma_wait3A_72 = arith.constant 0 : i32
        %dma_wait3A_73 = arith.constant 0 : i32
        %dma_wait3A_74 = tpu.memref_slice %arg8[%dma_wait3A_72, %dma_wait3A_73] : memref<10000x64xf32, #tpu.memory_space<vmem_shared>> -> memref<10000x64xf32, #tpu.memory_space<vmem_shared>>
        tpu.wait_indirect_dma semaphore(%run_scoped3A_54 : memref<!tpu.dma_semaphore, #tpu.memory_space<semaphore_mem>>) src(%dma_wait3A_68 : memref<125x64xf32, #tpu.memory_space<vmem>>) dst(%dma_wait3A_74 : memref<10000x64xf32, #tpu.memory_space<vmem_shared>>)
        tpu.yield
      }) : () -> ()
      %mul3A_49 = arith.constant 4 : i32
      %mul3A_50 = arith.muli %scan3A_19, %mul3A_49 : i32
      %add3A_51 = arith.constant 3 : i32
      %add3A_52 = arith.addi %mul3A_50, %add3A_51 : i32
      %run_scoped3A_53 = arith.constant 3 : i32
      "tpu.region"() ({
        %run_scoped3A_54 = tpu.sem_alloc : memref<!tpu.dma_semaphore, #tpu.memory_space<semaphore_mem>>
        %dma_start3A_55 = arith.constant 0 : i32
        %dma_start3A_56 = arith.constant 0 : i32
        %dma_start3A_57 = tpu.memref_slice %arg7[%run_scoped3A_53, %dma_start3A_55, %dma_start3A_56] : memref<4x125x64xf32, #tpu.memory_space<vmem>> -> memref<1x125x64xf32, #tpu.memory_space<vmem>>
        %dma_start3A_58 = tpu.memref_squeeze %dma_start3A_57 : memref<1x125x64xf32, #tpu.memory_space<vmem>> -> memref<125x64xf32, #tpu.memory_space<vmem>>
        %dma_start3A_59 = arith.constant 0 : i32
        %dma_start3A_60 = tpu.memref_slice %arg6[%add3A_52, %dma_start3A_59] : memref<16x125xi32, #tpu.memory_space<vmem>> -> memref<1x125xi32, #tpu.memory_space<vmem>>
        %dma_start3A_61 = tpu.memref_squeeze %dma_start3A_60 : memref<1x125xi32, #tpu.memory_space<vmem>> -> memref<125xi32, #tpu.memory_space<vmem>>
        %dma_start3A_62 = arith.constant 0 : i32
        %dma_start3A_63 = arith.constant 0 : i32
        %dma_start3A_64 = tpu.memref_slice %arg8[%dma_start3A_62, %dma_start3A_63] : memref<10000x64xf32, #tpu.memory_space<vmem_shared>> -> memref<10000x64xf32, #tpu.memory_space<vmem_shared>>
        tpu.enqueue_indirect_dma source(%dma_start3A_58 : memref<125x64xf32, #tpu.memory_space<vmem>>) target(%dma_start3A_64 : memref<10000x64xf32, #tpu.memory_space<vmem_shared>>) offsets(%dma_start3A_61 : memref<125xi32, #tpu.memory_space<vmem>>) semaphore(%run_scoped3A_54 : memref<!tpu.dma_semaphore, #tpu.memory_space<semaphore_mem>>) {add = true}
        %dma_wait3A_65 = arith.constant 0 : i32
        %dma_wait3A_66 = arith.constant 0 : i32
        %dma_wait3A_67 = tpu.memref_slice %arg7[%run_scoped3A_53, %dma_wait3A_65, %dma_wait3A_66] : memref<4x125x64xf32, #tpu.memory_space<vmem>> -> memref<1x125x64xf32, #tpu.memory_space<vmem>>
        %dma_wait3A_68 = tpu.memref_squeeze %dma_wait3A_67 : memref<1x125x64xf32, #tpu.memory_space<vmem>> -> memref<125x64xf32, #tpu.memory_space<vmem>>
        %dma_wait3A_69 = arith.constant 0 : i32
        %dma_wait3A_70 = tpu.memref_slice %arg6[%add3A_52, %dma_wait3A_69] : memref<16x125xi32, #tpu.memory_space<vmem>> -> memref<1x125xi32, #tpu.memory_space<vmem>>
        %dma_wait3A_71 = tpu.memref_squeeze %dma_wait3A_70 : memref<1x125xi32, #tpu.memory_space<vmem>> -> memref<125xi32, #tpu.memory_space<vmem>>
        %dma_wait3A_72 = arith.constant 0 : i32
        %dma_wait3A_73 = arith.constant 0 : i32
        %dma_wait3A_74 = tpu.memref_slice %arg8[%dma_wait3A_72, %dma_wait3A_73] : memref<10000x64xf32, #tpu.memory_space<vmem_shared>> -> memref<10000x64xf32, #tpu.memory_space<vmem_shared>>
        tpu.wait_indirect_dma semaphore(%run_scoped3A_54 : memref<!tpu.dma_semaphore, #tpu.memory_space<semaphore_mem>>) src(%dma_wait3A_68 : memref<125x64xf32, #tpu.memory_space<vmem>>) dst(%dma_wait3A_74 : memref<10000x64xf32, #tpu.memory_space<vmem_shared>>)
        tpu.yield
      }) : () -> ()
    }
    %scan3A_13 = arith.constant 4 : i32
    %barrier3A_14 = arith.constant 0 : index
    tpu.barrier barrier_id(%barrier3A_14)
    %mul3A_15 = arith.constant 625 : i32
    %mul3A_16 = arith.muli %arg1, %mul3A_15 : i32
    %mul3A_17 = arith.constant 625 : i32
    %mul3A_18 = arith.muli %arg1, %mul3A_17 : i32
    "tpu.region"() ({
      %run_scoped3A = tpu.sem_alloc : memref<!tpu.dma_semaphore, #tpu.memory_space<semaphore_mem>>
      %dma_start3A = arith.constant 0 : i32
      %dma_start3A_19 = tpu.memref_slice %arg5[%arg0, %mul3A_18, %dma_start3A] : memref<2x10000x64xf32, #tpu.memory_space<hbm>> -> memref<1x625x64xf32, #tpu.memory_space<hbm>>
      %dma_start3A_20 = tpu.memref_squeeze %dma_start3A_19 : memref<1x625x64xf32, #tpu.memory_space<hbm>> -> memref<625x64xf32, #tpu.memory_space<hbm>>
      %dma_start3A_21 = arith.constant 0 : i32
      %dma_start3A_22 = tpu.memref_slice %arg8[%mul3A_16, %dma_start3A_21] : memref<10000x64xf32, #tpu.memory_space<vmem_shared>> -> memref<625x64xf32, #tpu.memory_space<vmem_shared>>
      tpu.enqueue_dma source(%dma_start3A_22 : memref<625x64xf32, #tpu.memory_space<vmem_shared>>) target(%dma_start3A_20 : memref<625x64xf32, #tpu.memory_space<hbm>>) target_semaphore(%run_scoped3A : memref<!tpu.dma_semaphore, #tpu.memory_space<semaphore_mem>>)
      %dma_wait3A = arith.constant 0 : i32
      %dma_wait3A_23 = tpu.memref_slice %arg5[%arg0, %mul3A_18, %dma_wait3A] : memref<2x10000x64xf32, #tpu.memory_space<hbm>> -> memref<1x625x64xf32, #tpu.memory_space<hbm>>
      %dma_wait3A_24 = tpu.memref_squeeze %dma_wait3A_23 : memref<1x625x64xf32, #tpu.memory_space<hbm>> -> memref<625x64xf32, #tpu.memory_space<hbm>>
      %dma_wait3A_25 = arith.constant 0 : i32
      %dma_wait3A_26 = tpu.memref_slice %arg8[%mul3A_16, %dma_wait3A_25] : memref<10000x64xf32, #tpu.memory_space<vmem_shared>> -> memref<625x64xf32, #tpu.memory_space<vmem_shared>>
      tpu.wait_dma2 semaphore(%run_scoped3A : memref<!tpu.dma_semaphore, #tpu.memory_space<semaphore_mem>>) src(%dma_wait3A_26 : memref<625x64xf32, #tpu.memory_space<vmem_shared>>) dst(%dma_wait3A_24 : memref<625x64xf32, #tpu.memory_space<hbm>>)
      tpu.yield
    }) : () -> ()
    return
  }
}

#map = affine_map<(d0, d1) -> (0, 0)>
module attributes {stable_mosaic.version = 14 : i64} {
  func.func @k(%arg0: i32, %arg1: i32, %arg2: memref<10000x128xf32, #tpu.memory_space<hbm>>, %arg3: memref<1280x125xi32, #tpu.memory_space<hbm>>, %arg4: memref<64000x128xf32, #tpu.memory_space<hbm>>, %arg5: memref<16x125xi32, #tpu.memory_space<vmem>>, %arg6: memref<500x128xf32, #tpu.memory_space<vmem>>, %arg7: memref<!tpu.dma_semaphore, #tpu.memory_space<semaphore_mem>>) attributes {dimension_semantics = [#tpu.dimension_semantics<core_parallel>, #tpu.dimension_semantics<subcore_parallel>], iteration_bounds = array<i64: 2, 16>, scalar_prefetch = 0 : i64, scratch_operands = 3 : i64, tpu.core_type = #tpu.core_type<sc_vector_subcore>, window_params = [{transform_indices = #map}, {transform_indices = #map}, {transform_indices = #map}]} {
    %mul3A = arith.constant 2 : i32
    %mul3A_0 = arith.muli %arg1, %mul3A : i32
    %add3A = arith.addi %mul3A_0, %arg0 : i32
    %mul3A_1 = arith.constant 16 : i32
    %mul3A_2 = arith.muli %add3A, %mul3A_1 : i32
    %add3A_3 = arith.constant 256 : i32
    %add3A_4 = arith.addi %add3A_3, %mul3A_2 : i32
    "tpu.region"() ({
      %run_scoped3A = tpu.sem_alloc : memref<!tpu.dma_semaphore, #tpu.memory_space<semaphore_mem>>
      %dma_start3A = arith.constant 0 : i32
      %dma_start3A_10 = tpu.memref_slice %arg3[%add3A_4, %dma_start3A] : memref<1280x125xi32, #tpu.memory_space<hbm>> -> memref<16x125xi32, #tpu.memory_space<hbm>>
      %dma_start3A_11 = arith.constant 0 : i32
      %dma_start3A_12 = tpu.memref_slice %arg3[%add3A_4, %dma_start3A_11] : memref<1280x125xi32, #tpu.memory_space<hbm>> -> memref<16x125xi32, #tpu.memory_space<hbm>>
      tpu.enqueue_dma source(%dma_start3A_12 : memref<16x125xi32, #tpu.memory_space<hbm>>) target(%arg5 : memref<16x125xi32, #tpu.memory_space<vmem>>) target_semaphore(%run_scoped3A : memref<!tpu.dma_semaphore, #tpu.memory_space<semaphore_mem>>)
      %dma_wait3A = arith.constant 0 : i32
      %dma_wait3A_13 = tpu.memref_slice %arg3[%add3A_4, %dma_wait3A] : memref<1280x125xi32, #tpu.memory_space<hbm>> -> memref<16x125xi32, #tpu.memory_space<hbm>>
      %dma_wait3A_14 = arith.constant 0 : i32
      %dma_wait3A_15 = tpu.memref_slice %arg3[%add3A_4, %dma_wait3A_14] : memref<1280x125xi32, #tpu.memory_space<hbm>> -> memref<16x125xi32, #tpu.memory_space<hbm>>
      tpu.wait_dma2 semaphore(%run_scoped3A : memref<!tpu.dma_semaphore, #tpu.memory_space<semaphore_mem>>) src(%dma_wait3A_15 : memref<16x125xi32, #tpu.memory_space<hbm>>) dst(%arg5 : memref<16x125xi32, #tpu.memory_space<vmem>>)
      tpu.yield
    }) : () -> ()
    %scan3A = arith.constant 0 : i32
    %scan3A_5 = arith.constant 0 : i32
    %scan3A_6 = arith.constant 4 : i32
    %scan3A_7 = arith.addi %scan3A_5, %scan3A_6 : i32
    %scan3A_8 = arith.constant 1 : i32
    scf.for %scan3A_10 = %scan3A_5 to %scan3A_7 step %scan3A_8  : i32 {
      %mul3A_11 = arith.constant 4 : i32
      %mul3A_12 = arith.muli %scan3A_10, %mul3A_11 : i32
      %add3A_13 = arith.constant 0 : i32
      %add3A_14 = arith.addi %mul3A_12, %add3A_13 : i32
      %dma_start3A = arith.constant 0 : i32
      %dma_start3A_15 = arith.constant 0 : i32
      %dma_start3A_16 = tpu.memref_slice %arg6[%dma_start3A, %dma_start3A_15] : memref<500x128xf32, #tpu.memory_space<vmem>> -> memref<125x128xf32, #tpu.memory_space<vmem>>
      %dma_start3A_17 = arith.constant 0 : i32
      %dma_start3A_18 = tpu.memref_slice %arg5[%add3A_14, %dma_start3A_17] : memref<16x125xi32, #tpu.memory_space<vmem>> -> memref<1x125xi32, #tpu.memory_space<vmem>>
      %dma_start3A_19 = tpu.memref_squeeze %dma_start3A_18 : memref<1x125xi32, #tpu.memory_space<vmem>> -> memref<125xi32, #tpu.memory_space<vmem>>
      %dma_start3A_20 = arith.constant 0 : i32
      %dma_start3A_21 = arith.constant 0 : i32
      %dma_start3A_22 = tpu.memref_slice %arg2[%dma_start3A_20, %dma_start3A_21] : memref<10000x128xf32, #tpu.memory_space<hbm>> -> memref<10000x128xf32, #tpu.memory_space<hbm>>
      tpu.enqueue_indirect_dma source(%dma_start3A_22 : memref<10000x128xf32, #tpu.memory_space<hbm>>) target(%dma_start3A_16 : memref<125x128xf32, #tpu.memory_space<vmem>>) offsets(%dma_start3A_19 : memref<125xi32, #tpu.memory_space<vmem>>) semaphore(%arg7 : memref<!tpu.dma_semaphore, #tpu.memory_space<semaphore_mem>>)
      %mul3A_23 = arith.constant 4 : i32
      %mul3A_24 = arith.muli %scan3A_10, %mul3A_23 : i32
      %add3A_25 = arith.constant 1 : i32
      %add3A_26 = arith.addi %mul3A_24, %add3A_25 : i32
      %dma_start3A_27 = arith.constant 125 : i32
      %dma_start3A_28 = arith.constant 0 : i32
      %dma_start3A_29 = tpu.memref_slice %arg6[%dma_start3A_27, %dma_start3A_28] : memref<500x128xf32, #tpu.memory_space<vmem>> -> memref<125x128xf32, #tpu.memory_space<vmem>>
      %dma_start3A_30 = arith.constant 0 : i32
      %dma_start3A_31 = tpu.memref_slice %arg5[%add3A_26, %dma_start3A_30] : memref<16x125xi32, #tpu.memory_space<vmem>> -> memref<1x125xi32, #tpu.memory_space<vmem>>
      %dma_start3A_32 = tpu.memref_squeeze %dma_start3A_31 : memref<1x125xi32, #tpu.memory_space<vmem>> -> memref<125xi32, #tpu.memory_space<vmem>>
      %dma_start3A_33 = arith.constant 0 : i32
      %dma_start3A_34 = arith.constant 0 : i32
      %dma_start3A_35 = tpu.memref_slice %arg2[%dma_start3A_33, %dma_start3A_34] : memref<10000x128xf32, #tpu.memory_space<hbm>> -> memref<10000x128xf32, #tpu.memory_space<hbm>>
      tpu.enqueue_indirect_dma source(%dma_start3A_35 : memref<10000x128xf32, #tpu.memory_space<hbm>>) target(%dma_start3A_29 : memref<125x128xf32, #tpu.memory_space<vmem>>) offsets(%dma_start3A_32 : memref<125xi32, #tpu.memory_space<vmem>>) semaphore(%arg7 : memref<!tpu.dma_semaphore, #tpu.memory_space<semaphore_mem>>)
      %mul3A_36 = arith.constant 4 : i32
      %mul3A_37 = arith.muli %scan3A_10, %mul3A_36 : i32
      %add3A_38 = arith.constant 2 : i32
      %add3A_39 = arith.addi %mul3A_37, %add3A_38 : i32
      %dma_start3A_40 = arith.constant 250 : i32
      %dma_start3A_41 = arith.constant 0 : i32
      %dma_start3A_42 = tpu.memref_slice %arg6[%dma_start3A_40, %dma_start3A_41] : memref<500x128xf32, #tpu.memory_space<vmem>> -> memref<125x128xf32, #tpu.memory_space<vmem>>
      %dma_start3A_43 = arith.constant 0 : i32
      %dma_start3A_44 = tpu.memref_slice %arg5[%add3A_39, %dma_start3A_43] : memref<16x125xi32, #tpu.memory_space<vmem>> -> memref<1x125xi32, #tpu.memory_space<vmem>>
      %dma_start3A_45 = tpu.memref_squeeze %dma_start3A_44 : memref<1x125xi32, #tpu.memory_space<vmem>> -> memref<125xi32, #tpu.memory_space<vmem>>
      %dma_start3A_46 = arith.constant 0 : i32
      %dma_start3A_47 = arith.constant 0 : i32
      %dma_start3A_48 = tpu.memref_slice %arg2[%dma_start3A_46, %dma_start3A_47] : memref<10000x128xf32, #tpu.memory_space<hbm>> -> memref<10000x128xf32, #tpu.memory_space<hbm>>
      tpu.enqueue_indirect_dma source(%dma_start3A_48 : memref<10000x128xf32, #tpu.memory_space<hbm>>) target(%dma_start3A_42 : memref<125x128xf32, #tpu.memory_space<vmem>>) offsets(%dma_start3A_45 : memref<125xi32, #tpu.memory_space<vmem>>) semaphore(%arg7 : memref<!tpu.dma_semaphore, #tpu.memory_space<semaphore_mem>>)
      %mul3A_49 = arith.constant 4 : i32
      %mul3A_50 = arith.muli %scan3A_10, %mul3A_49 : i32
      %add3A_51 = arith.constant 3 : i32
      %add3A_52 = arith.addi %mul3A_50, %add3A_51 : i32
      %dma_start3A_53 = arith.constant 375 : i32
      %dma_start3A_54 = arith.constant 0 : i32
      %dma_start3A_55 = tpu.memref_slice %arg6[%dma_start3A_53, %dma_start3A_54] : memref<500x128xf32, #tpu.memory_space<vmem>> -> memref<125x128xf32, #tpu.memory_space<vmem>>
      %dma_start3A_56 = arith.constant 0 : i32
      %dma_start3A_57 = tpu.memref_slice %arg5[%add3A_52, %dma_start3A_56] : memref<16x125xi32, #tpu.memory_space<vmem>> -> memref<1x125xi32, #tpu.memory_space<vmem>>
      %dma_start3A_58 = tpu.memref_squeeze %dma_start3A_57 : memref<1x125xi32, #tpu.memory_space<vmem>> -> memref<125xi32, #tpu.memory_space<vmem>>
      %dma_start3A_59 = arith.constant 0 : i32
      %dma_start3A_60 = arith.constant 0 : i32
      %dma_start3A_61 = tpu.memref_slice %arg2[%dma_start3A_59, %dma_start3A_60] : memref<10000x128xf32, #tpu.memory_space<hbm>> -> memref<10000x128xf32, #tpu.memory_space<hbm>>
      tpu.enqueue_indirect_dma source(%dma_start3A_61 : memref<10000x128xf32, #tpu.memory_space<hbm>>) target(%dma_start3A_55 : memref<125x128xf32, #tpu.memory_space<vmem>>) offsets(%dma_start3A_58 : memref<125xi32, #tpu.memory_space<vmem>>) semaphore(%arg7 : memref<!tpu.dma_semaphore, #tpu.memory_space<semaphore_mem>>)
      %dma_wait3A = arith.constant 0 : i32
      %dma_wait3A_62 = arith.constant 0 : i32
      %dma_wait3A_63 = tpu.memref_slice %arg6[%dma_wait3A, %dma_wait3A_62] : memref<500x128xf32, #tpu.memory_space<vmem>> -> memref<125x128xf32, #tpu.memory_space<vmem>>
      %dma_wait3A_64 = arith.constant 0 : i32
      %dma_wait3A_65 = tpu.memref_slice %arg5[%add3A_14, %dma_wait3A_64] : memref<16x125xi32, #tpu.memory_space<vmem>> -> memref<1x125xi32, #tpu.memory_space<vmem>>
      %dma_wait3A_66 = tpu.memref_squeeze %dma_wait3A_65 : memref<1x125xi32, #tpu.memory_space<vmem>> -> memref<125xi32, #tpu.memory_space<vmem>>
      %dma_wait3A_67 = arith.constant 0 : i32
      %dma_wait3A_68 = arith.constant 0 : i32
      %dma_wait3A_69 = tpu.memref_slice %arg2[%dma_wait3A_67, %dma_wait3A_68] : memref<10000x128xf32, #tpu.memory_space<hbm>> -> memref<10000x128xf32, #tpu.memory_space<hbm>>
      tpu.wait_indirect_dma semaphore(%arg7 : memref<!tpu.dma_semaphore, #tpu.memory_space<semaphore_mem>>) src(%dma_wait3A_69 : memref<10000x128xf32, #tpu.memory_space<hbm>>) dst(%dma_wait3A_63 : memref<125x128xf32, #tpu.memory_space<vmem>>)
      %dma_wait3A_70 = arith.constant 125 : i32
      %dma_wait3A_71 = arith.constant 0 : i32
      %dma_wait3A_72 = tpu.memref_slice %arg6[%dma_wait3A_70, %dma_wait3A_71] : memref<500x128xf32, #tpu.memory_space<vmem>> -> memref<125x128xf32, #tpu.memory_space<vmem>>
      %dma_wait3A_73 = arith.constant 0 : i32
      %dma_wait3A_74 = tpu.memref_slice %arg5[%add3A_26, %dma_wait3A_73] : memref<16x125xi32, #tpu.memory_space<vmem>> -> memref<1x125xi32, #tpu.memory_space<vmem>>
      %dma_wait3A_75 = tpu.memref_squeeze %dma_wait3A_74 : memref<1x125xi32, #tpu.memory_space<vmem>> -> memref<125xi32, #tpu.memory_space<vmem>>
      %dma_wait3A_76 = arith.constant 0 : i32
      %dma_wait3A_77 = arith.constant 0 : i32
      %dma_wait3A_78 = tpu.memref_slice %arg2[%dma_wait3A_76, %dma_wait3A_77] : memref<10000x128xf32, #tpu.memory_space<hbm>> -> memref<10000x128xf32, #tpu.memory_space<hbm>>
      tpu.wait_indirect_dma semaphore(%arg7 : memref<!tpu.dma_semaphore, #tpu.memory_space<semaphore_mem>>) src(%dma_wait3A_78 : memref<10000x128xf32, #tpu.memory_space<hbm>>) dst(%dma_wait3A_72 : memref<125x128xf32, #tpu.memory_space<vmem>>)
      %dma_wait3A_79 = arith.constant 250 : i32
      %dma_wait3A_80 = arith.constant 0 : i32
      %dma_wait3A_81 = tpu.memref_slice %arg6[%dma_wait3A_79, %dma_wait3A_80] : memref<500x128xf32, #tpu.memory_space<vmem>> -> memref<125x128xf32, #tpu.memory_space<vmem>>
      %dma_wait3A_82 = arith.constant 0 : i32
      %dma_wait3A_83 = tpu.memref_slice %arg5[%add3A_39, %dma_wait3A_82] : memref<16x125xi32, #tpu.memory_space<vmem>> -> memref<1x125xi32, #tpu.memory_space<vmem>>
      %dma_wait3A_84 = tpu.memref_squeeze %dma_wait3A_83 : memref<1x125xi32, #tpu.memory_space<vmem>> -> memref<125xi32, #tpu.memory_space<vmem>>
      %dma_wait3A_85 = arith.constant 0 : i32
      %dma_wait3A_86 = arith.constant 0 : i32
      %dma_wait3A_87 = tpu.memref_slice %arg2[%dma_wait3A_85, %dma_wait3A_86] : memref<10000x128xf32, #tpu.memory_space<hbm>> -> memref<10000x128xf32, #tpu.memory_space<hbm>>
      tpu.wait_indirect_dma semaphore(%arg7 : memref<!tpu.dma_semaphore, #tpu.memory_space<semaphore_mem>>) src(%dma_wait3A_87 : memref<10000x128xf32, #tpu.memory_space<hbm>>) dst(%dma_wait3A_81 : memref<125x128xf32, #tpu.memory_space<vmem>>)
      %dma_wait3A_88 = arith.constant 375 : i32
      %dma_wait3A_89 = arith.constant 0 : i32
      %dma_wait3A_90 = tpu.memref_slice %arg6[%dma_wait3A_88, %dma_wait3A_89] : memref<500x128xf32, #tpu.memory_space<vmem>> -> memref<125x128xf32, #tpu.memory_space<vmem>>
      %dma_wait3A_91 = arith.constant 0 : i32
      %dma_wait3A_92 = tpu.memref_slice %arg5[%add3A_52, %dma_wait3A_91] : memref<16x125xi32, #tpu.memory_space<vmem>> -> memref<1x125xi32, #tpu.memory_space<vmem>>
      %dma_wait3A_93 = tpu.memref_squeeze %dma_wait3A_92 : memref<1x125xi32, #tpu.memory_space<vmem>> -> memref<125xi32, #tpu.memory_space<vmem>>
      %dma_wait3A_94 = arith.constant 0 : i32
      %dma_wait3A_95 = arith.constant 0 : i32
      %dma_wait3A_96 = tpu.memref_slice %arg2[%dma_wait3A_94, %dma_wait3A_95] : memref<10000x128xf32, #tpu.memory_space<hbm>> -> memref<10000x128xf32, #tpu.memory_space<hbm>>
      tpu.wait_indirect_dma semaphore(%arg7 : memref<!tpu.dma_semaphore, #tpu.memory_space<semaphore_mem>>) src(%dma_wait3A_96 : memref<10000x128xf32, #tpu.memory_space<hbm>>) dst(%dma_wait3A_90 : memref<125x128xf32, #tpu.memory_space<vmem>>)
      %mul3A_97 = arith.constant 16 : i32
      %mul3A_98 = arith.muli %add3A, %mul3A_97 : i32
      %mul3A_99 = arith.constant 4 : i32
      %mul3A_100 = arith.muli %scan3A_10, %mul3A_99 : i32
      %add3A_101 = arith.addi %mul3A_98, %mul3A_100 : i32
      %mul3A_102 = arith.constant 125 : i32
      %mul3A_103 = arith.muli %add3A_101, %mul3A_102 : i32
      "tpu.region"() ({
        %run_scoped3A = tpu.sem_alloc : memref<!tpu.dma_semaphore, #tpu.memory_space<semaphore_mem>>
        %dma_start3A_104 = arith.constant 0 : i32
        %dma_start3A_105 = tpu.memref_slice %arg4[%mul3A_103, %dma_start3A_104] : memref<64000x128xf32, #tpu.memory_space<hbm>> -> memref<500x128xf32, #tpu.memory_space<hbm>>
        %dma_start3A_106 = arith.constant 0 : i32
        %dma_start3A_107 = tpu.memref_slice %arg4[%mul3A_103, %dma_start3A_106] : memref<64000x128xf32, #tpu.memory_space<hbm>> -> memref<500x128xf32, #tpu.memory_space<hbm>>
        tpu.enqueue_dma source(%arg6 : memref<500x128xf32, #tpu.memory_space<vmem>>) target(%dma_start3A_107 : memref<500x128xf32, #tpu.memory_space<hbm>>) target_semaphore(%run_scoped3A : memref<!tpu.dma_semaphore, #tpu.memory_space<semaphore_mem>>)
        %dma_wait3A_108 = arith.constant 0 : i32
        %dma_wait3A_109 = tpu.memref_slice %arg4[%mul3A_103, %dma_wait3A_108] : memref<64000x128xf32, #tpu.memory_space<hbm>> -> memref<500x128xf32, #tpu.memory_space<hbm>>
        %dma_wait3A_110 = arith.constant 0 : i32
        %dma_wait3A_111 = tpu.memref_slice %arg4[%mul3A_103, %dma_wait3A_110] : memref<64000x128xf32, #tpu.memory_space<hbm>> -> memref<500x128xf32, #tpu.memory_space<hbm>>
        tpu.wait_dma2 semaphore(%run_scoped3A : memref<!tpu.dma_semaphore, #tpu.memory_space<semaphore_mem>>) src(%arg6 : memref<500x128xf32, #tpu.memory_space<vmem>>) dst(%dma_wait3A_111 : memref<500x128xf32, #tpu.memory_space<hbm>>)
        tpu.yield
      }) : () -> ()
    }
    %scan3A_9 = arith.constant 4 : i32
    return
  }
}

#map = affine_map<(d0, d1) -> (0, 0)>
module attributes {stable_mosaic.version = 14 : i64} {
  func.func @k(%arg0: i32, %arg1: i32, %arg2: memref<10000x128xf32, #tpu.memory_space<hbm>>, %arg3: memref<1280x125xi32, #tpu.memory_space<hbm>>, %arg4: memref<64000x128xf32, #tpu.memory_space<hbm>>, %arg5: memref<16x125xi32, #tpu.memory_space<vmem>>, %arg6: memref<500x128xf32, #tpu.memory_space<vmem>>, %arg7: memref<!tpu.dma_semaphore, #tpu.memory_space<semaphore_mem>>) attributes {dimension_semantics = [#tpu.dimension_semantics<core_parallel>, #tpu.dimension_semantics<subcore_parallel>], iteration_bounds = array<i64: 2, 16>, scalar_prefetch = 0 : i64, scratch_operands = 3 : i64, tpu.core_type = #tpu.core_type<sc_vector_subcore>, window_params = [{transform_indices = #map}, {transform_indices = #map}, {transform_indices = #map}]} {
    %mul3A = arith.constant 2 : i32
    %mul3A_0 = arith.muli %arg1, %mul3A : i32
    %add3A = arith.addi %mul3A_0, %arg0 : i32
    %mul3A_1 = arith.constant 16 : i32
    %mul3A_2 = arith.muli %add3A, %mul3A_1 : i32
    %add3A_3 = arith.constant 768 : i32
    %add3A_4 = arith.addi %add3A_3, %mul3A_2 : i32
    "tpu.region"() ({
      %run_scoped3A = tpu.sem_alloc : memref<!tpu.dma_semaphore, #tpu.memory_space<semaphore_mem>>
      %dma_start3A = arith.constant 0 : i32
      %dma_start3A_10 = tpu.memref_slice %arg3[%add3A_4, %dma_start3A] : memref<1280x125xi32, #tpu.memory_space<hbm>> -> memref<16x125xi32, #tpu.memory_space<hbm>>
      %dma_start3A_11 = arith.constant 0 : i32
      %dma_start3A_12 = tpu.memref_slice %arg3[%add3A_4, %dma_start3A_11] : memref<1280x125xi32, #tpu.memory_space<hbm>> -> memref<16x125xi32, #tpu.memory_space<hbm>>
      tpu.enqueue_dma source(%dma_start3A_12 : memref<16x125xi32, #tpu.memory_space<hbm>>) target(%arg5 : memref<16x125xi32, #tpu.memory_space<vmem>>) target_semaphore(%run_scoped3A : memref<!tpu.dma_semaphore, #tpu.memory_space<semaphore_mem>>)
      %dma_wait3A = arith.constant 0 : i32
      %dma_wait3A_13 = tpu.memref_slice %arg3[%add3A_4, %dma_wait3A] : memref<1280x125xi32, #tpu.memory_space<hbm>> -> memref<16x125xi32, #tpu.memory_space<hbm>>
      %dma_wait3A_14 = arith.constant 0 : i32
      %dma_wait3A_15 = tpu.memref_slice %arg3[%add3A_4, %dma_wait3A_14] : memref<1280x125xi32, #tpu.memory_space<hbm>> -> memref<16x125xi32, #tpu.memory_space<hbm>>
      tpu.wait_dma2 semaphore(%run_scoped3A : memref<!tpu.dma_semaphore, #tpu.memory_space<semaphore_mem>>) src(%dma_wait3A_15 : memref<16x125xi32, #tpu.memory_space<hbm>>) dst(%arg5 : memref<16x125xi32, #tpu.memory_space<vmem>>)
      tpu.yield
    }) : () -> ()
    %scan3A = arith.constant 0 : i32
    %scan3A_5 = arith.constant 0 : i32
    %scan3A_6 = arith.constant 4 : i32
    %scan3A_7 = arith.addi %scan3A_5, %scan3A_6 : i32
    %scan3A_8 = arith.constant 1 : i32
    scf.for %scan3A_10 = %scan3A_5 to %scan3A_7 step %scan3A_8  : i32 {
      %mul3A_11 = arith.constant 4 : i32
      %mul3A_12 = arith.muli %scan3A_10, %mul3A_11 : i32
      %add3A_13 = arith.constant 0 : i32
      %add3A_14 = arith.addi %mul3A_12, %add3A_13 : i32
      %dma_start3A = arith.constant 0 : i32
      %dma_start3A_15 = arith.constant 0 : i32
      %dma_start3A_16 = tpu.memref_slice %arg6[%dma_start3A, %dma_start3A_15] : memref<500x128xf32, #tpu.memory_space<vmem>> -> memref<125x128xf32, #tpu.memory_space<vmem>>
      %dma_start3A_17 = arith.constant 0 : i32
      %dma_start3A_18 = tpu.memref_slice %arg5[%add3A_14, %dma_start3A_17] : memref<16x125xi32, #tpu.memory_space<vmem>> -> memref<1x125xi32, #tpu.memory_space<vmem>>
      %dma_start3A_19 = tpu.memref_squeeze %dma_start3A_18 : memref<1x125xi32, #tpu.memory_space<vmem>> -> memref<125xi32, #tpu.memory_space<vmem>>
      %dma_start3A_20 = arith.constant 0 : i32
      %dma_start3A_21 = arith.constant 0 : i32
      %dma_start3A_22 = tpu.memref_slice %arg2[%dma_start3A_20, %dma_start3A_21] : memref<10000x128xf32, #tpu.memory_space<hbm>> -> memref<10000x128xf32, #tpu.memory_space<hbm>>
      tpu.enqueue_indirect_dma source(%dma_start3A_22 : memref<10000x128xf32, #tpu.memory_space<hbm>>) target(%dma_start3A_16 : memref<125x128xf32, #tpu.memory_space<vmem>>) offsets(%dma_start3A_19 : memref<125xi32, #tpu.memory_space<vmem>>) semaphore(%arg7 : memref<!tpu.dma_semaphore, #tpu.memory_space<semaphore_mem>>)
      %mul3A_23 = arith.constant 4 : i32
      %mul3A_24 = arith.muli %scan3A_10, %mul3A_23 : i32
      %add3A_25 = arith.constant 1 : i32
      %add3A_26 = arith.addi %mul3A_24, %add3A_25 : i32
      %dma_start3A_27 = arith.constant 125 : i32
      %dma_start3A_28 = arith.constant 0 : i32
      %dma_start3A_29 = tpu.memref_slice %arg6[%dma_start3A_27, %dma_start3A_28] : memref<500x128xf32, #tpu.memory_space<vmem>> -> memref<125x128xf32, #tpu.memory_space<vmem>>
      %dma_start3A_30 = arith.constant 0 : i32
      %dma_start3A_31 = tpu.memref_slice %arg5[%add3A_26, %dma_start3A_30] : memref<16x125xi32, #tpu.memory_space<vmem>> -> memref<1x125xi32, #tpu.memory_space<vmem>>
      %dma_start3A_32 = tpu.memref_squeeze %dma_start3A_31 : memref<1x125xi32, #tpu.memory_space<vmem>> -> memref<125xi32, #tpu.memory_space<vmem>>
      %dma_start3A_33 = arith.constant 0 : i32
      %dma_start3A_34 = arith.constant 0 : i32
      %dma_start3A_35 = tpu.memref_slice %arg2[%dma_start3A_33, %dma_start3A_34] : memref<10000x128xf32, #tpu.memory_space<hbm>> -> memref<10000x128xf32, #tpu.memory_space<hbm>>
      tpu.enqueue_indirect_dma source(%dma_start3A_35 : memref<10000x128xf32, #tpu.memory_space<hbm>>) target(%dma_start3A_29 : memref<125x128xf32, #tpu.memory_space<vmem>>) offsets(%dma_start3A_32 : memref<125xi32, #tpu.memory_space<vmem>>) semaphore(%arg7 : memref<!tpu.dma_semaphore, #tpu.memory_space<semaphore_mem>>)
      %mul3A_36 = arith.constant 4 : i32
      %mul3A_37 = arith.muli %scan3A_10, %mul3A_36 : i32
      %add3A_38 = arith.constant 2 : i32
      %add3A_39 = arith.addi %mul3A_37, %add3A_38 : i32
      %dma_start3A_40 = arith.constant 250 : i32
      %dma_start3A_41 = arith.constant 0 : i32
      %dma_start3A_42 = tpu.memref_slice %arg6[%dma_start3A_40, %dma_start3A_41] : memref<500x128xf32, #tpu.memory_space<vmem>> -> memref<125x128xf32, #tpu.memory_space<vmem>>
      %dma_start3A_43 = arith.constant 0 : i32
      %dma_start3A_44 = tpu.memref_slice %arg5[%add3A_39, %dma_start3A_43] : memref<16x125xi32, #tpu.memory_space<vmem>> -> memref<1x125xi32, #tpu.memory_space<vmem>>
      %dma_start3A_45 = tpu.memref_squeeze %dma_start3A_44 : memref<1x125xi32, #tpu.memory_space<vmem>> -> memref<125xi32, #tpu.memory_space<vmem>>
      %dma_start3A_46 = arith.constant 0 : i32
      %dma_start3A_47 = arith.constant 0 : i32
      %dma_start3A_48 = tpu.memref_slice %arg2[%dma_start3A_46, %dma_start3A_47] : memref<10000x128xf32, #tpu.memory_space<hbm>> -> memref<10000x128xf32, #tpu.memory_space<hbm>>
      tpu.enqueue_indirect_dma source(%dma_start3A_48 : memref<10000x128xf32, #tpu.memory_space<hbm>>) target(%dma_start3A_42 : memref<125x128xf32, #tpu.memory_space<vmem>>) offsets(%dma_start3A_45 : memref<125xi32, #tpu.memory_space<vmem>>) semaphore(%arg7 : memref<!tpu.dma_semaphore, #tpu.memory_space<semaphore_mem>>)
      %mul3A_49 = arith.constant 4 : i32
      %mul3A_50 = arith.muli %scan3A_10, %mul3A_49 : i32
      %add3A_51 = arith.constant 3 : i32
      %add3A_52 = arith.addi %mul3A_50, %add3A_51 : i32
      %dma_start3A_53 = arith.constant 375 : i32
      %dma_start3A_54 = arith.constant 0 : i32
      %dma_start3A_55 = tpu.memref_slice %arg6[%dma_start3A_53, %dma_start3A_54] : memref<500x128xf32, #tpu.memory_space<vmem>> -> memref<125x128xf32, #tpu.memory_space<vmem>>
      %dma_start3A_56 = arith.constant 0 : i32
      %dma_start3A_57 = tpu.memref_slice %arg5[%add3A_52, %dma_start3A_56] : memref<16x125xi32, #tpu.memory_space<vmem>> -> memref<1x125xi32, #tpu.memory_space<vmem>>
      %dma_start3A_58 = tpu.memref_squeeze %dma_start3A_57 : memref<1x125xi32, #tpu.memory_space<vmem>> -> memref<125xi32, #tpu.memory_space<vmem>>
      %dma_start3A_59 = arith.constant 0 : i32
      %dma_start3A_60 = arith.constant 0 : i32
      %dma_start3A_61 = tpu.memref_slice %arg2[%dma_start3A_59, %dma_start3A_60] : memref<10000x128xf32, #tpu.memory_space<hbm>> -> memref<10000x128xf32, #tpu.memory_space<hbm>>
      tpu.enqueue_indirect_dma source(%dma_start3A_61 : memref<10000x128xf32, #tpu.memory_space<hbm>>) target(%dma_start3A_55 : memref<125x128xf32, #tpu.memory_space<vmem>>) offsets(%dma_start3A_58 : memref<125xi32, #tpu.memory_space<vmem>>) semaphore(%arg7 : memref<!tpu.dma_semaphore, #tpu.memory_space<semaphore_mem>>)
      %dma_wait3A = arith.constant 0 : i32
      %dma_wait3A_62 = arith.constant 0 : i32
      %dma_wait3A_63 = tpu.memref_slice %arg6[%dma_wait3A, %dma_wait3A_62] : memref<500x128xf32, #tpu.memory_space<vmem>> -> memref<125x128xf32, #tpu.memory_space<vmem>>
      %dma_wait3A_64 = arith.constant 0 : i32
      %dma_wait3A_65 = tpu.memref_slice %arg5[%add3A_14, %dma_wait3A_64] : memref<16x125xi32, #tpu.memory_space<vmem>> -> memref<1x125xi32, #tpu.memory_space<vmem>>
      %dma_wait3A_66 = tpu.memref_squeeze %dma_wait3A_65 : memref<1x125xi32, #tpu.memory_space<vmem>> -> memref<125xi32, #tpu.memory_space<vmem>>
      %dma_wait3A_67 = arith.constant 0 : i32
      %dma_wait3A_68 = arith.constant 0 : i32
      %dma_wait3A_69 = tpu.memref_slice %arg2[%dma_wait3A_67, %dma_wait3A_68] : memref<10000x128xf32, #tpu.memory_space<hbm>> -> memref<10000x128xf32, #tpu.memory_space<hbm>>
      tpu.wait_indirect_dma semaphore(%arg7 : memref<!tpu.dma_semaphore, #tpu.memory_space<semaphore_mem>>) src(%dma_wait3A_69 : memref<10000x128xf32, #tpu.memory_space<hbm>>) dst(%dma_wait3A_63 : memref<125x128xf32, #tpu.memory_space<vmem>>)
      %dma_wait3A_70 = arith.constant 125 : i32
      %dma_wait3A_71 = arith.constant 0 : i32
      %dma_wait3A_72 = tpu.memref_slice %arg6[%dma_wait3A_70, %dma_wait3A_71] : memref<500x128xf32, #tpu.memory_space<vmem>> -> memref<125x128xf32, #tpu.memory_space<vmem>>
      %dma_wait3A_73 = arith.constant 0 : i32
      %dma_wait3A_74 = tpu.memref_slice %arg5[%add3A_26, %dma_wait3A_73] : memref<16x125xi32, #tpu.memory_space<vmem>> -> memref<1x125xi32, #tpu.memory_space<vmem>>
      %dma_wait3A_75 = tpu.memref_squeeze %dma_wait3A_74 : memref<1x125xi32, #tpu.memory_space<vmem>> -> memref<125xi32, #tpu.memory_space<vmem>>
      %dma_wait3A_76 = arith.constant 0 : i32
      %dma_wait3A_77 = arith.constant 0 : i32
      %dma_wait3A_78 = tpu.memref_slice %arg2[%dma_wait3A_76, %dma_wait3A_77] : memref<10000x128xf32, #tpu.memory_space<hbm>> -> memref<10000x128xf32, #tpu.memory_space<hbm>>
      tpu.wait_indirect_dma semaphore(%arg7 : memref<!tpu.dma_semaphore, #tpu.memory_space<semaphore_mem>>) src(%dma_wait3A_78 : memref<10000x128xf32, #tpu.memory_space<hbm>>) dst(%dma_wait3A_72 : memref<125x128xf32, #tpu.memory_space<vmem>>)
      %dma_wait3A_79 = arith.constant 250 : i32
      %dma_wait3A_80 = arith.constant 0 : i32
      %dma_wait3A_81 = tpu.memref_slice %arg6[%dma_wait3A_79, %dma_wait3A_80] : memref<500x128xf32, #tpu.memory_space<vmem>> -> memref<125x128xf32, #tpu.memory_space<vmem>>
      %dma_wait3A_82 = arith.constant 0 : i32
      %dma_wait3A_83 = tpu.memref_slice %arg5[%add3A_39, %dma_wait3A_82] : memref<16x125xi32, #tpu.memory_space<vmem>> -> memref<1x125xi32, #tpu.memory_space<vmem>>
      %dma_wait3A_84 = tpu.memref_squeeze %dma_wait3A_83 : memref<1x125xi32, #tpu.memory_space<vmem>> -> memref<125xi32, #tpu.memory_space<vmem>>
      %dma_wait3A_85 = arith.constant 0 : i32
      %dma_wait3A_86 = arith.constant 0 : i32
      %dma_wait3A_87 = tpu.memref_slice %arg2[%dma_wait3A_85, %dma_wait3A_86] : memref<10000x128xf32, #tpu.memory_space<hbm>> -> memref<10000x128xf32, #tpu.memory_space<hbm>>
      tpu.wait_indirect_dma semaphore(%arg7 : memref<!tpu.dma_semaphore, #tpu.memory_space<semaphore_mem>>) src(%dma_wait3A_87 : memref<10000x128xf32, #tpu.memory_space<hbm>>) dst(%dma_wait3A_81 : memref<125x128xf32, #tpu.memory_space<vmem>>)
      %dma_wait3A_88 = arith.constant 375 : i32
      %dma_wait3A_89 = arith.constant 0 : i32
      %dma_wait3A_90 = tpu.memref_slice %arg6[%dma_wait3A_88, %dma_wait3A_89] : memref<500x128xf32, #tpu.memory_space<vmem>> -> memref<125x128xf32, #tpu.memory_space<vmem>>
      %dma_wait3A_91 = arith.constant 0 : i32
      %dma_wait3A_92 = tpu.memref_slice %arg5[%add3A_52, %dma_wait3A_91] : memref<16x125xi32, #tpu.memory_space<vmem>> -> memref<1x125xi32, #tpu.memory_space<vmem>>
      %dma_wait3A_93 = tpu.memref_squeeze %dma_wait3A_92 : memref<1x125xi32, #tpu.memory_space<vmem>> -> memref<125xi32, #tpu.memory_space<vmem>>
      %dma_wait3A_94 = arith.constant 0 : i32
      %dma_wait3A_95 = arith.constant 0 : i32
      %dma_wait3A_96 = tpu.memref_slice %arg2[%dma_wait3A_94, %dma_wait3A_95] : memref<10000x128xf32, #tpu.memory_space<hbm>> -> memref<10000x128xf32, #tpu.memory_space<hbm>>
      tpu.wait_indirect_dma semaphore(%arg7 : memref<!tpu.dma_semaphore, #tpu.memory_space<semaphore_mem>>) src(%dma_wait3A_96 : memref<10000x128xf32, #tpu.memory_space<hbm>>) dst(%dma_wait3A_90 : memref<125x128xf32, #tpu.memory_space<vmem>>)
      %mul3A_97 = arith.constant 16 : i32
      %mul3A_98 = arith.muli %add3A, %mul3A_97 : i32
      %mul3A_99 = arith.constant 4 : i32
      %mul3A_100 = arith.muli %scan3A_10, %mul3A_99 : i32
      %add3A_101 = arith.addi %mul3A_98, %mul3A_100 : i32
      %mul3A_102 = arith.constant 125 : i32
      %mul3A_103 = arith.muli %add3A_101, %mul3A_102 : i32
      "tpu.region"() ({
        %run_scoped3A = tpu.sem_alloc : memref<!tpu.dma_semaphore, #tpu.memory_space<semaphore_mem>>
        %dma_start3A_104 = arith.constant 0 : i32
        %dma_start3A_105 = tpu.memref_slice %arg4[%mul3A_103, %dma_start3A_104] : memref<64000x128xf32, #tpu.memory_space<hbm>> -> memref<500x128xf32, #tpu.memory_space<hbm>>
        %dma_start3A_106 = arith.constant 0 : i32
        %dma_start3A_107 = tpu.memref_slice %arg4[%mul3A_103, %dma_start3A_106] : memref<64000x128xf32, #tpu.memory_space<hbm>> -> memref<500x128xf32, #tpu.memory_space<hbm>>
        tpu.enqueue_dma source(%arg6 : memref<500x128xf32, #tpu.memory_space<vmem>>) target(%dma_start3A_107 : memref<500x128xf32, #tpu.memory_space<hbm>>) target_semaphore(%run_scoped3A : memref<!tpu.dma_semaphore, #tpu.memory_space<semaphore_mem>>)
        %dma_wait3A_108 = arith.constant 0 : i32
        %dma_wait3A_109 = tpu.memref_slice %arg4[%mul3A_103, %dma_wait3A_108] : memref<64000x128xf32, #tpu.memory_space<hbm>> -> memref<500x128xf32, #tpu.memory_space<hbm>>
        %dma_wait3A_110 = arith.constant 0 : i32
        %dma_wait3A_111 = tpu.memref_slice %arg4[%mul3A_103, %dma_wait3A_110] : memref<64000x128xf32, #tpu.memory_space<hbm>> -> memref<500x128xf32, #tpu.memory_space<hbm>>
        tpu.wait_dma2 semaphore(%run_scoped3A : memref<!tpu.dma_semaphore, #tpu.memory_space<semaphore_mem>>) src(%arg6 : memref<500x128xf32, #tpu.memory_space<vmem>>) dst(%dma_wait3A_111 : memref<500x128xf32, #tpu.memory_space<hbm>>)
        tpu.yield
      }) : () -> ()
    }
    %scan3A_9 = arith.constant 4 : i32
    return
  }
}

#map = affine_map<(d0, d1) -> (0, 0, 0)>
#map1 = affine_map<(d0, d1) -> (0, 0)>
module attributes {stable_mosaic.version = 14 : i64} {
  func.func @k(%arg0: i32, %arg1: i32, %arg2: memref<256x125x128xf32, #tpu.memory_space<hbm>>, %arg3: memref<1280x125xi32, #tpu.memory_space<hbm>>, %arg4: memref<10000x64xf32, #tpu.memory_space<hbm>>, %arg5: memref<2x10000x64xf32, #tpu.memory_space<hbm>>, %arg6: memref<8x125xi32, #tpu.memory_space<vmem>>, %arg7: memref<4x125x64xf32, #tpu.memory_space<vmem>>, %arg8: memref<10000x64xf32, #tpu.memory_space<vmem_shared>>, %arg9: memref<!tpu.dma_semaphore, #tpu.memory_space<semaphore_mem>>) attributes {dimension_semantics = [#tpu.dimension_semantics<core_parallel>, #tpu.dimension_semantics<subcore_parallel>], iteration_bounds = array<i64: 2, 16>, scalar_prefetch = 0 : i64, scratch_operands = 4 : i64, tpu.core_type = #tpu.core_type<sc_vector_subcore>, window_params = [{transform_indices = #map}, {transform_indices = #map1}, {transform_indices = #map1}, {transform_indices = #map}]} {
    %mul3A = arith.constant 2 : i32
    %mul3A_0 = arith.muli %arg1, %mul3A : i32
    %add3A = arith.addi %mul3A_0, %arg0 : i32
    %mul3A_1 = arith.constant 8 : i32
    %mul3A_2 = arith.muli %add3A, %mul3A_1 : i32
    %add3A_3 = arith.constant 0 : i32
    %add3A_4 = arith.addi %add3A_3, %mul3A_2 : i32
    "tpu.region"() ({
      %run_scoped3A = tpu.sem_alloc : memref<!tpu.dma_semaphore, #tpu.memory_space<semaphore_mem>>
      %dma_start3A = arith.constant 0 : i32
      %dma_start3A_19 = tpu.memref_slice %arg3[%add3A_4, %dma_start3A] : memref<1280x125xi32, #tpu.memory_space<hbm>> -> memref<8x125xi32, #tpu.memory_space<hbm>>
      %dma_start3A_20 = arith.constant 0 : i32
      %dma_start3A_21 = tpu.memref_slice %arg3[%add3A_4, %dma_start3A_20] : memref<1280x125xi32, #tpu.memory_space<hbm>> -> memref<8x125xi32, #tpu.memory_space<hbm>>
      tpu.enqueue_dma source(%dma_start3A_21 : memref<8x125xi32, #tpu.memory_space<hbm>>) target(%arg6 : memref<8x125xi32, #tpu.memory_space<vmem>>) target_semaphore(%run_scoped3A : memref<!tpu.dma_semaphore, #tpu.memory_space<semaphore_mem>>)
      %dma_wait3A = arith.constant 0 : i32
      %dma_wait3A_22 = tpu.memref_slice %arg3[%add3A_4, %dma_wait3A] : memref<1280x125xi32, #tpu.memory_space<hbm>> -> memref<8x125xi32, #tpu.memory_space<hbm>>
      %dma_wait3A_23 = arith.constant 0 : i32
      %dma_wait3A_24 = tpu.memref_slice %arg3[%add3A_4, %dma_wait3A_23] : memref<1280x125xi32, #tpu.memory_space<hbm>> -> memref<8x125xi32, #tpu.memory_space<hbm>>
      tpu.wait_dma2 semaphore(%run_scoped3A : memref<!tpu.dma_semaphore, #tpu.memory_space<semaphore_mem>>) src(%dma_wait3A_24 : memref<8x125xi32, #tpu.memory_space<hbm>>) dst(%arg6 : memref<8x125xi32, #tpu.memory_space<vmem>>)
      tpu.yield
    }) : () -> ()
    %mul3A_5 = arith.constant 625 : i32
    %mul3A_6 = arith.muli %arg1, %mul3A_5 : i32
    %mul3A_7 = arith.constant 625 : i32
    %mul3A_8 = arith.muli %arg1, %mul3A_7 : i32
    "tpu.region"() ({
      %run_scoped3A = tpu.sem_alloc : memref<!tpu.dma_semaphore, #tpu.memory_space<semaphore_mem>>
      %dma_start3A = arith.constant 0 : i32
      %dma_start3A_19 = tpu.memref_slice %arg8[%mul3A_8, %dma_start3A] : memref<10000x64xf32, #tpu.memory_space<vmem_shared>> -> memref<625x64xf32, #tpu.memory_space<vmem_shared>>
      %dma_start3A_20 = arith.constant 0 : i32
      %dma_start3A_21 = tpu.memref_slice %arg4[%mul3A_6, %dma_start3A_20] : memref<10000x64xf32, #tpu.memory_space<hbm>> -> memref<625x64xf32, #tpu.memory_space<hbm>>
      tpu.enqueue_dma source(%dma_start3A_21 : memref<625x64xf32, #tpu.memory_space<hbm>>) target(%dma_start3A_19 : memref<625x64xf32, #tpu.memory_space<vmem_shared>>) target_semaphore(%run_scoped3A : memref<!tpu.dma_semaphore, #tpu.memory_space<semaphore_mem>>)
      %dma_wait3A = arith.constant 0 : i32
      %dma_wait3A_22 = tpu.memref_slice %arg8[%mul3A_8, %dma_wait3A] : memref<10000x64xf32, #tpu.memory_space<vmem_shared>> -> memref<625x64xf32, #tpu.memory_space<vmem_shared>>
      %dma_wait3A_23 = arith.constant 0 : i32
      %dma_wait3A_24 = tpu.memref_slice %arg4[%mul3A_6, %dma_wait3A_23] : memref<10000x64xf32, #tpu.memory_space<hbm>> -> memref<625x64xf32, #tpu.memory_space<hbm>>
      tpu.wait_dma2 semaphore(%run_scoped3A : memref<!tpu.dma_semaphore, #tpu.memory_space<semaphore_mem>>) src(%dma_wait3A_24 : memref<625x64xf32, #tpu.memory_space<hbm>>) dst(%dma_wait3A_22 : memref<625x64xf32, #tpu.memory_space<vmem_shared>>)
      tpu.yield
    }) : () -> ()
    %barrier3A = arith.constant 0 : index
    tpu.barrier barrier_id(%barrier3A)
    %scan3A = arith.constant 0 : i32
    %scan3A_9 = arith.constant 0 : i32
    %scan3A_10 = arith.constant 2 : i32
    %scan3A_11 = arith.addi %scan3A_9, %scan3A_10 : i32
    %scan3A_12 = arith.constant 1 : i32
    scf.for %scan3A_19 = %scan3A_9 to %scan3A_11 step %scan3A_12  : i32 {
      %mul3A_20 = arith.constant 8 : i32
      %mul3A_21 = arith.muli %add3A, %mul3A_20 : i32
      %mul3A_22 = arith.constant 4 : i32
      %mul3A_23 = arith.muli %scan3A_19, %mul3A_22 : i32
      %add3A_24 = arith.addi %mul3A_21, %mul3A_23 : i32
      %dma_start3A = arith.constant 0 : i32
      %dma_start3A_25 = arith.constant 0 : i32
      %dma_start3A_26 = tpu.memref_slice %arg2[%add3A_24, %dma_start3A, %dma_start3A_25] : memref<256x125x128xf32, #tpu.memory_space<hbm>> -> memref<4x125x64xf32, #tpu.memory_space<hbm>>
      %dma_start3A_27 = arith.constant 0 : i32
      %dma_start3A_28 = arith.constant 0 : i32
      %dma_start3A_29 = tpu.memref_slice %arg2[%add3A_24, %dma_start3A_27, %dma_start3A_28] : memref<256x125x128xf32, #tpu.memory_space<hbm>> -> memref<4x125x64xf32, #tpu.memory_space<hbm>>
      tpu.enqueue_dma source(%dma_start3A_29 : memref<4x125x64xf32, #tpu.memory_space<hbm>>) target(%arg7 : memref<4x125x64xf32, #tpu.memory_space<vmem>>) target_semaphore(%arg9 : memref<!tpu.dma_semaphore, #tpu.memory_space<semaphore_mem>>)
      %dma_wait3A = arith.constant 0 : i32
      %dma_wait3A_30 = arith.constant 0 : i32
      %dma_wait3A_31 = tpu.memref_slice %arg2[%add3A_24, %dma_wait3A, %dma_wait3A_30] : memref<256x125x128xf32, #tpu.memory_space<hbm>> -> memref<4x125x64xf32, #tpu.memory_space<hbm>>
      %dma_wait3A_32 = arith.constant 0 : i32
      %dma_wait3A_33 = arith.constant 0 : i32
      %dma_wait3A_34 = tpu.memref_slice %arg2[%add3A_24, %dma_wait3A_32, %dma_wait3A_33] : memref<256x125x128xf32, #tpu.memory_space<hbm>> -> memref<4x125x64xf32, #tpu.memory_space<hbm>>
      tpu.wait_dma2 semaphore(%arg9 : memref<!tpu.dma_semaphore, #tpu.memory_space<semaphore_mem>>) src(%dma_wait3A_34 : memref<4x125x64xf32, #tpu.memory_space<hbm>>) dst(%arg7 : memref<4x125x64xf32, #tpu.memory_space<vmem>>)
      %mul3A_35 = arith.constant 4 : i32
      %mul3A_36 = arith.muli %scan3A_19, %mul3A_35 : i32
      %add3A_37 = arith.constant 0 : i32
      %add3A_38 = arith.addi %mul3A_36, %add3A_37 : i32
      %run_scoped3A = arith.constant 0 : i32
      "tpu.region"() ({
        %run_scoped3A_54 = tpu.sem_alloc : memref<!tpu.dma_semaphore, #tpu.memory_space<semaphore_mem>>
        %dma_start3A_55 = arith.constant 0 : i32
        %dma_start3A_56 = arith.constant 0 : i32
        %dma_start3A_57 = tpu.memref_slice %arg7[%run_scoped3A, %dma_start3A_55, %dma_start3A_56] : memref<4x125x64xf32, #tpu.memory_space<vmem>> -> memref<1x125x64xf32, #tpu.memory_space<vmem>>
        %dma_start3A_58 = tpu.memref_squeeze %dma_start3A_57 : memref<1x125x64xf32, #tpu.memory_space<vmem>> -> memref<125x64xf32, #tpu.memory_space<vmem>>
        %dma_start3A_59 = arith.constant 0 : i32
        %dma_start3A_60 = tpu.memref_slice %arg6[%add3A_38, %dma_start3A_59] : memref<8x125xi32, #tpu.memory_space<vmem>> -> memref<1x125xi32, #tpu.memory_space<vmem>>
        %dma_start3A_61 = tpu.memref_squeeze %dma_start3A_60 : memref<1x125xi32, #tpu.memory_space<vmem>> -> memref<125xi32, #tpu.memory_space<vmem>>
        %dma_start3A_62 = arith.constant 0 : i32
        %dma_start3A_63 = arith.constant 0 : i32
        %dma_start3A_64 = tpu.memref_slice %arg8[%dma_start3A_62, %dma_start3A_63] : memref<10000x64xf32, #tpu.memory_space<vmem_shared>> -> memref<10000x64xf32, #tpu.memory_space<vmem_shared>>
        tpu.enqueue_indirect_dma source(%dma_start3A_58 : memref<125x64xf32, #tpu.memory_space<vmem>>) target(%dma_start3A_64 : memref<10000x64xf32, #tpu.memory_space<vmem_shared>>) offsets(%dma_start3A_61 : memref<125xi32, #tpu.memory_space<vmem>>) semaphore(%run_scoped3A_54 : memref<!tpu.dma_semaphore, #tpu.memory_space<semaphore_mem>>) {add = true}
        %dma_wait3A_65 = arith.constant 0 : i32
        %dma_wait3A_66 = arith.constant 0 : i32
        %dma_wait3A_67 = tpu.memref_slice %arg7[%run_scoped3A, %dma_wait3A_65, %dma_wait3A_66] : memref<4x125x64xf32, #tpu.memory_space<vmem>> -> memref<1x125x64xf32, #tpu.memory_space<vmem>>
        %dma_wait3A_68 = tpu.memref_squeeze %dma_wait3A_67 : memref<1x125x64xf32, #tpu.memory_space<vmem>> -> memref<125x64xf32, #tpu.memory_space<vmem>>
        %dma_wait3A_69 = arith.constant 0 : i32
        %dma_wait3A_70 = tpu.memref_slice %arg6[%add3A_38, %dma_wait3A_69] : memref<8x125xi32, #tpu.memory_space<vmem>> -> memref<1x125xi32, #tpu.memory_space<vmem>>
        %dma_wait3A_71 = tpu.memref_squeeze %dma_wait3A_70 : memref<1x125xi32, #tpu.memory_space<vmem>> -> memref<125xi32, #tpu.memory_space<vmem>>
        %dma_wait3A_72 = arith.constant 0 : i32
        %dma_wait3A_73 = arith.constant 0 : i32
        %dma_wait3A_74 = tpu.memref_slice %arg8[%dma_wait3A_72, %dma_wait3A_73] : memref<10000x64xf32, #tpu.memory_space<vmem_shared>> -> memref<10000x64xf32, #tpu.memory_space<vmem_shared>>
        tpu.wait_indirect_dma semaphore(%run_scoped3A_54 : memref<!tpu.dma_semaphore, #tpu.memory_space<semaphore_mem>>) src(%dma_wait3A_68 : memref<125x64xf32, #tpu.memory_space<vmem>>) dst(%dma_wait3A_74 : memref<10000x64xf32, #tpu.memory_space<vmem_shared>>)
        tpu.yield
      }) : () -> ()
      %mul3A_39 = arith.constant 4 : i32
      %mul3A_40 = arith.muli %scan3A_19, %mul3A_39 : i32
      %add3A_41 = arith.constant 1 : i32
      %add3A_42 = arith.addi %mul3A_40, %add3A_41 : i32
      %run_scoped3A_43 = arith.constant 1 : i32
      "tpu.region"() ({
        %run_scoped3A_54 = tpu.sem_alloc : memref<!tpu.dma_semaphore, #tpu.memory_space<semaphore_mem>>
        %dma_start3A_55 = arith.constant 0 : i32
        %dma_start3A_56 = arith.constant 0 : i32
        %dma_start3A_57 = tpu.memref_slice %arg7[%run_scoped3A_43, %dma_start3A_55, %dma_start3A_56] : memref<4x125x64xf32, #tpu.memory_space<vmem>> -> memref<1x125x64xf32, #tpu.memory_space<vmem>>
        %dma_start3A_58 = tpu.memref_squeeze %dma_start3A_57 : memref<1x125x64xf32, #tpu.memory_space<vmem>> -> memref<125x64xf32, #tpu.memory_space<vmem>>
        %dma_start3A_59 = arith.constant 0 : i32
        %dma_start3A_60 = tpu.memref_slice %arg6[%add3A_42, %dma_start3A_59] : memref<8x125xi32, #tpu.memory_space<vmem>> -> memref<1x125xi32, #tpu.memory_space<vmem>>
        %dma_start3A_61 = tpu.memref_squeeze %dma_start3A_60 : memref<1x125xi32, #tpu.memory_space<vmem>> -> memref<125xi32, #tpu.memory_space<vmem>>
        %dma_start3A_62 = arith.constant 0 : i32
        %dma_start3A_63 = arith.constant 0 : i32
        %dma_start3A_64 = tpu.memref_slice %arg8[%dma_start3A_62, %dma_start3A_63] : memref<10000x64xf32, #tpu.memory_space<vmem_shared>> -> memref<10000x64xf32, #tpu.memory_space<vmem_shared>>
        tpu.enqueue_indirect_dma source(%dma_start3A_58 : memref<125x64xf32, #tpu.memory_space<vmem>>) target(%dma_start3A_64 : memref<10000x64xf32, #tpu.memory_space<vmem_shared>>) offsets(%dma_start3A_61 : memref<125xi32, #tpu.memory_space<vmem>>) semaphore(%run_scoped3A_54 : memref<!tpu.dma_semaphore, #tpu.memory_space<semaphore_mem>>) {add = true}
        %dma_wait3A_65 = arith.constant 0 : i32
        %dma_wait3A_66 = arith.constant 0 : i32
        %dma_wait3A_67 = tpu.memref_slice %arg7[%run_scoped3A_43, %dma_wait3A_65, %dma_wait3A_66] : memref<4x125x64xf32, #tpu.memory_space<vmem>> -> memref<1x125x64xf32, #tpu.memory_space<vmem>>
        %dma_wait3A_68 = tpu.memref_squeeze %dma_wait3A_67 : memref<1x125x64xf32, #tpu.memory_space<vmem>> -> memref<125x64xf32, #tpu.memory_space<vmem>>
        %dma_wait3A_69 = arith.constant 0 : i32
        %dma_wait3A_70 = tpu.memref_slice %arg6[%add3A_42, %dma_wait3A_69] : memref<8x125xi32, #tpu.memory_space<vmem>> -> memref<1x125xi32, #tpu.memory_space<vmem>>
        %dma_wait3A_71 = tpu.memref_squeeze %dma_wait3A_70 : memref<1x125xi32, #tpu.memory_space<vmem>> -> memref<125xi32, #tpu.memory_space<vmem>>
        %dma_wait3A_72 = arith.constant 0 : i32
        %dma_wait3A_73 = arith.constant 0 : i32
        %dma_wait3A_74 = tpu.memref_slice %arg8[%dma_wait3A_72, %dma_wait3A_73] : memref<10000x64xf32, #tpu.memory_space<vmem_shared>> -> memref<10000x64xf32, #tpu.memory_space<vmem_shared>>
        tpu.wait_indirect_dma semaphore(%run_scoped3A_54 : memref<!tpu.dma_semaphore, #tpu.memory_space<semaphore_mem>>) src(%dma_wait3A_68 : memref<125x64xf32, #tpu.memory_space<vmem>>) dst(%dma_wait3A_74 : memref<10000x64xf32, #tpu.memory_space<vmem_shared>>)
        tpu.yield
      }) : () -> ()
      %mul3A_44 = arith.constant 4 : i32
      %mul3A_45 = arith.muli %scan3A_19, %mul3A_44 : i32
      %add3A_46 = arith.constant 2 : i32
      %add3A_47 = arith.addi %mul3A_45, %add3A_46 : i32
      %run_scoped3A_48 = arith.constant 2 : i32
      "tpu.region"() ({
        %run_scoped3A_54 = tpu.sem_alloc : memref<!tpu.dma_semaphore, #tpu.memory_space<semaphore_mem>>
        %dma_start3A_55 = arith.constant 0 : i32
        %dma_start3A_56 = arith.constant 0 : i32
        %dma_start3A_57 = tpu.memref_slice %arg7[%run_scoped3A_48, %dma_start3A_55, %dma_start3A_56] : memref<4x125x64xf32, #tpu.memory_space<vmem>> -> memref<1x125x64xf32, #tpu.memory_space<vmem>>
        %dma_start3A_58 = tpu.memref_squeeze %dma_start3A_57 : memref<1x125x64xf32, #tpu.memory_space<vmem>> -> memref<125x64xf32, #tpu.memory_space<vmem>>
        %dma_start3A_59 = arith.constant 0 : i32
        %dma_start3A_60 = tpu.memref_slice %arg6[%add3A_47, %dma_start3A_59] : memref<8x125xi32, #tpu.memory_space<vmem>> -> memref<1x125xi32, #tpu.memory_space<vmem>>
        %dma_start3A_61 = tpu.memref_squeeze %dma_start3A_60 : memref<1x125xi32, #tpu.memory_space<vmem>> -> memref<125xi32, #tpu.memory_space<vmem>>
        %dma_start3A_62 = arith.constant 0 : i32
        %dma_start3A_63 = arith.constant 0 : i32
        %dma_start3A_64 = tpu.memref_slice %arg8[%dma_start3A_62, %dma_start3A_63] : memref<10000x64xf32, #tpu.memory_space<vmem_shared>> -> memref<10000x64xf32, #tpu.memory_space<vmem_shared>>
        tpu.enqueue_indirect_dma source(%dma_start3A_58 : memref<125x64xf32, #tpu.memory_space<vmem>>) target(%dma_start3A_64 : memref<10000x64xf32, #tpu.memory_space<vmem_shared>>) offsets(%dma_start3A_61 : memref<125xi32, #tpu.memory_space<vmem>>) semaphore(%run_scoped3A_54 : memref<!tpu.dma_semaphore, #tpu.memory_space<semaphore_mem>>) {add = true}
        %dma_wait3A_65 = arith.constant 0 : i32
        %dma_wait3A_66 = arith.constant 0 : i32
        %dma_wait3A_67 = tpu.memref_slice %arg7[%run_scoped3A_48, %dma_wait3A_65, %dma_wait3A_66] : memref<4x125x64xf32, #tpu.memory_space<vmem>> -> memref<1x125x64xf32, #tpu.memory_space<vmem>>
        %dma_wait3A_68 = tpu.memref_squeeze %dma_wait3A_67 : memref<1x125x64xf32, #tpu.memory_space<vmem>> -> memref<125x64xf32, #tpu.memory_space<vmem>>
        %dma_wait3A_69 = arith.constant 0 : i32
        %dma_wait3A_70 = tpu.memref_slice %arg6[%add3A_47, %dma_wait3A_69] : memref<8x125xi32, #tpu.memory_space<vmem>> -> memref<1x125xi32, #tpu.memory_space<vmem>>
        %dma_wait3A_71 = tpu.memref_squeeze %dma_wait3A_70 : memref<1x125xi32, #tpu.memory_space<vmem>> -> memref<125xi32, #tpu.memory_space<vmem>>
        %dma_wait3A_72 = arith.constant 0 : i32
        %dma_wait3A_73 = arith.constant 0 : i32
        %dma_wait3A_74 = tpu.memref_slice %arg8[%dma_wait3A_72, %dma_wait3A_73] : memref<10000x64xf32, #tpu.memory_space<vmem_shared>> -> memref<10000x64xf32, #tpu.memory_space<vmem_shared>>
        tpu.wait_indirect_dma semaphore(%run_scoped3A_54 : memref<!tpu.dma_semaphore, #tpu.memory_space<semaphore_mem>>) src(%dma_wait3A_68 : memref<125x64xf32, #tpu.memory_space<vmem>>) dst(%dma_wait3A_74 : memref<10000x64xf32, #tpu.memory_space<vmem_shared>>)
        tpu.yield
      }) : () -> ()
      %mul3A_49 = arith.constant 4 : i32
      %mul3A_50 = arith.muli %scan3A_19, %mul3A_49 : i32
      %add3A_51 = arith.constant 3 : i32
      %add3A_52 = arith.addi %mul3A_50, %add3A_51 : i32
      %run_scoped3A_53 = arith.constant 3 : i32
      "tpu.region"() ({
        %run_scoped3A_54 = tpu.sem_alloc : memref<!tpu.dma_semaphore, #tpu.memory_space<semaphore_mem>>
        %dma_start3A_55 = arith.constant 0 : i32
        %dma_start3A_56 = arith.constant 0 : i32
        %dma_start3A_57 = tpu.memref_slice %arg7[%run_scoped3A_53, %dma_start3A_55, %dma_start3A_56] : memref<4x125x64xf32, #tpu.memory_space<vmem>> -> memref<1x125x64xf32, #tpu.memory_space<vmem>>
        %dma_start3A_58 = tpu.memref_squeeze %dma_start3A_57 : memref<1x125x64xf32, #tpu.memory_space<vmem>> -> memref<125x64xf32, #tpu.memory_space<vmem>>
        %dma_start3A_59 = arith.constant 0 : i32
        %dma_start3A_60 = tpu.memref_slice %arg6[%add3A_52, %dma_start3A_59] : memref<8x125xi32, #tpu.memory_space<vmem>> -> memref<1x125xi32, #tpu.memory_space<vmem>>
        %dma_start3A_61 = tpu.memref_squeeze %dma_start3A_60 : memref<1x125xi32, #tpu.memory_space<vmem>> -> memref<125xi32, #tpu.memory_space<vmem>>
        %dma_start3A_62 = arith.constant 0 : i32
        %dma_start3A_63 = arith.constant 0 : i32
        %dma_start3A_64 = tpu.memref_slice %arg8[%dma_start3A_62, %dma_start3A_63] : memref<10000x64xf32, #tpu.memory_space<vmem_shared>> -> memref<10000x64xf32, #tpu.memory_space<vmem_shared>>
        tpu.enqueue_indirect_dma source(%dma_start3A_58 : memref<125x64xf32, #tpu.memory_space<vmem>>) target(%dma_start3A_64 : memref<10000x64xf32, #tpu.memory_space<vmem_shared>>) offsets(%dma_start3A_61 : memref<125xi32, #tpu.memory_space<vmem>>) semaphore(%run_scoped3A_54 : memref<!tpu.dma_semaphore, #tpu.memory_space<semaphore_mem>>) {add = true}
        %dma_wait3A_65 = arith.constant 0 : i32
        %dma_wait3A_66 = arith.constant 0 : i32
        %dma_wait3A_67 = tpu.memref_slice %arg7[%run_scoped3A_53, %dma_wait3A_65, %dma_wait3A_66] : memref<4x125x64xf32, #tpu.memory_space<vmem>> -> memref<1x125x64xf32, #tpu.memory_space<vmem>>
        %dma_wait3A_68 = tpu.memref_squeeze %dma_wait3A_67 : memref<1x125x64xf32, #tpu.memory_space<vmem>> -> memref<125x64xf32, #tpu.memory_space<vmem>>
        %dma_wait3A_69 = arith.constant 0 : i32
        %dma_wait3A_70 = tpu.memref_slice %arg6[%add3A_52, %dma_wait3A_69] : memref<8x125xi32, #tpu.memory_space<vmem>> -> memref<1x125xi32, #tpu.memory_space<vmem>>
        %dma_wait3A_71 = tpu.memref_squeeze %dma_wait3A_70 : memref<1x125xi32, #tpu.memory_space<vmem>> -> memref<125xi32, #tpu.memory_space<vmem>>
        %dma_wait3A_72 = arith.constant 0 : i32
        %dma_wait3A_73 = arith.constant 0 : i32
        %dma_wait3A_74 = tpu.memref_slice %arg8[%dma_wait3A_72, %dma_wait3A_73] : memref<10000x64xf32, #tpu.memory_space<vmem_shared>> -> memref<10000x64xf32, #tpu.memory_space<vmem_shared>>
        tpu.wait_indirect_dma semaphore(%run_scoped3A_54 : memref<!tpu.dma_semaphore, #tpu.memory_space<semaphore_mem>>) src(%dma_wait3A_68 : memref<125x64xf32, #tpu.memory_space<vmem>>) dst(%dma_wait3A_74 : memref<10000x64xf32, #tpu.memory_space<vmem_shared>>)
        tpu.yield
      }) : () -> ()
    }
    %scan3A_13 = arith.constant 2 : i32
    %barrier3A_14 = arith.constant 0 : index
    tpu.barrier barrier_id(%barrier3A_14)
    %mul3A_15 = arith.constant 625 : i32
    %mul3A_16 = arith.muli %arg1, %mul3A_15 : i32
    %mul3A_17 = arith.constant 625 : i32
    %mul3A_18 = arith.muli %arg1, %mul3A_17 : i32
    "tpu.region"() ({
      %run_scoped3A = tpu.sem_alloc : memref<!tpu.dma_semaphore, #tpu.memory_space<semaphore_mem>>
      %dma_start3A = arith.constant 0 : i32
      %dma_start3A_19 = tpu.memref_slice %arg5[%arg0, %mul3A_18, %dma_start3A] : memref<2x10000x64xf32, #tpu.memory_space<hbm>> -> memref<1x625x64xf32, #tpu.memory_space<hbm>>
      %dma_start3A_20 = tpu.memref_squeeze %dma_start3A_19 : memref<1x625x64xf32, #tpu.memory_space<hbm>> -> memref<625x64xf32, #tpu.memory_space<hbm>>
      %dma_start3A_21 = arith.constant 0 : i32
      %dma_start3A_22 = tpu.memref_slice %arg8[%mul3A_16, %dma_start3A_21] : memref<10000x64xf32, #tpu.memory_space<vmem_shared>> -> memref<625x64xf32, #tpu.memory_space<vmem_shared>>
      tpu.enqueue_dma source(%dma_start3A_22 : memref<625x64xf32, #tpu.memory_space<vmem_shared>>) target(%dma_start3A_20 : memref<625x64xf32, #tpu.memory_space<hbm>>) target_semaphore(%run_scoped3A : memref<!tpu.dma_semaphore, #tpu.memory_space<semaphore_mem>>)
      %dma_wait3A = arith.constant 0 : i32
      %dma_wait3A_23 = tpu.memref_slice %arg5[%arg0, %mul3A_18, %dma_wait3A] : memref<2x10000x64xf32, #tpu.memory_space<hbm>> -> memref<1x625x64xf32, #tpu.memory_space<hbm>>
      %dma_wait3A_24 = tpu.memref_squeeze %dma_wait3A_23 : memref<1x625x64xf32, #tpu.memory_space<hbm>> -> memref<625x64xf32, #tpu.memory_space<hbm>>
      %dma_wait3A_25 = arith.constant 0 : i32
      %dma_wait3A_26 = tpu.memref_slice %arg8[%mul3A_16, %dma_wait3A_25] : memref<10000x64xf32, #tpu.memory_space<vmem_shared>> -> memref<625x64xf32, #tpu.memory_space<vmem_shared>>
      tpu.wait_dma2 semaphore(%run_scoped3A : memref<!tpu.dma_semaphore, #tpu.memory_space<semaphore_mem>>) src(%dma_wait3A_26 : memref<625x64xf32, #tpu.memory_space<vmem_shared>>) dst(%dma_wait3A_24 : memref<625x64xf32, #tpu.memory_space<hbm>>)
      tpu.yield
    }) : () -> ()
    return
  }
}

#map = affine_map<(d0, d1) -> (0, 0, 0)>
#map1 = affine_map<(d0, d1) -> (0, 0)>
module attributes {stable_mosaic.version = 14 : i64} {
  func.func @k(%arg0: i32, %arg1: i32, %arg2: memref<512x125x128xf32, #tpu.memory_space<hbm>>, %arg3: memref<1280x125xi32, #tpu.memory_space<hbm>>, %arg4: memref<10000x64xf32, #tpu.memory_space<hbm>>, %arg5: memref<2x10000x64xf32, #tpu.memory_space<hbm>>, %arg6: memref<16x125xi32, #tpu.memory_space<vmem>>, %arg7: memref<4x125x64xf32, #tpu.memory_space<vmem>>, %arg8: memref<10000x64xf32, #tpu.memory_space<vmem_shared>>, %arg9: memref<!tpu.dma_semaphore, #tpu.memory_space<semaphore_mem>>) attributes {dimension_semantics = [#tpu.dimension_semantics<core_parallel>, #tpu.dimension_semantics<subcore_parallel>], iteration_bounds = array<i64: 2, 16>, scalar_prefetch = 0 : i64, scratch_operands = 4 : i64, tpu.core_type = #tpu.core_type<sc_vector_subcore>, window_params = [{transform_indices = #map}, {transform_indices = #map1}, {transform_indices = #map1}, {transform_indices = #map}]} {
    %mul3A = arith.constant 2 : i32
    %mul3A_0 = arith.muli %arg1, %mul3A : i32
    %add3A = arith.addi %mul3A_0, %arg0 : i32
    %mul3A_1 = arith.constant 16 : i32
    %mul3A_2 = arith.muli %add3A, %mul3A_1 : i32
    %add3A_3 = arith.constant 768 : i32
    %add3A_4 = arith.addi %add3A_3, %mul3A_2 : i32
    "tpu.region"() ({
      %run_scoped3A = tpu.sem_alloc : memref<!tpu.dma_semaphore, #tpu.memory_space<semaphore_mem>>
      %dma_start3A = arith.constant 0 : i32
      %dma_start3A_19 = tpu.memref_slice %arg3[%add3A_4, %dma_start3A] : memref<1280x125xi32, #tpu.memory_space<hbm>> -> memref<16x125xi32, #tpu.memory_space<hbm>>
      %dma_start3A_20 = arith.constant 0 : i32
      %dma_start3A_21 = tpu.memref_slice %arg3[%add3A_4, %dma_start3A_20] : memref<1280x125xi32, #tpu.memory_space<hbm>> -> memref<16x125xi32, #tpu.memory_space<hbm>>
      tpu.enqueue_dma source(%dma_start3A_21 : memref<16x125xi32, #tpu.memory_space<hbm>>) target(%arg6 : memref<16x125xi32, #tpu.memory_space<vmem>>) target_semaphore(%run_scoped3A : memref<!tpu.dma_semaphore, #tpu.memory_space<semaphore_mem>>)
      %dma_wait3A = arith.constant 0 : i32
      %dma_wait3A_22 = tpu.memref_slice %arg3[%add3A_4, %dma_wait3A] : memref<1280x125xi32, #tpu.memory_space<hbm>> -> memref<16x125xi32, #tpu.memory_space<hbm>>
      %dma_wait3A_23 = arith.constant 0 : i32
      %dma_wait3A_24 = tpu.memref_slice %arg3[%add3A_4, %dma_wait3A_23] : memref<1280x125xi32, #tpu.memory_space<hbm>> -> memref<16x125xi32, #tpu.memory_space<hbm>>
      tpu.wait_dma2 semaphore(%run_scoped3A : memref<!tpu.dma_semaphore, #tpu.memory_space<semaphore_mem>>) src(%dma_wait3A_24 : memref<16x125xi32, #tpu.memory_space<hbm>>) dst(%arg6 : memref<16x125xi32, #tpu.memory_space<vmem>>)
      tpu.yield
    }) : () -> ()
    %mul3A_5 = arith.constant 625 : i32
    %mul3A_6 = arith.muli %arg1, %mul3A_5 : i32
    %mul3A_7 = arith.constant 625 : i32
    %mul3A_8 = arith.muli %arg1, %mul3A_7 : i32
    "tpu.region"() ({
      %run_scoped3A = tpu.sem_alloc : memref<!tpu.dma_semaphore, #tpu.memory_space<semaphore_mem>>
      %dma_start3A = arith.constant 0 : i32
      %dma_start3A_19 = tpu.memref_slice %arg8[%mul3A_8, %dma_start3A] : memref<10000x64xf32, #tpu.memory_space<vmem_shared>> -> memref<625x64xf32, #tpu.memory_space<vmem_shared>>
      %dma_start3A_20 = arith.constant 0 : i32
      %dma_start3A_21 = tpu.memref_slice %arg4[%mul3A_6, %dma_start3A_20] : memref<10000x64xf32, #tpu.memory_space<hbm>> -> memref<625x64xf32, #tpu.memory_space<hbm>>
      tpu.enqueue_dma source(%dma_start3A_21 : memref<625x64xf32, #tpu.memory_space<hbm>>) target(%dma_start3A_19 : memref<625x64xf32, #tpu.memory_space<vmem_shared>>) target_semaphore(%run_scoped3A : memref<!tpu.dma_semaphore, #tpu.memory_space<semaphore_mem>>)
      %dma_wait3A = arith.constant 0 : i32
      %dma_wait3A_22 = tpu.memref_slice %arg8[%mul3A_8, %dma_wait3A] : memref<10000x64xf32, #tpu.memory_space<vmem_shared>> -> memref<625x64xf32, #tpu.memory_space<vmem_shared>>
      %dma_wait3A_23 = arith.constant 0 : i32
      %dma_wait3A_24 = tpu.memref_slice %arg4[%mul3A_6, %dma_wait3A_23] : memref<10000x64xf32, #tpu.memory_space<hbm>> -> memref<625x64xf32, #tpu.memory_space<hbm>>
      tpu.wait_dma2 semaphore(%run_scoped3A : memref<!tpu.dma_semaphore, #tpu.memory_space<semaphore_mem>>) src(%dma_wait3A_24 : memref<625x64xf32, #tpu.memory_space<hbm>>) dst(%dma_wait3A_22 : memref<625x64xf32, #tpu.memory_space<vmem_shared>>)
      tpu.yield
    }) : () -> ()
    %barrier3A = arith.constant 0 : index
    tpu.barrier barrier_id(%barrier3A)
    %scan3A = arith.constant 0 : i32
    %scan3A_9 = arith.constant 0 : i32
    %scan3A_10 = arith.constant 4 : i32
    %scan3A_11 = arith.addi %scan3A_9, %scan3A_10 : i32
    %scan3A_12 = arith.constant 1 : i32
    scf.for %scan3A_19 = %scan3A_9 to %scan3A_11 step %scan3A_12  : i32 {
      %mul3A_20 = arith.constant 16 : i32
      %mul3A_21 = arith.muli %add3A, %mul3A_20 : i32
      %mul3A_22 = arith.constant 4 : i32
      %mul3A_23 = arith.muli %scan3A_19, %mul3A_22 : i32
      %add3A_24 = arith.addi %mul3A_21, %mul3A_23 : i32
      %dma_start3A = arith.constant 0 : i32
      %dma_start3A_25 = arith.constant 0 : i32
      %dma_start3A_26 = tpu.memref_slice %arg2[%add3A_24, %dma_start3A, %dma_start3A_25] : memref<512x125x128xf32, #tpu.memory_space<hbm>> -> memref<4x125x64xf32, #tpu.memory_space<hbm>>
      %dma_start3A_27 = arith.constant 0 : i32
      %dma_start3A_28 = arith.constant 0 : i32
      %dma_start3A_29 = tpu.memref_slice %arg2[%add3A_24, %dma_start3A_27, %dma_start3A_28] : memref<512x125x128xf32, #tpu.memory_space<hbm>> -> memref<4x125x64xf32, #tpu.memory_space<hbm>>
      tpu.enqueue_dma source(%dma_start3A_29 : memref<4x125x64xf32, #tpu.memory_space<hbm>>) target(%arg7 : memref<4x125x64xf32, #tpu.memory_space<vmem>>) target_semaphore(%arg9 : memref<!tpu.dma_semaphore, #tpu.memory_space<semaphore_mem>>)
      %dma_wait3A = arith.constant 0 : i32
      %dma_wait3A_30 = arith.constant 0 : i32
      %dma_wait3A_31 = tpu.memref_slice %arg2[%add3A_24, %dma_wait3A, %dma_wait3A_30] : memref<512x125x128xf32, #tpu.memory_space<hbm>> -> memref<4x125x64xf32, #tpu.memory_space<hbm>>
      %dma_wait3A_32 = arith.constant 0 : i32
      %dma_wait3A_33 = arith.constant 0 : i32
      %dma_wait3A_34 = tpu.memref_slice %arg2[%add3A_24, %dma_wait3A_32, %dma_wait3A_33] : memref<512x125x128xf32, #tpu.memory_space<hbm>> -> memref<4x125x64xf32, #tpu.memory_space<hbm>>
      tpu.wait_dma2 semaphore(%arg9 : memref<!tpu.dma_semaphore, #tpu.memory_space<semaphore_mem>>) src(%dma_wait3A_34 : memref<4x125x64xf32, #tpu.memory_space<hbm>>) dst(%arg7 : memref<4x125x64xf32, #tpu.memory_space<vmem>>)
      %mul3A_35 = arith.constant 4 : i32
      %mul3A_36 = arith.muli %scan3A_19, %mul3A_35 : i32
      %add3A_37 = arith.constant 0 : i32
      %add3A_38 = arith.addi %mul3A_36, %add3A_37 : i32
      %run_scoped3A = arith.constant 0 : i32
      "tpu.region"() ({
        %run_scoped3A_54 = tpu.sem_alloc : memref<!tpu.dma_semaphore, #tpu.memory_space<semaphore_mem>>
        %dma_start3A_55 = arith.constant 0 : i32
        %dma_start3A_56 = arith.constant 0 : i32
        %dma_start3A_57 = tpu.memref_slice %arg7[%run_scoped3A, %dma_start3A_55, %dma_start3A_56] : memref<4x125x64xf32, #tpu.memory_space<vmem>> -> memref<1x125x64xf32, #tpu.memory_space<vmem>>
        %dma_start3A_58 = tpu.memref_squeeze %dma_start3A_57 : memref<1x125x64xf32, #tpu.memory_space<vmem>> -> memref<125x64xf32, #tpu.memory_space<vmem>>
        %dma_start3A_59 = arith.constant 0 : i32
        %dma_start3A_60 = tpu.memref_slice %arg6[%add3A_38, %dma_start3A_59] : memref<16x125xi32, #tpu.memory_space<vmem>> -> memref<1x125xi32, #tpu.memory_space<vmem>>
        %dma_start3A_61 = tpu.memref_squeeze %dma_start3A_60 : memref<1x125xi32, #tpu.memory_space<vmem>> -> memref<125xi32, #tpu.memory_space<vmem>>
        %dma_start3A_62 = arith.constant 0 : i32
        %dma_start3A_63 = arith.constant 0 : i32
        %dma_start3A_64 = tpu.memref_slice %arg8[%dma_start3A_62, %dma_start3A_63] : memref<10000x64xf32, #tpu.memory_space<vmem_shared>> -> memref<10000x64xf32, #tpu.memory_space<vmem_shared>>
        tpu.enqueue_indirect_dma source(%dma_start3A_58 : memref<125x64xf32, #tpu.memory_space<vmem>>) target(%dma_start3A_64 : memref<10000x64xf32, #tpu.memory_space<vmem_shared>>) offsets(%dma_start3A_61 : memref<125xi32, #tpu.memory_space<vmem>>) semaphore(%run_scoped3A_54 : memref<!tpu.dma_semaphore, #tpu.memory_space<semaphore_mem>>) {add = true}
        %dma_wait3A_65 = arith.constant 0 : i32
        %dma_wait3A_66 = arith.constant 0 : i32
        %dma_wait3A_67 = tpu.memref_slice %arg7[%run_scoped3A, %dma_wait3A_65, %dma_wait3A_66] : memref<4x125x64xf32, #tpu.memory_space<vmem>> -> memref<1x125x64xf32, #tpu.memory_space<vmem>>
        %dma_wait3A_68 = tpu.memref_squeeze %dma_wait3A_67 : memref<1x125x64xf32, #tpu.memory_space<vmem>> -> memref<125x64xf32, #tpu.memory_space<vmem>>
        %dma_wait3A_69 = arith.constant 0 : i32
        %dma_wait3A_70 = tpu.memref_slice %arg6[%add3A_38, %dma_wait3A_69] : memref<16x125xi32, #tpu.memory_space<vmem>> -> memref<1x125xi32, #tpu.memory_space<vmem>>
        %dma_wait3A_71 = tpu.memref_squeeze %dma_wait3A_70 : memref<1x125xi32, #tpu.memory_space<vmem>> -> memref<125xi32, #tpu.memory_space<vmem>>
        %dma_wait3A_72 = arith.constant 0 : i32
        %dma_wait3A_73 = arith.constant 0 : i32
        %dma_wait3A_74 = tpu.memref_slice %arg8[%dma_wait3A_72, %dma_wait3A_73] : memref<10000x64xf32, #tpu.memory_space<vmem_shared>> -> memref<10000x64xf32, #tpu.memory_space<vmem_shared>>
        tpu.wait_indirect_dma semaphore(%run_scoped3A_54 : memref<!tpu.dma_semaphore, #tpu.memory_space<semaphore_mem>>) src(%dma_wait3A_68 : memref<125x64xf32, #tpu.memory_space<vmem>>) dst(%dma_wait3A_74 : memref<10000x64xf32, #tpu.memory_space<vmem_shared>>)
        tpu.yield
      }) : () -> ()
      %mul3A_39 = arith.constant 4 : i32
      %mul3A_40 = arith.muli %scan3A_19, %mul3A_39 : i32
      %add3A_41 = arith.constant 1 : i32
      %add3A_42 = arith.addi %mul3A_40, %add3A_41 : i32
      %run_scoped3A_43 = arith.constant 1 : i32
      "tpu.region"() ({
        %run_scoped3A_54 = tpu.sem_alloc : memref<!tpu.dma_semaphore, #tpu.memory_space<semaphore_mem>>
        %dma_start3A_55 = arith.constant 0 : i32
        %dma_start3A_56 = arith.constant 0 : i32
        %dma_start3A_57 = tpu.memref_slice %arg7[%run_scoped3A_43, %dma_start3A_55, %dma_start3A_56] : memref<4x125x64xf32, #tpu.memory_space<vmem>> -> memref<1x125x64xf32, #tpu.memory_space<vmem>>
        %dma_start3A_58 = tpu.memref_squeeze %dma_start3A_57 : memref<1x125x64xf32, #tpu.memory_space<vmem>> -> memref<125x64xf32, #tpu.memory_space<vmem>>
        %dma_start3A_59 = arith.constant 0 : i32
        %dma_start3A_60 = tpu.memref_slice %arg6[%add3A_42, %dma_start3A_59] : memref<16x125xi32, #tpu.memory_space<vmem>> -> memref<1x125xi32, #tpu.memory_space<vmem>>
        %dma_start3A_61 = tpu.memref_squeeze %dma_start3A_60 : memref<1x125xi32, #tpu.memory_space<vmem>> -> memref<125xi32, #tpu.memory_space<vmem>>
        %dma_start3A_62 = arith.constant 0 : i32
        %dma_start3A_63 = arith.constant 0 : i32
        %dma_start3A_64 = tpu.memref_slice %arg8[%dma_start3A_62, %dma_start3A_63] : memref<10000x64xf32, #tpu.memory_space<vmem_shared>> -> memref<10000x64xf32, #tpu.memory_space<vmem_shared>>
        tpu.enqueue_indirect_dma source(%dma_start3A_58 : memref<125x64xf32, #tpu.memory_space<vmem>>) target(%dma_start3A_64 : memref<10000x64xf32, #tpu.memory_space<vmem_shared>>) offsets(%dma_start3A_61 : memref<125xi32, #tpu.memory_space<vmem>>) semaphore(%run_scoped3A_54 : memref<!tpu.dma_semaphore, #tpu.memory_space<semaphore_mem>>) {add = true}
        %dma_wait3A_65 = arith.constant 0 : i32
        %dma_wait3A_66 = arith.constant 0 : i32
        %dma_wait3A_67 = tpu.memref_slice %arg7[%run_scoped3A_43, %dma_wait3A_65, %dma_wait3A_66] : memref<4x125x64xf32, #tpu.memory_space<vmem>> -> memref<1x125x64xf32, #tpu.memory_space<vmem>>
        %dma_wait3A_68 = tpu.memref_squeeze %dma_wait3A_67 : memref<1x125x64xf32, #tpu.memory_space<vmem>> -> memref<125x64xf32, #tpu.memory_space<vmem>>
        %dma_wait3A_69 = arith.constant 0 : i32
        %dma_wait3A_70 = tpu.memref_slice %arg6[%add3A_42, %dma_wait3A_69] : memref<16x125xi32, #tpu.memory_space<vmem>> -> memref<1x125xi32, #tpu.memory_space<vmem>>
        %dma_wait3A_71 = tpu.memref_squeeze %dma_wait3A_70 : memref<1x125xi32, #tpu.memory_space<vmem>> -> memref<125xi32, #tpu.memory_space<vmem>>
        %dma_wait3A_72 = arith.constant 0 : i32
        %dma_wait3A_73 = arith.constant 0 : i32
        %dma_wait3A_74 = tpu.memref_slice %arg8[%dma_wait3A_72, %dma_wait3A_73] : memref<10000x64xf32, #tpu.memory_space<vmem_shared>> -> memref<10000x64xf32, #tpu.memory_space<vmem_shared>>
        tpu.wait_indirect_dma semaphore(%run_scoped3A_54 : memref<!tpu.dma_semaphore, #tpu.memory_space<semaphore_mem>>) src(%dma_wait3A_68 : memref<125x64xf32, #tpu.memory_space<vmem>>) dst(%dma_wait3A_74 : memref<10000x64xf32, #tpu.memory_space<vmem_shared>>)
        tpu.yield
      }) : () -> ()
      %mul3A_44 = arith.constant 4 : i32
      %mul3A_45 = arith.muli %scan3A_19, %mul3A_44 : i32
      %add3A_46 = arith.constant 2 : i32
      %add3A_47 = arith.addi %mul3A_45, %add3A_46 : i32
      %run_scoped3A_48 = arith.constant 2 : i32
      "tpu.region"() ({
        %run_scoped3A_54 = tpu.sem_alloc : memref<!tpu.dma_semaphore, #tpu.memory_space<semaphore_mem>>
        %dma_start3A_55 = arith.constant 0 : i32
        %dma_start3A_56 = arith.constant 0 : i32
        %dma_start3A_57 = tpu.memref_slice %arg7[%run_scoped3A_48, %dma_start3A_55, %dma_start3A_56] : memref<4x125x64xf32, #tpu.memory_space<vmem>> -> memref<1x125x64xf32, #tpu.memory_space<vmem>>
        %dma_start3A_58 = tpu.memref_squeeze %dma_start3A_57 : memref<1x125x64xf32, #tpu.memory_space<vmem>> -> memref<125x64xf32, #tpu.memory_space<vmem>>
        %dma_start3A_59 = arith.constant 0 : i32
        %dma_start3A_60 = tpu.memref_slice %arg6[%add3A_47, %dma_start3A_59] : memref<16x125xi32, #tpu.memory_space<vmem>> -> memref<1x125xi32, #tpu.memory_space<vmem>>
        %dma_start3A_61 = tpu.memref_squeeze %dma_start3A_60 : memref<1x125xi32, #tpu.memory_space<vmem>> -> memref<125xi32, #tpu.memory_space<vmem>>
        %dma_start3A_62 = arith.constant 0 : i32
        %dma_start3A_63 = arith.constant 0 : i32
        %dma_start3A_64 = tpu.memref_slice %arg8[%dma_start3A_62, %dma_start3A_63] : memref<10000x64xf32, #tpu.memory_space<vmem_shared>> -> memref<10000x64xf32, #tpu.memory_space<vmem_shared>>
        tpu.enqueue_indirect_dma source(%dma_start3A_58 : memref<125x64xf32, #tpu.memory_space<vmem>>) target(%dma_start3A_64 : memref<10000x64xf32, #tpu.memory_space<vmem_shared>>) offsets(%dma_start3A_61 : memref<125xi32, #tpu.memory_space<vmem>>) semaphore(%run_scoped3A_54 : memref<!tpu.dma_semaphore, #tpu.memory_space<semaphore_mem>>) {add = true}
        %dma_wait3A_65 = arith.constant 0 : i32
        %dma_wait3A_66 = arith.constant 0 : i32
        %dma_wait3A_67 = tpu.memref_slice %arg7[%run_scoped3A_48, %dma_wait3A_65, %dma_wait3A_66] : memref<4x125x64xf32, #tpu.memory_space<vmem>> -> memref<1x125x64xf32, #tpu.memory_space<vmem>>
        %dma_wait3A_68 = tpu.memref_squeeze %dma_wait3A_67 : memref<1x125x64xf32, #tpu.memory_space<vmem>> -> memref<125x64xf32, #tpu.memory_space<vmem>>
        %dma_wait3A_69 = arith.constant 0 : i32
        %dma_wait3A_70 = tpu.memref_slice %arg6[%add3A_47, %dma_wait3A_69] : memref<16x125xi32, #tpu.memory_space<vmem>> -> memref<1x125xi32, #tpu.memory_space<vmem>>
        %dma_wait3A_71 = tpu.memref_squeeze %dma_wait3A_70 : memref<1x125xi32, #tpu.memory_space<vmem>> -> memref<125xi32, #tpu.memory_space<vmem>>
        %dma_wait3A_72 = arith.constant 0 : i32
        %dma_wait3A_73 = arith.constant 0 : i32
        %dma_wait3A_74 = tpu.memref_slice %arg8[%dma_wait3A_72, %dma_wait3A_73] : memref<10000x64xf32, #tpu.memory_space<vmem_shared>> -> memref<10000x64xf32, #tpu.memory_space<vmem_shared>>
        tpu.wait_indirect_dma semaphore(%run_scoped3A_54 : memref<!tpu.dma_semaphore, #tpu.memory_space<semaphore_mem>>) src(%dma_wait3A_68 : memref<125x64xf32, #tpu.memory_space<vmem>>) dst(%dma_wait3A_74 : memref<10000x64xf32, #tpu.memory_space<vmem_shared>>)
        tpu.yield
      }) : () -> ()
      %mul3A_49 = arith.constant 4 : i32
      %mul3A_50 = arith.muli %scan3A_19, %mul3A_49 : i32
      %add3A_51 = arith.constant 3 : i32
      %add3A_52 = arith.addi %mul3A_50, %add3A_51 : i32
      %run_scoped3A_53 = arith.constant 3 : i32
      "tpu.region"() ({
        %run_scoped3A_54 = tpu.sem_alloc : memref<!tpu.dma_semaphore, #tpu.memory_space<semaphore_mem>>
        %dma_start3A_55 = arith.constant 0 : i32
        %dma_start3A_56 = arith.constant 0 : i32
        %dma_start3A_57 = tpu.memref_slice %arg7[%run_scoped3A_53, %dma_start3A_55, %dma_start3A_56] : memref<4x125x64xf32, #tpu.memory_space<vmem>> -> memref<1x125x64xf32, #tpu.memory_space<vmem>>
        %dma_start3A_58 = tpu.memref_squeeze %dma_start3A_57 : memref<1x125x64xf32, #tpu.memory_space<vmem>> -> memref<125x64xf32, #tpu.memory_space<vmem>>
        %dma_start3A_59 = arith.constant 0 : i32
        %dma_start3A_60 = tpu.memref_slice %arg6[%add3A_52, %dma_start3A_59] : memref<16x125xi32, #tpu.memory_space<vmem>> -> memref<1x125xi32, #tpu.memory_space<vmem>>
        %dma_start3A_61 = tpu.memref_squeeze %dma_start3A_60 : memref<1x125xi32, #tpu.memory_space<vmem>> -> memref<125xi32, #tpu.memory_space<vmem>>
        %dma_start3A_62 = arith.constant 0 : i32
        %dma_start3A_63 = arith.constant 0 : i32
        %dma_start3A_64 = tpu.memref_slice %arg8[%dma_start3A_62, %dma_start3A_63] : memref<10000x64xf32, #tpu.memory_space<vmem_shared>> -> memref<10000x64xf32, #tpu.memory_space<vmem_shared>>
        tpu.enqueue_indirect_dma source(%dma_start3A_58 : memref<125x64xf32, #tpu.memory_space<vmem>>) target(%dma_start3A_64 : memref<10000x64xf32, #tpu.memory_space<vmem_shared>>) offsets(%dma_start3A_61 : memref<125xi32, #tpu.memory_space<vmem>>) semaphore(%run_scoped3A_54 : memref<!tpu.dma_semaphore, #tpu.memory_space<semaphore_mem>>) {add = true}
        %dma_wait3A_65 = arith.constant 0 : i32
        %dma_wait3A_66 = arith.constant 0 : i32
        %dma_wait3A_67 = tpu.memref_slice %arg7[%run_scoped3A_53, %dma_wait3A_65, %dma_wait3A_66] : memref<4x125x64xf32, #tpu.memory_space<vmem>> -> memref<1x125x64xf32, #tpu.memory_space<vmem>>
        %dma_wait3A_68 = tpu.memref_squeeze %dma_wait3A_67 : memref<1x125x64xf32, #tpu.memory_space<vmem>> -> memref<125x64xf32, #tpu.memory_space<vmem>>
        %dma_wait3A_69 = arith.constant 0 : i32
        %dma_wait3A_70 = tpu.memref_slice %arg6[%add3A_52, %dma_wait3A_69] : memref<16x125xi32, #tpu.memory_space<vmem>> -> memref<1x125xi32, #tpu.memory_space<vmem>>
        %dma_wait3A_71 = tpu.memref_squeeze %dma_wait3A_70 : memref<1x125xi32, #tpu.memory_space<vmem>> -> memref<125xi32, #tpu.memory_space<vmem>>
        %dma_wait3A_72 = arith.constant 0 : i32
        %dma_wait3A_73 = arith.constant 0 : i32
        %dma_wait3A_74 = tpu.memref_slice %arg8[%dma_wait3A_72, %dma_wait3A_73] : memref<10000x64xf32, #tpu.memory_space<vmem_shared>> -> memref<10000x64xf32, #tpu.memory_space<vmem_shared>>
        tpu.wait_indirect_dma semaphore(%run_scoped3A_54 : memref<!tpu.dma_semaphore, #tpu.memory_space<semaphore_mem>>) src(%dma_wait3A_68 : memref<125x64xf32, #tpu.memory_space<vmem>>) dst(%dma_wait3A_74 : memref<10000x64xf32, #tpu.memory_space<vmem_shared>>)
        tpu.yield
      }) : () -> ()
    }
    %scan3A_13 = arith.constant 4 : i32
    %barrier3A_14 = arith.constant 0 : index
    tpu.barrier barrier_id(%barrier3A_14)
    %mul3A_15 = arith.constant 625 : i32
    %mul3A_16 = arith.muli %arg1, %mul3A_15 : i32
    %mul3A_17 = arith.constant 625 : i32
    %mul3A_18 = arith.muli %arg1, %mul3A_17 : i32
    "tpu.region"() ({
      %run_scoped3A = tpu.sem_alloc : memref<!tpu.dma_semaphore, #tpu.memory_space<semaphore_mem>>
      %dma_start3A = arith.constant 0 : i32
      %dma_start3A_19 = tpu.memref_slice %arg5[%arg0, %mul3A_18, %dma_start3A] : memref<2x10000x64xf32, #tpu.memory_space<hbm>> -> memref<1x625x64xf32, #tpu.memory_space<hbm>>
      %dma_start3A_20 = tpu.memref_squeeze %dma_start3A_19 : memref<1x625x64xf32, #tpu.memory_space<hbm>> -> memref<625x64xf32, #tpu.memory_space<hbm>>
      %dma_start3A_21 = arith.constant 0 : i32
      %dma_start3A_22 = tpu.memref_slice %arg8[%mul3A_16, %dma_start3A_21] : memref<10000x64xf32, #tpu.memory_space<vmem_shared>> -> memref<625x64xf32, #tpu.memory_space<vmem_shared>>
      tpu.enqueue_dma source(%dma_start3A_22 : memref<625x64xf32, #tpu.memory_space<vmem_shared>>) target(%dma_start3A_20 : memref<625x64xf32, #tpu.memory_space<hbm>>) target_semaphore(%run_scoped3A : memref<!tpu.dma_semaphore, #tpu.memory_space<semaphore_mem>>)
      %dma_wait3A = arith.constant 0 : i32
      %dma_wait3A_23 = tpu.memref_slice %arg5[%arg0, %mul3A_18, %dma_wait3A] : memref<2x10000x64xf32, #tpu.memory_space<hbm>> -> memref<1x625x64xf32, #tpu.memory_space<hbm>>
      %dma_wait3A_24 = tpu.memref_squeeze %dma_wait3A_23 : memref<1x625x64xf32, #tpu.memory_space<hbm>> -> memref<625x64xf32, #tpu.memory_space<hbm>>
      %dma_wait3A_25 = arith.constant 0 : i32
      %dma_wait3A_26 = tpu.memref_slice %arg8[%mul3A_16, %dma_wait3A_25] : memref<10000x64xf32, #tpu.memory_space<vmem_shared>> -> memref<625x64xf32, #tpu.memory_space<vmem_shared>>
      tpu.wait_dma2 semaphore(%run_scoped3A : memref<!tpu.dma_semaphore, #tpu.memory_space<semaphore_mem>>) src(%dma_wait3A_26 : memref<625x64xf32, #tpu.memory_space<vmem_shared>>) dst(%dma_wait3A_24 : memref<625x64xf32, #tpu.memory_space<hbm>>)
      tpu.yield
    }) : () -> ()
    return
  }
}

module attributes {stable_mosaic.version = 14 : i64} {
  func.func @_edge_body(%arg0: i32, %arg1: memref<10x6400xf32, #tpu.memory_space<vmem>>, %arg2: memref<6400x128xf32, #tpu.memory_space<vmem>>, %arg3: memref<4x6400xf32, #tpu.memory_space<vmem>>, %arg4: memref<10x32xf32, #tpu.memory_space<vmem>>, %arg5: memref<32x512xf32, #tpu.memory_space<vmem>>, %arg6: memref<512x128xf32, #tpu.memory_space<vmem>>, %arg7: memref<4x128xf32, #tpu.memory_space<vmem>>, %arg8: memref<128x512xf32, #tpu.memory_space<vmem>>, %arg9: memref<6400x128xf32, #tpu.memory_space<vmem>>) attributes {dimension_semantics = [#tpu.dimension_semantics<arbitrary>], iteration_bounds = array<i64: 10>, scalar_prefetch = 0 : i64, scratch_operands = 0 : i64, tpu.core_type = #tpu.core_type<tc>, window_params = [{transform_indices = @transform_0, window_bounds = array<i64: 10, 6400>}, {transform_indices = @transform_1, window_bounds = array<i64: 6400, 128>}, {transform_indices = @transform_2, window_bounds = array<i64: 4, 6400>}, {pipeline_mode = #tpu.pipeline_mode<synchronous>, transform_indices = @transform_3, window_bounds = array<i64: 10, 32>}, {pipeline_mode = #tpu.pipeline_mode<synchronous>, transform_indices = @transform_4, window_bounds = array<i64: 32, 512>}, {pipeline_mode = #tpu.pipeline_mode<synchronous>, transform_indices = @transform_5, window_bounds = array<i64: 512, 128>}, {pipeline_mode = #tpu.pipeline_mode<synchronous>, transform_indices = @transform_6, window_bounds = array<i64: 4, 128>}, {pipeline_mode = #tpu.pipeline_mode<synchronous>, transform_indices = @transform_7, window_bounds = array<i64: 128, 512>}, {transform_indices = @transform_8, window_bounds = array<i64: 6400, 128>}]} {
    %get3A = arith.constant 0 : index
    %get3A_0 = arith.constant 0 : index
    %get3A_1 = vector.load %arg1[%get3A, %get3A_0] : memref<10x6400xf32, #tpu.memory_space<vmem>>, vector<10x6400xf32>
    %get3A_2 = arith.constant 0 : index
    %get3A_3 = arith.constant 0 : index
    %get3A_4 = vector.load %arg4[%get3A_2, %get3A_3] : memref<10x32xf32, #tpu.memory_space<vmem>>, vector<10x32xf32>
    %dot_general3A = arith.constant dense<0.000000e+00> : vector<6400x32xf32>
    %dot_general3A_5 = tpu.matmul %get3A_1, %get3A_4, %dot_general3A {dimension_numbers = #tpu.dot_dimension_numbers<[0], [0], [1], [1], [0, 1, 1, 1], [], []>, transpose_lhs_hint = false} : vector<10x6400xf32>, vector<10x32xf32>, vector<6400x32xf32> -> vector<6400x32xf32>
    %logistic3A = arith.negf %dot_general3A_5 : vector<6400x32xf32>
    %logistic3A_6 = math.exp %logistic3A : vector<6400x32xf32>
    %logistic3A_7 = arith.constant 1.000000e+00 : f32
    %logistic3A_8 = vector.broadcast %logistic3A_7 : f32 to vector<6400x32xf32>
    %logistic3A_9 = arith.addf %logistic3A_8, %logistic3A_6 : vector<6400x32xf32>
    %logistic3A_10 = arith.divf %logistic3A_8, %logistic3A_9 : vector<6400x32xf32>
    %mul3A = arith.mulf %dot_general3A_5, %logistic3A_10 : vector<6400x32xf32>
    %get3A_11 = arith.constant 0 : index
    %get3A_12 = arith.constant 0 : index
    %get3A_13 = vector.load %arg5[%get3A_11, %get3A_12] : memref<32x512xf32, #tpu.memory_space<vmem>>, vector<32x512xf32>
    %dot_general3A_14 = arith.constant dense<0.000000e+00> : vector<6400x512xf32>
    %dot_general3A_15 = tpu.matmul %mul3A, %get3A_13, %dot_general3A_14 {dimension_numbers = #tpu.dot_dimension_numbers<[1], [0], [0], [1], [0, 0, 1, 1], [], []>, transpose_lhs_hint = false} : vector<6400x32xf32>, vector<32x512xf32>, vector<6400x512xf32> -> vector<6400x512xf32>
    %get3A_16 = arith.constant 0 : index
    %get3A_17 = arith.constant 0 : index
    %get3A_18 = vector.load %arg2[%get3A_16, %get3A_17] : memref<6400x128xf32, #tpu.memory_space<vmem>>, vector<6400x128xf32>
    %get3A_19 = arith.constant 0 : index
    %get3A_20 = arith.constant 0 : index
    %get3A_21 = vector.load %arg8[%get3A_19, %get3A_20] : memref<128x512xf32, #tpu.memory_space<vmem>>, vector<128x512xf32>
    %dot_general3A_22 = arith.constant dense<0.000000e+00> : vector<6400x512xf32>
    %dot_general3A_23 = tpu.matmul %get3A_18, %get3A_21, %dot_general3A_22 {dimension_numbers = #tpu.dot_dimension_numbers<[1], [0], [0], [1], [0, 0, 1, 1], [], []>, transpose_lhs_hint = false} : vector<6400x128xf32>, vector<128x512xf32>, vector<6400x512xf32> -> vector<6400x512xf32>
    %mul3A_24 = arith.mulf %dot_general3A_15, %dot_general3A_23 : vector<6400x512xf32>
    %get3A_25 = arith.constant 0 : index
    %get3A_26 = arith.constant 0 : index
    %get3A_27 = vector.load %arg6[%get3A_25, %get3A_26] : memref<512x128xf32, #tpu.memory_space<vmem>>, vector<512x128xf32>
    %dot_general3A_28 = arith.constant dense<0.000000e+00> : vector<6400x128xf32>
    %dot_general3A_29 = tpu.matmul %mul3A_24, %get3A_27, %dot_general3A_28 {dimension_numbers = #tpu.dot_dimension_numbers<[1], [0], [0], [1], [0, 0, 1, 1], [], []>, transpose_lhs_hint = false} : vector<6400x512xf32>, vector<512x128xf32>, vector<6400x128xf32> -> vector<6400x128xf32>
    %get3A_30 = arith.constant 0 : index
    %get3A_31 = arith.constant 0 : index
    %get3A_32 = vector.load %arg3[%get3A_30, %get3A_31] : memref<4x6400xf32, #tpu.memory_space<vmem>>, vector<4x6400xf32>
    %get3A_33 = arith.constant 0 : index
    %get3A_34 = arith.constant 0 : index
    %get3A_35 = vector.load %arg7[%get3A_33, %get3A_34] : memref<4x128xf32, #tpu.memory_space<vmem>>, vector<4x128xf32>
    %dot_general3A_36 = arith.constant dense<0.000000e+00> : vector<6400x128xf32>
    %dot_general3A_37 = tpu.matmul %get3A_32, %get3A_35, %dot_general3A_36 {dimension_numbers = #tpu.dot_dimension_numbers<[0], [0], [1], [1], [0, 1, 1, 1], [], []>, transpose_lhs_hint = false} : vector<4x6400xf32>, vector<4x128xf32>, vector<6400x128xf32> -> vector<6400x128xf32>
    %mul3A_38 = arith.mulf %dot_general3A_29, %dot_general3A_37 : vector<6400x128xf32>
    %swap3A = arith.constant 0 : index
    %swap3A_39 = arith.constant 0 : index
    %swap3A_40 = vector.load %arg9[%swap3A, %swap3A_39] : memref<6400x128xf32, #tpu.memory_space<vmem>>, vector<6400x128xf32>
    tpu.vector_store %arg9[%swap3A, %swap3A_39], %mul3A_38 {strides = array<i32>} : memref<6400x128xf32, #tpu.memory_space<vmem>>, vector<6400x128xf32>,
    return
  }
  func.func @transform_0(%arg0: i32) -> (i32, i32) {
    %add3A = arith.constant 5 : i32
    %add3A_0 = arith.addi %arg0, %add3A : i32
    %c0_i32 = arith.constant 0 : i32
    %c0_i32_1 = arith.constant 0 : i32
    return %c0_i32, %add3A_0 : i32, i32
  }
  func.func @transform_1(%arg0: i32) -> (i32, i32) {
    %c0_i32 = arith.constant 0 : i32
    %c0_i32_0 = arith.constant 0 : i32
    return %arg0, %c0_i32 : i32, i32
  }
  func.func @transform_2(%arg0: i32) -> (i32, i32) {
    %add3A = arith.constant 5 : i32
    %add3A_0 = arith.addi %arg0, %add3A : i32
    %c0_i32 = arith.constant 0 : i32
    %c0_i32_1 = arith.constant 0 : i32
    return %c0_i32, %add3A_0 : i32, i32
  }
  func.func @transform_3(%arg0: i32) -> (i32, i32) {
    %c0_i32 = arith.constant 0 : i32
    %c0_i32_0 = arith.constant 0 : i32
    %c0_i32_1 = arith.constant 0 : i32
    return %c0_i32, %c0_i32_0 : i32, i32
  }
  func.func @transform_4(%arg0: i32) -> (i32, i32) {
    %c0_i32 = arith.constant 0 : i32
    %c0_i32_0 = arith.constant 0 : i32
    %c0_i32_1 = arith.constant 0 : i32
    return %c0_i32, %c0_i32_0 : i32, i32
  }
  func.func @transform_5(%arg0: i32) -> (i32, i32) {
    %c0_i32 = arith.constant 0 : i32
    %c0_i32_0 = arith.constant 0 : i32
    %c0_i32_1 = arith.constant 0 : i32
    return %c0_i32, %c0_i32_0 : i32, i32
  }
  func.func @transform_6(%arg0: i32) -> (i32, i32) {
    %c0_i32 = arith.constant 0 : i32
    %c0_i32_0 = arith.constant 0 : i32
    %c0_i32_1 = arith.constant 0 : i32
    return %c0_i32, %c0_i32_0 : i32, i32
  }
  func.func @transform_7(%arg0: i32) -> (i32, i32) {
    %c0_i32 = arith.constant 0 : i32
    %c0_i32_0 = arith.constant 0 : i32
    %c0_i32_1 = arith.constant 0 : i32
    return %c0_i32, %c0_i32_0 : i32, i32
  }
  func.func @transform_8(%arg0: i32) -> (i32, i32) {
    %c0_i32 = arith.constant 0 : i32
    %c0_i32_0 = arith.constant 0 : i32
    return %arg0, %c0_i32 : i32, i32
  }
}

module attributes {stable_mosaic.version = 14 : i64} {
  func.func @_edge_body(%arg0: i32, %arg1: memref<10x6400xf32, #tpu.memory_space<vmem>>, %arg2: memref<6400x128xf32, #tpu.memory_space<vmem>>, %arg3: memref<4x6400xf32, #tpu.memory_space<vmem>>, %arg4: memref<10x32xf32, #tpu.memory_space<vmem>>, %arg5: memref<32x512xf32, #tpu.memory_space<vmem>>, %arg6: memref<512x128xf32, #tpu.memory_space<vmem>>, %arg7: memref<4x128xf32, #tpu.memory_space<vmem>>, %arg8: memref<128x512xf32, #tpu.memory_space<vmem>>, %arg9: memref<6400x128xf32, #tpu.memory_space<vmem>>) attributes {dimension_semantics = [#tpu.dimension_semantics<arbitrary>], iteration_bounds = array<i64: 10>, scalar_prefetch = 0 : i64, scratch_operands = 0 : i64, tpu.core_type = #tpu.core_type<tc>, window_params = [{transform_indices = @transform_0, window_bounds = array<i64: 10, 6400>}, {transform_indices = @transform_1, window_bounds = array<i64: 6400, 128>}, {transform_indices = @transform_2, window_bounds = array<i64: 4, 6400>}, {pipeline_mode = #tpu.pipeline_mode<synchronous>, transform_indices = @transform_3, window_bounds = array<i64: 10, 32>}, {pipeline_mode = #tpu.pipeline_mode<synchronous>, transform_indices = @transform_4, window_bounds = array<i64: 32, 512>}, {pipeline_mode = #tpu.pipeline_mode<synchronous>, transform_indices = @transform_5, window_bounds = array<i64: 512, 128>}, {pipeline_mode = #tpu.pipeline_mode<synchronous>, transform_indices = @transform_6, window_bounds = array<i64: 4, 128>}, {pipeline_mode = #tpu.pipeline_mode<synchronous>, transform_indices = @transform_7, window_bounds = array<i64: 128, 512>}, {transform_indices = @transform_8, window_bounds = array<i64: 6400, 128>}]} {
    %get3A = arith.constant 0 : index
    %get3A_0 = arith.constant 0 : index
    %get3A_1 = vector.load %arg1[%get3A, %get3A_0] : memref<10x6400xf32, #tpu.memory_space<vmem>>, vector<10x6400xf32>
    %get3A_2 = arith.constant 0 : index
    %get3A_3 = arith.constant 0 : index
    %get3A_4 = vector.load %arg4[%get3A_2, %get3A_3] : memref<10x32xf32, #tpu.memory_space<vmem>>, vector<10x32xf32>
    %dot_general3A = arith.constant dense<0.000000e+00> : vector<6400x32xf32>
    %dot_general3A_5 = tpu.matmul %get3A_1, %get3A_4, %dot_general3A {dimension_numbers = #tpu.dot_dimension_numbers<[0], [0], [1], [1], [0, 1, 1, 1], [], []>, transpose_lhs_hint = false} : vector<10x6400xf32>, vector<10x32xf32>, vector<6400x32xf32> -> vector<6400x32xf32>
    %logistic3A = arith.negf %dot_general3A_5 : vector<6400x32xf32>
    %logistic3A_6 = math.exp %logistic3A : vector<6400x32xf32>
    %logistic3A_7 = arith.constant 1.000000e+00 : f32
    %logistic3A_8 = vector.broadcast %logistic3A_7 : f32 to vector<6400x32xf32>
    %logistic3A_9 = arith.addf %logistic3A_8, %logistic3A_6 : vector<6400x32xf32>
    %logistic3A_10 = arith.divf %logistic3A_8, %logistic3A_9 : vector<6400x32xf32>
    %mul3A = arith.mulf %dot_general3A_5, %logistic3A_10 : vector<6400x32xf32>
    %get3A_11 = arith.constant 0 : index
    %get3A_12 = arith.constant 0 : index
    %get3A_13 = vector.load %arg5[%get3A_11, %get3A_12] : memref<32x512xf32, #tpu.memory_space<vmem>>, vector<32x512xf32>
    %dot_general3A_14 = arith.constant dense<0.000000e+00> : vector<6400x512xf32>
    %dot_general3A_15 = tpu.matmul %mul3A, %get3A_13, %dot_general3A_14 {dimension_numbers = #tpu.dot_dimension_numbers<[1], [0], [0], [1], [0, 0, 1, 1], [], []>, transpose_lhs_hint = false} : vector<6400x32xf32>, vector<32x512xf32>, vector<6400x512xf32> -> vector<6400x512xf32>
    %get3A_16 = arith.constant 0 : index
    %get3A_17 = arith.constant 0 : index
    %get3A_18 = vector.load %arg2[%get3A_16, %get3A_17] : memref<6400x128xf32, #tpu.memory_space<vmem>>, vector<6400x128xf32>
    %get3A_19 = arith.constant 0 : index
    %get3A_20 = arith.constant 0 : index
    %get3A_21 = vector.load %arg8[%get3A_19, %get3A_20] : memref<128x512xf32, #tpu.memory_space<vmem>>, vector<128x512xf32>
    %dot_general3A_22 = arith.constant dense<0.000000e+00> : vector<6400x512xf32>
    %dot_general3A_23 = tpu.matmul %get3A_18, %get3A_21, %dot_general3A_22 {dimension_numbers = #tpu.dot_dimension_numbers<[1], [0], [0], [1], [0, 0, 1, 1], [], []>, transpose_lhs_hint = false} : vector<6400x128xf32>, vector<128x512xf32>, vector<6400x512xf32> -> vector<6400x512xf32>
    %mul3A_24 = arith.mulf %dot_general3A_15, %dot_general3A_23 : vector<6400x512xf32>
    %get3A_25 = arith.constant 0 : index
    %get3A_26 = arith.constant 0 : index
    %get3A_27 = vector.load %arg6[%get3A_25, %get3A_26] : memref<512x128xf32, #tpu.memory_space<vmem>>, vector<512x128xf32>
    %dot_general3A_28 = arith.constant dense<0.000000e+00> : vector<6400x128xf32>
    %dot_general3A_29 = tpu.matmul %mul3A_24, %get3A_27, %dot_general3A_28 {dimension_numbers = #tpu.dot_dimension_numbers<[1], [0], [0], [1], [0, 0, 1, 1], [], []>, transpose_lhs_hint = false} : vector<6400x512xf32>, vector<512x128xf32>, vector<6400x128xf32> -> vector<6400x128xf32>
    %get3A_30 = arith.constant 0 : index
    %get3A_31 = arith.constant 0 : index
    %get3A_32 = vector.load %arg3[%get3A_30, %get3A_31] : memref<4x6400xf32, #tpu.memory_space<vmem>>, vector<4x6400xf32>
    %get3A_33 = arith.constant 0 : index
    %get3A_34 = arith.constant 0 : index
    %get3A_35 = vector.load %arg7[%get3A_33, %get3A_34] : memref<4x128xf32, #tpu.memory_space<vmem>>, vector<4x128xf32>
    %dot_general3A_36 = arith.constant dense<0.000000e+00> : vector<6400x128xf32>
    %dot_general3A_37 = tpu.matmul %get3A_32, %get3A_35, %dot_general3A_36 {dimension_numbers = #tpu.dot_dimension_numbers<[0], [0], [1], [1], [0, 1, 1, 1], [], []>, transpose_lhs_hint = false} : vector<4x6400xf32>, vector<4x128xf32>, vector<6400x128xf32> -> vector<6400x128xf32>
    %mul3A_38 = arith.mulf %dot_general3A_29, %dot_general3A_37 : vector<6400x128xf32>
    %swap3A = arith.constant 0 : index
    %swap3A_39 = arith.constant 0 : index
    %swap3A_40 = vector.load %arg9[%swap3A, %swap3A_39] : memref<6400x128xf32, #tpu.memory_space<vmem>>, vector<6400x128xf32>
    tpu.vector_store %arg9[%swap3A, %swap3A_39], %mul3A_38 {strides = array<i32>} : memref<6400x128xf32, #tpu.memory_space<vmem>>, vector<6400x128xf32>,
    return
  }
  func.func @transform_0(%arg0: i32) -> (i32, i32) {
    %add3A = arith.constant 15 : i32
    %add3A_0 = arith.addi %arg0, %add3A : i32
    %c0_i32 = arith.constant 0 : i32
    %c0_i32_1 = arith.constant 0 : i32
    return %c0_i32, %add3A_0 : i32, i32
  }
  func.func @transform_1(%arg0: i32) -> (i32, i32) {
    %c0_i32 = arith.constant 0 : i32
    %c0_i32_0 = arith.constant 0 : i32
    return %arg0, %c0_i32 : i32, i32
  }
  func.func @transform_2(%arg0: i32) -> (i32, i32) {
    %add3A = arith.constant 15 : i32
    %add3A_0 = arith.addi %arg0, %add3A : i32
    %c0_i32 = arith.constant 0 : i32
    %c0_i32_1 = arith.constant 0 : i32
    return %c0_i32, %add3A_0 : i32, i32
  }
  func.func @transform_3(%arg0: i32) -> (i32, i32) {
    %c0_i32 = arith.constant 0 : i32
    %c0_i32_0 = arith.constant 0 : i32
    %c0_i32_1 = arith.constant 0 : i32
    return %c0_i32, %c0_i32_0 : i32, i32
  }
  func.func @transform_4(%arg0: i32) -> (i32, i32) {
    %c0_i32 = arith.constant 0 : i32
    %c0_i32_0 = arith.constant 0 : i32
    %c0_i32_1 = arith.constant 0 : i32
    return %c0_i32, %c0_i32_0 : i32, i32
  }
  func.func @transform_5(%arg0: i32) -> (i32, i32) {
    %c0_i32 = arith.constant 0 : i32
    %c0_i32_0 = arith.constant 0 : i32
    %c0_i32_1 = arith.constant 0 : i32
    return %c0_i32, %c0_i32_0 : i32, i32
  }
  func.func @transform_6(%arg0: i32) -> (i32, i32) {
    %c0_i32 = arith.constant 0 : i32
    %c0_i32_0 = arith.constant 0 : i32
    %c0_i32_1 = arith.constant 0 : i32
    return %c0_i32, %c0_i32_0 : i32, i32
  }
  func.func @transform_7(%arg0: i32) -> (i32, i32) {
    %c0_i32 = arith.constant 0 : i32
    %c0_i32_0 = arith.constant 0 : i32
    %c0_i32_1 = arith.constant 0 : i32
    return %c0_i32, %c0_i32_0 : i32, i32
  }
  func.func @transform_8(%arg0: i32) -> (i32, i32) {
    %c0_i32 = arith.constant 0 : i32
    %c0_i32_0 = arith.constant 0 : i32
    return %arg0, %c0_i32 : i32, i32
  }
}

module attributes {stable_mosaic.version = 14 : i64} {
  func.func @_edge_body(%arg0: i32, %arg1: memref<10x6400xf32, #tpu.memory_space<vmem>>, %arg2: memref<6400x128xf32, #tpu.memory_space<vmem>>, %arg3: memref<4x6400xf32, #tpu.memory_space<vmem>>, %arg4: memref<10x32xf32, #tpu.memory_space<vmem>>, %arg5: memref<32x512xf32, #tpu.memory_space<vmem>>, %arg6: memref<512x128xf32, #tpu.memory_space<vmem>>, %arg7: memref<4x128xf32, #tpu.memory_space<vmem>>, %arg8: memref<128x512xf32, #tpu.memory_space<vmem>>, %arg9: memref<6400x128xf32, #tpu.memory_space<vmem>>) attributes {dimension_semantics = [#tpu.dimension_semantics<arbitrary>], iteration_bounds = array<i64: 5>, scalar_prefetch = 0 : i64, scratch_operands = 0 : i64, tpu.core_type = #tpu.core_type<tc>, window_params = [{transform_indices = @transform_0, window_bounds = array<i64: 10, 6400>}, {transform_indices = @transform_1, window_bounds = array<i64: 6400, 128>}, {transform_indices = @transform_2, window_bounds = array<i64: 4, 6400>}, {pipeline_mode = #tpu.pipeline_mode<synchronous>, transform_indices = @transform_3, window_bounds = array<i64: 10, 32>}, {pipeline_mode = #tpu.pipeline_mode<synchronous>, transform_indices = @transform_4, window_bounds = array<i64: 32, 512>}, {pipeline_mode = #tpu.pipeline_mode<synchronous>, transform_indices = @transform_5, window_bounds = array<i64: 512, 128>}, {pipeline_mode = #tpu.pipeline_mode<synchronous>, transform_indices = @transform_6, window_bounds = array<i64: 4, 128>}, {pipeline_mode = #tpu.pipeline_mode<synchronous>, transform_indices = @transform_7, window_bounds = array<i64: 128, 512>}, {transform_indices = @transform_8, window_bounds = array<i64: 6400, 128>}]} {
    %get3A = arith.constant 0 : index
    %get3A_0 = arith.constant 0 : index
    %get3A_1 = vector.load %arg1[%get3A, %get3A_0] : memref<10x6400xf32, #tpu.memory_space<vmem>>, vector<10x6400xf32>
    %get3A_2 = arith.constant 0 : index
    %get3A_3 = arith.constant 0 : index
    %get3A_4 = vector.load %arg4[%get3A_2, %get3A_3] : memref<10x32xf32, #tpu.memory_space<vmem>>, vector<10x32xf32>
    %dot_general3A = arith.constant dense<0.000000e+00> : vector<6400x32xf32>
    %dot_general3A_5 = tpu.matmul %get3A_1, %get3A_4, %dot_general3A {dimension_numbers = #tpu.dot_dimension_numbers<[0], [0], [1], [1], [0, 1, 1, 1], [], []>, transpose_lhs_hint = false} : vector<10x6400xf32>, vector<10x32xf32>, vector<6400x32xf32> -> vector<6400x32xf32>
    %logistic3A = arith.negf %dot_general3A_5 : vector<6400x32xf32>
    %logistic3A_6 = math.exp %logistic3A : vector<6400x32xf32>
    %logistic3A_7 = arith.constant 1.000000e+00 : f32
    %logistic3A_8 = vector.broadcast %logistic3A_7 : f32 to vector<6400x32xf32>
    %logistic3A_9 = arith.addf %logistic3A_8, %logistic3A_6 : vector<6400x32xf32>
    %logistic3A_10 = arith.divf %logistic3A_8, %logistic3A_9 : vector<6400x32xf32>
    %mul3A = arith.mulf %dot_general3A_5, %logistic3A_10 : vector<6400x32xf32>
    %get3A_11 = arith.constant 0 : index
    %get3A_12 = arith.constant 0 : index
    %get3A_13 = vector.load %arg5[%get3A_11, %get3A_12] : memref<32x512xf32, #tpu.memory_space<vmem>>, vector<32x512xf32>
    %dot_general3A_14 = arith.constant dense<0.000000e+00> : vector<6400x512xf32>
    %dot_general3A_15 = tpu.matmul %mul3A, %get3A_13, %dot_general3A_14 {dimension_numbers = #tpu.dot_dimension_numbers<[1], [0], [0], [1], [0, 0, 1, 1], [], []>, transpose_lhs_hint = false} : vector<6400x32xf32>, vector<32x512xf32>, vector<6400x512xf32> -> vector<6400x512xf32>
    %get3A_16 = arith.constant 0 : index
    %get3A_17 = arith.constant 0 : index
    %get3A_18 = vector.load %arg2[%get3A_16, %get3A_17] : memref<6400x128xf32, #tpu.memory_space<vmem>>, vector<6400x128xf32>
    %get3A_19 = arith.constant 0 : index
    %get3A_20 = arith.constant 0 : index
    %get3A_21 = vector.load %arg8[%get3A_19, %get3A_20] : memref<128x512xf32, #tpu.memory_space<vmem>>, vector<128x512xf32>
    %dot_general3A_22 = arith.constant dense<0.000000e+00> : vector<6400x512xf32>
    %dot_general3A_23 = tpu.matmul %get3A_18, %get3A_21, %dot_general3A_22 {dimension_numbers = #tpu.dot_dimension_numbers<[1], [0], [0], [1], [0, 0, 1, 1], [], []>, transpose_lhs_hint = false} : vector<6400x128xf32>, vector<128x512xf32>, vector<6400x512xf32> -> vector<6400x512xf32>
    %mul3A_24 = arith.mulf %dot_general3A_15, %dot_general3A_23 : vector<6400x512xf32>
    %get3A_25 = arith.constant 0 : index
    %get3A_26 = arith.constant 0 : index
    %get3A_27 = vector.load %arg6[%get3A_25, %get3A_26] : memref<512x128xf32, #tpu.memory_space<vmem>>, vector<512x128xf32>
    %dot_general3A_28 = arith.constant dense<0.000000e+00> : vector<6400x128xf32>
    %dot_general3A_29 = tpu.matmul %mul3A_24, %get3A_27, %dot_general3A_28 {dimension_numbers = #tpu.dot_dimension_numbers<[1], [0], [0], [1], [0, 0, 1, 1], [], []>, transpose_lhs_hint = false} : vector<6400x512xf32>, vector<512x128xf32>, vector<6400x128xf32> -> vector<6400x128xf32>
    %get3A_30 = arith.constant 0 : index
    %get3A_31 = arith.constant 0 : index
    %get3A_32 = vector.load %arg3[%get3A_30, %get3A_31] : memref<4x6400xf32, #tpu.memory_space<vmem>>, vector<4x6400xf32>
    %get3A_33 = arith.constant 0 : index
    %get3A_34 = arith.constant 0 : index
    %get3A_35 = vector.load %arg7[%get3A_33, %get3A_34] : memref<4x128xf32, #tpu.memory_space<vmem>>, vector<4x128xf32>
    %dot_general3A_36 = arith.constant dense<0.000000e+00> : vector<6400x128xf32>
    %dot_general3A_37 = tpu.matmul %get3A_32, %get3A_35, %dot_general3A_36 {dimension_numbers = #tpu.dot_dimension_numbers<[0], [0], [1], [1], [0, 1, 1, 1], [], []>, transpose_lhs_hint = false} : vector<4x6400xf32>, vector<4x128xf32>, vector<6400x128xf32> -> vector<6400x128xf32>
    %mul3A_38 = arith.mulf %dot_general3A_29, %dot_general3A_37 : vector<6400x128xf32>
    %swap3A = arith.constant 0 : index
    %swap3A_39 = arith.constant 0 : index
    %swap3A_40 = vector.load %arg9[%swap3A, %swap3A_39] : memref<6400x128xf32, #tpu.memory_space<vmem>>, vector<6400x128xf32>
    tpu.vector_store %arg9[%swap3A, %swap3A_39], %mul3A_38 {strides = array<i32>} : memref<6400x128xf32, #tpu.memory_space<vmem>>, vector<6400x128xf32>,
    return
  }
  func.func @transform_0(%arg0: i32) -> (i32, i32) {
    %add3A = arith.constant 0 : i32
    %add3A_0 = arith.addi %arg0, %add3A : i32
    %c0_i32 = arith.constant 0 : i32
    %c0_i32_1 = arith.constant 0 : i32
    return %c0_i32, %add3A_0 : i32, i32
  }
  func.func @transform_1(%arg0: i32) -> (i32, i32) {
    %c0_i32 = arith.constant 0 : i32
    %c0_i32_0 = arith.constant 0 : i32
    return %arg0, %c0_i32 : i32, i32
  }
  func.func @transform_2(%arg0: i32) -> (i32, i32) {
    %add3A = arith.constant 0 : i32
    %add3A_0 = arith.addi %arg0, %add3A : i32
    %c0_i32 = arith.constant 0 : i32
    %c0_i32_1 = arith.constant 0 : i32
    return %c0_i32, %add3A_0 : i32, i32
  }
  func.func @transform_3(%arg0: i32) -> (i32, i32) {
    %c0_i32 = arith.constant 0 : i32
    %c0_i32_0 = arith.constant 0 : i32
    %c0_i32_1 = arith.constant 0 : i32
    return %c0_i32, %c0_i32_0 : i32, i32
  }
  func.func @transform_4(%arg0: i32) -> (i32, i32) {
    %c0_i32 = arith.constant 0 : i32
    %c0_i32_0 = arith.constant 0 : i32
    %c0_i32_1 = arith.constant 0 : i32
    return %c0_i32, %c0_i32_0 : i32, i32
  }
  func.func @transform_5(%arg0: i32) -> (i32, i32) {
    %c0_i32 = arith.constant 0 : i32
    %c0_i32_0 = arith.constant 0 : i32
    %c0_i32_1 = arith.constant 0 : i32
    return %c0_i32, %c0_i32_0 : i32, i32
  }
  func.func @transform_6(%arg0: i32) -> (i32, i32) {
    %c0_i32 = arith.constant 0 : i32
    %c0_i32_0 = arith.constant 0 : i32
    %c0_i32_1 = arith.constant 0 : i32
    return %c0_i32, %c0_i32_0 : i32, i32
  }
  func.func @transform_7(%arg0: i32) -> (i32, i32) {
    %c0_i32 = arith.constant 0 : i32
    %c0_i32_0 = arith.constant 0 : i32
    %c0_i32_1 = arith.constant 0 : i32
    return %c0_i32, %c0_i32_0 : i32, i32
  }
  func.func @transform_8(%arg0: i32) -> (i32, i32) {
    %c0_i32 = arith.constant 0 : i32
    %c0_i32_0 = arith.constant 0 : i32
    return %arg0, %c0_i32 : i32, i32
  }
}

module attributes {stable_mosaic.version = 14 : i64} {
  func.func @_ln_body(%arg0: i32, %arg1: memref<2x1000x128xf32, #tpu.memory_space<vmem>>, %arg2: memref<2x1000x128xf32, #tpu.memory_space<vmem>>, %arg3: memref<2x1000x128xf32, #tpu.memory_space<vmem>>, %arg4: memref<1x128xf32, #tpu.memory_space<vmem>>, %arg5: memref<1x128xf32, #tpu.memory_space<vmem>>, %arg6: memref<1x128xf32, #tpu.memory_space<vmem>>, %arg7: memref<1x128xf32, #tpu.memory_space<vmem>>, %arg8: memref<1000x128xf32, #tpu.memory_space<vmem>>) attributes {dimension_semantics = [#tpu.dimension_semantics<arbitrary>], iteration_bounds = array<i64: 5>, scalar_prefetch = 0 : i64, scratch_operands = 0 : i64, tpu.core_type = #tpu.core_type<tc>, window_params = [{transform_indices = @transform_0, window_bounds = array<i64: 2, 1000, 128>}, {transform_indices = @transform_1, window_bounds = array<i64: 2, 1000, 128>}, {transform_indices = @transform_2, window_bounds = array<i64: 2, 1000, 128>}, {pipeline_mode = #tpu.pipeline_mode<synchronous>, transform_indices = @transform_3, window_bounds = array<i64: 1, 128>}, {pipeline_mode = #tpu.pipeline_mode<synchronous>, transform_indices = @transform_4, window_bounds = array<i64: 1, 128>}, {pipeline_mode = #tpu.pipeline_mode<synchronous>, transform_indices = @transform_5, window_bounds = array<i64: 1, 128>}, {pipeline_mode = #tpu.pipeline_mode<synchronous>, transform_indices = @transform_6, window_bounds = array<i64: 1, 128>}, {transform_indices = @transform_7, window_bounds = array<i64: 1000, 128>}]} {
    %get3A = arith.constant 0 : index
    %get3A_0 = arith.constant 0 : index
    %get3A_1 = arith.constant 0 : index
    %get3A_2 = vector.load %arg1[%get3A, %get3A_0, %get3A_1] : memref<2x1000x128xf32, #tpu.memory_space<vmem>>, vector<1x1000x128xf32>
    %get3A_3 = vector.shape_cast %get3A_2 : vector<1x1000x128xf32> to vector<1000x128xf32>
    %get3A_4 = arith.constant 1 : index
    %get3A_5 = arith.constant 0 : index
    %get3A_6 = arith.constant 0 : index
    %get3A_7 = vector.load %arg1[%get3A_4, %get3A_5, %get3A_6] : memref<2x1000x128xf32, #tpu.memory_space<vmem>>, vector<1x1000x128xf32>
    %get3A_8 = vector.shape_cast %get3A_7 : vector<1x1000x128xf32> to vector<1000x128xf32>
    %add3A = arith.addf %get3A_3, %get3A_8 : vector<1000x128xf32>
    %get3A_9 = arith.constant 0 : index
    %get3A_10 = arith.constant 0 : index
    %get3A_11 = arith.constant 0 : index
    %get3A_12 = vector.load %arg2[%get3A_9, %get3A_10, %get3A_11] : memref<2x1000x128xf32, #tpu.memory_space<vmem>>, vector<1x1000x128xf32>
    %get3A_13 = vector.shape_cast %get3A_12 : vector<1x1000x128xf32> to vector<1000x128xf32>
    %get3A_14 = arith.constant 1 : index
    %get3A_15 = arith.constant 0 : index
    %get3A_16 = arith.constant 0 : index
    %get3A_17 = vector.load %arg2[%get3A_14, %get3A_15, %get3A_16] : memref<2x1000x128xf32, #tpu.memory_space<vmem>>, vector<1x1000x128xf32>
    %get3A_18 = vector.shape_cast %get3A_17 : vector<1x1000x128xf32> to vector<1000x128xf32>
    %add3A_19 = arith.addf %get3A_13, %get3A_18 : vector<1000x128xf32>
    %add3A_20 = arith.addf %add3A, %add3A_19 : vector<1000x128xf32>
    %get3A_21 = arith.constant 0 : index
    %get3A_22 = arith.constant 0 : index
    %get3A_23 = arith.constant 0 : index
    %get3A_24 = vector.load %arg3[%get3A_21, %get3A_22, %get3A_23] : memref<2x1000x128xf32, #tpu.memory_space<vmem>>, vector<1x1000x128xf32>
    %get3A_25 = vector.shape_cast %get3A_24 : vector<1x1000x128xf32> to vector<1000x128xf32>
    %get3A_26 = arith.constant 1 : index
    %get3A_27 = arith.constant 0 : index
    %get3A_28 = arith.constant 0 : index
    %get3A_29 = vector.load %arg3[%get3A_26, %get3A_27, %get3A_28] : memref<2x1000x128xf32, #tpu.memory_space<vmem>>, vector<1x1000x128xf32>
    %get3A_30 = vector.shape_cast %get3A_29 : vector<1x1000x128xf32> to vector<1000x128xf32>
    %add3A_31 = arith.addf %get3A_25, %get3A_30 : vector<1000x128xf32>
    %add3A_32 = arith.addf %add3A_20, %add3A_31 : vector<1000x128xf32>
    %get3A_33 = arith.constant 0 : index
    %get3A_34 = arith.constant 0 : index
    %get3A_35 = vector.load %arg6[%get3A_33, %get3A_34] : memref<1x128xf32, #tpu.memory_space<vmem>>, vector<1x128xf32>
    %get3A_36 = arith.constant 0 : index
    %get3A_37 = arith.constant 0 : index
    %get3A_38 = vector.load %arg7[%get3A_36, %get3A_37] : memref<1x128xf32, #tpu.memory_space<vmem>>, vector<1x128xf32>
    %mul3A = vector.broadcast %get3A_35 : vector<1x128xf32> to vector<1000x128xf32>
    %mul3A_39 = arith.mulf %add3A_32, %mul3A : vector<1000x128xf32>
    %reduce_sum3A = arith.constant dense<0.000000e+00> : vector<1000xf32>
    %reduce_sum3A_40 = vector.multi_reduction <add>, %mul3A_39, %reduce_sum3A [1] : vector<1000x128xf32> to vector<1000xf32>
    %broadcast_in_dim3A = vector.shape_cast %reduce_sum3A_40 : vector<1000xf32> to vector<1000x1xf32>
    %mul3A_41 = arith.constant 1.562500e-02 : f32
    %mul3A_42 = vector.broadcast %mul3A_41 : f32 to vector<1000x1xf32>
    %mul3A_43 = arith.mulf %broadcast_in_dim3A, %mul3A_42 : vector<1000x1xf32>
    %mul3A_44 = vector.broadcast %get3A_38 : vector<1x128xf32> to vector<1000x128xf32>
    %mul3A_45 = arith.mulf %add3A_32, %mul3A_44 : vector<1000x128xf32>
    %reduce_sum3A_46 = arith.constant dense<0.000000e+00> : vector<1000xf32>
    %reduce_sum3A_47 = vector.multi_reduction <add>, %mul3A_45, %reduce_sum3A_46 [1] : vector<1000x128xf32> to vector<1000xf32>
    %broadcast_in_dim3A_48 = vector.shape_cast %reduce_sum3A_47 : vector<1000xf32> to vector<1000x1xf32>
    %mul3A_49 = arith.constant 1.562500e-02 : f32
    %mul3A_50 = vector.broadcast %mul3A_49 : f32 to vector<1000x1xf32>
    %mul3A_51 = arith.mulf %broadcast_in_dim3A_48, %mul3A_50 : vector<1000x1xf32>
    %mul3A_52 = vector.broadcast %mul3A_43 : vector<1000x1xf32> to vector<1000x128xf32>
    %mul3A_53 = vector.broadcast %get3A_35 : vector<1x128xf32> to vector<1000x128xf32>
    %mul3A_54 = arith.mulf %mul3A_52, %mul3A_53 : vector<1000x128xf32>
    %mul3A_55 = vector.broadcast %mul3A_51 : vector<1000x1xf32> to vector<1000x128xf32>
    %mul3A_56 = vector.broadcast %get3A_38 : vector<1x128xf32> to vector<1000x128xf32>
    %mul3A_57 = arith.mulf %mul3A_55, %mul3A_56 : vector<1000x128xf32>
    %add3A_58 = arith.addf %mul3A_54, %mul3A_57 : vector<1000x128xf32>
    %sub3A = arith.subf %add3A_32, %add3A_58 : vector<1000x128xf32>
    %mul3A_59 = arith.mulf %sub3A, %sub3A : vector<1000x128xf32>
    %mul3A_60 = vector.broadcast %get3A_35 : vector<1x128xf32> to vector<1000x128xf32>
    %mul3A_61 = arith.mulf %mul3A_59, %mul3A_60 : vector<1000x128xf32>
    %reduce_sum3A_62 = arith.constant dense<0.000000e+00> : vector<1000xf32>
    %reduce_sum3A_63 = vector.multi_reduction <add>, %mul3A_61, %reduce_sum3A_62 [1] : vector<1000x128xf32> to vector<1000xf32>
    %broadcast_in_dim3A_64 = vector.shape_cast %reduce_sum3A_63 : vector<1000xf32> to vector<1000x1xf32>
    %mul3A_65 = arith.constant 1.562500e-02 : f32
    %mul3A_66 = vector.broadcast %mul3A_65 : f32 to vector<1000x1xf32>
    %mul3A_67 = arith.mulf %broadcast_in_dim3A_64, %mul3A_66 : vector<1000x1xf32>
    %mul3A_68 = arith.mulf %sub3A, %sub3A : vector<1000x128xf32>
    %mul3A_69 = vector.broadcast %get3A_38 : vector<1x128xf32> to vector<1000x128xf32>
    %mul3A_70 = arith.mulf %mul3A_68, %mul3A_69 : vector<1000x128xf32>
    %reduce_sum3A_71 = arith.constant dense<0.000000e+00> : vector<1000xf32>
    %reduce_sum3A_72 = vector.multi_reduction <add>, %mul3A_70, %reduce_sum3A_71 [1] : vector<1000x128xf32> to vector<1000xf32>
    %broadcast_in_dim3A_73 = vector.shape_cast %reduce_sum3A_72 : vector<1000xf32> to vector<1000x1xf32>
    %mul3A_74 = arith.constant 1.562500e-02 : f32
    %mul3A_75 = vector.broadcast %mul3A_74 : f32 to vector<1000x1xf32>
    %mul3A_76 = arith.mulf %broadcast_in_dim3A_73, %mul3A_75 : vector<1000x1xf32>
    %mul3A_77 = vector.broadcast %mul3A_67 : vector<1000x1xf32> to vector<1000x128xf32>
    %mul3A_78 = vector.broadcast %get3A_35 : vector<1x128xf32> to vector<1000x128xf32>
    %mul3A_79 = arith.mulf %mul3A_77, %mul3A_78 : vector<1000x128xf32>
    %mul3A_80 = vector.broadcast %mul3A_76 : vector<1000x1xf32> to vector<1000x128xf32>
    %mul3A_81 = vector.broadcast %get3A_38 : vector<1x128xf32> to vector<1000x128xf32>
    %mul3A_82 = arith.mulf %mul3A_80, %mul3A_81 : vector<1000x128xf32>
    %add3A_83 = arith.addf %mul3A_79, %mul3A_82 : vector<1000x128xf32>
    %add3A_84 = arith.constant 9.99999974E-6 : f32
    %add3A_85 = vector.broadcast %add3A_84 : f32 to vector<1000x128xf32>
    %add3A_86 = arith.addf %add3A_83, %add3A_85 : vector<1000x128xf32>
    %rsqrt3A = math.rsqrt %add3A_86 : vector<1000x128xf32>
    %mul3A_87 = arith.mulf %sub3A, %rsqrt3A : vector<1000x128xf32>
    %get3A_88 = arith.constant 0 : index
    %get3A_89 = arith.constant 0 : index
    %get3A_90 = vector.load %arg4[%get3A_88, %get3A_89] : memref<1x128xf32, #tpu.memory_space<vmem>>, vector<1x128xf32>
    %mul3A_91 = vector.broadcast %get3A_90 : vector<1x128xf32> to vector<1000x128xf32>
    %mul3A_92 = arith.mulf %mul3A_87, %mul3A_91 : vector<1000x128xf32>
    %get3A_93 = arith.constant 0 : index
    %get3A_94 = arith.constant 0 : index
    %get3A_95 = vector.load %arg5[%get3A_93, %get3A_94] : memref<1x128xf32, #tpu.memory_space<vmem>>, vector<1x128xf32>
    %add3A_96 = vector.broadcast %get3A_95 : vector<1x128xf32> to vector<1000x128xf32>
    %add3A_97 = arith.addf %mul3A_92, %add3A_96 : vector<1000x128xf32>
    %swap3A = arith.constant 0 : index
    %swap3A_98 = arith.constant 0 : index
    %swap3A_99 = vector.load %arg8[%swap3A, %swap3A_98] : memref<1000x128xf32, #tpu.memory_space<vmem>>, vector<1000x128xf32>
    tpu.vector_store %arg8[%swap3A, %swap3A_98], %add3A_97 {strides = array<i32>} : memref<1000x128xf32, #tpu.memory_space<vmem>>, vector<1000x128xf32>,
    return
  }
  func.func @transform_0(%arg0: i32) -> (i32, i32, i32) {
    %c0_i32 = arith.constant 0 : i32
    %c0_i32_0 = arith.constant 0 : i32
    %c0_i32_1 = arith.constant 0 : i32
    return %c0_i32, %arg0, %c0_i32_0 : i32, i32, i32
  }
  func.func @transform_1(%arg0: i32) -> (i32, i32, i32) {
    %c0_i32 = arith.constant 0 : i32
    %c0_i32_0 = arith.constant 0 : i32
    %c0_i32_1 = arith.constant 0 : i32
    return %c0_i32, %arg0, %c0_i32_0 : i32, i32, i32
  }
  func.func @transform_2(%arg0: i32) -> (i32, i32, i32) {
    %c0_i32 = arith.constant 0 : i32
    %c0_i32_0 = arith.constant 0 : i32
    %c0_i32_1 = arith.constant 0 : i32
    return %c0_i32, %arg0, %c0_i32_0 : i32, i32, i32
  }
  func.func @transform_3(%arg0: i32) -> (i32, i32) {
    %c0_i32 = arith.constant 0 : i32
    %c0_i32_0 = arith.constant 0 : i32
    %c0_i32_1 = arith.constant 0 : i32
    return %c0_i32, %c0_i32_0 : i32, i32
  }
  func.func @transform_4(%arg0: i32) -> (i32, i32) {
    %c0_i32 = arith.constant 0 : i32
    %c0_i32_0 = arith.constant 0 : i32
    %c0_i32_1 = arith.constant 0 : i32
    return %c0_i32, %c0_i32_0 : i32, i32
  }
  func.func @transform_5(%arg0: i32) -> (i32, i32) {
    %c0_i32 = arith.constant 0 : i32
    %c0_i32_0 = arith.constant 0 : i32
    %c0_i32_1 = arith.constant 0 : i32
    return %c0_i32, %c0_i32_0 : i32, i32
  }
  func.func @transform_6(%arg0: i32) -> (i32, i32) {
    %c0_i32 = arith.constant 0 : i32
    %c0_i32_0 = arith.constant 0 : i32
    %c0_i32_1 = arith.constant 0 : i32
    return %c0_i32, %c0_i32_0 : i32, i32
  }
  func.func @transform_7(%arg0: i32) -> (i32, i32) {
    %c0_i32 = arith.constant 0 : i32
    %c0_i32_0 = arith.constant 0 : i32
    return %arg0, %c0_i32 : i32, i32
  }
}

</mosaic_0001>

<sc_bundles>
// kernel: kernel.12.cloned.1.call-start
scs
__scs_entry_jumppad:
0x0: {  	(pc) =	sbr.rel $0x88, $3  }
0x1: {  	(tag) =	ssettag $0x0;
	lr =	simm.s32 $0x1  }
0x2: {  	[smem:$0x3F97] =	sst lr;
	_ =	strace $0xD0000000  }
0x3: {  	_ = 	snop  }
0x4: {  	_ = 	snop  }
0x5: {  	_ = 	snop  }
0x6: {  	_ = 	snop  }
0x7: {  	_ = 	snop  }
__scs_overlays_trampoline_lowered:
0x8: {  	[smem:$0x3FA6] =	sst s0  }
0x9: {  	[smem:$0x3FA7] =	sst s1  }
0xa: {  	[smem:$0x3FA8] =	sst s2  }
0xb: {  	[smem:$0x3FA9] =	sst s3  }
0xc: {  	[smem:$0x3FAA] =	sst s4  }
0xd: {  	[smem:$0x3FAB] =	sst s5  }
0xe: {  	[smem:$0x3FAC] =	sst s6  }
0xf: {  	[smem:$0x3FAD] =	sst s7  }
0x10: {  	[smem:$0x3FAE] =	sst s8  }
0x11: {  	[smem:$0x3FAF] =	sst s9;
	s0 =	simm.s32 @!p0 $0x0  }
0x12: {  	s1 =	sld [smem:$0x3F95];
	s0 =	simm.s32 @p0 $0x1  }
0x13: {  	[smem:$0x3FB0] =	sst s0;
	s0 =	simm.s32 @!p1 $0x0  }
0x14: {  	s2 =	sld [smem:$0x3F94];
	s0 =	simm.s32 @p1 $0x1  }
0x15: {  	[smem:$0x3FB1] =	sst s0;
	s0 =	simm.s32 @!p2 $0x0  }
0x16: {  	s3 =	sld [smem:$0x3FDB];
	s0 =	simm.s32 @p2 $0x1  }
0x17: {  	s4 =	simm.s32 $0x1BF5;
	[smem:$0x3FB3] =	sst s0  }
0x18: {  	s0 =	sld [smem:$0x3F96];
	_ =	swait.ge [sflag:s4], $0x0  }
0x19: {  	s7 =	sld [smem:$0x3F97]  }
0x1a: {  	s8 =	sadd.s32 $0xFFFFE003, lr  }
0x1b: {  	s9 =	sadd.s32 $0xFFFFFEF7, lr;
	s5 =	simm.s32 $0xFFFFFFFF;
	p2 =	slt.u32 s8, $0xFFFFF086  }
0x1c: {  	p1 =	slt.u32 s9, $0xF7A;
	s5 =	simm.s32 @!p2 $0x0  }
0x1d: {  	s5 =	simm.s32 @p1 $0x1;
	p0 =	seq.s32 s7, s2  }
0x1e: {  	s7 =	smul.u32 @!p0 $0xF7A, s2;
	p2 =	seq.s32 @!p0 s5, $0x0  }
0x1f: {  	s9 =	smul.u32 $0xF7A, s1;
	s8 =	simm.s32 @!p0 $0x1BF5;
	p2 =	por !p2, p0  }
0x20: {  	[sflag:s8] =	ssyncset.s32 @!p0 $0xFFFFF086;
	s6 =	sadd.s32 @!p0 s3, s7;
	s7 =	simm.s32 @!p0 $0x108  }
0x21: {  	s3 =	sadd.s32 s3, s9;
	s6 =	sadd.s32 @!p0 $0x88, s6;
	s7 =	simm.s32 @p2 $0x1082  }
0x22: {  	[simem:s7], [sflag:s8] =	dma.local @!p0 [hbm:s6], $0xF7A  }
0x23: {  	s9 =	sor.u32 $0xD0000000, s2;
	s6 =	simm.s32 $0x108;
	_ =	swait.ge @!p0 [sflag:s8], $0x0  }
0x24: {  	s3 =	sadd.s32 $0x88, s3;
	s6 =	simm.s32 @!p1 $0x1082;
	[sflag:s4] =	ssyncset.s32 $0xFFFFF086  }
0x25: {  	[simem:s6], [sflag:s4] =	dma.local [hbm:s3], $0xF7A  }
0x26: {  	[smem:$0x3F97] =	sst s1;
	(tag) =	ssettag s2;
	_ =	strace s9  }
0x27: {  	s1 =	sld [smem:$0x3FA7]  }
0x28: {  	s2 =	sld [smem:$0x3FA8]  }
0x29: {  	s4 =	sld [smem:$0x3FAA]  }
0x2a: {  	p0 =	seq.s32 s5, $0x0;
	s5 =	sld [smem:$0x3FAB]  }
0x2b: {  	s6 =	sld [smem:$0x3FAC]  }
0x2c: {  	s7 =	sld [smem:$0x3FAD]  }
0x2d: {  	s3 =	simm.s32 $0x108;
	s8 =	sld [smem:$0x3FAE]  }
0x2e: {  	s3 =	simm.s32 @!p0 $0x1082;
	s9 =	sld [smem:$0x3FAF]  }
0x2f: {  	lr =	sadd.s32 s0, s3;
	s0 =	sld [smem:$0x3FA6]  }
0x30: {  	s3 =	sld [smem:$0x3FA9]  }
0x31: {  	[smem:$0x3FB2] =	sst s10  }
0x32: {  	s10 =	sld [smem:$0x3FB0];
	_ =	sdelay $0x3  }
0x33: {  	p0 =	seq.s32 s10, $0x1;
	s10 =	sld [smem:$0x3FB2];
	_ =	sdelay $0x3  }
0x34: {  	[smem:$0x3FB2] =	sst s10  }
0x35: {  	s10 =	sld [smem:$0x3FB1];
	_ =	sdelay $0x3  }
0x36: {  	p1 =	seq.s32 s10, $0x1;
	s10 =	sld [smem:$0x3FB2];
	_ =	sdelay $0x3  }
0x37: {  	[smem:$0x3FB2] =	sst s10  }
0x38: {  	s10 =	sld [smem:$0x3FB3]  }
0x39: {  	_ = 	snop;
	(pc) =	sbr.ind lr, $3  }
0x3a: {  	_ = 	snop  }
0x3b: {  	_ = 	snop  }
0x3c: {  	p2 =	seq.s32 s10, $0x1;
	s10 =	sld [smem:$0x3FB2]  }
0x3d: {  	_ =	shalt  }
0x3e: {  	_ =	shalt  }
0x3f: {  	_ =	shalt  }
0x40: {  	_ =	shalt  }
0x41: {  	_ =	shalt  }
0x42: {  	_ =	shalt  }
0x43: {  	_ =	shalt  }
0x44: {  	_ =	shalt  }
0x45: {  	_ =	shalt  }
0x46: {  	_ =	shalt  }
0x47: {  	_ =	shalt  }
0x48: {  	_ =	shalt  }
0x49: {  	_ =	shalt  }
0x4a: {  	_ =	shalt  }
0x4b: {  	_ =	shalt  }
0x4c: {  	_ =	shalt  }
0x4d: {  	_ =	shalt  }
0x4e: {  	_ =	shalt  }
0x4f: {  	_ =	shalt  }
0x50: {  	_ =	shalt  }
0x51: {  	_ =	shalt  }
0x52: {  	_ =	shalt  }
0x53: {  	_ =	shalt  }
0x54: {  	_ =	shalt  }
0x55: {  	_ =	shalt  }
0x56: {  	_ =	shalt  }
0x57: {  	_ =	shalt  }
0x58: {  	_ =	shalt  }
0x59: {  	_ =	shalt  }
0x5a: {  	_ =	shalt  }
0x5b: {  	_ =	shalt  }
0x5c: {  	_ =	shalt  }
0x5d: {  	_ =	shalt  }
0x5e: {  	_ =	shalt  }
0x5f: {  	_ =	shalt  }
0x60: {  	_ =	shalt  }
0x61: {  	_ =	shalt  }
0x62: {  	_ =	shalt  }
0x63: {  	_ =	shalt  }
0x64: {  	_ =	shalt  }
0x65: {  	_ =	shalt  }
0x66: {  	_ =	shalt  }
0x67: {  	_ =	shalt  }
0x68: {  	_ =	shalt  }
0x69: {  	_ =	shalt  }
0x6a: {  	_ =	shalt  }
0x6b: {  	_ =	shalt  }
0x6c: {  	_ =	shalt  }
0x6d: {  	_ =	shalt  }
0x6e: {  	_ =	shalt  }
0x6f: {  	_ =	shalt  }
0x70: {  	_ =	shalt  }
0x71: {  	_ =	shalt  }
0x72: {  	_ =	shalt  }
0x73: {  	_ =	shalt  }
0x74: {  	_ =	shalt  }
0x75: {  	_ =	shalt  }
0x76: {  	_ =	shalt  }
0x77: {  	_ =	shalt  }
0x78: {  	_ =	shalt  }
0x79: {  	_ =	shalt  }
0x7a: {  	_ =	shalt  }
0x7b: {  	_ =	shalt  }
0x7c: {  	_ =	shalt  }
0x7d: {  	_ =	shalt  }
0x7e: {  	_ =	shalt  }
0x7f: {  	_ =	shalt  }
0x80: {  	_ =	shalt  }
0x81: {  	_ =	shalt  }
0x82: {  	_ =	shalt  }
0x83: {  	_ =	shalt  }
0x84: {  	_ =	shalt  }
0x85: {  	_ =	shalt  }
0x86: {  	_ =	shalt  }
0x87: {  	_ =	shalt  }
.Lfunc_end0:
.L_simem_size_0:
called_computation_lowered:
.L_overlay_start_0:
0x88: {  	s2 =	sld [smem:$0x3FD9]  }
0x89: {  	s3 =	sld [smem:$0x3FFE];
	_ =	sdelay $0x1  }
0x8a: {  	s1 =	srdreg.scid  }
0x8b: {  	s0 =	sand.u32 $0x1, s1  }
0x8c: {  	s17 =	sshll.u32 s0, $0xA;
	s2 =	sadd.s32 s3, s2  }
0x8d: {  	s2 =	sadd.s32 s2, s17  }
0x8e: {  	[smem:$0x3FBE] =	sst s2  }
0x8f: {  	_ = 	snop  }
0x90: {  	(tm) =	ssettm $0x1  }
0x91: {  	s18 =	sld [smem:$0x3FFB];
	_ =	sdelay $0x3  }
0x92: {  	_ =	strace s18  }
0x93: {  	s2 =	sld [smem:$0x3FFC];
	_ =	sdelay $0x3  }
0x94: {  	_ =	strace s2  }
0x95: {  	s2 =	sld [smem:$0x3FFD];
	_ =	sdelay $0x3  }
0x96: {  	_ =	strace s2  }
0x97: {  	_ =	strace $0x8FFFFFFF  }
0x98: {  	s19 =	sld [smem:$0x3FDB];
	_ =	sdelay $0x1  }
0x99: {  	s20 =	simm.s32 $_scs_section_size  }
0x9a: {  	s4 =	simm.s32 $_size__tile_overlayer_lowered;
	s5 =	simm.s32 $_tile_overlayer_lowered  }
0x9b: {  	s6 =	simm.s32 $0x1BFF;
	s21 =	sshll.u32 s5, $0x1;
	s3 =	sadd.s32 s20, s19  }
0x9c: {  	s22 =	simm.s32 $0x0;
	s4 =	sshll.u32 s4, $0x1;
	s5 =	sadd.s32 s21, s3  }
0x9d: {  	[timem:s22], [sflag:s6] =	dma.local [hbm:s5], s4  }
0x9e: {  	_ =	swait.ge [sflag:s6], s4  }
0x9f: {  	s4 =	ssub.s32 $0x0, s4;
	[sflag:s6] =	ssyncset.done $0x0  }
0xa0: {  	[sflag:s6] =	ssyncadd.s32 s4;
	_ =	sdelay $0x1  }
0xa1: {  	s23 =	simm.s32 $0x1B8B  }
0xa2: {  	_ =	swait.ge [sflag:s23], $0x1  }
0xa3: {  	[sflag:s23] =	ssyncset.done $0x0  }
0xa4: {  	[sflag:s23] =	ssyncadd.s32 $0xFFFFFFFF  }
0xa5: {  	s4 =	sld [smem:$0x0]  }
0xa6: {  	s5 =	sand.u32 $0xFFFFFFFE, s1  }
0xa7: {  	p0 =	sne.s32 s1, s5  }
0xa8: {  	s5 =	sshll.u32 @p0 s5, $0xE  }
0xa9: {  	s5 =	sadd.s32 @p0 $0x11B8D, s5;
	s6 =	sshll.u32 @p0 s4, $0x11  }
0xaa: {  	s5 =	sor.u32 @p0 s6, s5  }
0xab: {  	[sflag:s5] =	ssyncadd.remote.s32 @p0 $0x1;
	_ =	sdelay $0x1  }
0xac: {  	s5 =	simm.s32 @p0 $0x1B8D  }
0xad: {  	_ =	swait.eq @p0 [sflag:s5], $0x1  }
0xae: {  	[sflag:s5] =	ssyncadd.s32 @p0 $0xFFFFFFFF  }
0xaf: {  	s6 =	sshll.u32 @!p0 s1, $0xE  }
0xb0: {  	s6 =	sor.u32 @!p0 $0x4000, s6;
	s5 =	simm.s32 @!p0 $0x1B8D  }
0xb1: {  	s4 =	sshll.u32 @!p0 s4, $0x11;
	s6 =	sadd.s32 @!p0 $0x11B8D, s6;
	_ =	swait.eq @!p0 [sflag:s5], $0x1  }
0xb2: {  	s4 =	sor.u32 @!p0 s4, s6;
	[sflag:s5] =	ssyncadd.s32 @!p0 $0xFFFFFFFF  }
0xb3: {  	s25 =	simm.s32 $0x1B8E;
	s24 =	sld [smem:$0x3FFE];
	[sflag:s4] =	ssyncadd.remote.s32 @!p0 $0x1  }
0xb4: {  	s26 =	simm.s32 $execute0_lowered;
	[smem:$0x3FD2] =	sst s25  }
0xb5: {  	s5 =	sshll.u32 s26, $0x1;
	_ =	strace $0x8000004C;
	[dreg:$0x1] =	wrdreg $0xFFFFFFFF  }
0xb6: {  	s28 =	simm.s32 $_size_execute0_lowered;
	s3 =	sadd.s32 s3, s5;
	[dreg:$0x0] =	wrdreg $0x0  }
0xb7: {  	s5 =	sshll.u32 s28, $0x1;
	[dreg:$0x2] =	wrdreg s3  }
0xb8: {  	[dreg:$0x3] =	wrdreg s5  }
0xb9: {  	[dreg:$0x4] =	wrdreg $0xC0  }
0xba: {  	_ =	task [dreg:s22], $0x5FFFF  }
0xbb: {  	[dreg:$0x1] =	wrdreg $0xFFFFFFFF  }
0xbc: {  	[dreg:$0x0] =	wrdreg $0x60  }
0xbd: {  	[dreg:$0x2] =	wrdreg s24  }
0xbe: {  	[dreg:$0x3] =	wrdreg $0x9  }
0xbf: {  	_ =	task.clear_ibuf [dreg:s22], $0x4FFFF;
	_ =	strace $0x9000004C  }
0xc0: {  	s29 =	simm.s32 $0x9;
	_ =	strace $0x8000004E  }
0xc1: {  	_ =	swait.ge [sflag:s29], $0x1  }
0xc2: {  	[sflag:s29] =	ssyncadd.s32 $0xFFFFFFFF  }
0xc3: {  	_ =	strace $0x9000004E  }
0xc4: {  	_ =	sfence  }
0xc5: {  	s30 =	sld [smem:$0x0];
	_ =	sdelay $0x2  }
0xc6: {  	s31 =	sshll.u32 s1, $0xD;
	s1 =	sshrl.u32 s1, $0x2  }
0xc7: {  	s4 =	sand.u32 $0x4000, s31;
	s1 =	sadd.s32 s1, s30  }
0xc8: {  	s0 =	sor.u32 s4, s0;
	s1 =	sshll.u32 s1, $0x11  }
0xc9: {  	s0 =	sor.u32 s1, s0  }
0xca: {  	s0 =	sadd.s32 $0x8F2B, s0  }
0xcb: {  	[sflag:s0] =	ssyncadd.remote.s32 $0x1  }
0xcc: {  	_ =	sfence.sel $0xFFFF  }
0xcd: {  	[dreg:$0x0] =	wrdreg $0xFFFFFFFF;
	(pc) =	sbr.abs _section_cstart, $3  }
0xce: {  	[dreg:$0x1] =	wrdreg $0xFFFFFFFF  }
0xcf: {  	_ =	task.clear_ibuf [dreg:s22], $0x2FFFF;
	_ =	strace $0x9FFFFFFF  }
0xd0: {  	(tm) =	ssettm $0x7FFFFFFF  }
0xd1: {  	_ =	shalt  }
tec
execute0_lowered:
.L_overlay_start_1:
0x0: {  	(tag) =	ssettag $0x1  }
0x1: {  	s1 =	srdreg.scid  }
0x2: {  	s0 =	stileid.u32;
	s20 =	sand.u32 $0x1, s1  }
0x3: {  	s31 =	sshll.u32 s0, $0x4;
	s2 =	sshll.u32 s20, $0x3  }
0x4: {  	s15 =	rddreg [dreg:$0x0];
	s16 =	sor.u32 s2, s31  }
0x5: {  	s1 =	rddreg [dreg:$0x1];
	s2 =	simm.s32 $0x0;
	s3 =	sshll.u32 s16, $0x4  }
0x6: {  	[smem:$0x7FF] =	sst s2;
	s3 =	sadd.s32 s3, s15  }
0x7: {  	_ =	strace $0x8000004D;
	s4 =	sadd.s32 $0x2AE00, s3;
	s3 =	simm.s32 $0x2  }
0x8: {  	[tilespmem:s2], [sflag:$0x2] =	stream.linear.gather [hbm4b:s4+s2], $0x400, $0x38;
	[tilespmem:$0xFE00] =	vst v63  }
0x9: {  	_ =	swait.ge [sflag:s3], $0x400  }
0xa: {  	s6 =	simm.s32 $0x7D;
	[sflag:s3] =	ssyncset.done $0x0  }
0xb: {  	s7 =	simm.s32 $0x400;
	s5 =	sadd.s32 $0x3C00, s15;
	[sflag:s3] =	ssyncadd.s32 $0xFFFFFC00  }
0xc: {  	[tilespmem:s7], [sflag:$0x1] =	stream.indirect.gather [hbm4b:s5+s6], $0x80, s2, s6, $0xb8;
	[tilespmem:$0xFE00] =	vst v63  }
0xd: {  	s8 =	simm.s32 $0x80;
	s9 =	simm.s32 $0x4280  }
0xe: {  	[tilespmem:s9], [sflag:$0x1] =	stream.indirect.gather [hbm4b:s5+s6], $0x80, s8, s6, $0xb8;
	[tilespmem:$0xFE00] =	vst v63  }
0xf: {  	s10 =	simm.s32 $0x100;
	s11 =	simm.s32 $0x8100  }
0x10: {  	[tilespmem:s11], [sflag:$0x1] =	stream.indirect.gather [hbm4b:s5+s6], $0x80, s10, s6, $0xb8;
	[tilespmem:$0xFE00] =	vst v63  }
0x11: {  	s12 =	simm.s32 $0x180;
	s13 =	simm.s32 $0xBF80;
	s14 =	simm.s32 $0x1  }
0x12: {  	[tilespmem:s13], [sflag:$0x1] =	stream.indirect.gather [hbm4b:s5+s6], $0x80, s12, s6, $0xb8;
	[tilespmem:$0xFE00] =	vst v63  }
0x13: {  	_ =	swait.ge [sflag:s14], $0x3E80  }
0x14: {  	[sflag:s14] =	ssyncset.done $0x0  }
0x15: {  	[sflag:s14] =	ssyncadd.s32 $0xFFFFC180  }
0x16: {  	_ =	swait.ge [sflag:s14], $0x3E80  }
0x17: {  	[sflag:s14] =	ssyncset.done $0x0  }
0x18: {  	[sflag:s14] =	ssyncadd.s32 $0xFFFFC180  }
0x19: {  	_ =	swait.ge [sflag:s14], $0x3E80  }
0x1a: {  	[sflag:s14] =	ssyncset.done $0x0  }
0x1b: {  	s16 =	smul.u32 $0x7D0, s16;
	[sflag:s14] =	ssyncadd.s32 $0xFFFFC180  }
0x1c: {  	_ =	swait.ge [sflag:s14], $0x3E80  }
0x1d: {  	s21 =	sadd.s32 s16, s15;
	[sflag:s14] =	ssyncset.done $0x0  }
0x1e: {  	s15 =	sadd.s32 $0x223E00, s21;
	[sflag:s14] =	ssyncadd.s32 $0xFFFFC180  }
0x1f: {  	[hbm4b:s15+s2] =	stream.linear.scatter [tilespmem:s7], [sflag:$0x2], $0xFA00, $0x38;
	[tilespmem:$0xFE00] =	vst v63  }
0x20: {  	_ =	swait.ge [sflag:s3], $0xFA00  }
0x21: {  	[sflag:s3] =	ssyncset.done $0x0  }
0x22: {  	s16 =	simm.s32 $0x200;
	[sflag:s3] =	ssyncadd.s32 $0xFFFF0600  }
0x23: {  	[tilespmem:s7], [sflag:$0x1] =	stream.indirect.gather [hbm4b:s5+s6], $0x80, s16, s6, $0xb8;
	[tilespmem:$0xFE00] =	vst v63  }
0x24: {  	s17 =	simm.s32 $0x280  }
0x25: {  	[tilespmem:s9], [sflag:$0x1] =	stream.indirect.gather [hbm4b:s5+s6], $0x80, s17, s6, $0xb8;
	[tilespmem:$0xFE00] =	vst v63  }
0x26: {  	s18 =	simm.s32 $0x300  }
0x27: {  	[tilespmem:s11], [sflag:$0x1] =	stream.indirect.gather [hbm4b:s5+s6], $0x80, s18, s6, $0xb8;
	[tilespmem:$0xFE00] =	vst v63  }
0x28: {  	s19 =	simm.s32 $0x380  }
0x29: {  	[tilespmem:s13], [sflag:$0x1] =	stream.indirect.gather [hbm4b:s5+s6], $0x80, s19, s6, $0xb8;
	[tilespmem:$0xFE00] =	vst v63  }
0x2a: {  	_ =	swait.ge [sflag:s14], $0x3E80  }
0x2b: {  	[sflag:s14] =	ssyncset.done $0x0  }
0x2c: {  	[sflag:s14] =	ssyncadd.s32 $0xFFFFC180  }
0x2d: {  	_ =	swait.ge [sflag:s14], $0x3E80  }
0x2e: {  	[sflag:s14] =	ssyncset.done $0x0  }
0x2f: {  	s20 =	ssub.s32 $0x2, s20;
	[sflag:s14] =	ssyncadd.s32 $0xFFFFC180  }
0x30: {  	s22 =	sshrl.u32 s20, $0x1;
	_ =	swait.ge [sflag:s14], $0x3E80  }
0x31: {  	s20 =	ssub.s32 s20, s22;
	[sflag:s14] =	ssyncset.done $0x0  }
0x32: {  	s22 =	smax.u32 s20, $0x1;
	[sflag:s14] =	ssyncadd.s32 $0xFFFFC180  }
0x33: {  	p0 =	sne.s32 s22, $0x1;
	_ =	swait.ge [sflag:s14], $0x3E80  }
.Ltmp0:
0x34: {  	[sflag:s14] =	ssyncset.done $0x0;
	(pc) =	sbr.rel @!p0 .LBB2_2-.Ltmp0, $4  }
0x35: {  	s20 =	sadd.s32 $0x225D40, s21;
	[sflag:s14] =	ssyncadd.s32 $0xFFFFC180  }
0x36: {  	[hbm4b:s20+s2] =	stream.linear.scatter [tilespmem:s7], [sflag:$0x2], $0xFA00, $0x38;
	[tilespmem:$0xFE00] =	vst v63  }
0x37: {  	_ =	swait.ge [sflag:s3], $0xFA00  }
0x38: {  	s21 =	sadd.s32 $0xFFFFFFFF, s22;
	[sflag:s3] =	ssyncset.done $0x0  }
.LBB2_1:
0x39: {  	p0 =	sne.s32 s21, $0x1;
	s21 =	sadd.s32 $0xFFFFFFFF, s21;
	[sflag:s3] =	ssyncadd.s32 $0xFFFF0600  }
0x3a: {  	[tilespmem:s2], [sflag:$0x2] =	stream.linear.gather [hbm4b:s4+s2], $0x400, $0x38;
	[tilespmem:$0xFE00] =	vst v63  }
0x3b: {  	_ =	swait.ge [sflag:s3], $0x400  }
0x3c: {  	[sflag:s3] =	ssyncset.done $0x0  }
0x3d: {  	[sflag:s3] =	ssyncadd.s32 $0xFFFFFC00  }
0x3e: {  	[tilespmem:s7], [sflag:$0x1] =	stream.indirect.gather [hbm4b:s5+s6], $0x80, s2, s6, $0xb8;
	[tilespmem:$0xFE00] =	vst v63  }
0x3f: {  	_ = 	snop  }
0x40: {  	[tilespmem:s9], [sflag:$0x1] =	stream.indirect.gather [hbm4b:s5+s6], $0x80, s8, s6, $0xb8;
	[tilespmem:$0xFE00] =	vst v63  }
0x41: {  	_ = 	snop  }
0x42: {  	[tilespmem:s11], [sflag:$0x1] =	stream.indirect.gather [hbm4b:s5+s6], $0x80, s10, s6, $0xb8;
	[tilespmem:$0xFE00] =	vst v63  }
0x43: {  	_ = 	snop  }
0x44: {  	[tilespmem:s13], [sflag:$0x1] =	stream.indirect.gather [hbm4b:s5+s6], $0x80, s12, s6, $0xb8;
	[tilespmem:$0xFE00] =	vst v63  }
0x45: {  	_ =	swait.ge [sflag:s14], $0x3E80  }
0x46: {  	[sflag:s14] =	ssyncset.done $0x0  }
0x47: {  	[sflag:s14] =	ssyncadd.s32 $0xFFFFC180  }
0x48: {  	_ =	swait.ge [sflag:s14], $0x3E80  }
0x49: {  	[sflag:s14] =	ssyncset.done $0x0  }
0x4a: {  	[sflag:s14] =	ssyncadd.s32 $0xFFFFC180  }
0x4b: {  	_ =	swait.ge [sflag:s14], $0x3E80  }
0x4c: {  	[sflag:s14] =	ssyncset.done $0x0  }
0x4d: {  	[sflag:s14] =	ssyncadd.s32 $0xFFFFC180  }
0x4e: {  	_ =	swait.ge [sflag:s14], $0x3E80  }
0x4f: {  	[sflag:s14] =	ssyncset.done $0x0  }
0x50: {  	[sflag:s14] =	ssyncadd.s32 $0xFFFFC180  }
0x51: {  	[hbm4b:s15+s2] =	stream.linear.scatter [tilespmem:s7], [sflag:$0x2], $0xFA00, $0x38;
	[tilespmem:$0xFE00] =	vst v63  }
0x52: {  	_ =	swait.ge [sflag:s3], $0xFA00  }
0x53: {  	[sflag:s3] =	ssyncset.done $0x0  }
0x54: {  	[sflag:s3] =	ssyncadd.s32 $0xFFFF0600  }
0x55: {  	[tilespmem:s7], [sflag:$0x1] =	stream.indirect.gather [hbm4b:s5+s6], $0x80, s16, s6, $0xb8;
	[tilespmem:$0xFE00] =	vst v63  }
0x56: {  	_ = 	snop  }
0x57: {  	[tilespmem:s9], [sflag:$0x1] =	stream.indirect.gather [hbm4b:s5+s6], $0x80, s17, s6, $0xb8;
	[tilespmem:$0xFE00] =	vst v63  }
0x58: {  	_ = 	snop  }
0x59: {  	[tilespmem:s11], [sflag:$0x1] =	stream.indirect.gather [hbm4b:s5+s6], $0x80, s18, s6, $0xb8;
	[tilespmem:$0xFE00] =	vst v63  }
0x5a: {  	_ = 	snop  }
0x5b: {  	[tilespmem:s13], [sflag:$0x1] =	stream.indirect.gather [hbm4b:s5+s6], $0x80, s19, s6, $0xb8;
	[tilespmem:$0xFE00] =	vst v63  }
0x5c: {  	_ =	swait.ge [sflag:s14], $0x3E80  }
0x5d: {  	[sflag:s14] =	ssyncset.done $0x0  }
0x5e: {  	[sflag:s14] =	ssyncadd.s32 $0xFFFFC180  }
0x5f: {  	_ =	swait.ge [sflag:s14], $0x3E80  }
0x60: {  	[sflag:s14] =	ssyncset.done $0x0  }
0x61: {  	[sflag:s14] =	ssyncadd.s32 $0xFFFFC180  }
0x62: {  	_ =	swait.ge [sflag:s14], $0x3E80  }
0x63: {  	[sflag:s14] =	ssyncset.done $0x0  }
0x64: {  	[sflag:s14] =	ssyncadd.s32 $0xFFFFC180  }
0x65: {  	_ =	swait.ge [sflag:s14], $0x3E80  }
.Ltmp1:
0x66: {  	[sflag:s14] =	ssyncset.done $0x0;
	(pc) =	sbr.rel @p0 .LBB2_1-.Ltmp1, $4  }
0x67: {  	[sflag:s14] =	ssyncadd.s32 $0xFFFFC180  }
0x68: {  	[hbm4b:s20+s2] =	stream.linear.scatter [tilespmem:s7], [sflag:$0x2], $0xFA00, $0x38;
	[tilespmem:$0xFE00] =	vst v63  }
0x69: {  	_ =	swait.ge [sflag:s3], $0xFA00  }
0x6a: {  	[sflag:s3] =	ssyncset.done $0x0  }
.LBB2_2:
0x6b: {  	[sflag:s3] =	ssyncadd.s32 $0xFFFF0600  }
0x6c: {  	_ =	sfence.sel $0x180000  }
0x6d: {  	[bflag:$0x0] =	sbarrier.arrive $0xFFFF  }
0x6e: {  	p0 =	sne.s32 s0, $0x0;
	_ =	strace $0x9000004D  }
0x6f: {  	s0 =	sadd.s32 @!p0 $0x100000, s1;
	[bflag:$0x2] =	sbarrier.arrive $0xFFFF  }
0x70: {  	[sflag:s0] =	ssyncadd.tile.s32 @!p0 $0x1;
	_ =	shalt  }
.Lfunc_end2:
_tile_overlayer_lowered:
.L_overlay_start_2:
0x71: {  	(tag) =	ssettag $0x2  }
0x72: {  	s0 =	rddreg [dreg:$0x0];
	s2 =	stileid.u32  }
0x73: {  	s1 =	rddreg [dreg:$0x1];
	p0 =	sne.s32 s2, $0x0  }
0x74: {  	s3 =	rddreg [dreg:$0x2];
	[bflag:$0x3] =	sbarrier.arrive $0xFFFF;
	s2 =	simm.s32 @!p0 $0x1C02  }
0x75: {  	[timem:s3], [sflag:s2] =	dma.local @!p0 [hbm:s0], s1  }
0x76: {  	s0 =	simm.s32 @!p0 $0x2  }
0x77: {  	_ =	swait.ge @!p0 [sflag:s0], s1  }
0x78: {  	s1 =	ssub.s32 @!p0 $0x0, s1;
	[sflag:s0] =	ssyncset.done @!p0 $0x0  }
0x79: {  	[sflag:s0] =	ssyncadd.s32 @!p0 s1  }
0x7a: {  	[bflag:$0x3] =	sbarrier.arrive $0xFFFF  }
0x7b: {  	_ =	shalt  }

// kernel: kernel.15.cloned.1.call-start
scs
__scs_entry_jumppad:
0x0: {  	(pc) =	sbr.rel $0x88, $3  }
0x1: {  	(tag) =	ssettag $0x0;
	lr =	simm.s32 $0x1  }
0x2: {  	[smem:$0x3F97] =	sst lr;
	_ =	strace $0xD0000000  }
0x3: {  	_ = 	snop  }
0x4: {  	_ = 	snop  }
0x5: {  	_ = 	snop  }
0x6: {  	_ = 	snop  }
0x7: {  	_ = 	snop  }
__scs_overlays_trampoline_lowered:
0x8: {  	[smem:$0x3FA6] =	sst s0  }
0x9: {  	[smem:$0x3FA7] =	sst s1  }
0xa: {  	[smem:$0x3FA8] =	sst s2  }
0xb: {  	[smem:$0x3FA9] =	sst s3  }
0xc: {  	[smem:$0x3FAA] =	sst s4  }
0xd: {  	[smem:$0x3FAB] =	sst s5  }
0xe: {  	[smem:$0x3FAC] =	sst s6  }
0xf: {  	[smem:$0x3FAD] =	sst s7  }
0x10: {  	[smem:$0x3FAE] =	sst s8  }
0x11: {  	[smem:$0x3FAF] =	sst s9;
	s0 =	simm.s32 @!p0 $0x0  }
0x12: {  	s1 =	sld [smem:$0x3F95];
	s0 =	simm.s32 @p0 $0x1  }
0x13: {  	[smem:$0x3FB0] =	sst s0;
	s0 =	simm.s32 @!p1 $0x0  }
0x14: {  	s2 =	sld [smem:$0x3F94];
	s0 =	simm.s32 @p1 $0x1  }
0x15: {  	[smem:$0x3FB1] =	sst s0;
	s0 =	simm.s32 @!p2 $0x0  }
0x16: {  	s3 =	sld [smem:$0x3FDB];
	s0 =	simm.s32 @p2 $0x1  }
0x17: {  	s4 =	simm.s32 $0x1BF5;
	[smem:$0x3FB3] =	sst s0  }
0x18: {  	s0 =	sld [smem:$0x3F96];
	_ =	swait.ge [sflag:s4], $0x0  }
0x19: {  	s7 =	sld [smem:$0x3F97]  }
0x1a: {  	s8 =	sadd.s32 $0xFFFFE003, lr  }
0x1b: {  	s9 =	sadd.s32 $0xFFFFFEF7, lr;
	s5 =	simm.s32 $0xFFFFFFFF;
	p2 =	slt.u32 s8, $0xFFFFF086  }
0x1c: {  	p1 =	slt.u32 s9, $0xF7A;
	s5 =	simm.s32 @!p2 $0x0  }
0x1d: {  	s5 =	simm.s32 @p1 $0x1;
	p0 =	seq.s32 s7, s2  }
0x1e: {  	s7 =	smul.u32 @!p0 $0xF7A, s2;
	p2 =	seq.s32 @!p0 s5, $0x0  }
0x1f: {  	s9 =	smul.u32 $0xF7A, s1;
	s8 =	simm.s32 @!p0 $0x1BF5;
	p2 =	por !p2, p0  }
0x20: {  	[sflag:s8] =	ssyncset.s32 @!p0 $0xFFFFF086;
	s6 =	sadd.s32 @!p0 s3, s7;
	s7 =	simm.s32 @!p0 $0x108  }
0x21: {  	s3 =	sadd.s32 s3, s9;
	s6 =	sadd.s32 @!p0 $0x88, s6;
	s7 =	simm.s32 @p2 $0x1082  }
0x22: {  	[simem:s7], [sflag:s8] =	dma.local @!p0 [hbm:s6], $0xF7A  }
0x23: {  	s9 =	sor.u32 $0xD0000000, s2;
	s6 =	simm.s32 $0x108;
	_ =	swait.ge @!p0 [sflag:s8], $0x0  }
0x24: {  	s3 =	sadd.s32 $0x88, s3;
	s6 =	simm.s32 @!p1 $0x1082;
	[sflag:s4] =	ssyncset.s32 $0xFFFFF086  }
0x25: {  	[simem:s6], [sflag:s4] =	dma.local [hbm:s3], $0xF7A  }
0x26: {  	[smem:$0x3F97] =	sst s1;
	(tag) =	ssettag s2;
	_ =	strace s9  }
0x27: {  	s1 =	sld [smem:$0x3FA7]  }
0x28: {  	s2 =	sld [smem:$0x3FA8]  }
0x29: {  	s4 =	sld [smem:$0x3FAA]  }
0x2a: {  	p0 =	seq.s32 s5, $0x0;
	s5 =	sld [smem:$0x3FAB]  }
0x2b: {  	s6 =	sld [smem:$0x3FAC]  }
0x2c: {  	s7 =	sld [smem:$0x3FAD]  }
0x2d: {  	s3 =	simm.s32 $0x108;
	s8 =	sld [smem:$0x3FAE]  }
0x2e: {  	s3 =	simm.s32 @!p0 $0x1082;
	s9 =	sld [smem:$0x3FAF]  }
0x2f: {  	lr =	sadd.s32 s0, s3;
	s0 =	sld [smem:$0x3FA6]  }
0x30: {  	s3 =	sld [smem:$0x3FA9]  }
0x31: {  	[smem:$0x3FB2] =	sst s10  }
0x32: {  	s10 =	sld [smem:$0x3FB0];
	_ =	sdelay $0x3  }
0x33: {  	p0 =	seq.s32 s10, $0x1;
	s10 =	sld [smem:$0x3FB2];
	_ =	sdelay $0x3  }
0x34: {  	[smem:$0x3FB2] =	sst s10  }
0x35: {  	s10 =	sld [smem:$0x3FB1];
	_ =	sdelay $0x3  }
0x36: {  	p1 =	seq.s32 s10, $0x1;
	s10 =	sld [smem:$0x3FB2];
	_ =	sdelay $0x3  }
0x37: {  	[smem:$0x3FB2] =	sst s10  }
0x38: {  	s10 =	sld [smem:$0x3FB3]  }
0x39: {  	_ = 	snop;
	(pc) =	sbr.ind lr, $3  }
0x3a: {  	_ = 	snop  }
0x3b: {  	_ = 	snop  }
0x3c: {  	p2 =	seq.s32 s10, $0x1;
	s10 =	sld [smem:$0x3FB2]  }
0x3d: {  	_ =	shalt  }
0x3e: {  	_ =	shalt  }
0x3f: {  	_ =	shalt  }
0x40: {  	_ =	shalt  }
0x41: {  	_ =	shalt  }
0x42: {  	_ =	shalt  }
0x43: {  	_ =	shalt  }
0x44: {  	_ =	shalt  }
0x45: {  	_ =	shalt  }
0x46: {  	_ =	shalt  }
0x47: {  	_ =	shalt  }
0x48: {  	_ =	shalt  }
0x49: {  	_ =	shalt  }
0x4a: {  	_ =	shalt  }
0x4b: {  	_ =	shalt  }
0x4c: {  	_ =	shalt  }
0x4d: {  	_ =	shalt  }
0x4e: {  	_ =	shalt  }
0x4f: {  	_ =	shalt  }
0x50: {  	_ =	shalt  }
0x51: {  	_ =	shalt  }
0x52: {  	_ =	shalt  }
0x53: {  	_ =	shalt  }
0x54: {  	_ =	shalt  }
0x55: {  	_ =	shalt  }
0x56: {  	_ =	shalt  }
0x57: {  	_ =	shalt  }
0x58: {  	_ =	shalt  }
0x59: {  	_ =	shalt  }
0x5a: {  	_ =	shalt  }
0x5b: {  	_ =	shalt  }
0x5c: {  	_ =	shalt  }
0x5d: {  	_ =	shalt  }
0x5e: {  	_ =	shalt  }
0x5f: {  	_ =	shalt  }
0x60: {  	_ =	shalt  }
0x61: {  	_ =	shalt  }
0x62: {  	_ =	shalt  }
0x63: {  	_ =	shalt  }
0x64: {  	_ =	shalt  }
0x65: {  	_ =	shalt  }
0x66: {  	_ =	shalt  }
0x67: {  	_ =	shalt  }
0x68: {  	_ =	shalt  }
0x69: {  	_ =	shalt  }
0x6a: {  	_ =	shalt  }
0x6b: {  	_ =	shalt  }
0x6c: {  	_ =	shalt  }
0x6d: {  	_ =	shalt  }
0x6e: {  	_ =	shalt  }
0x6f: {  	_ =	shalt  }
0x70: {  	_ =	shalt  }
0x71: {  	_ =	shalt  }
0x72: {  	_ =	shalt  }
0x73: {  	_ =	shalt  }
0x74: {  	_ =	shalt  }
0x75: {  	_ =	shalt  }
0x76: {  	_ =	shalt  }
0x77: {  	_ =	shalt  }
0x78: {  	_ =	shalt  }
0x79: {  	_ =	shalt  }
0x7a: {  	_ =	shalt  }
0x7b: {  	_ =	shalt  }
0x7c: {  	_ =	shalt  }
0x7d: {  	_ =	shalt  }
0x7e: {  	_ =	shalt  }
0x7f: {  	_ =	shalt  }
0x80: {  	_ =	shalt  }
0x81: {  	_ =	shalt  }
0x82: {  	_ =	shalt  }
0x83: {  	_ =	shalt  }
0x84: {  	_ =	shalt  }
0x85: {  	_ =	shalt  }
0x86: {  	_ =	shalt  }
0x87: {  	_ =	shalt  }
.Lfunc_end0:
.L_simem_size_0:
called_computation.1_lowered:
.L_overlay_start_0:
0x88: {  	s2 =	sld [smem:$0x3FD9]  }
0x89: {  	s3 =	sld [smem:$0x3FFE];
	_ =	sdelay $0x1  }
0x8a: {  	s1 =	srdreg.scid  }
0x8b: {  	s0 =	sand.u32 $0x1, s1  }
0x8c: {  	s16 =	sshll.u32 s0, $0xA;
	s2 =	sadd.s32 s3, s2  }
0x8d: {  	s2 =	sadd.s32 s2, s16  }
0x8e: {  	[smem:$0x3FBE] =	sst s2  }
0x8f: {  	_ = 	snop  }
0x90: {  	(tm) =	ssettm $0x1  }
0x91: {  	s17 =	sld [smem:$0x3FFB];
	_ =	sdelay $0x3  }
0x92: {  	_ =	strace s17  }
0x93: {  	s2 =	sld [smem:$0x3FFC];
	_ =	sdelay $0x3  }
0x94: {  	_ =	strace s2  }
0x95: {  	s2 =	sld [smem:$0x3FFD];
	_ =	sdelay $0x3  }
0x96: {  	_ =	strace s2  }
0x97: {  	_ =	strace $0x8FFFFFFF  }
0x98: {  	s18 =	sld [smem:$0x3FDB];
	_ =	sdelay $0x1  }
0x99: {  	s19 =	simm.s32 $_scs_section_size  }
0x9a: {  	s4 =	simm.s32 $_size__tile_overlayer_lowered;
	s5 =	simm.s32 $_tile_overlayer_lowered  }
0x9b: {  	s22 =	simm.s32 $0x1BFF;
	s21 =	sshll.u32 s5, $0x1;
	s2 =	sadd.s32 s19, s18  }
0x9c: {  	s6 =	simm.s32 $0x0;
	s20 =	sshll.u32 s4, $0x1;
	s4 =	sadd.s32 s21, s2  }
0x9d: {  	[timem:s6], [sflag:s22] =	dma.local [hbm:s4], s20  }
0x9e: {  	_ =	swait.ge [sflag:s22], s20  }
0x9f: {  	s3 =	ssub.s32 $0x0, s20;
	[sflag:s22] =	ssyncset.done $0x0  }
0xa0: {  	[sflag:s22] =	ssyncadd.s32 s3;
	_ =	sdelay $0x1  }
0xa1: {  	s23 =	simm.s32 $0x1B8B  }
0xa2: {  	_ =	swait.ge [sflag:s23], $0x1  }
0xa3: {  	[sflag:s23] =	ssyncset.done $0x0  }
0xa4: {  	s25 =	simm.s32 $0x1B8E;
	s24 =	sld [smem:$0x3FFE];
	[sflag:s23] =	ssyncadd.s32 $0xFFFFFFFF  }
0xa5: {  	s26 =	simm.s32 $execute0_lowered;
	[smem:$0x3FD2] =	sst s25  }
0xa6: {  	s4 =	sshll.u32 s26, $0x1;
	_ =	strace $0x80000046;
	[dreg:$0x1] =	wrdreg $0xFFFFFFFF  }
0xa7: {  	s28 =	simm.s32 $_size_execute0_lowered;
	s2 =	sadd.s32 s2, s4;
	[dreg:$0x0] =	wrdreg $0x0  }
0xa8: {  	s4 =	sshll.u32 s28, $0x1;
	[dreg:$0x2] =	wrdreg s2  }
0xa9: {  	[dreg:$0x3] =	wrdreg s4  }
0xaa: {  	[dreg:$0x4] =	wrdreg $0xC0  }
0xab: {  	_ =	task [dreg:s6], $0x5FFFF  }
0xac: {  	[dreg:$0x1] =	wrdreg $0xFFFFFFFF  }
0xad: {  	[dreg:$0x0] =	wrdreg $0x60  }
0xae: {  	[dreg:$0x2] =	wrdreg s24  }
0xaf: {  	[dreg:$0x3] =	wrdreg $0xA  }
0xb0: {  	_ =	task.clear_ibuf [dreg:s6], $0x4FFFF;
	_ =	strace $0x90000046  }
0xb1: {  	s29 =	simm.s32 $0xA;
	_ =	strace $0x80000048  }
0xb2: {  	_ =	swait.ge [sflag:s29], $0x1  }
0xb3: {  	[sflag:s29] =	ssyncadd.s32 $0xFFFFFFFF  }
0xb4: {  	_ =	strace $0x90000048  }
0xb5: {  	_ =	sfence  }
0xb6: {  	s30 =	sld [smem:$0x0];
	_ =	sdelay $0x2  }
0xb7: {  	s31 =	sshll.u32 s1, $0xD;
	s1 =	sshrl.u32 s1, $0x2  }
0xb8: {  	s3 =	sand.u32 $0x4000, s31;
	s1 =	sadd.s32 s1, s30  }
0xb9: {  	s0 =	sor.u32 s3, s0;
	s1 =	sshll.u32 s1, $0x11  }
0xba: {  	s0 =	sor.u32 s1, s0  }
0xbb: {  	s0 =	sadd.s32 $0x8F2B, s0  }
0xbc: {  	[sflag:s0] =	ssyncadd.remote.s32 $0x1  }
0xbd: {  	_ =	sfence.sel $0xFFFF  }
0xbe: {  	[dreg:$0x0] =	wrdreg $0xFFFFFFFF;
	(pc) =	sbr.abs _section_cstart, $3  }
0xbf: {  	[dreg:$0x1] =	wrdreg $0xFFFFFFFF  }
0xc0: {  	_ =	task.clear_ibuf [dreg:s6], $0x2FFFF;
	_ =	strace $0x9FFFFFFF  }
0xc1: {  	(tm) =	ssettm $0x7FFFFFFF  }
tec
execute0_lowered:
.L_overlay_start_1:
0x0: {  	(tag) =	ssettag $0x1  }
0x1: {  	s0 =	rddreg [dreg:$0x0]  }
0x2: {  	s2 =	srdreg.scid;
	s1 =	stileid.u32;
	s8 =	simm.s32 $0x7D  }
0x3: {  	s28 =	simm.s32 $0x80;
	s10 =	simm.s32 $0x4680;
	s29 =	simm.s32 $0x100  }
0x4: {  	s11 =	simm.s32 $0x8500;
	s30 =	simm.s32 $0x180;
	s12 =	simm.s32 $0xC380  }
0x5: {  	s23 =	simm.s32 $0x200;
	s24 =	simm.s32 $0x280;
	s25 =	simm.s32 $0x300  }
0x6: {  	s26 =	simm.s32 $0x380;
	s18 =	simm.s32 $0x400;
	s19 =	simm.s32 $0x480  }
0x7: {  	s20 =	simm.s32 $0x500;
	p0 =	por $0x0, $0x0;
	s21 =	simm.s32 $0x580  }
0x8: {  	s15 =	simm.s32 $0x680;
	s16 =	simm.s32 $0x700;
	s3 =	sand.u32 $0x1, s2  }
0x9: {  	s17 =	simm.s32 $0x780;
	s5 =	sshll.u32 s3, $0x4;
	s3 =	ssub.s32 $0x2, s3  }
0xa: {  	s2 =	simm.s32 $0x0;
	s4 =	sshll.u32 s1, $0x5;
	s7 =	sshrl.u32 s3, $0x1  }
0xb: {  	s6 =	sadd.s32 $0x3C00, s0;
	[smem:$0x7FF] =	sst s2;
	s3 =	ssub.s32 s3, s7  }
0xc: {  	s4 =	sor.u32 s5, s4;
	_ =	strace $0x80000047;
	s14 =	smax.u32 s3, $0x1  }
0xd: {  	s5 =	sshll.u32 s4, $0x4;
	s4 =	smul.u32 $0x7D0, s4;
	p1 =	sne.s32 s14, $0x1  }
.Ltmp0:
0xe: {  	s7 =	simm.s32 $0x1;
	s5 =	sadd.s32 s5, s0;
	(pc) =	sbr.rel @!p1 .LBB2_3-.Ltmp0, $4  }
0xf: {  	s3 =	simm.s32 $0x2;
	s5 =	sadd.s32 $0x2BE00, s5;
	s0 =	sadd.s32 s4, s0  }
0x10: {  	s31 =	sadd.s32 $0xFFFFFFFF, s14;
	s14 =	simm.s32 $0x600;
	[dreg:$0x2] =	wrdreg s5  }
0x11: {  	s22 =	sadd.s32 $0x2FE00, s0;
	s13 =	sadd.s32 $0x31D40, s0;
	s9 =	sadd.s32 $0x33C80, s0  }
0x12: {  	s4 =	sadd.s32 $0x35BC0, s0;
	s5 =	simm.s32 $0x800;
	s0 =	rddreg [dreg:$0x2]  }
0x13: {  	[tilespmem:s2], [sflag:$0x2] =	stream.linear.gather [hbm4b:s0+s2], $0x800, $0x38;
	[tilespmem:$0x10200] =	vst v63  }
0x14: {  	_ =	swait.ge [sflag:s3], $0x800  }
0x15: {  	[sflag:s3] =	ssyncset.done $0x0  }
0x16: {  	[sflag:s3] =	ssyncadd.s32 $0xFFFFF800  }
0x17: {  	[tilespmem:s5], [sflag:$0x1] =	stream.indirect.gather [hbm4b:s6+s8], $0x80, s2, s8, $0xb8;
	[tilespmem:$0x10200] =	vst v63  }
0x18: {  	_ = 	snop  }
0x19: {  	[tilespmem:s10], [sflag:$0x1] =	stream.indirect.gather [hbm4b:s6+s8], $0x80, s28, s8, $0xb8;
	[tilespmem:$0x10200] =	vst v63  }
0x1a: {  	_ = 	snop  }
0x1b: {  	[tilespmem:s11], [sflag:$0x1] =	stream.indirect.gather [hbm4b:s6+s8], $0x80, s29, s8, $0xb8;
	[tilespmem:$0x10200] =	vst v63  }
0x1c: {  	_ = 	snop  }
0x1d: {  	[tilespmem:s12], [sflag:$0x1] =	stream.indirect.gather [hbm4b:s6+s8], $0x80, s30, s8, $0xb8;
	[tilespmem:$0x10200] =	vst v63  }
0x1e: {  	_ =	swait.ge [sflag:s7], $0x3E80  }
0x1f: {  	[sflag:s7] =	ssyncset.done $0x0  }
0x20: {  	[sflag:s7] =	ssyncadd.s32 $0xFFFFC180  }
0x21: {  	_ =	swait.ge [sflag:s7], $0x3E80  }
0x22: {  	[sflag:s7] =	ssyncset.done $0x0  }
0x23: {  	[sflag:s7] =	ssyncadd.s32 $0xFFFFC180  }
0x24: {  	_ =	swait.ge [sflag:s7], $0x3E80  }
0x25: {  	[sflag:s7] =	ssyncset.done $0x0  }
0x26: {  	[sflag:s7] =	ssyncadd.s32 $0xFFFFC180  }
0x27: {  	_ =	swait.ge [sflag:s7], $0x3E80  }
0x28: {  	[sflag:s7] =	ssyncset.done $0x0  }
0x29: {  	[sflag:s7] =	ssyncadd.s32 $0xFFFFC180  }
0x2a: {  	[hbm4b:s22+s2] =	stream.linear.scatter [tilespmem:s5], [sflag:$0x2], $0xFA00, $0x38;
	[tilespmem:$0x10200] =	vst v63  }
0x2b: {  	_ =	swait.ge [sflag:s3], $0xFA00  }
0x2c: {  	[sflag:s3] =	ssyncset.done $0x0  }
0x2d: {  	[sflag:s3] =	ssyncadd.s32 $0xFFFF0600  }
0x2e: {  	[tilespmem:s5], [sflag:$0x1] =	stream.indirect.gather [hbm4b:s6+s8], $0x80, s23, s8, $0xb8;
	[tilespmem:$0x10200] =	vst v63  }
0x2f: {  	_ = 	snop  }
0x30: {  	[tilespmem:s10], [sflag:$0x1] =	stream.indirect.gather [hbm4b:s6+s8], $0x80, s24, s8, $0xb8;
	[tilespmem:$0x10200] =	vst v63  }
0x31: {  	_ = 	snop  }
0x32: {  	[tilespmem:s11], [sflag:$0x1] =	stream.indirect.gather [hbm4b:s6+s8], $0x80, s25, s8, $0xb8;
	[tilespmem:$0x10200] =	vst v63  }
0x33: {  	_ = 	snop  }
0x34: {  	[tilespmem:s12], [sflag:$0x1] =	stream.indirect.gather [hbm4b:s6+s8], $0x80, s26, s8, $0xb8;
	[tilespmem:$0x10200] =	vst v63  }
0x35: {  	_ =	swait.ge [sflag:s7], $0x3E80  }
0x36: {  	[sflag:s7] =	ssyncset.done $0x0  }
0x37: {  	[sflag:s7] =	ssyncadd.s32 $0xFFFFC180  }
0x38: {  	_ =	swait.ge [sflag:s7], $0x3E80  }
0x39: {  	[sflag:s7] =	ssyncset.done $0x0  }
0x3a: {  	[sflag:s7] =	ssyncadd.s32 $0xFFFFC180  }
0x3b: {  	_ =	swait.ge [sflag:s7], $0x3E80  }
0x3c: {  	[sflag:s7] =	ssyncset.done $0x0  }
0x3d: {  	[sflag:s7] =	ssyncadd.s32 $0xFFFFC180  }
0x3e: {  	_ =	swait.ge [sflag:s7], $0x3E80  }
0x3f: {  	[sflag:s7] =	ssyncset.done $0x0  }
0x40: {  	[sflag:s7] =	ssyncadd.s32 $0xFFFFC180  }
0x41: {  	[hbm4b:s13+s2] =	stream.linear.scatter [tilespmem:s5], [sflag:$0x2], $0xFA00, $0x38;
	[tilespmem:$0x10200] =	vst v63  }
0x42: {  	_ =	swait.ge [sflag:s3], $0xFA00  }
0x43: {  	[sflag:s3] =	ssyncset.done $0x0  }
0x44: {  	[sflag:s3] =	ssyncadd.s32 $0xFFFF0600  }
0x45: {  	[tilespmem:s5], [sflag:$0x1] =	stream.indirect.gather [hbm4b:s6+s8], $0x80, s18, s8, $0xb8;
	[tilespmem:$0x10200] =	vst v63  }
0x46: {  	_ = 	snop  }
0x47: {  	[tilespmem:s10], [sflag:$0x1] =	stream.indirect.gather [hbm4b:s6+s8], $0x80, s19, s8, $0xb8;
	[tilespmem:$0x10200] =	vst v63  }
0x48: {  	_ = 	snop  }
0x49: {  	[tilespmem:s11], [sflag:$0x1] =	stream.indirect.gather [hbm4b:s6+s8], $0x80, s20, s8, $0xb8;
	[tilespmem:$0x10200] =	vst v63  }
0x4a: {  	_ = 	snop  }
0x4b: {  	[tilespmem:s12], [sflag:$0x1] =	stream.indirect.gather [hbm4b:s6+s8], $0x80, s21, s8, $0xb8;
	[tilespmem:$0x10200] =	vst v63  }
0x4c: {  	_ =	swait.ge [sflag:s7], $0x3E80  }
0x4d: {  	[sflag:s7] =	ssyncset.done $0x0  }
0x4e: {  	[sflag:s7] =	ssyncadd.s32 $0xFFFFC180  }
0x4f: {  	_ =	swait.ge [sflag:s7], $0x3E80  }
0x50: {  	[sflag:s7] =	ssyncset.done $0x0  }
0x51: {  	[sflag:s7] =	ssyncadd.s32 $0xFFFFC180  }
0x52: {  	_ =	swait.ge [sflag:s7], $0x3E80  }
0x53: {  	[sflag:s7] =	ssyncset.done $0x0  }
0x54: {  	[sflag:s7] =	ssyncadd.s32 $0xFFFFC180  }
0x55: {  	_ =	swait.ge [sflag:s7], $0x3E80  }
0x56: {  	[sflag:s7] =	ssyncset.done $0x0  }
0x57: {  	[sflag:s7] =	ssyncadd.s32 $0xFFFFC180  }
0x58: {  	[hbm4b:s9+s2] =	stream.linear.scatter [tilespmem:s5], [sflag:$0x2], $0xFA00, $0x38;
	[tilespmem:$0x10200] =	vst v63  }
0x59: {  	_ =	swait.ge [sflag:s3], $0xFA00  }
0x5a: {  	[sflag:s3] =	ssyncset.done $0x0  }
0x5b: {  	[sflag:s3] =	ssyncadd.s32 $0xFFFF0600  }
0x5c: {  	[tilespmem:s5], [sflag:$0x1] =	stream.indirect.gather [hbm4b:s6+s8], $0x80, s14, s8, $0xb8;
	[tilespmem:$0x10200] =	vst v63  }
0x5d: {  	_ = 	snop  }
0x5e: {  	[tilespmem:s10], [sflag:$0x1] =	stream.indirect.gather [hbm4b:s6+s8], $0x80, s15, s8, $0xb8;
	[tilespmem:$0x10200] =	vst v63  }
0x5f: {  	_ = 	snop  }
0x60: {  	[tilespmem:s11], [sflag:$0x1] =	stream.indirect.gather [hbm4b:s6+s8], $0x80, s16, s8, $0xb8;
	[tilespmem:$0x10200] =	vst v63  }
0x61: {  	_ = 	snop  }
0x62: {  	[tilespmem:s12], [sflag:$0x1] =	stream.indirect.gather [hbm4b:s6+s8], $0x80, s17, s8, $0xb8;
	[tilespmem:$0x10200] =	vst v63  }
0x63: {  	_ =	swait.ge [sflag:s7], $0x3E80  }
0x64: {  	[sflag:s7] =	ssyncset.done $0x0  }
0x65: {  	[sflag:s7] =	ssyncadd.s32 $0xFFFFC180  }
0x66: {  	_ =	swait.ge [sflag:s7], $0x3E80  }
0x67: {  	[sflag:s7] =	ssyncset.done $0x0  }
0x68: {  	[sflag:s7] =	ssyncadd.s32 $0xFFFFC180  }
0x69: {  	_ =	swait.ge [sflag:s7], $0x3E80  }
0x6a: {  	[sflag:s7] =	ssyncset.done $0x0  }
0x6b: {  	[sflag:s7] =	ssyncadd.s32 $0xFFFFC180  }
0x6c: {  	p1 =	sne.s32 s31, $0x1;
	_ =	swait.ge [sflag:s7], $0x3E80  }
.Ltmp1:
0x6d: {  	[sflag:s7] =	ssyncset.done $0x0;
	(pc) =	sbr.rel @!p1 .LBB2_3-.Ltmp1, $4  }
0x6e: {  	[sflag:s7] =	ssyncadd.s32 $0xFFFFC180  }
0x6f: {  	[hbm4b:s4+s2] =	stream.linear.scatter [tilespmem:s5], [sflag:$0x2], $0xFA00, $0x38;
	[tilespmem:$0x10200] =	vst v63  }
0x70: {  	s31 =	sadd.s32 $0xFFFFFFFF, s31;
	_ =	swait.ge [sflag:s3], $0xFA00  }
0x71: {  	p0 =	por $0x1, $0x1;
	s0 =	rddreg [dreg:$0x2];
	[sflag:s3] =	ssyncset.done $0x0  }
.LBB2_2:
0x72: {  	[sflag:s3] =	ssyncadd.s32 $0xFFFF0600  }
0x73: {  	[tilespmem:s2], [sflag:$0x2] =	stream.linear.gather [hbm4b:s0+s2], $0x800, $0x38;
	[tilespmem:$0x10200] =	vst v63  }
0x74: {  	_ =	swait.ge [sflag:s3], $0x800  }
0x75: {  	[sflag:s3] =	ssyncset.done $0x0  }
0x76: {  	[sflag:s3] =	ssyncadd.s32 $0xFFFFF800  }
0x77: {  	[tilespmem:s5], [sflag:$0x1] =	stream.indirect.gather [hbm4b:s6+s8], $0x80, s2, s8, $0xb8;
	[tilespmem:$0x10200] =	vst v63  }
0x78: {  	_ = 	snop  }
0x79: {  	[tilespmem:s10], [sflag:$0x1] =	stream.indirect.gather [hbm4b:s6+s8], $0x80, s28, s8, $0xb8;
	[tilespmem:$0x10200] =	vst v63  }
0x7a: {  	_ = 	snop  }
0x7b: {  	[tilespmem:s11], [sflag:$0x1] =	stream.indirect.gather [hbm4b:s6+s8], $0x80, s29, s8, $0xb8;
	[tilespmem:$0x10200] =	vst v63  }
0x7c: {  	_ = 	snop  }
0x7d: {  	[tilespmem:s12], [sflag:$0x1] =	stream.indirect.gather [hbm4b:s6+s8], $0x80, s30, s8, $0xb8;
	[tilespmem:$0x10200] =	vst v63  }
0x7e: {  	_ =	swait.ge [sflag:s7], $0x3E80  }
0x7f: {  	[sflag:s7] =	ssyncset.done $0x0  }
0x80: {  	[sflag:s7] =	ssyncadd.s32 $0xFFFFC180  }
0x81: {  	_ =	swait.ge [sflag:s7], $0x3E80  }
0x82: {  	[sflag:s7] =	ssyncset.done $0x0  }
0x83: {  	[sflag:s7] =	ssyncadd.s32 $0xFFFFC180  }
0x84: {  	_ =	swait.ge [sflag:s7], $0x3E80  }
0x85: {  	[sflag:s7] =	ssyncset.done $0x0  }
0x86: {  	[sflag:s7] =	ssyncadd.s32 $0xFFFFC180  }
0x87: {  	_ =	swait.ge [sflag:s7], $0x3E80  }
0x88: {  	[sflag:s7] =	ssyncset.done $0x0  }
0x89: {  	[sflag:s7] =	ssyncadd.s32 $0xFFFFC180  }
0x8a: {  	[hbm4b:s22+s2] =	stream.linear.scatter [tilespmem:s5], [sflag:$0x2], $0xFA00, $0x38;
	[tilespmem:$0x10200] =	vst v63  }
0x8b: {  	_ =	swait.ge [sflag:s3], $0xFA00  }
0x8c: {  	[sflag:s3] =	ssyncset.done $0x0  }
0x8d: {  	[sflag:s3] =	ssyncadd.s32 $0xFFFF0600  }
0x8e: {  	[tilespmem:s5], [sflag:$0x1] =	stream.indirect.gather [hbm4b:s6+s8], $0x80, s23, s8, $0xb8;
	[tilespmem:$0x10200] =	vst v63  }
0x8f: {  	_ = 	snop  }
0x90: {  	[tilespmem:s10], [sflag:$0x1] =	stream.indirect.gather [hbm4b:s6+s8], $0x80, s24, s8, $0xb8;
	[tilespmem:$0x10200] =	vst v63  }
0x91: {  	_ = 	snop  }
0x92: {  	[tilespmem:s11], [sflag:$0x1] =	stream.indirect.gather [hbm4b:s6+s8], $0x80, s25, s8, $0xb8;
	[tilespmem:$0x10200] =	vst v63  }
0x93: {  	_ = 	snop  }
0x94: {  	[tilespmem:s12], [sflag:$0x1] =	stream.indirect.gather [hbm4b:s6+s8], $0x80, s26, s8, $0xb8;
	[tilespmem:$0x10200] =	vst v63  }
0x95: {  	_ =	swait.ge [sflag:s7], $0x3E80  }
0x96: {  	[sflag:s7] =	ssyncset.done $0x0  }
0x97: {  	[sflag:s7] =	ssyncadd.s32 $0xFFFFC180  }
0x98: {  	_ =	swait.ge [sflag:s7], $0x3E80  }
0x99: {  	[sflag:s7] =	ssyncset.done $0x0  }
0x9a: {  	[sflag:s7] =	ssyncadd.s32 $0xFFFFC180  }
0x9b: {  	_ =	swait.ge [sflag:s7], $0x3E80  }
0x9c: {  	[sflag:s7] =	ssyncset.done $0x0  }
0x9d: {  	[sflag:s7] =	ssyncadd.s32 $0xFFFFC180  }
0x9e: {  	_ =	swait.ge [sflag:s7], $0x3E80  }
0x9f: {  	[sflag:s7] =	ssyncset.done $0x0  }
0xa0: {  	[sflag:s7] =	ssyncadd.s32 $0xFFFFC180  }
0xa1: {  	[hbm4b:s13+s2] =	stream.linear.scatter [tilespmem:s5], [sflag:$0x2], $0xFA00, $0x38;
	[tilespmem:$0x10200] =	vst v63  }
0xa2: {  	_ =	swait.ge [sflag:s3], $0xFA00  }
0xa3: {  	[sflag:s3] =	ssyncset.done $0x0  }
0xa4: {  	[sflag:s3] =	ssyncadd.s32 $0xFFFF0600  }
0xa5: {  	[tilespmem:s5], [sflag:$0x1] =	stream.indirect.gather [hbm4b:s6+s8], $0x80, s18, s8, $0xb8;
	[tilespmem:$0x10200] =	vst v63  }
0xa6: {  	_ = 	snop  }
0xa7: {  	[tilespmem:s10], [sflag:$0x1] =	stream.indirect.gather [hbm4b:s6+s8], $0x80, s19, s8, $0xb8;
	[tilespmem:$0x10200] =	vst v63  }
0xa8: {  	_ = 	snop  }
0xa9: {  	[tilespmem:s11], [sflag:$0x1] =	stream.indirect.gather [hbm4b:s6+s8], $0x80, s20, s8, $0xb8;
	[tilespmem:$0x10200] =	vst v63  }
0xaa: {  	_ = 	snop  }
0xab: {  	[tilespmem:s12], [sflag:$0x1] =	stream.indirect.gather [hbm4b:s6+s8], $0x80, s21, s8, $0xb8;
	[tilespmem:$0x10200] =	vst v63  }
0xac: {  	_ =	swait.ge [sflag:s7], $0x3E80  }
0xad: {  	[sflag:s7] =	ssyncset.done $0x0  }
0xae: {  	[sflag:s7] =	ssyncadd.s32 $0xFFFFC180  }
0xaf: {  	_ =	swait.ge [sflag:s7], $0x3E80  }
0xb0: {  	[sflag:s7] =	ssyncset.done $0x0  }
0xb1: {  	[sflag:s7] =	ssyncadd.s32 $0xFFFFC180  }
0xb2: {  	_ =	swait.ge [sflag:s7], $0x3E80  }
0xb3: {  	[sflag:s7] =	ssyncset.done $0x0  }
0xb4: {  	[sflag:s7] =	ssyncadd.s32 $0xFFFFC180  }
0xb5: {  	_ =	swait.ge [sflag:s7], $0x3E80  }
0xb6: {  	[sflag:s7] =	ssyncset.done $0x0  }
0xb7: {  	[sflag:s7] =	ssyncadd.s32 $0xFFFFC180  }
0xb8: {  	[hbm4b:s9+s2] =	stream.linear.scatter [tilespmem:s5], [sflag:$0x2], $0xFA00, $0x38;
	[tilespmem:$0x10200] =	vst v63  }
0xb9: {  	_ =	swait.ge [sflag:s3], $0xFA00  }
0xba: {  	[sflag:s3] =	ssyncset.done $0x0  }
0xbb: {  	[sflag:s3] =	ssyncadd.s32 $0xFFFF0600  }
0xbc: {  	[tilespmem:s5], [sflag:$0x1] =	stream.indirect.gather [hbm4b:s6+s8], $0x80, s14, s8, $0xb8;
	[tilespmem:$0x10200] =	vst v63  }
0xbd: {  	_ = 	snop  }
0xbe: {  	[tilespmem:s10], [sflag:$0x1] =	stream.indirect.gather [hbm4b:s6+s8], $0x80, s15, s8, $0xb8;
	[tilespmem:$0x10200] =	vst v63  }
0xbf: {  	_ = 	snop  }
0xc0: {  	[tilespmem:s11], [sflag:$0x1] =	stream.indirect.gather [hbm4b:s6+s8], $0x80, s16, s8, $0xb8;
	[tilespmem:$0x10200] =	vst v63  }
0xc1: {  	_ = 	snop  }
0xc2: {  	[tilespmem:s12], [sflag:$0x1] =	stream.indirect.gather [hbm4b:s6+s8], $0x80, s17, s8, $0xb8;
	[tilespmem:$0x10200] =	vst v63  }
0xc3: {  	_ =	swait.ge [sflag:s7], $0x3E80  }
0xc4: {  	[sflag:s7] =	ssyncset.done $0x0  }
0xc5: {  	[sflag:s7] =	ssyncadd.s32 $0xFFFFC180  }
0xc6: {  	_ =	swait.ge [sflag:s7], $0x3E80  }
0xc7: {  	[sflag:s7] =	ssyncset.done $0x0  }
0xc8: {  	[sflag:s7] =	ssyncadd.s32 $0xFFFFC180  }
0xc9: {  	_ =	swait.ge [sflag:s7], $0x3E80  }
0xca: {  	[sflag:s7] =	ssyncset.done $0x0  }
0xcb: {  	[sflag:s7] =	ssyncadd.s32 $0xFFFFC180  }
0xcc: {  	p1 =	sne.s32 s31, $0x1;
	_ =	swait.ge [sflag:s7], $0x3E80  }
.Ltmp2:
0xcd: {  	[sflag:s7] =	ssyncset.done $0x0;
	(pc) =	sbr.rel @p1 .LBB2_2-.Ltmp2, $4  }
0xce: {  	[sflag:s7] =	ssyncadd.s32 $0xFFFFC180  }
0xcf: {  	[hbm4b:s4+s2] =	stream.linear.scatter [tilespmem:s5], [sflag:$0x2], $0xFA00, $0x38;
	[tilespmem:$0x10200] =	vst v63  }
0xd0: {  	_ =	swait.ge [sflag:s3], $0xFA00  }
0xd1: {  	s31 =	sadd.s32 $0xFFFFFFFF, s31;
	s0 =	rddreg [dreg:$0x2];
	[sflag:s3] =	ssyncset.done $0x0  }
.LBB2_3:
0xd2: {  	[sflag:s3] =	ssyncadd.s32 @p0 $0xFFFF0600  }
0xd3: {  	[tilespmem:s2], [sflag:$0x2] =	stream.linear.gather [hbm4b:s0+s2], $0x800, $0x38;
	[tilespmem:$0x10200] =	vst v63  }
0xd4: {  	_ =	swait.ge [sflag:s3], $0x800  }
0xd5: {  	[sflag:s3] =	ssyncset.done $0x0  }
0xd6: {  	[sflag:s3] =	ssyncadd.s32 $0xFFFFF800  }
0xd7: {  	[tilespmem:s5], [sflag:$0x1] =	stream.indirect.gather [hbm4b:s6+s8], $0x80, s2, s8, $0xb8;
	[tilespmem:$0x10200] =	vst v63  }
0xd8: {  	_ = 	snop  }
0xd9: {  	[tilespmem:s10], [sflag:$0x1] =	stream.indirect.gather [hbm4b:s6+s8], $0x80, s28, s8, $0xb8;
	[tilespmem:$0x10200] =	vst v63  }
0xda: {  	_ = 	snop  }
0xdb: {  	[tilespmem:s11], [sflag:$0x1] =	stream.indirect.gather [hbm4b:s6+s8], $0x80, s29, s8, $0xb8;
	[tilespmem:$0x10200] =	vst v63  }
0xdc: {  	_ = 	snop  }
0xdd: {  	[tilespmem:s12], [sflag:$0x1] =	stream.indirect.gather [hbm4b:s6+s8], $0x80, s30, s8, $0xb8;
	[tilespmem:$0x10200] =	vst v63  }
0xde: {  	_ =	swait.ge [sflag:s7], $0x3E80  }
0xdf: {  	[sflag:s7] =	ssyncset.done $0x0  }
0xe0: {  	[sflag:s7] =	ssyncadd.s32 $0xFFFFC180  }
0xe1: {  	_ =	swait.ge [sflag:s7], $0x3E80  }
0xe2: {  	[sflag:s7] =	ssyncset.done $0x0  }
0xe3: {  	[sflag:s7] =	ssyncadd.s32 $0xFFFFC180  }
0xe4: {  	_ =	swait.ge [sflag:s7], $0x3E80  }
0xe5: {  	[sflag:s7] =	ssyncset.done $0x0  }
0xe6: {  	[sflag:s7] =	ssyncadd.s32 $0xFFFFC180  }
0xe7: {  	_ =	swait.ge [sflag:s7], $0x3E80  }
0xe8: {  	[sflag:s7] =	ssyncset.done $0x0  }
0xe9: {  	[sflag:s7] =	ssyncadd.s32 $0xFFFFC180  }
0xea: {  	[hbm4b:s22+s2] =	stream.linear.scatter [tilespmem:s5], [sflag:$0x2], $0xFA00, $0x38;
	[tilespmem:$0x10200] =	vst v63  }
0xeb: {  	_ =	swait.ge [sflag:s3], $0xFA00  }
0xec: {  	[sflag:s3] =	ssyncset.done $0x0  }
0xed: {  	[sflag:s3] =	ssyncadd.s32 $0xFFFF0600  }
0xee: {  	[tilespmem:s5], [sflag:$0x1] =	stream.indirect.gather [hbm4b:s6+s8], $0x80, s23, s8, $0xb8;
	[tilespmem:$0x10200] =	vst v63  }
0xef: {  	_ = 	snop  }
0xf0: {  	[tilespmem:s10], [sflag:$0x1] =	stream.indirect.gather [hbm4b:s6+s8], $0x80, s24, s8, $0xb8;
	[tilespmem:$0x10200] =	vst v63  }
0xf1: {  	_ = 	snop  }
0xf2: {  	[tilespmem:s11], [sflag:$0x1] =	stream.indirect.gather [hbm4b:s6+s8], $0x80, s25, s8, $0xb8;
	[tilespmem:$0x10200] =	vst v63  }
0xf3: {  	_ = 	snop  }
0xf4: {  	[tilespmem:s12], [sflag:$0x1] =	stream.indirect.gather [hbm4b:s6+s8], $0x80, s26, s8, $0xb8;
	[tilespmem:$0x10200] =	vst v63  }
0xf5: {  	_ =	swait.ge [sflag:s7], $0x3E80  }
0xf6: {  	[sflag:s7] =	ssyncset.done $0x0  }
0xf7: {  	[sflag:s7] =	ssyncadd.s32 $0xFFFFC180  }
0xf8: {  	_ =	swait.ge [sflag:s7], $0x3E80  }
0xf9: {  	[sflag:s7] =	ssyncset.done $0x0  }
0xfa: {  	[sflag:s7] =	ssyncadd.s32 $0xFFFFC180  }
0xfb: {  	_ =	swait.ge [sflag:s7], $0x3E80  }
0xfc: {  	[sflag:s7] =	ssyncset.done $0x0  }
0xfd: {  	[sflag:s7] =	ssyncadd.s32 $0xFFFFC180  }
0xfe: {  	_ =	swait.ge [sflag:s7], $0x3E80  }
0xff: {  	[sflag:s7] =	ssyncset.done $0x0  }
0x100: {  	[sflag:s7] =	ssyncadd.s32 $0xFFFFC180  }
0x101: {  	[hbm4b:s13+s2] =	stream.linear.scatter [tilespmem:s5], [sflag:$0x2], $0xFA00, $0x38;
	[tilespmem:$0x10200] =	vst v63  }
0x102: {  	_ =	swait.ge [sflag:s3], $0xFA00  }
0x103: {  	[sflag:s3] =	ssyncset.done $0x0  }
0x104: {  	[sflag:s3] =	ssyncadd.s32 $0xFFFF0600  }
0x105: {  	[tilespmem:s5], [sflag:$0x1] =	stream.indirect.gather [hbm4b:s6+s8], $0x80, s18, s8, $0xb8;
	[tilespmem:$0x10200] =	vst v63  }
0x106: {  	_ = 	snop  }
0x107: {  	[tilespmem:s10], [sflag:$0x1] =	stream.indirect.gather [hbm4b:s6+s8], $0x80, s19, s8, $0xb8;
	[tilespmem:$0x10200] =	vst v63  }
0x108: {  	_ = 	snop  }
0x109: {  	[tilespmem:s11], [sflag:$0x1] =	stream.indirect.gather [hbm4b:s6+s8], $0x80, s20, s8, $0xb8;
	[tilespmem:$0x10200] =	vst v63  }
0x10a: {  	_ = 	snop  }
0x10b: {  	[tilespmem:s12], [sflag:$0x1] =	stream.indirect.gather [hbm4b:s6+s8], $0x80, s21, s8, $0xb8;
	[tilespmem:$0x10200] =	vst v63  }
0x10c: {  	_ =	swait.ge [sflag:s7], $0x3E80  }
0x10d: {  	[sflag:s7] =	ssyncset.done $0x0  }
0x10e: {  	[sflag:s7] =	ssyncadd.s32 $0xFFFFC180  }
0x10f: {  	_ =	swait.ge [sflag:s7], $0x3E80  }
0x110: {  	[sflag:s7] =	ssyncset.done $0x0  }
0x111: {  	[sflag:s7] =	ssyncadd.s32 $0xFFFFC180  }
0x112: {  	_ =	swait.ge [sflag:s7], $0x3E80  }
0x113: {  	[sflag:s7] =	ssyncset.done $0x0  }
0x114: {  	[sflag:s7] =	ssyncadd.s32 $0xFFFFC180  }
0x115: {  	_ =	swait.ge [sflag:s7], $0x3E80  }
0x116: {  	[sflag:s7] =	ssyncset.done $0x0  }
0x117: {  	[sflag:s7] =	ssyncadd.s32 $0xFFFFC180  }
0x118: {  	[hbm4b:s9+s2] =	stream.linear.scatter [tilespmem:s5], [sflag:$0x2], $0xFA00, $0x38;
	[tilespmem:$0x10200] =	vst v63  }
0x119: {  	_ =	swait.ge [sflag:s3], $0xFA00  }
0x11a: {  	[sflag:s3] =	ssyncset.done $0x0  }
0x11b: {  	[sflag:s3] =	ssyncadd.s32 $0xFFFF0600  }
0x11c: {  	[tilespmem:s5], [sflag:$0x1] =	stream.indirect.gather [hbm4b:s6+s8], $0x80, s14, s8, $0xb8;
	[tilespmem:$0x10200] =	vst v63  }
0x11d: {  	_ = 	snop  }
0x11e: {  	[tilespmem:s10], [sflag:$0x1] =	stream.indirect.gather [hbm4b:s6+s8], $0x80, s15, s8, $0xb8;
	[tilespmem:$0x10200] =	vst v63  }
0x11f: {  	_ = 	snop  }
0x120: {  	[tilespmem:s11], [sflag:$0x1] =	stream.indirect.gather [hbm4b:s6+s8], $0x80, s16, s8, $0xb8;
	[tilespmem:$0x10200] =	vst v63  }
0x121: {  	_ = 	snop  }
0x122: {  	[tilespmem:s12], [sflag:$0x1] =	stream.indirect.gather [hbm4b:s6+s8], $0x80, s17, s8, $0xb8;
	[tilespmem:$0x10200] =	vst v63  }
0x123: {  	_ =	swait.ge [sflag:s7], $0x3E80  }
0x124: {  	[sflag:s7] =	ssyncset.done $0x0  }
0x125: {  	[sflag:s7] =	ssyncadd.s32 $0xFFFFC180  }
0x126: {  	_ =	swait.ge [sflag:s7], $0x3E80  }
0x127: {  	[sflag:s7] =	ssyncset.done $0x0  }
0x128: {  	[sflag:s7] =	ssyncadd.s32 $0xFFFFC180  }
0x129: {  	_ =	swait.ge [sflag:s7], $0x3E80  }
0x12a: {  	[sflag:s7] =	ssyncset.done $0x0  }
0x12b: {  	[sflag:s7] =	ssyncadd.s32 $0xFFFFC180  }
0x12c: {  	_ =	swait.ge [sflag:s7], $0x3E80  }
0x12d: {  	[sflag:s7] =	ssyncset.done $0x0  }
0x12e: {  	[sflag:s7] =	ssyncadd.s32 $0xFFFFC180  }
0x12f: {  	[hbm4b:s4+s2] =	stream.linear.scatter [tilespmem:s5], [sflag:$0x2], $0xFA00, $0x38;
	[tilespmem:$0x10200] =	vst v63  }
0x130: {  	_ =	swait.ge [sflag:s3], $0xFA00  }
0x131: {  	[sflag:s3] =	ssyncset.done $0x0  }
0x132: {  	[sflag:s3] =	ssyncadd.s32 $0xFFFF0600  }
0x133: {  	_ =	sfence.sel $0x180000  }
0x134: {  	[bflag:$0x0] =	sbarrier.arrive $0xFFFF  }
0x135: {  	_ =	strace $0x90000047  }
0x136: {  	[bflag:$0x2] =	sbarrier.arrive $0xFFFF  }
0x137: {  	p0 =	sne.s32 s1, $0x0;
	s0 =	rddreg [dreg:$0x1]  }
0x138: {  	s0 =	sadd.s32 @!p0 $0x100000, s0  }
0x139: {  	[sflag:s0] =	ssyncadd.tile.s32 @!p0 $0x1;
	_ =	shalt  }
.Lfunc_end2:
_tile_overlayer_lowered:
.L_overlay_start_2:
0x13a: {  	(tag) =	ssettag $0x2  }
0x13b: {  	s0 =	rddreg [dreg:$0x0];
	s2 =	stileid.u32  }
0x13c: {  	s1 =	rddreg [dreg:$0x1];
	p0 =	sne.s32 s2, $0x0  }
0x13d: {  	s3 =	rddreg [dreg:$0x2];
	[bflag:$0x3] =	sbarrier.arrive $0xFFFF;
	s2 =	simm.s32 @!p0 $0x1C02  }
0x13e: {  	[timem:s3], [sflag:s2] =	dma.local @!p0 [hbm:s0], s1  }
0x13f: {  	s0 =	simm.s32 @!p0 $0x2  }
0x140: {  	_ =	swait.ge @!p0 [sflag:s0], s1  }
0x141: {  	s1 =	ssub.s32 @!p0 $0x0, s1;
	[sflag:s0] =	ssyncset.done @!p0 $0x0  }
0x142: {  	[sflag:s0] =	ssyncadd.s32 @!p0 s1  }
0x143: {  	[bflag:$0x3] =	sbarrier.arrive $0xFFFF  }
0x144: {  	_ =	shalt  }

// kernel: kernel.18.cloned.1.call-start
scs
__scs_entry_jumppad:
0x0: {  	(pc) =	sbr.rel $0x88, $3  }
0x1: {  	(tag) =	ssettag $0x0;
	lr =	simm.s32 $0x1  }
0x2: {  	[smem:$0x3F97] =	sst lr;
	_ =	strace $0xD0000000  }
0x3: {  	_ = 	snop  }
0x4: {  	_ = 	snop  }
0x5: {  	_ = 	snop  }
0x6: {  	_ = 	snop  }
0x7: {  	_ = 	snop  }
__scs_overlays_trampoline_lowered:
0x8: {  	[smem:$0x3FA6] =	sst s0  }
0x9: {  	[smem:$0x3FA7] =	sst s1  }
0xa: {  	[smem:$0x3FA8] =	sst s2  }
0xb: {  	[smem:$0x3FA9] =	sst s3  }
0xc: {  	[smem:$0x3FAA] =	sst s4  }
0xd: {  	[smem:$0x3FAB] =	sst s5  }
0xe: {  	[smem:$0x3FAC] =	sst s6  }
0xf: {  	[smem:$0x3FAD] =	sst s7  }
0x10: {  	[smem:$0x3FAE] =	sst s8  }
0x11: {  	[smem:$0x3FAF] =	sst s9;
	s0 =	simm.s32 @!p0 $0x0  }
0x12: {  	s1 =	sld [smem:$0x3F95];
	s0 =	simm.s32 @p0 $0x1  }
0x13: {  	[smem:$0x3FB0] =	sst s0;
	s0 =	simm.s32 @!p1 $0x0  }
0x14: {  	s2 =	sld [smem:$0x3F94];
	s0 =	simm.s32 @p1 $0x1  }
0x15: {  	[smem:$0x3FB1] =	sst s0;
	s0 =	simm.s32 @!p2 $0x0  }
0x16: {  	s3 =	sld [smem:$0x3FDB];
	s0 =	simm.s32 @p2 $0x1  }
0x17: {  	s4 =	simm.s32 $0x1BF5;
	[smem:$0x3FB3] =	sst s0  }
0x18: {  	s0 =	sld [smem:$0x3F96];
	_ =	swait.ge [sflag:s4], $0x0  }
0x19: {  	s7 =	sld [smem:$0x3F97]  }
0x1a: {  	s8 =	sadd.s32 $0xFFFFE003, lr  }
0x1b: {  	s9 =	sadd.s32 $0xFFFFFEF7, lr;
	s5 =	simm.s32 $0xFFFFFFFF;
	p2 =	slt.u32 s8, $0xFFFFF086  }
0x1c: {  	p1 =	slt.u32 s9, $0xF7A;
	s5 =	simm.s32 @!p2 $0x0  }
0x1d: {  	s5 =	simm.s32 @p1 $0x1;
	p0 =	seq.s32 s7, s2  }
0x1e: {  	s7 =	smul.u32 @!p0 $0xF7A, s2;
	p2 =	seq.s32 @!p0 s5, $0x0  }
0x1f: {  	s9 =	smul.u32 $0xF7A, s1;
	s8 =	simm.s32 @!p0 $0x1BF5;
	p2 =	por !p2, p0  }
0x20: {  	[sflag:s8] =	ssyncset.s32 @!p0 $0xFFFFF086;
	s6 =	sadd.s32 @!p0 s3, s7;
	s7 =	simm.s32 @!p0 $0x108  }
0x21: {  	s3 =	sadd.s32 s3, s9;
	s6 =	sadd.s32 @!p0 $0x88, s6;
	s7 =	simm.s32 @p2 $0x1082  }
0x22: {  	[simem:s7], [sflag:s8] =	dma.local @!p0 [hbm:s6], $0xF7A  }
0x23: {  	s9 =	sor.u32 $0xD0000000, s2;
	s6 =	simm.s32 $0x108;
	_ =	swait.ge @!p0 [sflag:s8], $0x0  }
0x24: {  	s3 =	sadd.s32 $0x88, s3;
	s6 =	simm.s32 @!p1 $0x1082;
	[sflag:s4] =	ssyncset.s32 $0xFFFFF086  }
0x25: {  	[simem:s6], [sflag:s4] =	dma.local [hbm:s3], $0xF7A  }
0x26: {  	[smem:$0x3F97] =	sst s1;
	(tag) =	ssettag s2;
	_ =	strace s9  }
0x27: {  	s1 =	sld [smem:$0x3FA7]  }
0x28: {  	s2 =	sld [smem:$0x3FA8]  }
0x29: {  	s4 =	sld [smem:$0x3FAA]  }
0x2a: {  	p0 =	seq.s32 s5, $0x0;
	s5 =	sld [smem:$0x3FAB]  }
0x2b: {  	s6 =	sld [smem:$0x3FAC]  }
0x2c: {  	s7 =	sld [smem:$0x3FAD]  }
0x2d: {  	s3 =	simm.s32 $0x108;
	s8 =	sld [smem:$0x3FAE]  }
0x2e: {  	s3 =	simm.s32 @!p0 $0x1082;
	s9 =	sld [smem:$0x3FAF]  }
0x2f: {  	lr =	sadd.s32 s0, s3;
	s0 =	sld [smem:$0x3FA6]  }
0x30: {  	s3 =	sld [smem:$0x3FA9]  }
0x31: {  	[smem:$0x3FB2] =	sst s10  }
0x32: {  	s10 =	sld [smem:$0x3FB0];
	_ =	sdelay $0x3  }
0x33: {  	p0 =	seq.s32 s10, $0x1;
	s10 =	sld [smem:$0x3FB2];
	_ =	sdelay $0x3  }
0x34: {  	[smem:$0x3FB2] =	sst s10  }
0x35: {  	s10 =	sld [smem:$0x3FB1];
	_ =	sdelay $0x3  }
0x36: {  	p1 =	seq.s32 s10, $0x1;
	s10 =	sld [smem:$0x3FB2];
	_ =	sdelay $0x3  }
0x37: {  	[smem:$0x3FB2] =	sst s10  }
0x38: {  	s10 =	sld [smem:$0x3FB3]  }
0x39: {  	_ = 	snop;
	(pc) =	sbr.ind lr, $3  }
0x3a: {  	_ = 	snop  }
0x3b: {  	_ = 	snop  }
0x3c: {  	p2 =	seq.s32 s10, $0x1;
	s10 =	sld [smem:$0x3FB2]  }
0x3d: {  	_ =	shalt  }
0x3e: {  	_ =	shalt  }
0x3f: {  	_ =	shalt  }
0x40: {  	_ =	shalt  }
0x41: {  	_ =	shalt  }
0x42: {  	_ =	shalt  }
0x43: {  	_ =	shalt  }
0x44: {  	_ =	shalt  }
0x45: {  	_ =	shalt  }
0x46: {  	_ =	shalt  }
0x47: {  	_ =	shalt  }
0x48: {  	_ =	shalt  }
0x49: {  	_ =	shalt  }
0x4a: {  	_ =	shalt  }
0x4b: {  	_ =	shalt  }
0x4c: {  	_ =	shalt  }
0x4d: {  	_ =	shalt  }
0x4e: {  	_ =	shalt  }
0x4f: {  	_ =	shalt  }
0x50: {  	_ =	shalt  }
0x51: {  	_ =	shalt  }
0x52: {  	_ =	shalt  }
0x53: {  	_ =	shalt  }
0x54: {  	_ =	shalt  }
0x55: {  	_ =	shalt  }
0x56: {  	_ =	shalt  }
0x57: {  	_ =	shalt  }
0x58: {  	_ =	shalt  }
0x59: {  	_ =	shalt  }
0x5a: {  	_ =	shalt  }
0x5b: {  	_ =	shalt  }
0x5c: {  	_ =	shalt  }
0x5d: {  	_ =	shalt  }
0x5e: {  	_ =	shalt  }
0x5f: {  	_ =	shalt  }
0x60: {  	_ =	shalt  }
0x61: {  	_ =	shalt  }
0x62: {  	_ =	shalt  }
0x63: {  	_ =	shalt  }
0x64: {  	_ =	shalt  }
0x65: {  	_ =	shalt  }
0x66: {  	_ =	shalt  }
0x67: {  	_ =	shalt  }
0x68: {  	_ =	shalt  }
0x69: {  	_ =	shalt  }
0x6a: {  	_ =	shalt  }
0x6b: {  	_ =	shalt  }
0x6c: {  	_ =	shalt  }
0x6d: {  	_ =	shalt  }
0x6e: {  	_ =	shalt  }
0x6f: {  	_ =	shalt  }
0x70: {  	_ =	shalt  }
0x71: {  	_ =	shalt  }
0x72: {  	_ =	shalt  }
0x73: {  	_ =	shalt  }
0x74: {  	_ =	shalt  }
0x75: {  	_ =	shalt  }
0x76: {  	_ =	shalt  }
0x77: {  	_ =	shalt  }
0x78: {  	_ =	shalt  }
0x79: {  	_ =	shalt  }
0x7a: {  	_ =	shalt  }
0x7b: {  	_ =	shalt  }
0x7c: {  	_ =	shalt  }
0x7d: {  	_ =	shalt  }
0x7e: {  	_ =	shalt  }
0x7f: {  	_ =	shalt  }
0x80: {  	_ =	shalt  }
0x81: {  	_ =	shalt  }
0x82: {  	_ =	shalt  }
0x83: {  	_ =	shalt  }
0x84: {  	_ =	shalt  }
0x85: {  	_ =	shalt  }
0x86: {  	_ =	shalt  }
0x87: {  	_ =	shalt  }
.Lfunc_end0:
.L_simem_size_0:
called_computation.2_lowered:
.L_overlay_start_0:
0x88: {  	s2 =	sld [smem:$0x3FD9]  }
0x89: {  	s3 =	sld [smem:$0x3FFE];
	_ =	sdelay $0x1  }
0x8a: {  	s1 =	srdreg.scid  }
0x8b: {  	s0 =	sand.u32 $0x1, s1  }
0x8c: {  	s17 =	sshll.u32 s0, $0xA;
	s2 =	sadd.s32 s3, s2  }
0x8d: {  	s2 =	sadd.s32 s2, s17  }
0x8e: {  	[smem:$0x3FBE] =	sst s2  }
0x8f: {  	_ = 	snop  }
0x90: {  	(tm) =	ssettm $0x1  }
0x91: {  	s18 =	sld [smem:$0x3FFB];
	_ =	sdelay $0x3  }
0x92: {  	_ =	strace s18  }
0x93: {  	s2 =	sld [smem:$0x3FFC];
	_ =	sdelay $0x3  }
0x94: {  	_ =	strace s2  }
0x95: {  	s2 =	sld [smem:$0x3FFD];
	_ =	sdelay $0x3  }
0x96: {  	_ =	strace s2  }
0x97: {  	_ =	strace $0x8FFFFFFF  }
0x98: {  	s19 =	sld [smem:$0x3FDB];
	_ =	sdelay $0x1  }
0x99: {  	s20 =	simm.s32 $_scs_section_size  }
0x9a: {  	s4 =	simm.s32 $_size__tile_overlayer_lowered;
	s5 =	simm.s32 $_tile_overlayer_lowered  }
0x9b: {  	s6 =	simm.s32 $0x1BFF;
	s21 =	sshll.u32 s5, $0x1;
	s3 =	sadd.s32 s20, s19  }
0x9c: {  	s22 =	simm.s32 $0x0;
	s4 =	sshll.u32 s4, $0x1;
	s5 =	sadd.s32 s21, s3  }
0x9d: {  	[timem:s22], [sflag:s6] =	dma.local [hbm:s5], s4  }
0x9e: {  	_ =	swait.ge [sflag:s6], s4  }
0x9f: {  	s4 =	ssub.s32 $0x0, s4;
	[sflag:s6] =	ssyncset.done $0x0  }
0xa0: {  	[sflag:s6] =	ssyncadd.s32 s4;
	_ =	sdelay $0x1  }
0xa1: {  	s23 =	simm.s32 $0x1B8B  }
0xa2: {  	_ =	swait.ge [sflag:s23], $0x1  }
0xa3: {  	[sflag:s23] =	ssyncset.done $0x0  }
0xa4: {  	[sflag:s23] =	ssyncadd.s32 $0xFFFFFFFF  }
0xa5: {  	s4 =	sld [smem:$0x0]  }
0xa6: {  	s5 =	sand.u32 $0xFFFFFFFE, s1  }
0xa7: {  	p0 =	sne.s32 s1, s5  }
0xa8: {  	s5 =	sshll.u32 @p0 s5, $0xE  }
0xa9: {  	s5 =	sadd.s32 @p0 $0x11B8D, s5;
	s6 =	sshll.u32 @p0 s4, $0x11  }
0xaa: {  	s5 =	sor.u32 @p0 s6, s5  }
0xab: {  	[sflag:s5] =	ssyncadd.remote.s32 @p0 $0x1;
	_ =	sdelay $0x1  }
0xac: {  	s5 =	simm.s32 @p0 $0x1B8D  }
0xad: {  	_ =	swait.eq @p0 [sflag:s5], $0x1  }
0xae: {  	[sflag:s5] =	ssyncadd.s32 @p0 $0xFFFFFFFF  }
0xaf: {  	s6 =	sshll.u32 @!p0 s1, $0xE  }
0xb0: {  	s6 =	sor.u32 @!p0 $0x4000, s6;
	s5 =	simm.s32 @!p0 $0x1B8D  }
0xb1: {  	s4 =	sshll.u32 @!p0 s4, $0x11;
	s6 =	sadd.s32 @!p0 $0x11B8D, s6;
	_ =	swait.eq @!p0 [sflag:s5], $0x1  }
0xb2: {  	s4 =	sor.u32 @!p0 s4, s6;
	[sflag:s5] =	ssyncadd.s32 @!p0 $0xFFFFFFFF  }
0xb3: {  	s25 =	simm.s32 $0x1B8E;
	s24 =	sld [smem:$0x3FFE];
	[sflag:s4] =	ssyncadd.remote.s32 @!p0 $0x1  }
0xb4: {  	s26 =	simm.s32 $execute0_lowered;
	[smem:$0x3FD2] =	sst s25  }
0xb5: {  	s5 =	sshll.u32 s26, $0x1;
	_ =	strace $0x80000049;
	[dreg:$0x1] =	wrdreg $0xFFFFFFFF  }
0xb6: {  	s28 =	simm.s32 $_size_execute0_lowered;
	s3 =	sadd.s32 s3, s5;
	[dreg:$0x0] =	wrdreg $0x0  }
0xb7: {  	s5 =	sshll.u32 s28, $0x1;
	[dreg:$0x2] =	wrdreg s3  }
0xb8: {  	[dreg:$0x3] =	wrdreg s5  }
0xb9: {  	[dreg:$0x4] =	wrdreg $0xC0  }
0xba: {  	_ =	task [dreg:s22], $0x5FFFF  }
0xbb: {  	[dreg:$0x1] =	wrdreg $0xFFFFFFFF  }
0xbc: {  	[dreg:$0x0] =	wrdreg $0x60  }
0xbd: {  	[dreg:$0x2] =	wrdreg s24  }
0xbe: {  	[dreg:$0x3] =	wrdreg $0xB  }
0xbf: {  	_ =	task.clear_ibuf [dreg:s22], $0x4FFFF;
	_ =	strace $0x90000049  }
0xc0: {  	s29 =	simm.s32 $0xB;
	_ =	strace $0x8000004B  }
0xc1: {  	_ =	swait.ge [sflag:s29], $0x1  }
0xc2: {  	[sflag:s29] =	ssyncadd.s32 $0xFFFFFFFF  }
0xc3: {  	_ =	strace $0x9000004B  }
0xc4: {  	_ =	sfence  }
0xc5: {  	s30 =	sld [smem:$0x0];
	_ =	sdelay $0x2  }
0xc6: {  	s31 =	sshll.u32 s1, $0xD;
	s1 =	sshrl.u32 s1, $0x2  }
0xc7: {  	s4 =	sand.u32 $0x4000, s31;
	s1 =	sadd.s32 s1, s30  }
0xc8: {  	s0 =	sor.u32 s4, s0;
	s1 =	sshll.u32 s1, $0x11  }
0xc9: {  	s0 =	sor.u32 s1, s0  }
0xca: {  	s0 =	sadd.s32 $0x8F2B, s0  }
0xcb: {  	[sflag:s0] =	ssyncadd.remote.s32 $0x1  }
0xcc: {  	_ =	sfence.sel $0xFFFF  }
0xcd: {  	[dreg:$0x0] =	wrdreg $0xFFFFFFFF;
	(pc) =	sbr.abs _section_cstart, $3  }
0xce: {  	[dreg:$0x1] =	wrdreg $0xFFFFFFFF  }
0xcf: {  	_ =	task.clear_ibuf [dreg:s22], $0x2FFFF;
	_ =	strace $0x9FFFFFFF  }
0xd0: {  	(tm) =	ssettm $0x7FFFFFFF  }
0xd1: {  	_ =	shalt  }
tec
execute0_lowered:
.L_overlay_start_1:
0x0: {  	(tag) =	ssettag $0x1  }
0x1: {  	s0 =	rddreg [dreg:$0x0]  }
0x2: {  	s2 =	srdreg.scid;
	s1 =	stileid.u32;
	s8 =	simm.s32 $0x7D  }
0x3: {  	s28 =	simm.s32 $0x80;
	s10 =	simm.s32 $0x4680;
	s29 =	simm.s32 $0x100  }
0x4: {  	s11 =	simm.s32 $0x8500;
	s30 =	simm.s32 $0x180;
	s12 =	simm.s32 $0xC380  }
0x5: {  	s7 =	simm.s32 $0x1;
	s23 =	simm.s32 $0x200;
	s24 =	simm.s32 $0x280  }
0x6: {  	s25 =	simm.s32 $0x300;
	s18 =	simm.s32 $0x400;
	s19 =	simm.s32 $0x480  }
0x7: {  	s20 =	simm.s32 $0x500;
	p0 =	por $0x0, $0x0;
	s21 =	simm.s32 $0x580  }
0x8: {  	s15 =	simm.s32 $0x680;
	s16 =	simm.s32 $0x700;
	s3 =	sand.u32 $0x1, s2  }
0x9: {  	s17 =	simm.s32 $0x780;
	s5 =	sshll.u32 s3, $0x4;
	s3 =	ssub.s32 $0x2, s3  }
0xa: {  	s2 =	simm.s32 $0x0;
	s4 =	sshll.u32 s1, $0x5;
	s26 =	sshrl.u32 s3, $0x1  }
0xb: {  	[smem:$0x7FF] =	sst s2;
	s4 =	sor.u32 s5, s4;
	s3 =	ssub.s32 s3, s26  }
0xc: {  	_ =	strace $0x8000004A;
	s5 =	sadd.s32 $0x3C00, s0;
	s14 =	smax.u32 s3, $0x1  }
0xd: {  	s6 =	sshll.u32 s4, $0x4;
	s4 =	smul.u32 $0x7D0, s4;
	p1 =	sne.s32 s14, $0x1  }
.Ltmp0:
0xe: {  	s26 =	simm.s32 $0x380;
	s6 =	sadd.s32 s6, s0;
	(pc) =	sbr.rel @!p1 .LBB2_3-.Ltmp0, $4  }
0xf: {  	s3 =	simm.s32 $0x2;
	s0 =	sadd.s32 s4, s0;
	s6 =	sadd.s32 $0x2DE00, s6  }
0x10: {  	s31 =	sadd.s32 $0xFFFFFFFF, s14;
	s14 =	simm.s32 $0x600;
	s22 =	sadd.s32 $0x129E00, s0  }
0x11: {  	[dreg:$0x2] =	wrdreg s6;
	s13 =	sadd.s32 $0x12BD40, s0;
	s9 =	sadd.s32 $0x12DC80, s0  }
0x12: {  	s4 =	sadd.s32 $0x12FBC0, s0;
	s6 =	simm.s32 $0x800;
	s0 =	rddreg [dreg:$0x2]  }
0x13: {  	[tilespmem:s2], [sflag:$0x2] =	stream.linear.gather [hbm4b:s0+s2], $0x800, $0x38;
	[tilespmem:$0x10200] =	vst v63  }
0x14: {  	_ =	swait.ge [sflag:s3], $0x800  }
0x15: {  	[sflag:s3] =	ssyncset.done $0x0  }
0x16: {  	[sflag:s3] =	ssyncadd.s32 $0xFFFFF800  }
0x17: {  	[tilespmem:s6], [sflag:$0x1] =	stream.indirect.gather [hbm4b:s5+s8], $0x80, s2, s8, $0xb8;
	[tilespmem:$0x10200] =	vst v63  }
0x18: {  	_ = 	snop  }
0x19: {  	[tilespmem:s10], [sflag:$0x1] =	stream.indirect.gather [hbm4b:s5+s8], $0x80, s28, s8, $0xb8;
	[tilespmem:$0x10200] =	vst v63  }
0x1a: {  	_ = 	snop  }
0x1b: {  	[tilespmem:s11], [sflag:$0x1] =	stream.indirect.gather [hbm4b:s5+s8], $0x80, s29, s8, $0xb8;
	[tilespmem:$0x10200] =	vst v63  }
0x1c: {  	_ = 	snop  }
0x1d: {  	[tilespmem:s12], [sflag:$0x1] =	stream.indirect.gather [hbm4b:s5+s8], $0x80, s30, s8, $0xb8;
	[tilespmem:$0x10200] =	vst v63  }
0x1e: {  	_ =	swait.ge [sflag:s7], $0x3E80  }
0x1f: {  	[sflag:s7] =	ssyncset.done $0x0  }
0x20: {  	[sflag:s7] =	ssyncadd.s32 $0xFFFFC180  }
0x21: {  	_ =	swait.ge [sflag:s7], $0x3E80  }
0x22: {  	[sflag:s7] =	ssyncset.done $0x0  }
0x23: {  	[sflag:s7] =	ssyncadd.s32 $0xFFFFC180  }
0x24: {  	_ =	swait.ge [sflag:s7], $0x3E80  }
0x25: {  	[sflag:s7] =	ssyncset.done $0x0  }
0x26: {  	[sflag:s7] =	ssyncadd.s32 $0xFFFFC180  }
0x27: {  	_ =	swait.ge [sflag:s7], $0x3E80  }
0x28: {  	[sflag:s7] =	ssyncset.done $0x0  }
0x29: {  	[sflag:s7] =	ssyncadd.s32 $0xFFFFC180  }
0x2a: {  	[hbm4b:s22+s2] =	stream.linear.scatter [tilespmem:s6], [sflag:$0x2], $0xFA00, $0x38;
	[tilespmem:$0x10200] =	vst v63  }
0x2b: {  	_ =	swait.ge [sflag:s3], $0xFA00  }
0x2c: {  	[sflag:s3] =	ssyncset.done $0x0  }
0x2d: {  	[sflag:s3] =	ssyncadd.s32 $0xFFFF0600  }
0x2e: {  	[tilespmem:s6], [sflag:$0x1] =	stream.indirect.gather [hbm4b:s5+s8], $0x80, s23, s8, $0xb8;
	[tilespmem:$0x10200] =	vst v63  }
0x2f: {  	_ = 	snop  }
0x30: {  	[tilespmem:s10], [sflag:$0x1] =	stream.indirect.gather [hbm4b:s5+s8], $0x80, s24, s8, $0xb8;
	[tilespmem:$0x10200] =	vst v63  }
0x31: {  	_ = 	snop  }
0x32: {  	[tilespmem:s11], [sflag:$0x1] =	stream.indirect.gather [hbm4b:s5+s8], $0x80, s25, s8, $0xb8;
	[tilespmem:$0x10200] =	vst v63  }
0x33: {  	_ = 	snop  }
0x34: {  	[tilespmem:s12], [sflag:$0x1] =	stream.indirect.gather [hbm4b:s5+s8], $0x80, s26, s8, $0xb8;
	[tilespmem:$0x10200] =	vst v63  }
0x35: {  	_ =	swait.ge [sflag:s7], $0x3E80  }
0x36: {  	[sflag:s7] =	ssyncset.done $0x0  }
0x37: {  	[sflag:s7] =	ssyncadd.s32 $0xFFFFC180  }
0x38: {  	_ =	swait.ge [sflag:s7], $0x3E80  }
0x39: {  	[sflag:s7] =	ssyncset.done $0x0  }
0x3a: {  	[sflag:s7] =	ssyncadd.s32 $0xFFFFC180  }
0x3b: {  	_ =	swait.ge [sflag:s7], $0x3E80  }
0x3c: {  	[sflag:s7] =	ssyncset.done $0x0  }
0x3d: {  	[sflag:s7] =	ssyncadd.s32 $0xFFFFC180  }
0x3e: {  	_ =	swait.ge [sflag:s7], $0x3E80  }
0x3f: {  	[sflag:s7] =	ssyncset.done $0x0  }
0x40: {  	[sflag:s7] =	ssyncadd.s32 $0xFFFFC180  }
0x41: {  	[hbm4b:s13+s2] =	stream.linear.scatter [tilespmem:s6], [sflag:$0x2], $0xFA00, $0x38;
	[tilespmem:$0x10200] =	vst v63  }
0x42: {  	_ =	swait.ge [sflag:s3], $0xFA00  }
0x43: {  	[sflag:s3] =	ssyncset.done $0x0  }
0x44: {  	[sflag:s3] =	ssyncadd.s32 $0xFFFF0600  }
0x45: {  	[tilespmem:s6], [sflag:$0x1] =	stream.indirect.gather [hbm4b:s5+s8], $0x80, s18, s8, $0xb8;
	[tilespmem:$0x10200] =	vst v63  }
0x46: {  	_ = 	snop  }
0x47: {  	[tilespmem:s10], [sflag:$0x1] =	stream.indirect.gather [hbm4b:s5+s8], $0x80, s19, s8, $0xb8;
	[tilespmem:$0x10200] =	vst v63  }
0x48: {  	_ = 	snop  }
0x49: {  	[tilespmem:s11], [sflag:$0x1] =	stream.indirect.gather [hbm4b:s5+s8], $0x80, s20, s8, $0xb8;
	[tilespmem:$0x10200] =	vst v63  }
0x4a: {  	_ = 	snop  }
0x4b: {  	[tilespmem:s12], [sflag:$0x1] =	stream.indirect.gather [hbm4b:s5+s8], $0x80, s21, s8, $0xb8;
	[tilespmem:$0x10200] =	vst v63  }
0x4c: {  	_ =	swait.ge [sflag:s7], $0x3E80  }
0x4d: {  	[sflag:s7] =	ssyncset.done $0x0  }
0x4e: {  	[sflag:s7] =	ssyncadd.s32 $0xFFFFC180  }
0x4f: {  	_ =	swait.ge [sflag:s7], $0x3E80  }
0x50: {  	[sflag:s7] =	ssyncset.done $0x0  }
0x51: {  	[sflag:s7] =	ssyncadd.s32 $0xFFFFC180  }
0x52: {  	_ =	swait.ge [sflag:s7], $0x3E80  }
0x53: {  	[sflag:s7] =	ssyncset.done $0x0  }
0x54: {  	[sflag:s7] =	ssyncadd.s32 $0xFFFFC180  }
0x55: {  	_ =	swait.ge [sflag:s7], $0x3E80  }
0x56: {  	[sflag:s7] =	ssyncset.done $0x0  }
0x57: {  	[sflag:s7] =	ssyncadd.s32 $0xFFFFC180  }
0x58: {  	[hbm4b:s9+s2] =	stream.linear.scatter [tilespmem:s6], [sflag:$0x2], $0xFA00, $0x38;
	[tilespmem:$0x10200] =	vst v63  }
0x59: {  	_ =	swait.ge [sflag:s3], $0xFA00  }
0x5a: {  	[sflag:s3] =	ssyncset.done $0x0  }
0x5b: {  	[sflag:s3] =	ssyncadd.s32 $0xFFFF0600  }
0x5c: {  	[tilespmem:s6], [sflag:$0x1] =	stream.indirect.gather [hbm4b:s5+s8], $0x80, s14, s8, $0xb8;
	[tilespmem:$0x10200] =	vst v63  }
0x5d: {  	_ = 	snop  }
0x5e: {  	[tilespmem:s10], [sflag:$0x1] =	stream.indirect.gather [hbm4b:s5+s8], $0x80, s15, s8, $0xb8;
	[tilespmem:$0x10200] =	vst v63  }
0x5f: {  	_ = 	snop  }
0x60: {  	[tilespmem:s11], [sflag:$0x1] =	stream.indirect.gather [hbm4b:s5+s8], $0x80, s16, s8, $0xb8;
	[tilespmem:$0x10200] =	vst v63  }
0x61: {  	_ = 	snop  }
0x62: {  	[tilespmem:s12], [sflag:$0x1] =	stream.indirect.gather [hbm4b:s5+s8], $0x80, s17, s8, $0xb8;
	[tilespmem:$0x10200] =	vst v63  }
0x63: {  	_ =	swait.ge [sflag:s7], $0x3E80  }
0x64: {  	[sflag:s7] =	ssyncset.done $0x0  }
0x65: {  	[sflag:s7] =	ssyncadd.s32 $0xFFFFC180  }
0x66: {  	_ =	swait.ge [sflag:s7], $0x3E80  }
0x67: {  	[sflag:s7] =	ssyncset.done $0x0  }
0x68: {  	[sflag:s7] =	ssyncadd.s32 $0xFFFFC180  }
0x69: {  	_ =	swait.ge [sflag:s7], $0x3E80  }
0x6a: {  	[sflag:s7] =	ssyncset.done $0x0  }
0x6b: {  	[sflag:s7] =	ssyncadd.s32 $0xFFFFC180  }
0x6c: {  	p1 =	sne.s32 s31, $0x1;
	_ =	swait.ge [sflag:s7], $0x3E80  }
.Ltmp1:
0x6d: {  	[sflag:s7] =	ssyncset.done $0x0;
	(pc) =	sbr.rel @!p1 .LBB2_3-.Ltmp1, $4  }
0x6e: {  	[sflag:s7] =	ssyncadd.s32 $0xFFFFC180  }
0x6f: {  	[hbm4b:s4+s2] =	stream.linear.scatter [tilespmem:s6], [sflag:$0x2], $0xFA00, $0x38;
	[tilespmem:$0x10200] =	vst v63  }
0x70: {  	s31 =	sadd.s32 $0xFFFFFFFF, s31;
	_ =	swait.ge [sflag:s3], $0xFA00  }
0x71: {  	p0 =	por $0x1, $0x1;
	s0 =	rddreg [dreg:$0x2];
	[sflag:s3] =	ssyncset.done $0x0  }
.LBB2_2:
0x72: {  	[sflag:s3] =	ssyncadd.s32 $0xFFFF0600  }
0x73: {  	[tilespmem:s2], [sflag:$0x2] =	stream.linear.gather [hbm4b:s0+s2], $0x800, $0x38;
	[tilespmem:$0x10200] =	vst v63  }
0x74: {  	_ =	swait.ge [sflag:s3], $0x800  }
0x75: {  	[sflag:s3] =	ssyncset.done $0x0  }
0x76: {  	[sflag:s3] =	ssyncadd.s32 $0xFFFFF800  }
0x77: {  	[tilespmem:s6], [sflag:$0x1] =	stream.indirect.gather [hbm4b:s5+s8], $0x80, s2, s8, $0xb8;
	[tilespmem:$0x10200] =	vst v63  }
0x78: {  	_ = 	snop  }
0x79: {  	[tilespmem:s10], [sflag:$0x1] =	stream.indirect.gather [hbm4b:s5+s8], $0x80, s28, s8, $0xb8;
	[tilespmem:$0x10200] =	vst v63  }
0x7a: {  	_ = 	snop  }
0x7b: {  	[tilespmem:s11], [sflag:$0x1] =	stream.indirect.gather [hbm4b:s5+s8], $0x80, s29, s8, $0xb8;
	[tilespmem:$0x10200] =	vst v63  }
0x7c: {  	_ = 	snop  }
0x7d: {  	[tilespmem:s12], [sflag:$0x1] =	stream.indirect.gather [hbm4b:s5+s8], $0x80, s30, s8, $0xb8;
	[tilespmem:$0x10200] =	vst v63  }
0x7e: {  	_ =	swait.ge [sflag:s7], $0x3E80  }
0x7f: {  	[sflag:s7] =	ssyncset.done $0x0  }
0x80: {  	[sflag:s7] =	ssyncadd.s32 $0xFFFFC180  }
0x81: {  	_ =	swait.ge [sflag:s7], $0x3E80  }
0x82: {  	[sflag:s7] =	ssyncset.done $0x0  }
0x83: {  	[sflag:s7] =	ssyncadd.s32 $0xFFFFC180  }
0x84: {  	_ =	swait.ge [sflag:s7], $0x3E80  }
0x85: {  	[sflag:s7] =	ssyncset.done $0x0  }
0x86: {  	[sflag:s7] =	ssyncadd.s32 $0xFFFFC180  }
0x87: {  	_ =	swait.ge [sflag:s7], $0x3E80  }
0x88: {  	[sflag:s7] =	ssyncset.done $0x0  }
0x89: {  	[sflag:s7] =	ssyncadd.s32 $0xFFFFC180  }
0x8a: {  	[hbm4b:s22+s2] =	stream.linear.scatter [tilespmem:s6], [sflag:$0x2], $0xFA00, $0x38;
	[tilespmem:$0x10200] =	vst v63  }
0x8b: {  	_ =	swait.ge [sflag:s3], $0xFA00  }
0x8c: {  	[sflag:s3] =	ssyncset.done $0x0  }
0x8d: {  	[sflag:s3] =	ssyncadd.s32 $0xFFFF0600  }
0x8e: {  	[tilespmem:s6], [sflag:$0x1] =	stream.indirect.gather [hbm4b:s5+s8], $0x80, s23, s8, $0xb8;
	[tilespmem:$0x10200] =	vst v63  }
0x8f: {  	_ = 	snop  }
0x90: {  	[tilespmem:s10], [sflag:$0x1] =	stream.indirect.gather [hbm4b:s5+s8], $0x80, s24, s8, $0xb8;
	[tilespmem:$0x10200] =	vst v63  }
0x91: {  	_ = 	snop  }
0x92: {  	[tilespmem:s11], [sflag:$0x1] =	stream.indirect.gather [hbm4b:s5+s8], $0x80, s25, s8, $0xb8;
	[tilespmem:$0x10200] =	vst v63  }
0x93: {  	_ = 	snop  }
0x94: {  	[tilespmem:s12], [sflag:$0x1] =	stream.indirect.gather [hbm4b:s5+s8], $0x80, s26, s8, $0xb8;
	[tilespmem:$0x10200] =	vst v63  }
0x95: {  	_ =	swait.ge [sflag:s7], $0x3E80  }
0x96: {  	[sflag:s7] =	ssyncset.done $0x0  }
0x97: {  	[sflag:s7] =	ssyncadd.s32 $0xFFFFC180  }
0x98: {  	_ =	swait.ge [sflag:s7], $0x3E80  }
0x99: {  	[sflag:s7] =	ssyncset.done $0x0  }
0x9a: {  	[sflag:s7] =	ssyncadd.s32 $0xFFFFC180  }
0x9b: {  	_ =	swait.ge [sflag:s7], $0x3E80  }
0x9c: {  	[sflag:s7] =	ssyncset.done $0x0  }
0x9d: {  	[sflag:s7] =	ssyncadd.s32 $0xFFFFC180  }
0x9e: {  	_ =	swait.ge [sflag:s7], $0x3E80  }
0x9f: {  	[sflag:s7] =	ssyncset.done $0x0  }
0xa0: {  	[sflag:s7] =	ssyncadd.s32 $0xFFFFC180  }
0xa1: {  	[hbm4b:s13+s2] =	stream.linear.scatter [tilespmem:s6], [sflag:$0x2], $0xFA00, $0x38;
	[tilespmem:$0x10200] =	vst v63  }
0xa2: {  	_ =	swait.ge [sflag:s3], $0xFA00  }
0xa3: {  	[sflag:s3] =	ssyncset.done $0x0  }
0xa4: {  	[sflag:s3] =	ssyncadd.s32 $0xFFFF0600  }
0xa5: {  	[tilespmem:s6], [sflag:$0x1] =	stream.indirect.gather [hbm4b:s5+s8], $0x80, s18, s8, $0xb8;
	[tilespmem:$0x10200] =	vst v63  }
0xa6: {  	_ = 	snop  }
0xa7: {  	[tilespmem:s10], [sflag:$0x1] =	stream.indirect.gather [hbm4b:s5+s8], $0x80, s19, s8, $0xb8;
	[tilespmem:$0x10200] =	vst v63  }
0xa8: {  	_ = 	snop  }
0xa9: {  	[tilespmem:s11], [sflag:$0x1] =	stream.indirect.gather [hbm4b:s5+s8], $0x80, s20, s8, $0xb8;
	[tilespmem:$0x10200] =	vst v63  }
0xaa: {  	_ = 	snop  }
0xab: {  	[tilespmem:s12], [sflag:$0x1] =	stream.indirect.gather [hbm4b:s5+s8], $0x80, s21, s8, $0xb8;
	[tilespmem:$0x10200] =	vst v63  }
0xac: {  	_ =	swait.ge [sflag:s7], $0x3E80  }
0xad: {  	[sflag:s7] =	ssyncset.done $0x0  }
0xae: {  	[sflag:s7] =	ssyncadd.s32 $0xFFFFC180  }
0xaf: {  	_ =	swait.ge [sflag:s7], $0x3E80  }
0xb0: {  	[sflag:s7] =	ssyncset.done $0x0  }
0xb1: {  	[sflag:s7] =	ssyncadd.s32 $0xFFFFC180  }
0xb2: {  	_ =	swait.ge [sflag:s7], $0x3E80  }
0xb3: {  	[sflag:s7] =	ssyncset.done $0x0  }
0xb4: {  	[sflag:s7] =	ssyncadd.s32 $0xFFFFC180  }
0xb5: {  	_ =	swait.ge [sflag:s7], $0x3E80  }
0xb6: {  	[sflag:s7] =	ssyncset.done $0x0  }
0xb7: {  	[sflag:s7] =	ssyncadd.s32 $0xFFFFC180  }
0xb8: {  	[hbm4b:s9+s2] =	stream.linear.scatter [tilespmem:s6], [sflag:$0x2], $0xFA00, $0x38;
	[tilespmem:$0x10200] =	vst v63  }
0xb9: {  	_ =	swait.ge [sflag:s3], $0xFA00  }
0xba: {  	[sflag:s3] =	ssyncset.done $0x0  }
0xbb: {  	[sflag:s3] =	ssyncadd.s32 $0xFFFF0600  }
0xbc: {  	[tilespmem:s6], [sflag:$0x1] =	stream.indirect.gather [hbm4b:s5+s8], $0x80, s14, s8, $0xb8;
	[tilespmem:$0x10200] =	vst v63  }
0xbd: {  	_ = 	snop  }
0xbe: {  	[tilespmem:s10], [sflag:$0x1] =	stream.indirect.gather [hbm4b:s5+s8], $0x80, s15, s8, $0xb8;
	[tilespmem:$0x10200] =	vst v63  }
0xbf: {  	_ = 	snop  }
0xc0: {  	[tilespmem:s11], [sflag:$0x1] =	stream.indirect.gather [hbm4b:s5+s8], $0x80, s16, s8, $0xb8;
	[tilespmem:$0x10200] =	vst v63  }
0xc1: {  	_ = 	snop  }
0xc2: {  	[tilespmem:s12], [sflag:$0x1] =	stream.indirect.gather [hbm4b:s5+s8], $0x80, s17, s8, $0xb8;
	[tilespmem:$0x10200] =	vst v63  }
0xc3: {  	_ =	swait.ge [sflag:s7], $0x3E80  }
0xc4: {  	[sflag:s7] =	ssyncset.done $0x0  }
0xc5: {  	[sflag:s7] =	ssyncadd.s32 $0xFFFFC180  }
0xc6: {  	_ =	swait.ge [sflag:s7], $0x3E80  }
0xc7: {  	[sflag:s7] =	ssyncset.done $0x0  }
0xc8: {  	[sflag:s7] =	ssyncadd.s32 $0xFFFFC180  }
0xc9: {  	_ =	swait.ge [sflag:s7], $0x3E80  }
0xca: {  	[sflag:s7] =	ssyncset.done $0x0  }
0xcb: {  	[sflag:s7] =	ssyncadd.s32 $0xFFFFC180  }
0xcc: {  	p1 =	sne.s32 s31, $0x1;
	_ =	swait.ge [sflag:s7], $0x3E80  }
.Ltmp2:
0xcd: {  	[sflag:s7] =	ssyncset.done $0x0;
	(pc) =	sbr.rel @p1 .LBB2_2-.Ltmp2, $4  }
0xce: {  	[sflag:s7] =	ssyncadd.s32 $0xFFFFC180  }
0xcf: {  	[hbm4b:s4+s2] =	stream.linear.scatter [tilespmem:s6], [sflag:$0x2], $0xFA00, $0x38;
	[tilespmem:$0x10200] =	vst v63  }
0xd0: {  	_ =	swait.ge [sflag:s3], $0xFA00  }
0xd1: {  	s31 =	sadd.s32 $0xFFFFFFFF, s31;
	s0 =	rddreg [dreg:$0x2];
	[sflag:s3] =	ssyncset.done $0x0  }
.LBB2_3:
0xd2: {  	[sflag:s3] =	ssyncadd.s32 @p0 $0xFFFF0600  }
0xd3: {  	[tilespmem:s2], [sflag:$0x2] =	stream.linear.gather [hbm4b:s0+s2], $0x800, $0x38;
	[tilespmem:$0x10200] =	vst v63  }
0xd4: {  	_ =	swait.ge [sflag:s3], $0x800  }
0xd5: {  	[sflag:s3] =	ssyncset.done $0x0  }
0xd6: {  	[sflag:s3] =	ssyncadd.s32 $0xFFFFF800  }
0xd7: {  	[tilespmem:s6], [sflag:$0x1] =	stream.indirect.gather [hbm4b:s5+s8], $0x80, s2, s8, $0xb8;
	[tilespmem:$0x10200] =	vst v63  }
0xd8: {  	_ = 	snop  }
0xd9: {  	[tilespmem:s10], [sflag:$0x1] =	stream.indirect.gather [hbm4b:s5+s8], $0x80, s28, s8, $0xb8;
	[tilespmem:$0x10200] =	vst v63  }
0xda: {  	_ = 	snop  }
0xdb: {  	[tilespmem:s11], [sflag:$0x1] =	stream.indirect.gather [hbm4b:s5+s8], $0x80, s29, s8, $0xb8;
	[tilespmem:$0x10200] =	vst v63  }
0xdc: {  	_ = 	snop  }
0xdd: {  	[tilespmem:s12], [sflag:$0x1] =	stream.indirect.gather [hbm4b:s5+s8], $0x80, s30, s8, $0xb8;
	[tilespmem:$0x10200] =	vst v63  }
0xde: {  	_ =	swait.ge [sflag:s7], $0x3E80  }
0xdf: {  	[sflag:s7] =	ssyncset.done $0x0  }
0xe0: {  	[sflag:s7] =	ssyncadd.s32 $0xFFFFC180  }
0xe1: {  	_ =	swait.ge [sflag:s7], $0x3E80  }
0xe2: {  	[sflag:s7] =	ssyncset.done $0x0  }
0xe3: {  	[sflag:s7] =	ssyncadd.s32 $0xFFFFC180  }
0xe4: {  	_ =	swait.ge [sflag:s7], $0x3E80  }
0xe5: {  	[sflag:s7] =	ssyncset.done $0x0  }
0xe6: {  	[sflag:s7] =	ssyncadd.s32 $0xFFFFC180  }
0xe7: {  	_ =	swait.ge [sflag:s7], $0x3E80  }
0xe8: {  	[sflag:s7] =	ssyncset.done $0x0  }
0xe9: {  	[sflag:s7] =	ssyncadd.s32 $0xFFFFC180  }
0xea: {  	[hbm4b:s22+s2] =	stream.linear.scatter [tilespmem:s6], [sflag:$0x2], $0xFA00, $0x38;
	[tilespmem:$0x10200] =	vst v63  }
0xeb: {  	_ =	swait.ge [sflag:s3], $0xFA00  }
0xec: {  	[sflag:s3] =	ssyncset.done $0x0  }
0xed: {  	[sflag:s3] =	ssyncadd.s32 $0xFFFF0600  }
0xee: {  	[tilespmem:s6], [sflag:$0x1] =	stream.indirect.gather [hbm4b:s5+s8], $0x80, s23, s8, $0xb8;
	[tilespmem:$0x10200] =	vst v63  }
0xef: {  	_ = 	snop  }
0xf0: {  	[tilespmem:s10], [sflag:$0x1] =	stream.indirect.gather [hbm4b:s5+s8], $0x80, s24, s8, $0xb8;
	[tilespmem:$0x10200] =	vst v63  }
0xf1: {  	_ = 	snop  }
0xf2: {  	[tilespmem:s11], [sflag:$0x1] =	stream.indirect.gather [hbm4b:s5+s8], $0x80, s25, s8, $0xb8;
	[tilespmem:$0x10200] =	vst v63  }
0xf3: {  	_ = 	snop  }
0xf4: {  	[tilespmem:s12], [sflag:$0x1] =	stream.indirect.gather [hbm4b:s5+s8], $0x80, s26, s8, $0xb8;
	[tilespmem:$0x10200] =	vst v63  }
0xf5: {  	_ =	swait.ge [sflag:s7], $0x3E80  }
0xf6: {  	[sflag:s7] =	ssyncset.done $0x0  }
0xf7: {  	[sflag:s7] =	ssyncadd.s32 $0xFFFFC180  }
0xf8: {  	_ =	swait.ge [sflag:s7], $0x3E80  }
0xf9: {  	[sflag:s7] =	ssyncset.done $0x0  }
0xfa: {  	[sflag:s7] =	ssyncadd.s32 $0xFFFFC180  }
0xfb: {  	_ =	swait.ge [sflag:s7], $0x3E80  }
0xfc: {  	[sflag:s7] =	ssyncset.done $0x0  }
0xfd: {  	[sflag:s7] =	ssyncadd.s32 $0xFFFFC180  }
0xfe: {  	_ =	swait.ge [sflag:s7], $0x3E80  }
0xff: {  	[sflag:s7] =	ssyncset.done $0x0  }
0x100: {  	[sflag:s7] =	ssyncadd.s32 $0xFFFFC180  }
0x101: {  	[hbm4b:s13+s2] =	stream.linear.scatter [tilespmem:s6], [sflag:$0x2], $0xFA00, $0x38;
	[tilespmem:$0x10200] =	vst v63  }
0x102: {  	_ =	swait.ge [sflag:s3], $0xFA00  }
0x103: {  	[sflag:s3] =	ssyncset.done $0x0  }
0x104: {  	[sflag:s3] =	ssyncadd.s32 $0xFFFF0600  }
0x105: {  	[tilespmem:s6], [sflag:$0x1] =	stream.indirect.gather [hbm4b:s5+s8], $0x80, s18, s8, $0xb8;
	[tilespmem:$0x10200] =	vst v63  }
0x106: {  	_ = 	snop  }
0x107: {  	[tilespmem:s10], [sflag:$0x1] =	stream.indirect.gather [hbm4b:s5+s8], $0x80, s19, s8, $0xb8;
	[tilespmem:$0x10200] =	vst v63  }
0x108: {  	_ = 	snop  }
0x109: {  	[tilespmem:s11], [sflag:$0x1] =	stream.indirect.gather [hbm4b:s5+s8], $0x80, s20, s8, $0xb8;
	[tilespmem:$0x10200] =	vst v63  }
0x10a: {  	_ = 	snop  }
0x10b: {  	[tilespmem:s12], [sflag:$0x1] =	stream.indirect.gather [hbm4b:s5+s8], $0x80, s21, s8, $0xb8;
	[tilespmem:$0x10200] =	vst v63  }
0x10c: {  	_ =	swait.ge [sflag:s7], $0x3E80  }
0x10d: {  	[sflag:s7] =	ssyncset.done $0x0  }
0x10e: {  	[sflag:s7] =	ssyncadd.s32 $0xFFFFC180  }
0x10f: {  	_ =	swait.ge [sflag:s7], $0x3E80  }
0x110: {  	[sflag:s7] =	ssyncset.done $0x0  }
0x111: {  	[sflag:s7] =	ssyncadd.s32 $0xFFFFC180  }
0x112: {  	_ =	swait.ge [sflag:s7], $0x3E80  }
0x113: {  	[sflag:s7] =	ssyncset.done $0x0  }
0x114: {  	[sflag:s7] =	ssyncadd.s32 $0xFFFFC180  }
0x115: {  	_ =	swait.ge [sflag:s7], $0x3E80  }
0x116: {  	[sflag:s7] =	ssyncset.done $0x0  }
0x117: {  	[sflag:s7] =	ssyncadd.s32 $0xFFFFC180  }
0x118: {  	[hbm4b:s9+s2] =	stream.linear.scatter [tilespmem:s6], [sflag:$0x2], $0xFA00, $0x38;
	[tilespmem:$0x10200] =	vst v63  }
0x119: {  	_ =	swait.ge [sflag:s3], $0xFA00  }
0x11a: {  	[sflag:s3] =	ssyncset.done $0x0  }
0x11b: {  	[sflag:s3] =	ssyncadd.s32 $0xFFFF0600  }
0x11c: {  	[tilespmem:s6], [sflag:$0x1] =	stream.indirect.gather [hbm4b:s5+s8], $0x80, s14, s8, $0xb8;
	[tilespmem:$0x10200] =	vst v63  }
0x11d: {  	_ = 	snop  }
0x11e: {  	[tilespmem:s10], [sflag:$0x1] =	stream.indirect.gather [hbm4b:s5+s8], $0x80, s15, s8, $0xb8;
	[tilespmem:$0x10200] =	vst v63  }
0x11f: {  	_ = 	snop  }
0x120: {  	[tilespmem:s11], [sflag:$0x1] =	stream.indirect.gather [hbm4b:s5+s8], $0x80, s16, s8, $0xb8;
	[tilespmem:$0x10200] =	vst v63  }
0x121: {  	_ = 	snop  }
0x122: {  	[tilespmem:s12], [sflag:$0x1] =	stream.indirect.gather [hbm4b:s5+s8], $0x80, s17, s8, $0xb8;
	[tilespmem:$0x10200] =	vst v63  }
0x123: {  	_ =	swait.ge [sflag:s7], $0x3E80  }
0x124: {  	[sflag:s7] =	ssyncset.done $0x0  }
0x125: {  	[sflag:s7] =	ssyncadd.s32 $0xFFFFC180  }
0x126: {  	_ =	swait.ge [sflag:s7], $0x3E80  }
0x127: {  	[sflag:s7] =	ssyncset.done $0x0  }
0x128: {  	[sflag:s7] =	ssyncadd.s32 $0xFFFFC180  }
0x129: {  	_ =	swait.ge [sflag:s7], $0x3E80  }
0x12a: {  	[sflag:s7] =	ssyncset.done $0x0  }
0x12b: {  	[sflag:s7] =	ssyncadd.s32 $0xFFFFC180  }
0x12c: {  	_ =	swait.ge [sflag:s7], $0x3E80  }
0x12d: {  	[sflag:s7] =	ssyncset.done $0x0  }
0x12e: {  	[sflag:s7] =	ssyncadd.s32 $0xFFFFC180  }
0x12f: {  	[hbm4b:s4+s2] =	stream.linear.scatter [tilespmem:s6], [sflag:$0x2], $0xFA00, $0x38;
	[tilespmem:$0x10200] =	vst v63  }
0x130: {  	_ =	swait.ge [sflag:s3], $0xFA00  }
0x131: {  	[sflag:s3] =	ssyncset.done $0x0  }
0x132: {  	[sflag:s3] =	ssyncadd.s32 $0xFFFF0600  }
0x133: {  	_ =	sfence.sel $0x180000  }
0x134: {  	[bflag:$0x0] =	sbarrier.arrive $0xFFFF  }
0x135: {  	_ =	strace $0x9000004A  }
0x136: {  	[bflag:$0x2] =	sbarrier.arrive $0xFFFF  }
0x137: {  	p0 =	sne.s32 s1, $0x0;
	s0 =	rddreg [dreg:$0x1]  }
0x138: {  	s0 =	sadd.s32 @!p0 $0x100000, s0  }
0x139: {  	[sflag:s0] =	ssyncadd.tile.s32 @!p0 $0x1;
	_ =	shalt  }
.Lfunc_end2:
_tile_overlayer_lowered:
.L_overlay_start_2:
0x13a: {  	(tag) =	ssettag $0x2  }
0x13b: {  	s0 =	rddreg [dreg:$0x0];
	s2 =	stileid.u32  }
0x13c: {  	s1 =	rddreg [dreg:$0x1];
	p0 =	sne.s32 s2, $0x0  }
0x13d: {  	s3 =	rddreg [dreg:$0x2];
	[bflag:$0x3] =	sbarrier.arrive $0xFFFF;
	s2 =	simm.s32 @!p0 $0x1C02  }
0x13e: {  	[timem:s3], [sflag:s2] =	dma.local @!p0 [hbm:s0], s1  }
0x13f: {  	s0 =	simm.s32 @!p0 $0x2  }
0x140: {  	_ =	swait.ge @!p0 [sflag:s0], s1  }
0x141: {  	s1 =	ssub.s32 @!p0 $0x0, s1;
	[sflag:s0] =	ssyncset.done @!p0 $0x0  }
0x142: {  	[sflag:s0] =	ssyncadd.s32 @!p0 s1  }
0x143: {  	[bflag:$0x3] =	sbarrier.arrive $0xFFFF  }
0x144: {  	_ =	shalt  }

// kernel: kernel.21.cloned.1.call-start
scs
__scs_entry_jumppad:
0x0: {  	(pc) =	sbr.rel $0x88, $3  }
0x1: {  	(tag) =	ssettag $0x0;
	lr =	simm.s32 $0x1  }
0x2: {  	[smem:$0x3F97] =	sst lr;
	_ =	strace $0xD0000000  }
0x3: {  	_ = 	snop  }
0x4: {  	_ = 	snop  }
0x5: {  	_ = 	snop  }
0x6: {  	_ = 	snop  }
0x7: {  	_ = 	snop  }
__scs_overlays_trampoline_lowered:
0x8: {  	[smem:$0x3FA6] =	sst s0  }
0x9: {  	[smem:$0x3FA7] =	sst s1  }
0xa: {  	[smem:$0x3FA8] =	sst s2  }
0xb: {  	[smem:$0x3FA9] =	sst s3  }
0xc: {  	[smem:$0x3FAA] =	sst s4  }
0xd: {  	[smem:$0x3FAB] =	sst s5  }
0xe: {  	[smem:$0x3FAC] =	sst s6  }
0xf: {  	[smem:$0x3FAD] =	sst s7  }
0x10: {  	[smem:$0x3FAE] =	sst s8  }
0x11: {  	[smem:$0x3FAF] =	sst s9;
	s0 =	simm.s32 @!p0 $0x0  }
0x12: {  	s1 =	sld [smem:$0x3F95];
	s0 =	simm.s32 @p0 $0x1  }
0x13: {  	[smem:$0x3FB0] =	sst s0;
	s0 =	simm.s32 @!p1 $0x0  }
0x14: {  	s2 =	sld [smem:$0x3F94];
	s0 =	simm.s32 @p1 $0x1  }
0x15: {  	[smem:$0x3FB1] =	sst s0;
	s0 =	simm.s32 @!p2 $0x0  }
0x16: {  	s3 =	sld [smem:$0x3FDB];
	s0 =	simm.s32 @p2 $0x1  }
0x17: {  	s4 =	simm.s32 $0x1BF5;
	[smem:$0x3FB3] =	sst s0  }
0x18: {  	s0 =	sld [smem:$0x3F96];
	_ =	swait.ge [sflag:s4], $0x0  }
0x19: {  	s7 =	sld [smem:$0x3F97]  }
0x1a: {  	s8 =	sadd.s32 $0xFFFFE003, lr  }
0x1b: {  	s9 =	sadd.s32 $0xFFFFFEF7, lr;
	s5 =	simm.s32 $0xFFFFFFFF;
	p2 =	slt.u32 s8, $0xFFFFF086  }
0x1c: {  	p1 =	slt.u32 s9, $0xF7A;
	s5 =	simm.s32 @!p2 $0x0  }
0x1d: {  	s5 =	simm.s32 @p1 $0x1;
	p0 =	seq.s32 s7, s2  }
0x1e: {  	s7 =	smul.u32 @!p0 $0xF7A, s2;
	p2 =	seq.s32 @!p0 s5, $0x0  }
0x1f: {  	s9 =	smul.u32 $0xF7A, s1;
	s8 =	simm.s32 @!p0 $0x1BF5;
	p2 =	por !p2, p0  }
0x20: {  	[sflag:s8] =	ssyncset.s32 @!p0 $0xFFFFF086;
	s6 =	sadd.s32 @!p0 s3, s7;
	s7 =	simm.s32 @!p0 $0x108  }
0x21: {  	s3 =	sadd.s32 s3, s9;
	s6 =	sadd.s32 @!p0 $0x88, s6;
	s7 =	simm.s32 @p2 $0x1082  }
0x22: {  	[simem:s7], [sflag:s8] =	dma.local @!p0 [hbm:s6], $0xF7A  }
0x23: {  	s9 =	sor.u32 $0xD0000000, s2;
	s6 =	simm.s32 $0x108;
	_ =	swait.ge @!p0 [sflag:s8], $0x0  }
0x24: {  	s3 =	sadd.s32 $0x88, s3;
	s6 =	simm.s32 @!p1 $0x1082;
	[sflag:s4] =	ssyncset.s32 $0xFFFFF086  }
0x25: {  	[simem:s6], [sflag:s4] =	dma.local [hbm:s3], $0xF7A  }
0x26: {  	[smem:$0x3F97] =	sst s1;
	(tag) =	ssettag s2;
	_ =	strace s9  }
0x27: {  	s1 =	sld [smem:$0x3FA7]  }
0x28: {  	s2 =	sld [smem:$0x3FA8]  }
0x29: {  	s4 =	sld [smem:$0x3FAA]  }
0x2a: {  	p0 =	seq.s32 s5, $0x0;
	s5 =	sld [smem:$0x3FAB]  }
0x2b: {  	s6 =	sld [smem:$0x3FAC]  }
0x2c: {  	s7 =	sld [smem:$0x3FAD]  }
0x2d: {  	s3 =	simm.s32 $0x108;
	s8 =	sld [smem:$0x3FAE]  }
0x2e: {  	s3 =	simm.s32 @!p0 $0x1082;
	s9 =	sld [smem:$0x3FAF]  }
0x2f: {  	lr =	sadd.s32 s0, s3;
	s0 =	sld [smem:$0x3FA6]  }
0x30: {  	s3 =	sld [smem:$0x3FA9]  }
0x31: {  	[smem:$0x3FB2] =	sst s10  }
0x32: {  	s10 =	sld [smem:$0x3FB0];
	_ =	sdelay $0x3  }
0x33: {  	p0 =	seq.s32 s10, $0x1;
	s10 =	sld [smem:$0x3FB2];
	_ =	sdelay $0x3  }
0x34: {  	[smem:$0x3FB2] =	sst s10  }
0x35: {  	s10 =	sld [smem:$0x3FB1];
	_ =	sdelay $0x3  }
0x36: {  	p1 =	seq.s32 s10, $0x1;
	s10 =	sld [smem:$0x3FB2];
	_ =	sdelay $0x3  }
0x37: {  	[smem:$0x3FB2] =	sst s10  }
0x38: {  	s10 =	sld [smem:$0x3FB3]  }
0x39: {  	_ = 	snop;
	(pc) =	sbr.ind lr, $3  }
0x3a: {  	_ = 	snop  }
0x3b: {  	_ = 	snop  }
0x3c: {  	p2 =	seq.s32 s10, $0x1;
	s10 =	sld [smem:$0x3FB2]  }
0x3d: {  	_ =	shalt  }
0x3e: {  	_ =	shalt  }
0x3f: {  	_ =	shalt  }
0x40: {  	_ =	shalt  }
0x41: {  	_ =	shalt  }
0x42: {  	_ =	shalt  }
0x43: {  	_ =	shalt  }
0x44: {  	_ =	shalt  }
0x45: {  	_ =	shalt  }
0x46: {  	_ =	shalt  }
0x47: {  	_ =	shalt  }
0x48: {  	_ =	shalt  }
0x49: {  	_ =	shalt  }
0x4a: {  	_ =	shalt  }
0x4b: {  	_ =	shalt  }
0x4c: {  	_ =	shalt  }
0x4d: {  	_ =	shalt  }
0x4e: {  	_ =	shalt  }
0x4f: {  	_ =	shalt  }
0x50: {  	_ =	shalt  }
0x51: {  	_ =	shalt  }
0x52: {  	_ =	shalt  }
0x53: {  	_ =	shalt  }
0x54: {  	_ =	shalt  }
0x55: {  	_ =	shalt  }
0x56: {  	_ =	shalt  }
0x57: {  	_ =	shalt  }
0x58: {  	_ =	shalt  }
0x59: {  	_ =	shalt  }
0x5a: {  	_ =	shalt  }
0x5b: {  	_ =	shalt  }
0x5c: {  	_ =	shalt  }
0x5d: {  	_ =	shalt  }
0x5e: {  	_ =	shalt  }
0x5f: {  	_ =	shalt  }
0x60: {  	_ =	shalt  }
0x61: {  	_ =	shalt  }
0x62: {  	_ =	shalt  }
0x63: {  	_ =	shalt  }
0x64: {  	_ =	shalt  }
0x65: {  	_ =	shalt  }
0x66: {  	_ =	shalt  }
0x67: {  	_ =	shalt  }
0x68: {  	_ =	shalt  }
0x69: {  	_ =	shalt  }
0x6a: {  	_ =	shalt  }
0x6b: {  	_ =	shalt  }
0x6c: {  	_ =	shalt  }
0x6d: {  	_ =	shalt  }
0x6e: {  	_ =	shalt  }
0x6f: {  	_ =	shalt  }
0x70: {  	_ =	shalt  }
0x71: {  	_ =	shalt  }
0x72: {  	_ =	shalt  }
0x73: {  	_ =	shalt  }
0x74: {  	_ =	shalt  }
0x75: {  	_ =	shalt  }
0x76: {  	_ =	shalt  }
0x77: {  	_ =	shalt  }
0x78: {  	_ =	shalt  }
0x79: {  	_ =	shalt  }
0x7a: {  	_ =	shalt  }
0x7b: {  	_ =	shalt  }
0x7c: {  	_ =	shalt  }
0x7d: {  	_ =	shalt  }
0x7e: {  	_ =	shalt  }
0x7f: {  	_ =	shalt  }
0x80: {  	_ =	shalt  }
0x81: {  	_ =	shalt  }
0x82: {  	_ =	shalt  }
0x83: {  	_ =	shalt  }
0x84: {  	_ =	shalt  }
0x85: {  	_ =	shalt  }
0x86: {  	_ =	shalt  }
0x87: {  	_ =	shalt  }
.Lfunc_end0:
.L_simem_size_0:
called_computation.3_lowered:
.L_overlay_start_0:
0x88: {  	s2 =	sld [smem:$0x3FD9]  }
0x89: {  	s3 =	sld [smem:$0x3FFE];
	_ =	sdelay $0x1  }
0x8a: {  	s1 =	srdreg.scid  }
0x8b: {  	s0 =	sand.u32 $0x1, s1  }
0x8c: {  	s17 =	sshll.u32 s0, $0xA;
	s2 =	sadd.s32 s3, s2  }
0x8d: {  	s2 =	sadd.s32 s2, s17  }
0x8e: {  	[smem:$0x3FBE] =	sst s2  }
0x8f: {  	_ = 	snop  }
0x90: {  	s18 =	sld [smem:$0x3FD0];
	(tm) =	ssettm $0x1  }
0x91: {  	s19 =	sld [smem:$0x3FFB];
	_ =	sdelay $0x3  }
0x92: {  	_ =	strace s19  }
0x93: {  	s2 =	sld [smem:$0x3FFC];
	_ =	sdelay $0x3  }
0x94: {  	_ =	strace s2  }
0x95: {  	s2 =	sld [smem:$0x3FFD];
	_ =	sdelay $0x3  }
0x96: {  	_ =	strace s2  }
0x97: {  	_ =	strace $0x8FFFFFFF  }
0x98: {  	s20 =	sld [smem:$0x3FDB];
	_ =	sdelay $0x1  }
0x99: {  	s4 =	simm.s32 $_scs_section_size  }
0x9a: {  	s5 =	simm.s32 $_size__tile_overlayer_lowered;
	s6 =	simm.s32 $_tile_overlayer_lowered  }
0x9b: {  	s7 =	simm.s32 $0x1BFF;
	s21 =	sshll.u32 s6, $0x1;
	s4 =	sadd.s32 s4, s20  }
0x9c: {  	s22 =	simm.s32 $0x0;
	s5 =	sshll.u32 s5, $0x1;
	s6 =	sadd.s32 s21, s4  }
0x9d: {  	[timem:s22], [sflag:s7] =	dma.local [hbm:s6], s5  }
0x9e: {  	_ =	swait.ge [sflag:s7], s5  }
0x9f: {  	s5 =	ssub.s32 $0x0, s5;
	[sflag:s7] =	ssyncset.done $0x0  }
0xa0: {  	[sflag:s7] =	ssyncadd.s32 s5;
	_ =	sdelay $0x1  }
0xa1: {  	s23 =	simm.s32 $0x1B8B  }
0xa2: {  	_ =	swait.ge [sflag:s23], $0x1  }
0xa3: {  	[sflag:s23] =	ssyncset.done $0x0  }
0xa4: {  	[sflag:s23] =	ssyncadd.s32 $0xFFFFFFFF  }
0xa5: {  	s5 =	sld [smem:$0x0]  }
0xa6: {  	s6 =	sand.u32 $0xFFFFFFFE, s1  }
0xa7: {  	p0 =	sne.s32 s1, s6  }
0xa8: {  	s6 =	sshll.u32 @p0 s6, $0xE  }
0xa9: {  	s6 =	sadd.s32 @p0 $0x11B8D, s6;
	s7 =	sshll.u32 @p0 s5, $0x11  }
0xaa: {  	s6 =	sor.u32 @p0 s7, s6  }
0xab: {  	[sflag:s6] =	ssyncadd.remote.s32 @p0 $0x1;
	_ =	sdelay $0x1  }
0xac: {  	s6 =	simm.s32 @p0 $0x1B8D  }
0xad: {  	_ =	swait.eq @p0 [sflag:s6], $0x1  }
0xae: {  	[sflag:s6] =	ssyncadd.s32 @p0 $0xFFFFFFFF  }
0xaf: {  	s7 =	sshll.u32 @!p0 s1, $0xE  }
0xb0: {  	s7 =	sor.u32 @!p0 $0x4000, s7;
	s6 =	simm.s32 @!p0 $0x1B8D  }
0xb1: {  	s5 =	sshll.u32 @!p0 s5, $0x11;
	s7 =	sadd.s32 @!p0 $0x11B8D, s7;
	_ =	swait.eq @!p0 [sflag:s6], $0x1  }
0xb2: {  	s5 =	sor.u32 @!p0 s5, s7;
	[sflag:s6] =	ssyncadd.s32 @!p0 $0xFFFFFFFF  }
0xb3: {  	s25 =	simm.s32 $0x1B8E;
	s24 =	sld [smem:$0x3FFE];
	[sflag:s5] =	ssyncadd.remote.s32 @!p0 $0x1  }
0xb4: {  	s26 =	simm.s32 $execute0_lowered;
	[smem:$0x3FD2] =	sst s25  }
0xb5: {  	s6 =	sshll.u32 s26, $0x1;
	_ =	strace $0x80000055;
	[dreg:$0x1] =	wrdreg $0xFFFFFFFF  }
0xb6: {  	s28 =	simm.s32 $_size_execute0_lowered;
	s4 =	sadd.s32 s4, s6;
	[dreg:$0x0] =	wrdreg $0x0  }
0xb7: {  	s6 =	sshll.u32 s28, $0x1;
	[dreg:$0x2] =	wrdreg s4  }
0xb8: {  	[dreg:$0x3] =	wrdreg s6  }
0xb9: {  	[dreg:$0x4] =	wrdreg $0xC0  }
0xba: {  	_ =	task [dreg:s22], $0x5FFFF  }
0xbb: {  	[dreg:$0x1] =	wrdreg $0xFFFFFFFF  }
0xbc: {  	[dreg:$0x0] =	wrdreg $0x60  }
0xbd: {  	[dreg:$0x2] =	wrdreg s24  }
0xbe: {  	[dreg:$0x3] =	wrdreg s18  }
0xbf: {  	[dreg:$0x4] =	wrdreg $0x81000  }
0xc0: {  	[dreg:$0x5] =	wrdreg $0x9  }
0xc1: {  	_ =	task.clear_ibuf [dreg:s22], $0x6FFFF;
	_ =	strace $0x90000055  }
0xc2: {  	s29 =	simm.s32 $0x9;
	_ =	strace $0x80000057  }
0xc3: {  	_ =	swait.ge [sflag:s29], $0x1  }
0xc4: {  	[sflag:s29] =	ssyncadd.s32 $0xFFFFFFFF  }
0xc5: {  	_ =	strace $0x90000057  }
0xc6: {  	_ =	sfence  }
0xc7: {  	s30 =	sld [smem:$0x0];
	_ =	sdelay $0x2  }
0xc8: {  	s31 =	sshll.u32 s1, $0xD;
	s1 =	sshrl.u32 s1, $0x2  }
0xc9: {  	s4 =	sand.u32 $0x4000, s31;
	s1 =	sadd.s32 s1, s30  }
0xca: {  	s0 =	sor.u32 s4, s0;
	s1 =	sshll.u32 s1, $0x11  }
0xcb: {  	s0 =	sor.u32 s1, s0  }
0xcc: {  	s0 =	sadd.s32 $0x8F2B, s0  }
0xcd: {  	[sflag:s0] =	ssyncadd.remote.s32 $0x1  }
0xce: {  	_ =	sfence.sel $0xFFFF  }
0xcf: {  	[dreg:$0x0] =	wrdreg $0xFFFFFFFF;
	(pc) =	sbr.abs _section_cstart, $3  }
0xd0: {  	[dreg:$0x1] =	wrdreg $0xFFFFFFFF  }
0xd1: {  	_ =	task.clear_ibuf [dreg:s22], $0x2FFFF;
	_ =	strace $0x9FFFFFFF  }
0xd2: {  	(tm) =	ssettm $0x7FFFFFFF  }
0xd3: {  	_ =	shalt  }
tec
execute0_lowered:
.L_overlay_start_1:
0x0: {  	(tag) =	ssettag $0x1  }
0x1: {  	s25 =	rddreg [dreg:$0x0];
	s1 =	srdreg.scid  }
0x2: {  	s6 =	rddreg [dreg:$0x1];
	s0 =	stileid.u32;
	s26 =	sand.u32 $0x1, s1  }
0x3: {  	s2 =	rddreg [dreg:$0x2];
	s4 =	sshll.u32 s0, $0x4;
	s5 =	sshll.u32 s26, $0x3  }
0x4: {  	s3 =	simm.s32 $0x0;
	s1 =	rddreg [dreg:$0x3];
	s4 =	sor.u32 s5, s4  }
0x5: {  	[smem:$0x7FF] =	sst s3;
	s5 =	sshll.u32 s4, $0x4  }
0x6: {  	s28 =	smul.u32 $0x9C40, s0;
	_ =	strace $0x80000056;
	s29 =	sadd.s32 s5, s25  }
0x7: {  	s9 =	smul.u32 $0x7D0, s4;
	s4 =	simm.s32 $0x2;
	s5 =	sadd.s32 $0x2A0E00, s29  }
0x8: {  	[tilespmem:s3], [sflag:$0x2] =	stream.linear.gather [hbm4b:s5+s3], $0x400, $0x38;
	[tilespmem:$0x11D40] =	vst v63  }
0x9: {  	s30 =	sshll.u32 s0, $0x6;
	s7 =	sshrl.u32 s28, $0x3;
	_ =	swait.ge [sflag:s4], $0x400  }
0xa: {  	s8 =	sadd.s32 s28, s2;
	s6 =	sadd.s32 s6, s7;
	[sflag:s4] =	ssyncset.done $0x0  }
0xb: {  	s7 =	sor.u32 $0x1C02, s30;
	s8 =	sshrl.u32 s8, $0x3;
	[sflag:s4] =	ssyncadd.s32 $0xFFFFFC00  }
0xc: {  	[spmem:s8], [sflag:s7] =	dma.local [hbm:s6], $0x1388  }
0xd: {  	_ =	swait.ge [sflag:s4], $0x1388  }
0xe: {  	s10 =	simm.s32 $0x40;
	s11 =	simm.s32 $0x80;
	[sflag:s4] =	ssyncset.done $0x0  }
0xf: {  	s12 =	simm.s32 $0x400;
	s20 =	sadd.s32 s9, s25;
	[sflag:s4] =	ssyncadd.s32 $0xFFFFEC78  }
0x10: {  	s13 =	simm.s32 $0x1;
	s9 =	sadd.s32 $0x7E200, s20;
	[bflag:$0x0] =	sbarrier.arrive $0xFFFF  }
0x11: {  	[tilespmem:s12], [sflag:$0x1] =	stream.strided.gather [hbm4b:s9+s10], $0x7D00, s11, s10, $0x38;
	[tilespmem:$0x11D40] =	vst v63  }
0x12: {  	_ =	swait.ge [sflag:s13], $0x7D00  }
0x13: {  	[sflag:s13] =	ssyncset.done $0x0  }
0x14: {  	s14 =	simm.s32 $0x7D;
	[sflag:s13] =	ssyncadd.s32 $0xFFFF8300  }
0x15: {  	[spmem:s2] =	stream.indirect.scatter.add.f32 [tilespmem:s12], [sflag:$0x2], $0x40, s3, s14, $0xb8;
	[tilespmem:$0x11D40] =	vst v63  }
0x16: {  	_ =	swait.ge [sflag:s4], $0x1F40  }
0x17: {  	[sflag:s4] =	ssyncset.done $0x0  }
0x18: {  	s15 =	simm.s32 $0x2340;
	[sflag:s4] =	ssyncadd.s32 $0xFFFFE0C0  }
0x19: {  	[spmem:s2] =	stream.indirect.scatter.add.f32 [tilespmem:s15], [sflag:$0x2], $0x40, s11, s14, $0xb8;
	[tilespmem:$0x11D40] =	vst v63  }
0x1a: {  	_ =	swait.ge [sflag:s4], $0x1F40  }
0x1b: {  	[sflag:s4] =	ssyncset.done $0x0  }
0x1c: {  	s16 =	simm.s32 $0x100;
	s17 =	simm.s32 $0x4280;
	[sflag:s4] =	ssyncadd.s32 $0xFFFFE0C0  }
0x1d: {  	[spmem:s2] =	stream.indirect.scatter.add.f32 [tilespmem:s17], [sflag:$0x2], $0x40, s16, s14, $0xb8;
	[tilespmem:$0x11D40] =	vst v63  }
0x1e: {  	_ =	swait.ge [sflag:s4], $0x1F40  }
0x1f: {  	[sflag:s4] =	ssyncset.done $0x0  }
0x20: {  	s18 =	simm.s32 $0x180;
	s19 =	simm.s32 $0x61C0;
	[sflag:s4] =	ssyncadd.s32 $0xFFFFE0C0  }
0x21: {  	[spmem:s2] =	stream.indirect.scatter.add.f32 [tilespmem:s19], [sflag:$0x2], $0x40, s18, s14, $0xb8;
	[tilespmem:$0x11D40] =	vst v63  }
0x22: {  	_ =	swait.ge [sflag:s4], $0x1F40  }
0x23: {  	[sflag:s4] =	ssyncset.done $0x0  }
0x24: {  	s20 =	sadd.s32 $0x80140, s20;
	[sflag:s4] =	ssyncadd.s32 $0xFFFFE0C0  }
0x25: {  	[tilespmem:s12], [sflag:$0x1] =	stream.strided.gather [hbm4b:s20+s10], $0x7D00, s11, s10, $0x38;
	[tilespmem:$0x11D40] =	vst v63  }
0x26: {  	_ =	swait.ge [sflag:s13], $0x7D00  }
0x27: {  	[sflag:s13] =	ssyncset.done $0x0  }
0x28: {  	s21 =	simm.s32 $0x200;
	[sflag:s13] =	ssyncadd.s32 $0xFFFF8300  }
0x29: {  	[spmem:s2] =	stream.indirect.scatter.add.f32 [tilespmem:s12], [sflag:$0x2], $0x40, s21, s14, $0xb8;
	[tilespmem:$0x11D40] =	vst v63  }
0x2a: {  	_ =	swait.ge [sflag:s4], $0x1F40  }
0x2b: {  	[sflag:s4] =	ssyncset.done $0x0  }
0x2c: {  	s22 =	simm.s32 $0x280;
	[sflag:s4] =	ssyncadd.s32 $0xFFFFE0C0  }
0x2d: {  	[spmem:s2] =	stream.indirect.scatter.add.f32 [tilespmem:s15], [sflag:$0x2], $0x40, s22, s14, $0xb8;
	[tilespmem:$0x11D40] =	vst v63  }
0x2e: {  	_ =	swait.ge [sflag:s4], $0x1F40  }
0x2f: {  	[sflag:s4] =	ssyncset.done $0x0  }
0x30: {  	s23 =	simm.s32 $0x300;
	[sflag:s4] =	ssyncadd.s32 $0xFFFFE0C0  }
0x31: {  	[spmem:s2] =	stream.indirect.scatter.add.f32 [tilespmem:s17], [sflag:$0x2], $0x40, s23, s14, $0xb8;
	[tilespmem:$0x11D40] =	vst v63  }
0x32: {  	s29 =	smul.u32 $0x9C400, s26;
	s26 =	ssub.s32 $0x2, s26;
	_ =	swait.ge [sflag:s4], $0x1F40  }
0x33: {  	s31 =	sshrl.u32 s26, $0x1;
	[sflag:s4] =	ssyncset.done $0x0  }
0x34: {  	s24 =	simm.s32 $0x380;
	s26 =	ssub.s32 s26, s31;
	[sflag:s4] =	ssyncadd.s32 $0xFFFFE0C0  }
0x35: {  	[spmem:s2] =	stream.indirect.scatter.add.f32 [tilespmem:s19], [sflag:$0x2], $0x40, s24, s14, $0xb8;
	[tilespmem:$0x11D40] =	vst v63  }
0x36: {  	s28 =	sadd.s32 s28, s29;
	s26 =	smax.u32 s26, $0x1;
	_ =	swait.ge [sflag:s4], $0x1F40  }
0x37: {  	s28 =	sshrl.u32 s28, $0x3;
	p0 =	sne.s32 s26, $0x1;
	[sflag:s4] =	ssyncset.done $0x0  }
.Ltmp0:
0x38: {  	s25 =	sadd.s32 s28, s25;
	[sflag:s4] =	ssyncadd.s32 $0xFFFFE0C0;
	(pc) =	sbr.rel @!p0 .LBB2_2-.Ltmp0, $4  }
0x39: {  	s25 =	sadd.s32 $0x3C00, s25;
	[bflag:$0x0] =	sbarrier.arrive $0xFFFF  }
0x3a: {  	[hbm:s25], [sflag:s7] =	dma.local [spmem:s8], $0x1388  }
0x3b: {  	_ =	swait.ge [sflag:s4], $0x1388  }
0x3c: {  	s26 =	sadd.s32 $0xFFFFFFFF, s26;
	[sflag:s4] =	ssyncset.done $0x0  }
.LBB2_1:
0x3d: {  	p0 =	sne.s32 s26, $0x1;
	s26 =	sadd.s32 $0xFFFFFFFF, s26;
	[sflag:s4] =	ssyncadd.s32 $0xFFFFEC78  }
0x3e: {  	[tilespmem:s3], [sflag:$0x2] =	stream.linear.gather [hbm4b:s5+s3], $0x400, $0x38;
	[tilespmem:$0x11D40] =	vst v63  }
0x3f: {  	_ =	swait.ge [sflag:s4], $0x400  }
0x40: {  	[sflag:s4] =	ssyncset.done $0x0  }
0x41: {  	[sflag:s4] =	ssyncadd.s32 $0xFFFFFC00  }
0x42: {  	[spmem:s8], [sflag:s7] =	dma.local [hbm:s6], $0x1388  }
0x43: {  	_ =	swait.ge [sflag:s4], $0x1388  }
0x44: {  	[sflag:s4] =	ssyncset.done $0x0  }
0x45: {  	[sflag:s4] =	ssyncadd.s32 $0xFFFFEC78  }
0x46: {  	[bflag:$0x0] =	sbarrier.arrive $0xFFFF  }
0x47: {  	[tilespmem:s12], [sflag:$0x1] =	stream.strided.gather [hbm4b:s9+s10], $0x7D00, s11, s10, $0x38;
	[tilespmem:$0x11D40] =	vst v63  }
0x48: {  	_ =	swait.ge [sflag:s13], $0x7D00  }
0x49: {  	[sflag:s13] =	ssyncset.done $0x0  }
0x4a: {  	[sflag:s13] =	ssyncadd.s32 $0xFFFF8300  }
0x4b: {  	[spmem:s2] =	stream.indirect.scatter.add.f32 [tilespmem:s12], [sflag:$0x2], $0x40, s3, s14, $0xb8;
	[tilespmem:$0x11D40] =	vst v63  }
0x4c: {  	_ =	swait.ge [sflag:s4], $0x1F40  }
0x4d: {  	[sflag:s4] =	ssyncset.done $0x0  }
0x4e: {  	[sflag:s4] =	ssyncadd.s32 $0xFFFFE0C0  }
0x4f: {  	[spmem:s2] =	stream.indirect.scatter.add.f32 [tilespmem:s15], [sflag:$0x2], $0x40, s11, s14, $0xb8;
	[tilespmem:$0x11D40] =	vst v63  }
0x50: {  	_ =	swait.ge [sflag:s4], $0x1F40  }
0x51: {  	[sflag:s4] =	ssyncset.done $0x0  }
0x52: {  	[sflag:s4] =	ssyncadd.s32 $0xFFFFE0C0  }
0x53: {  	[spmem:s2] =	stream.indirect.scatter.add.f32 [tilespmem:s17], [sflag:$0x2], $0x40, s16, s14, $0xb8;
	[tilespmem:$0x11D40] =	vst v63  }
0x54: {  	_ =	swait.ge [sflag:s4], $0x1F40  }
0x55: {  	[sflag:s4] =	ssyncset.done $0x0  }
0x56: {  	[sflag:s4] =	ssyncadd.s32 $0xFFFFE0C0  }
0x57: {  	[spmem:s2] =	stream.indirect.scatter.add.f32 [tilespmem:s19], [sflag:$0x2], $0x40, s18, s14, $0xb8;
	[tilespmem:$0x11D40] =	vst v63  }
0x58: {  	_ =	swait.ge [sflag:s4], $0x1F40  }
0x59: {  	[sflag:s4] =	ssyncset.done $0x0  }
0x5a: {  	[sflag:s4] =	ssyncadd.s32 $0xFFFFE0C0  }
0x5b: {  	[tilespmem:s12], [sflag:$0x1] =	stream.strided.gather [hbm4b:s20+s10], $0x7D00, s11, s10, $0x38;
	[tilespmem:$0x11D40] =	vst v63  }
0x5c: {  	_ =	swait.ge [sflag:s13], $0x7D00  }
0x5d: {  	[sflag:s13] =	ssyncset.done $0x0  }
0x5e: {  	[sflag:s13] =	ssyncadd.s32 $0xFFFF8300  }
0x5f: {  	[spmem:s2] =	stream.indirect.scatter.add.f32 [tilespmem:s12], [sflag:$0x2], $0x40, s21, s14, $0xb8;
	[tilespmem:$0x11D40] =	vst v63  }
0x60: {  	_ =	swait.ge [sflag:s4], $0x1F40  }
0x61: {  	[sflag:s4] =	ssyncset.done $0x0  }
0x62: {  	[sflag:s4] =	ssyncadd.s32 $0xFFFFE0C0  }
0x63: {  	[spmem:s2] =	stream.indirect.scatter.add.f32 [tilespmem:s15], [sflag:$0x2], $0x40, s22, s14, $0xb8;
	[tilespmem:$0x11D40] =	vst v63  }
0x64: {  	_ =	swait.ge [sflag:s4], $0x1F40  }
0x65: {  	[sflag:s4] =	ssyncset.done $0x0  }
0x66: {  	[sflag:s4] =	ssyncadd.s32 $0xFFFFE0C0  }
0x67: {  	[spmem:s2] =	stream.indirect.scatter.add.f32 [tilespmem:s17], [sflag:$0x2], $0x40, s23, s14, $0xb8;
	[tilespmem:$0x11D40] =	vst v63  }
0x68: {  	_ =	swait.ge [sflag:s4], $0x1F40  }
0x69: {  	[sflag:s4] =	ssyncset.done $0x0  }
0x6a: {  	[sflag:s4] =	ssyncadd.s32 $0xFFFFE0C0  }
0x6b: {  	[spmem:s2] =	stream.indirect.scatter.add.f32 [tilespmem:s19], [sflag:$0x2], $0x40, s24, s14, $0xb8;
	[tilespmem:$0x11D40] =	vst v63  }
0x6c: {  	_ =	swait.ge [sflag:s4], $0x1F40  }
0x6d: {  	[sflag:s4] =	ssyncset.done $0x0  }
.Ltmp1:
0x6e: {  	[sflag:s4] =	ssyncadd.s32 $0xFFFFE0C0;
	(pc) =	sbr.rel @p0 .LBB2_1-.Ltmp1, $4  }
0x6f: {  	[bflag:$0x0] =	sbarrier.arrive $0xFFFF  }
0x70: {  	[hbm:s25], [sflag:s7] =	dma.local [spmem:s8], $0x1388  }
0x71: {  	_ =	swait.ge [sflag:s4], $0x1388  }
0x72: {  	[sflag:s4] =	ssyncset.done $0x0  }
.LBB2_2:
0x73: {  	[sflag:s4] =	ssyncadd.s32 $0xFFFFEC78  }
0x74: {  	_ =	sfence.sel $0x180000  }
0x75: {  	[bflag:$0x0] =	sbarrier.arrive $0xFFFF  }
0x76: {  	p0 =	sne.s32 s0, $0x0;
	_ =	strace $0x90000056  }
0x77: {  	s0 =	sadd.s32 @!p0 $0x100000, s1;
	[bflag:$0x2] =	sbarrier.arrive $0xFFFF  }
0x78: {  	[sflag:s0] =	ssyncadd.tile.s32 @!p0 $0x1;
	_ =	shalt  }
.Lfunc_end2:
_tile_overlayer_lowered:
.L_overlay_start_2:
0x79: {  	(tag) =	ssettag $0x2  }
0x7a: {  	s0 =	rddreg [dreg:$0x0];
	s2 =	stileid.u32  }
0x7b: {  	s1 =	rddreg [dreg:$0x1];
	p0 =	sne.s32 s2, $0x0  }
0x7c: {  	s3 =	rddreg [dreg:$0x2];
	[bflag:$0x3] =	sbarrier.arrive $0xFFFF;
	s2 =	simm.s32 @!p0 $0x1C02  }
0x7d: {  	[timem:s3], [sflag:s2] =	dma.local @!p0 [hbm:s0], s1  }
0x7e: {  	s0 =	simm.s32 @!p0 $0x2  }
0x7f: {  	_ =	swait.ge @!p0 [sflag:s0], s1  }
0x80: {  	s1 =	ssub.s32 @!p0 $0x0, s1;
	[sflag:s0] =	ssyncset.done @!p0 $0x0  }
0x81: {  	[sflag:s0] =	ssyncadd.s32 @!p0 s1  }
0x82: {  	[bflag:$0x3] =	sbarrier.arrive $0xFFFF  }
0x83: {  	_ =	shalt  }

// kernel: kernel.24.cloned.1.call-start
scs
__scs_entry_jumppad:
0x0: {  	(pc) =	sbr.rel $0x88, $3  }
0x1: {  	(tag) =	ssettag $0x0;
	lr =	simm.s32 $0x1  }
0x2: {  	[smem:$0x3F97] =	sst lr;
	_ =	strace $0xD0000000  }
0x3: {  	_ = 	snop  }
0x4: {  	_ = 	snop  }
0x5: {  	_ = 	snop  }
0x6: {  	_ = 	snop  }
0x7: {  	_ = 	snop  }
__scs_overlays_trampoline_lowered:
0x8: {  	[smem:$0x3FA6] =	sst s0  }
0x9: {  	[smem:$0x3FA7] =	sst s1  }
0xa: {  	[smem:$0x3FA8] =	sst s2  }
0xb: {  	[smem:$0x3FA9] =	sst s3  }
0xc: {  	[smem:$0x3FAA] =	sst s4  }
0xd: {  	[smem:$0x3FAB] =	sst s5  }
0xe: {  	[smem:$0x3FAC] =	sst s6  }
0xf: {  	[smem:$0x3FAD] =	sst s7  }
0x10: {  	[smem:$0x3FAE] =	sst s8  }
0x11: {  	[smem:$0x3FAF] =	sst s9;
	s0 =	simm.s32 @!p0 $0x0  }
0x12: {  	s1 =	sld [smem:$0x3F95];
	s0 =	simm.s32 @p0 $0x1  }
0x13: {  	[smem:$0x3FB0] =	sst s0;
	s0 =	simm.s32 @!p1 $0x0  }
0x14: {  	s2 =	sld [smem:$0x3F94];
	s0 =	simm.s32 @p1 $0x1  }
0x15: {  	[smem:$0x3FB1] =	sst s0;
	s0 =	simm.s32 @!p2 $0x0  }
0x16: {  	s3 =	sld [smem:$0x3FDB];
	s0 =	simm.s32 @p2 $0x1  }
0x17: {  	s4 =	simm.s32 $0x1BF5;
	[smem:$0x3FB3] =	sst s0  }
0x18: {  	s0 =	sld [smem:$0x3F96];
	_ =	swait.ge [sflag:s4], $0x0  }
0x19: {  	s7 =	sld [smem:$0x3F97]  }
0x1a: {  	s8 =	sadd.s32 $0xFFFFE003, lr  }
0x1b: {  	s9 =	sadd.s32 $0xFFFFFEF7, lr;
	s5 =	simm.s32 $0xFFFFFFFF;
	p2 =	slt.u32 s8, $0xFFFFF086  }
0x1c: {  	p1 =	slt.u32 s9, $0xF7A;
	s5 =	simm.s32 @!p2 $0x0  }
0x1d: {  	s5 =	simm.s32 @p1 $0x1;
	p0 =	seq.s32 s7, s2  }
0x1e: {  	s7 =	smul.u32 @!p0 $0xF7A, s2;
	p2 =	seq.s32 @!p0 s5, $0x0  }
0x1f: {  	s9 =	smul.u32 $0xF7A, s1;
	s8 =	simm.s32 @!p0 $0x1BF5;
	p2 =	por !p2, p0  }
0x20: {  	[sflag:s8] =	ssyncset.s32 @!p0 $0xFFFFF086;
	s6 =	sadd.s32 @!p0 s3, s7;
	s7 =	simm.s32 @!p0 $0x108  }
0x21: {  	s3 =	sadd.s32 s3, s9;
	s6 =	sadd.s32 @!p0 $0x88, s6;
	s7 =	simm.s32 @p2 $0x1082  }
0x22: {  	[simem:s7], [sflag:s8] =	dma.local @!p0 [hbm:s6], $0xF7A  }
0x23: {  	s9 =	sor.u32 $0xD0000000, s2;
	s6 =	simm.s32 $0x108;
	_ =	swait.ge @!p0 [sflag:s8], $0x0  }
0x24: {  	s3 =	sadd.s32 $0x88, s3;
	s6 =	simm.s32 @!p1 $0x1082;
	[sflag:s4] =	ssyncset.s32 $0xFFFFF086  }
0x25: {  	[simem:s6], [sflag:s4] =	dma.local [hbm:s3], $0xF7A  }
0x26: {  	[smem:$0x3F97] =	sst s1;
	(tag) =	ssettag s2;
	_ =	strace s9  }
0x27: {  	s1 =	sld [smem:$0x3FA7]  }
0x28: {  	s2 =	sld [smem:$0x3FA8]  }
0x29: {  	s4 =	sld [smem:$0x3FAA]  }
0x2a: {  	p0 =	seq.s32 s5, $0x0;
	s5 =	sld [smem:$0x3FAB]  }
0x2b: {  	s6 =	sld [smem:$0x3FAC]  }
0x2c: {  	s7 =	sld [smem:$0x3FAD]  }
0x2d: {  	s3 =	simm.s32 $0x108;
	s8 =	sld [smem:$0x3FAE]  }
0x2e: {  	s3 =	simm.s32 @!p0 $0x1082;
	s9 =	sld [smem:$0x3FAF]  }
0x2f: {  	lr =	sadd.s32 s0, s3;
	s0 =	sld [smem:$0x3FA6]  }
0x30: {  	s3 =	sld [smem:$0x3FA9]  }
0x31: {  	[smem:$0x3FB2] =	sst s10  }
0x32: {  	s10 =	sld [smem:$0x3FB0];
	_ =	sdelay $0x3  }
0x33: {  	p0 =	seq.s32 s10, $0x1;
	s10 =	sld [smem:$0x3FB2];
	_ =	sdelay $0x3  }
0x34: {  	[smem:$0x3FB2] =	sst s10  }
0x35: {  	s10 =	sld [smem:$0x3FB1];
	_ =	sdelay $0x3  }
0x36: {  	p1 =	seq.s32 s10, $0x1;
	s10 =	sld [smem:$0x3FB2];
	_ =	sdelay $0x3  }
0x37: {  	[smem:$0x3FB2] =	sst s10  }
0x38: {  	s10 =	sld [smem:$0x3FB3]  }
0x39: {  	_ = 	snop;
	(pc) =	sbr.ind lr, $3  }
0x3a: {  	_ = 	snop  }
0x3b: {  	_ = 	snop  }
0x3c: {  	p2 =	seq.s32 s10, $0x1;
	s10 =	sld [smem:$0x3FB2]  }
0x3d: {  	_ =	shalt  }
0x3e: {  	_ =	shalt  }
0x3f: {  	_ =	shalt  }
0x40: {  	_ =	shalt  }
0x41: {  	_ =	shalt  }
0x42: {  	_ =	shalt  }
0x43: {  	_ =	shalt  }
0x44: {  	_ =	shalt  }
0x45: {  	_ =	shalt  }
0x46: {  	_ =	shalt  }
0x47: {  	_ =	shalt  }
0x48: {  	_ =	shalt  }
0x49: {  	_ =	shalt  }
0x4a: {  	_ =	shalt  }
0x4b: {  	_ =	shalt  }
0x4c: {  	_ =	shalt  }
0x4d: {  	_ =	shalt  }
0x4e: {  	_ =	shalt  }
0x4f: {  	_ =	shalt  }
0x50: {  	_ =	shalt  }
0x51: {  	_ =	shalt  }
0x52: {  	_ =	shalt  }
0x53: {  	_ =	shalt  }
0x54: {  	_ =	shalt  }
0x55: {  	_ =	shalt  }
0x56: {  	_ =	shalt  }
0x57: {  	_ =	shalt  }
0x58: {  	_ =	shalt  }
0x59: {  	_ =	shalt  }
0x5a: {  	_ =	shalt  }
0x5b: {  	_ =	shalt  }
0x5c: {  	_ =	shalt  }
0x5d: {  	_ =	shalt  }
0x5e: {  	_ =	shalt  }
0x5f: {  	_ =	shalt  }
0x60: {  	_ =	shalt  }
0x61: {  	_ =	shalt  }
0x62: {  	_ =	shalt  }
0x63: {  	_ =	shalt  }
0x64: {  	_ =	shalt  }
0x65: {  	_ =	shalt  }
0x66: {  	_ =	shalt  }
0x67: {  	_ =	shalt  }
0x68: {  	_ =	shalt  }
0x69: {  	_ =	shalt  }
0x6a: {  	_ =	shalt  }
0x6b: {  	_ =	shalt  }
0x6c: {  	_ =	shalt  }
0x6d: {  	_ =	shalt  }
0x6e: {  	_ =	shalt  }
0x6f: {  	_ =	shalt  }
0x70: {  	_ =	shalt  }
0x71: {  	_ =	shalt  }
0x72: {  	_ =	shalt  }
0x73: {  	_ =	shalt  }
0x74: {  	_ =	shalt  }
0x75: {  	_ =	shalt  }
0x76: {  	_ =	shalt  }
0x77: {  	_ =	shalt  }
0x78: {  	_ =	shalt  }
0x79: {  	_ =	shalt  }
0x7a: {  	_ =	shalt  }
0x7b: {  	_ =	shalt  }
0x7c: {  	_ =	shalt  }
0x7d: {  	_ =	shalt  }
0x7e: {  	_ =	shalt  }
0x7f: {  	_ =	shalt  }
0x80: {  	_ =	shalt  }
0x81: {  	_ =	shalt  }
0x82: {  	_ =	shalt  }
0x83: {  	_ =	shalt  }
0x84: {  	_ =	shalt  }
0x85: {  	_ =	shalt  }
0x86: {  	_ =	shalt  }
0x87: {  	_ =	shalt  }
.Lfunc_end0:
.L_simem_size_0:
called_computation.4_lowered:
.L_overlay_start_0:
0x88: {  	s2 =	sld [smem:$0x3FD9]  }
0x89: {  	s3 =	sld [smem:$0x3FFE];
	_ =	sdelay $0x1  }
0x8a: {  	s1 =	srdreg.scid  }
0x8b: {  	s0 =	sand.u32 $0x1, s1  }
0x8c: {  	s17 =	sshll.u32 s0, $0xA;
	s2 =	sadd.s32 s3, s2  }
0x8d: {  	s2 =	sadd.s32 s2, s17  }
0x8e: {  	[smem:$0x3FBE] =	sst s2  }
0x8f: {  	_ = 	snop  }
0x90: {  	s18 =	sld [smem:$0x3FD0];
	(tm) =	ssettm $0x1  }
0x91: {  	s19 =	sld [smem:$0x3FFB];
	_ =	sdelay $0x3  }
0x92: {  	_ =	strace s19  }
0x93: {  	s2 =	sld [smem:$0x3FFC];
	_ =	sdelay $0x3  }
0x94: {  	_ =	strace s2  }
0x95: {  	s2 =	sld [smem:$0x3FFD];
	_ =	sdelay $0x3  }
0x96: {  	_ =	strace s2  }
0x97: {  	_ =	strace $0x8FFFFFFF  }
0x98: {  	s20 =	sld [smem:$0x3FDB];
	_ =	sdelay $0x1  }
0x99: {  	s4 =	simm.s32 $_scs_section_size  }
0x9a: {  	s5 =	simm.s32 $_size__tile_overlayer_lowered;
	s6 =	simm.s32 $_tile_overlayer_lowered  }
0x9b: {  	s7 =	simm.s32 $0x1BFF;
	s21 =	sshll.u32 s6, $0x1;
	s4 =	sadd.s32 s4, s20  }
0x9c: {  	s22 =	simm.s32 $0x0;
	s5 =	sshll.u32 s5, $0x1;
	s6 =	sadd.s32 s21, s4  }
0x9d: {  	[timem:s22], [sflag:s7] =	dma.local [hbm:s6], s5  }
0x9e: {  	_ =	swait.ge [sflag:s7], s5  }
0x9f: {  	s5 =	ssub.s32 $0x0, s5;
	[sflag:s7] =	ssyncset.done $0x0  }
0xa0: {  	[sflag:s7] =	ssyncadd.s32 s5;
	_ =	sdelay $0x1  }
0xa1: {  	s23 =	simm.s32 $0x1B8B  }
0xa2: {  	_ =	swait.ge [sflag:s23], $0x1  }
0xa3: {  	[sflag:s23] =	ssyncset.done $0x0  }
0xa4: {  	[sflag:s23] =	ssyncadd.s32 $0xFFFFFFFF  }
0xa5: {  	s5 =	sld [smem:$0x0]  }
0xa6: {  	s6 =	sand.u32 $0xFFFFFFFE, s1  }
0xa7: {  	p0 =	sne.s32 s1, s6  }
0xa8: {  	s6 =	sshll.u32 @p0 s6, $0xE  }
0xa9: {  	s6 =	sadd.s32 @p0 $0x11B8D, s6;
	s7 =	sshll.u32 @p0 s5, $0x11  }
0xaa: {  	s6 =	sor.u32 @p0 s7, s6  }
0xab: {  	[sflag:s6] =	ssyncadd.remote.s32 @p0 $0x1;
	_ =	sdelay $0x1  }
0xac: {  	s6 =	simm.s32 @p0 $0x1B8D  }
0xad: {  	_ =	swait.eq @p0 [sflag:s6], $0x1  }
0xae: {  	[sflag:s6] =	ssyncadd.s32 @p0 $0xFFFFFFFF  }
0xaf: {  	s7 =	sshll.u32 @!p0 s1, $0xE  }
0xb0: {  	s7 =	sor.u32 @!p0 $0x4000, s7;
	s6 =	simm.s32 @!p0 $0x1B8D  }
0xb1: {  	s5 =	sshll.u32 @!p0 s5, $0x11;
	s7 =	sadd.s32 @!p0 $0x11B8D, s7;
	_ =	swait.eq @!p0 [sflag:s6], $0x1  }
0xb2: {  	s5 =	sor.u32 @!p0 s5, s7;
	[sflag:s6] =	ssyncadd.s32 @!p0 $0xFFFFFFFF  }
0xb3: {  	s25 =	simm.s32 $0x1B8E;
	s24 =	sld [smem:$0x3FFE];
	[sflag:s5] =	ssyncadd.remote.s32 @!p0 $0x1  }
0xb4: {  	s26 =	simm.s32 $execute0_lowered;
	[smem:$0x3FD2] =	sst s25  }
0xb5: {  	s6 =	sshll.u32 s26, $0x1;
	_ =	strace $0x8000004F;
	[dreg:$0x1] =	wrdreg $0xFFFFFFFF  }
0xb6: {  	s28 =	simm.s32 $_size_execute0_lowered;
	s4 =	sadd.s32 s4, s6;
	[dreg:$0x0] =	wrdreg $0x0  }
0xb7: {  	s6 =	sshll.u32 s28, $0x1;
	[dreg:$0x2] =	wrdreg s4  }
0xb8: {  	[dreg:$0x3] =	wrdreg s6  }
0xb9: {  	[dreg:$0x4] =	wrdreg $0xC0  }
0xba: {  	_ =	task [dreg:s22], $0x5FFFF  }
0xbb: {  	[dreg:$0x1] =	wrdreg $0xFFFFFFFF  }
0xbc: {  	[dreg:$0x0] =	wrdreg $0x60  }
0xbd: {  	[dreg:$0x2] =	wrdreg s24  }
0xbe: {  	[dreg:$0x3] =	wrdreg s18  }
0xbf: {  	[dreg:$0x4] =	wrdreg $0x85000  }
0xc0: {  	[dreg:$0x5] =	wrdreg $0xA  }
0xc1: {  	_ =	task.clear_ibuf [dreg:s22], $0x6FFFF;
	_ =	strace $0x9000004F  }
0xc2: {  	s29 =	simm.s32 $0xA;
	_ =	strace $0x80000051  }
0xc3: {  	_ =	swait.ge [sflag:s29], $0x1  }
0xc4: {  	[sflag:s29] =	ssyncadd.s32 $0xFFFFFFFF  }
0xc5: {  	_ =	strace $0x90000051  }
0xc6: {  	_ =	sfence  }
0xc7: {  	s30 =	sld [smem:$0x0];
	_ =	sdelay $0x2  }
0xc8: {  	s31 =	sshll.u32 s1, $0xD;
	s1 =	sshrl.u32 s1, $0x2  }
0xc9: {  	s4 =	sand.u32 $0x4000, s31;
	s1 =	sadd.s32 s1, s30  }
0xca: {  	s0 =	sor.u32 s4, s0;
	s1 =	sshll.u32 s1, $0x11  }
0xcb: {  	s0 =	sor.u32 s1, s0  }
0xcc: {  	s0 =	sadd.s32 $0x8F2B, s0  }
0xcd: {  	[sflag:s0] =	ssyncadd.remote.s32 $0x1  }
0xce: {  	_ =	sfence.sel $0xFFFF  }
0xcf: {  	[dreg:$0x0] =	wrdreg $0xFFFFFFFF;
	(pc) =	sbr.abs _section_cstart, $3  }
0xd0: {  	[dreg:$0x1] =	wrdreg $0xFFFFFFFF  }
0xd1: {  	_ =	task.clear_ibuf [dreg:s22], $0x2FFFF;
	_ =	strace $0x9FFFFFFF  }
0xd2: {  	(tm) =	ssettm $0x7FFFFFFF  }
0xd3: {  	_ =	shalt  }
tec
execute0_lowered:
.L_overlay_start_1:
0x0: {  	(tag) =	ssettag $0x1  }
0x1: {  	s4 =	rddreg [dreg:$0x0]  }
0x2: {  	s5 =	rddreg [dreg:$0x1]  }
0x3: {  	s2 =	rddreg [dreg:$0x2]  }
0x4: {  	s0 =	srdreg.scid;
	s3 =	simm.s32 $0x0;
	s1 =	stileid.u32  }
0x5: {  	s0 =	sand.u32 $0x1, s0;
	s6 =	sshll.u32 s1, $0x5;
	s8 =	smul.u32 $0x9C40, s1  }
0x6: {  	[smem:$0x7FF] =	sst s3;
	s7 =	sshll.u32 s0, $0x4;
	s19 =	smul.u32 $0x9C400, s0  }
0x7: {  	_ =	strace $0x80000050;
	s6 =	sor.u32 s7, s6;
	s10 =	sshrl.u32 s8, $0x3  }
0x8: {  	s9 =	sshll.u32 s6, $0x4;
	s6 =	smul.u32 $0x7D0, s6;
	s7 =	sadd.s32 s8, s19  }
0x9: {  	s5 =	sadd.s32 s5, s10;
	s9 =	sadd.s32 s9, s4;
	s7 =	sshrl.u32 s7, $0x3  }
0xa: {  	[dreg:$0x5] =	wrdreg s5;
	s9 =	sadd.s32 $0x2A1E00, s9;
	s7 =	sadd.s32 s7, s4  }
0xb: {  	[dreg:$0x4] =	wrdreg s9;
	s20 =	sadd.s32 $0x2FE00, s7  }
0xc: {  	s26 =	sadd.s32 s6, s4;
	[dreg:$0x6] =	wrdreg s20  }
0xd: {  	s4 =	sadd.s32 $0x2A5E00, s26;
	s21 =	rddreg [dreg:$0x4]  }
0xe: {  	s22 =	sadd.s32 $0x2A7D40, s26;
	[dreg:$0x7] =	wrdreg s4  }
0xf: {  	[dreg:$0x8] =	wrdreg s22;
	s4 =	simm.s32 $0x2  }
0x10: {  	[tilespmem:s3], [sflag:$0x2] =	stream.linear.gather [hbm4b:s21+s3], $0x800, $0x38;
	[tilespmem:$0x12140] =	vst v63  }
0x11: {  	s25 =	sshll.u32 s1, $0x6;
	_ =	swait.ge [sflag:s4], $0x800  }
0x12: {  	s24 =	sadd.s32 s8, s2;
	s5 =	sor.u32 $0x1C02, s25;
	[sflag:s4] =	ssyncset.done $0x0  }
0x13: {  	s6 =	sshrl.u32 s24, $0x3;
	s23 =	rddreg [dreg:$0x5];
	[sflag:s4] =	ssyncadd.s32 $0xFFFFF800  }
0x14: {  	[spmem:s6], [sflag:s5] =	dma.local [hbm:s23], $0x1388  }
0x15: {  	_ =	swait.ge [sflag:s4], $0x1388  }
0x16: {  	[sflag:s4] =	ssyncset.done $0x0  }
0x17: {  	[sflag:s4] =	ssyncadd.s32 $0xFFFFEC78  }
0x18: {  	s8 =	simm.s32 $0x80;
	s10 =	simm.s32 $0x1;
	[bflag:$0x0] =	sbarrier.arrive $0xFFFF  }
0x19: {  	s7 =	simm.s32 $0x40;
	s9 =	simm.s32 $0x800;
	s11 =	rddreg [dreg:$0x7]  }
0x1a: {  	[tilespmem:s9], [sflag:$0x1] =	stream.strided.gather [hbm4b:s11+s7], $0x7D00, s8, s7, $0x38;
	[tilespmem:$0x12140] =	vst v63  }
0x1b: {  	_ =	swait.ge [sflag:s10], $0x7D00  }
0x1c: {  	[sflag:s10] =	ssyncset.done $0x0  }
0x1d: {  	s11 =	simm.s32 $0x7D;
	[sflag:s10] =	ssyncadd.s32 $0xFFFF8300  }
0x1e: {  	[spmem:s2] =	stream.indirect.scatter.add.f32 [tilespmem:s9], [sflag:$0x2], $0x40, s3, s11, $0xb8;
	[tilespmem:$0x12140] =	vst v63  }
0x1f: {  	_ =	swait.ge [sflag:s4], $0x1F40  }
0x20: {  	[sflag:s4] =	ssyncset.done $0x0  }
0x21: {  	s12 =	simm.s32 $0x2740;
	[sflag:s4] =	ssyncadd.s32 $0xFFFFE0C0  }
0x22: {  	[spmem:s2] =	stream.indirect.scatter.add.f32 [tilespmem:s12], [sflag:$0x2], $0x40, s8, s11, $0xb8;
	[tilespmem:$0x12140] =	vst v63  }
0x23: {  	_ =	swait.ge [sflag:s4], $0x1F40  }
0x24: {  	[sflag:s4] =	ssyncset.done $0x0  }
0x25: {  	s13 =	simm.s32 $0x100;
	s14 =	simm.s32 $0x4680;
	[sflag:s4] =	ssyncadd.s32 $0xFFFFE0C0  }
0x26: {  	[spmem:s2] =	stream.indirect.scatter.add.f32 [tilespmem:s14], [sflag:$0x2], $0x40, s13, s11, $0xb8;
	[tilespmem:$0x12140] =	vst v63  }
0x27: {  	_ =	swait.ge [sflag:s4], $0x1F40  }
0x28: {  	[sflag:s4] =	ssyncset.done $0x0  }
0x29: {  	s15 =	simm.s32 $0x180;
	s16 =	simm.s32 $0x65C0;
	[sflag:s4] =	ssyncadd.s32 $0xFFFFE0C0  }
0x2a: {  	[spmem:s2] =	stream.indirect.scatter.add.f32 [tilespmem:s16], [sflag:$0x2], $0x40, s15, s11, $0xb8;
	[tilespmem:$0x12140] =	vst v63  }
0x2b: {  	_ =	swait.ge [sflag:s4], $0x1F40  }
0x2c: {  	[sflag:s4] =	ssyncset.done $0x0  }
0x2d: {  	s17 =	rddreg [dreg:$0x8];
	[sflag:s4] =	ssyncadd.s32 $0xFFFFE0C0  }
0x2e: {  	[tilespmem:s9], [sflag:$0x1] =	stream.strided.gather [hbm4b:s17+s7], $0x7D00, s8, s7, $0x38;
	[tilespmem:$0x12140] =	vst v63  }
0x2f: {  	_ =	swait.ge [sflag:s10], $0x7D00  }
0x30: {  	[sflag:s10] =	ssyncset.done $0x0  }
0x31: {  	s17 =	simm.s32 $0x200;
	[sflag:s10] =	ssyncadd.s32 $0xFFFF8300  }
0x32: {  	[spmem:s2] =	stream.indirect.scatter.add.f32 [tilespmem:s9], [sflag:$0x2], $0x40, s17, s11, $0xb8;
	[tilespmem:$0x12140] =	vst v63  }
0x33: {  	_ =	swait.ge [sflag:s4], $0x1F40  }
0x34: {  	[sflag:s4] =	ssyncset.done $0x0  }
0x35: {  	s18 =	simm.s32 $0x280;
	[sflag:s4] =	ssyncadd.s32 $0xFFFFE0C0  }
0x36: {  	[spmem:s2] =	stream.indirect.scatter.add.f32 [tilespmem:s12], [sflag:$0x2], $0x40, s18, s11, $0xb8;
	[tilespmem:$0x12140] =	vst v63  }
0x37: {  	_ =	swait.ge [sflag:s4], $0x1F40  }
0x38: {  	[sflag:s4] =	ssyncset.done $0x0  }
0x39: {  	s19 =	simm.s32 $0x300;
	[sflag:s4] =	ssyncadd.s32 $0xFFFFE0C0  }
0x3a: {  	[spmem:s2] =	stream.indirect.scatter.add.f32 [tilespmem:s14], [sflag:$0x2], $0x40, s19, s11, $0xb8;
	[tilespmem:$0x12140] =	vst v63  }
0x3b: {  	_ =	swait.ge [sflag:s4], $0x1F40  }
0x3c: {  	[sflag:s4] =	ssyncset.done $0x0  }
0x3d: {  	s20 =	simm.s32 $0x380;
	[sflag:s4] =	ssyncadd.s32 $0xFFFFE0C0  }
0x3e: {  	[spmem:s2] =	stream.indirect.scatter.add.f32 [tilespmem:s16], [sflag:$0x2], $0x40, s20, s11, $0xb8;
	[tilespmem:$0x12140] =	vst v63  }
0x3f: {  	_ =	swait.ge [sflag:s4], $0x1F40  }
0x40: {  	[sflag:s4] =	ssyncset.done $0x0  }
0x41: {  	s21 =	sadd.s32 $0x2A9C80, s26;
	[sflag:s4] =	ssyncadd.s32 $0xFFFFE0C0  }
0x42: {  	[tilespmem:s9], [sflag:$0x1] =	stream.strided.gather [hbm4b:s21+s7], $0x7D00, s8, s7, $0x38;
	[tilespmem:$0x12140] =	vst v63  }
0x43: {  	_ =	swait.ge [sflag:s10], $0x7D00  }
0x44: {  	[sflag:s10] =	ssyncset.done $0x0  }
0x45: {  	s22 =	simm.s32 $0x400;
	[sflag:s10] =	ssyncadd.s32 $0xFFFF8300  }
0x46: {  	[spmem:s2] =	stream.indirect.scatter.add.f32 [tilespmem:s9], [sflag:$0x2], $0x40, s22, s11, $0xb8;
	[tilespmem:$0x12140] =	vst v63  }
0x47: {  	_ =	swait.ge [sflag:s4], $0x1F40  }
0x48: {  	[sflag:s4] =	ssyncset.done $0x0  }
0x49: {  	s23 =	simm.s32 $0x480;
	[sflag:s4] =	ssyncadd.s32 $0xFFFFE0C0  }
0x4a: {  	[spmem:s2] =	stream.indirect.scatter.add.f32 [tilespmem:s12], [sflag:$0x2], $0x40, s23, s11, $0xb8;
	[tilespmem:$0x12140] =	vst v63  }
0x4b: {  	_ =	swait.ge [sflag:s4], $0x1F40  }
0x4c: {  	[sflag:s4] =	ssyncset.done $0x0  }
0x4d: {  	s24 =	simm.s32 $0x500;
	[sflag:s4] =	ssyncadd.s32 $0xFFFFE0C0  }
0x4e: {  	[spmem:s2] =	stream.indirect.scatter.add.f32 [tilespmem:s14], [sflag:$0x2], $0x40, s24, s11, $0xb8;
	[tilespmem:$0x12140] =	vst v63  }
0x4f: {  	_ =	swait.ge [sflag:s4], $0x1F40  }
0x50: {  	[sflag:s4] =	ssyncset.done $0x0  }
0x51: {  	s25 =	simm.s32 $0x580;
	[sflag:s4] =	ssyncadd.s32 $0xFFFFE0C0  }
0x52: {  	[spmem:s2] =	stream.indirect.scatter.add.f32 [tilespmem:s16], [sflag:$0x2], $0x40, s25, s11, $0xb8;
	[tilespmem:$0x12140] =	vst v63  }
0x53: {  	_ =	swait.ge [sflag:s4], $0x1F40  }
0x54: {  	[sflag:s4] =	ssyncset.done $0x0  }
0x55: {  	s26 =	sadd.s32 $0x2ABBC0, s26;
	[sflag:s4] =	ssyncadd.s32 $0xFFFFE0C0  }
0x56: {  	[tilespmem:s9], [sflag:$0x1] =	stream.strided.gather [hbm4b:s26+s7], $0x7D00, s8, s7, $0x38;
	[tilespmem:$0x12140] =	vst v63  }
0x57: {  	_ =	swait.ge [sflag:s10], $0x7D00  }
0x58: {  	[sflag:s10] =	ssyncset.done $0x0  }
0x59: {  	s28 =	simm.s32 $0x600;
	[sflag:s10] =	ssyncadd.s32 $0xFFFF8300  }
0x5a: {  	[spmem:s2] =	stream.indirect.scatter.add.f32 [tilespmem:s9], [sflag:$0x2], $0x40, s28, s11, $0xb8;
	[tilespmem:$0x12140] =	vst v63  }
0x5b: {  	_ =	swait.ge [sflag:s4], $0x1F40  }
0x5c: {  	[sflag:s4] =	ssyncset.done $0x0  }
0x5d: {  	s29 =	simm.s32 $0x680;
	[sflag:s4] =	ssyncadd.s32 $0xFFFFE0C0  }
0x5e: {  	[spmem:s2] =	stream.indirect.scatter.add.f32 [tilespmem:s12], [sflag:$0x2], $0x40, s29, s11, $0xb8;
	[tilespmem:$0x12140] =	vst v63  }
0x5f: {  	_ =	swait.ge [sflag:s4], $0x1F40  }
0x60: {  	[sflag:s4] =	ssyncset.done $0x0  }
0x61: {  	s30 =	simm.s32 $0x700;
	[sflag:s4] =	ssyncadd.s32 $0xFFFFE0C0  }
0x62: {  	[spmem:s2] =	stream.indirect.scatter.add.f32 [tilespmem:s14], [sflag:$0x2], $0x40, s30, s11, $0xb8;
	[tilespmem:$0x12140] =	vst v63  }
0x63: {  	_ =	swait.ge [sflag:s4], $0x1F40  }
0x64: {  	[sflag:s4] =	ssyncset.done $0x0  }
0x65: {  	s31 =	simm.s32 $0x780;
	[sflag:s4] =	ssyncadd.s32 $0xFFFFE0C0  }
0x66: {  	[spmem:s2] =	stream.indirect.scatter.add.f32 [tilespmem:s16], [sflag:$0x2], $0x40, s31, s11, $0xb8;
	[tilespmem:$0x12140] =	vst v63  }
0x67: {  	_ =	swait.ge [sflag:s4], $0x1F40  }
0x68: {  	[sflag:s4] =	ssyncset.done $0x0  }
0x69: {  	[sflag:s4] =	ssyncadd.s32 $0xFFFFE0C0  }
0x6a: {  	[bflag:$0x0] =	sbarrier.arrive $0xFFFF  }
0x6b: {  	s0 =	ssub.s32 $0x2, s0;
	s1 =	rddreg [dreg:$0x6]  }
0x6c: {  	[dreg:$0x9] =	wrdreg s1;
	s1 =	sshrl.u32 s0, $0x1  }
0x6d: {  	s0 =	ssub.s32 s0, s1  }
0x6e: {  	s0 =	smax.u32 s0, $0x1  }
0x6f: {  	p0 =	sne.s32 s0, $0x1  }
.Ltmp0:
0x70: {  	_ = 	snop;
	(pc) =	sbr.rel @!p0 .LBB2_2-.Ltmp0, $4  }
0x71: {  	_ = 	snop  }
0x72: {  	s1 =	rddreg [dreg:$0x9]  }
0x73: {  	[hbm:s1], [sflag:s5] =	dma.local [spmem:s6], $0x1388  }
0x74: {  	s0 =	sadd.s32 $0xFFFFFFFF, s0;
	_ =	swait.ge [sflag:s4], $0x1388  }
.LBB2_1:
0x75: {  	[sflag:s4] =	ssyncset.done $0x0  }
0x76: {  	s1 =	rddreg [dreg:$0x4];
	[sflag:s4] =	ssyncadd.s32 $0xFFFFEC78  }
0x77: {  	[tilespmem:s3], [sflag:$0x2] =	stream.linear.gather [hbm4b:s1+s3], $0x800, $0x38;
	[tilespmem:$0x12140] =	vst v63  }
0x78: {  	_ =	swait.ge [sflag:s4], $0x800  }
0x79: {  	[sflag:s4] =	ssyncset.done $0x0  }
0x7a: {  	s1 =	rddreg [dreg:$0x5];
	[sflag:s4] =	ssyncadd.s32 $0xFFFFF800  }
0x7b: {  	[spmem:s6], [sflag:s5] =	dma.local [hbm:s1], $0x1388  }
0x7c: {  	_ =	swait.ge [sflag:s4], $0x1388  }
0x7d: {  	[sflag:s4] =	ssyncset.done $0x0  }
0x7e: {  	[sflag:s4] =	ssyncadd.s32 $0xFFFFEC78  }
0x7f: {  	[bflag:$0x0] =	sbarrier.arrive $0xFFFF  }
0x80: {  	s1 =	rddreg [dreg:$0x7]  }
0x81: {  	[tilespmem:s9], [sflag:$0x1] =	stream.strided.gather [hbm4b:s1+s7], $0x7D00, s8, s7, $0x38;
	[tilespmem:$0x12140] =	vst v63  }
0x82: {  	_ =	swait.ge [sflag:s10], $0x7D00  }
0x83: {  	[sflag:s10] =	ssyncset.done $0x0  }
0x84: {  	[sflag:s10] =	ssyncadd.s32 $0xFFFF8300  }
0x85: {  	[spmem:s2] =	stream.indirect.scatter.add.f32 [tilespmem:s9], [sflag:$0x2], $0x40, s3, s11, $0xb8;
	[tilespmem:$0x12140] =	vst v63  }
0x86: {  	_ =	swait.ge [sflag:s4], $0x1F40  }
0x87: {  	[sflag:s4] =	ssyncset.done $0x0  }
0x88: {  	[sflag:s4] =	ssyncadd.s32 $0xFFFFE0C0  }
0x89: {  	[spmem:s2] =	stream.indirect.scatter.add.f32 [tilespmem:s12], [sflag:$0x2], $0x40, s8, s11, $0xb8;
	[tilespmem:$0x12140] =	vst v63  }
0x8a: {  	_ =	swait.ge [sflag:s4], $0x1F40  }
0x8b: {  	[sflag:s4] =	ssyncset.done $0x0  }
0x8c: {  	[sflag:s4] =	ssyncadd.s32 $0xFFFFE0C0  }
0x8d: {  	[spmem:s2] =	stream.indirect.scatter.add.f32 [tilespmem:s14], [sflag:$0x2], $0x40, s13, s11, $0xb8;
	[tilespmem:$0x12140] =	vst v63  }
0x8e: {  	_ =	swait.ge [sflag:s4], $0x1F40  }
0x8f: {  	[sflag:s4] =	ssyncset.done $0x0  }
0x90: {  	[sflag:s4] =	ssyncadd.s32 $0xFFFFE0C0  }
0x91: {  	[spmem:s2] =	stream.indirect.scatter.add.f32 [tilespmem:s16], [sflag:$0x2], $0x40, s15, s11, $0xb8;
	[tilespmem:$0x12140] =	vst v63  }
0x92: {  	_ =	swait.ge [sflag:s4], $0x1F40  }
0x93: {  	[sflag:s4] =	ssyncset.done $0x0  }
0x94: {  	s1 =	rddreg [dreg:$0x8];
	[sflag:s4] =	ssyncadd.s32 $0xFFFFE0C0  }
0x95: {  	[tilespmem:s9], [sflag:$0x1] =	stream.strided.gather [hbm4b:s1+s7], $0x7D00, s8, s7, $0x38;
	[tilespmem:$0x12140] =	vst v63  }
0x96: {  	_ =	swait.ge [sflag:s10], $0x7D00  }
0x97: {  	[sflag:s10] =	ssyncset.done $0x0  }
0x98: {  	[sflag:s10] =	ssyncadd.s32 $0xFFFF8300  }
0x99: {  	[spmem:s2] =	stream.indirect.scatter.add.f32 [tilespmem:s9], [sflag:$0x2], $0x40, s17, s11, $0xb8;
	[tilespmem:$0x12140] =	vst v63  }
0x9a: {  	_ =	swait.ge [sflag:s4], $0x1F40  }
0x9b: {  	[sflag:s4] =	ssyncset.done $0x0  }
0x9c: {  	[sflag:s4] =	ssyncadd.s32 $0xFFFFE0C0  }
0x9d: {  	[spmem:s2] =	stream.indirect.scatter.add.f32 [tilespmem:s12], [sflag:$0x2], $0x40, s18, s11, $0xb8;
	[tilespmem:$0x12140] =	vst v63  }
0x9e: {  	_ =	swait.ge [sflag:s4], $0x1F40  }
0x9f: {  	[sflag:s4] =	ssyncset.done $0x0  }
0xa0: {  	[sflag:s4] =	ssyncadd.s32 $0xFFFFE0C0  }
0xa1: {  	[spmem:s2] =	stream.indirect.scatter.add.f32 [tilespmem:s14], [sflag:$0x2], $0x40, s19, s11, $0xb8;
	[tilespmem:$0x12140] =	vst v63  }
0xa2: {  	_ =	swait.ge [sflag:s4], $0x1F40  }
0xa3: {  	[sflag:s4] =	ssyncset.done $0x0  }
0xa4: {  	[sflag:s4] =	ssyncadd.s32 $0xFFFFE0C0  }
0xa5: {  	[spmem:s2] =	stream.indirect.scatter.add.f32 [tilespmem:s16], [sflag:$0x2], $0x40, s20, s11, $0xb8;
	[tilespmem:$0x12140] =	vst v63  }
0xa6: {  	_ =	swait.ge [sflag:s4], $0x1F40  }
0xa7: {  	[sflag:s4] =	ssyncset.done $0x0  }
0xa8: {  	[sflag:s4] =	ssyncadd.s32 $0xFFFFE0C0  }
0xa9: {  	[tilespmem:s9], [sflag:$0x1] =	stream.strided.gather [hbm4b:s21+s7], $0x7D00, s8, s7, $0x38;
	[tilespmem:$0x12140] =	vst v63  }
0xaa: {  	_ =	swait.ge [sflag:s10], $0x7D00  }
0xab: {  	[sflag:s10] =	ssyncset.done $0x0  }
0xac: {  	[sflag:s10] =	ssyncadd.s32 $0xFFFF8300  }
0xad: {  	[spmem:s2] =	stream.indirect.scatter.add.f32 [tilespmem:s9], [sflag:$0x2], $0x40, s22, s11, $0xb8;
	[tilespmem:$0x12140] =	vst v63  }
0xae: {  	_ =	swait.ge [sflag:s4], $0x1F40  }
0xaf: {  	[sflag:s4] =	ssyncset.done $0x0  }
0xb0: {  	[sflag:s4] =	ssyncadd.s32 $0xFFFFE0C0  }
0xb1: {  	[spmem:s2] =	stream.indirect.scatter.add.f32 [tilespmem:s12], [sflag:$0x2], $0x40, s23, s11, $0xb8;
	[tilespmem:$0x12140] =	vst v63  }
0xb2: {  	_ =	swait.ge [sflag:s4], $0x1F40  }
0xb3: {  	[sflag:s4] =	ssyncset.done $0x0  }
0xb4: {  	[sflag:s4] =	ssyncadd.s32 $0xFFFFE0C0  }
0xb5: {  	[spmem:s2] =	stream.indirect.scatter.add.f32 [tilespmem:s14], [sflag:$0x2], $0x40, s24, s11, $0xb8;
	[tilespmem:$0x12140] =	vst v63  }
0xb6: {  	_ =	swait.ge [sflag:s4], $0x1F40  }
0xb7: {  	[sflag:s4] =	ssyncset.done $0x0  }
0xb8: {  	[sflag:s4] =	ssyncadd.s32 $0xFFFFE0C0  }
0xb9: {  	[spmem:s2] =	stream.indirect.scatter.add.f32 [tilespmem:s16], [sflag:$0x2], $0x40, s25, s11, $0xb8;
	[tilespmem:$0x12140] =	vst v63  }
0xba: {  	_ =	swait.ge [sflag:s4], $0x1F40  }
0xbb: {  	[sflag:s4] =	ssyncset.done $0x0  }
0xbc: {  	[sflag:s4] =	ssyncadd.s32 $0xFFFFE0C0  }
0xbd: {  	[tilespmem:s9], [sflag:$0x1] =	stream.strided.gather [hbm4b:s26+s7], $0x7D00, s8, s7, $0x38;
	[tilespmem:$0x12140] =	vst v63  }
0xbe: {  	_ =	swait.ge [sflag:s10], $0x7D00  }
0xbf: {  	[sflag:s10] =	ssyncset.done $0x0  }
0xc0: {  	[sflag:s10] =	ssyncadd.s32 $0xFFFF8300  }
0xc1: {  	[spmem:s2] =	stream.indirect.scatter.add.f32 [tilespmem:s9], [sflag:$0x2], $0x40, s28, s11, $0xb8;
	[tilespmem:$0x12140] =	vst v63  }
0xc2: {  	_ =	swait.ge [sflag:s4], $0x1F40  }
0xc3: {  	[sflag:s4] =	ssyncset.done $0x0  }
0xc4: {  	[sflag:s4] =	ssyncadd.s32 $0xFFFFE0C0  }
0xc5: {  	[spmem:s2] =	stream.indirect.scatter.add.f32 [tilespmem:s12], [sflag:$0x2], $0x40, s29, s11, $0xb8;
	[tilespmem:$0x12140] =	vst v63  }
0xc6: {  	_ =	swait.ge [sflag:s4], $0x1F40  }
0xc7: {  	[sflag:s4] =	ssyncset.done $0x0  }
0xc8: {  	[sflag:s4] =	ssyncadd.s32 $0xFFFFE0C0  }
0xc9: {  	[spmem:s2] =	stream.indirect.scatter.add.f32 [tilespmem:s14], [sflag:$0x2], $0x40, s30, s11, $0xb8;
	[tilespmem:$0x12140] =	vst v63  }
0xca: {  	_ =	swait.ge [sflag:s4], $0x1F40  }
0xcb: {  	[sflag:s4] =	ssyncset.done $0x0  }
0xcc: {  	[sflag:s4] =	ssyncadd.s32 $0xFFFFE0C0  }
0xcd: {  	[spmem:s2] =	stream.indirect.scatter.add.f32 [tilespmem:s16], [sflag:$0x2], $0x40, s31, s11, $0xb8;
	[tilespmem:$0x12140] =	vst v63  }
0xce: {  	_ =	swait.ge [sflag:s4], $0x1F40  }
0xcf: {  	p0 =	sne.s32 s0, $0x1;
	[sflag:s4] =	ssyncset.done $0x0  }
.Ltmp1:
0xd0: {  	[sflag:s4] =	ssyncadd.s32 $0xFFFFE0C0;
	(pc) =	sbr.rel @p0 .LBB2_1-.Ltmp1, $4  }
0xd1: {  	[bflag:$0x0] =	sbarrier.arrive $0xFFFF  }
0xd2: {  	s1 =	rddreg [dreg:$0x6]  }
0xd3: {  	[hbm:s1], [sflag:s5] =	dma.local [spmem:s6], $0x1388  }
0xd4: {  	s0 =	sadd.s32 $0xFFFFFFFF, s0;
	_ =	swait.ge [sflag:s4], $0x1388  }
.LBB2_2:
0xd5: {  	[sflag:s4] =	ssyncset.done $0x0  }
0xd6: {  	[sflag:s4] =	ssyncadd.s32 $0xFFFFEC78  }
0xd7: {  	_ =	sfence.sel $0x180000  }
0xd8: {  	[bflag:$0x0] =	sbarrier.arrive $0xFFFF  }
0xd9: {  	_ =	strace $0x90000050  }
0xda: {  	s0 =	stileid.u32;
	[bflag:$0x2] =	sbarrier.arrive $0xFFFF  }
0xdb: {  	p0 =	sne.s32 s0, $0x0;
	s0 =	rddreg [dreg:$0x3]  }
0xdc: {  	s0 =	sadd.s32 @!p0 $0x100000, s0  }
0xdd: {  	[sflag:s0] =	ssyncadd.tile.s32 @!p0 $0x1;
	_ =	shalt  }
.Lfunc_end2:
_tile_overlayer_lowered:
.L_overlay_start_2:
0xde: {  	(tag) =	ssettag $0x2  }
0xdf: {  	s0 =	rddreg [dreg:$0x0];
	s2 =	stileid.u32  }
0xe0: {  	s1 =	rddreg [dreg:$0x1];
	p0 =	sne.s32 s2, $0x0  }
0xe1: {  	s3 =	rddreg [dreg:$0x2];
	[bflag:$0x3] =	sbarrier.arrive $0xFFFF;
	s2 =	simm.s32 @!p0 $0x1C02  }
0xe2: {  	[timem:s3], [sflag:s2] =	dma.local @!p0 [hbm:s0], s1  }
0xe3: {  	s0 =	simm.s32 @!p0 $0x2  }
0xe4: {  	_ =	swait.ge @!p0 [sflag:s0], s1  }
0xe5: {  	s1 =	ssub.s32 @!p0 $0x0, s1;
	[sflag:s0] =	ssyncset.done @!p0 $0x0  }
0xe6: {  	[sflag:s0] =	ssyncadd.s32 @!p0 s1  }
0xe7: {  	[bflag:$0x3] =	sbarrier.arrive $0xFFFF  }
0xe8: {  	_ =	shalt  }

// kernel: kernel.27.cloned.1.call-start
scs
__scs_entry_jumppad:
0x0: {  	(pc) =	sbr.rel $0x88, $3  }
0x1: {  	(tag) =	ssettag $0x0;
	lr =	simm.s32 $0x1  }
0x2: {  	[smem:$0x3F97] =	sst lr;
	_ =	strace $0xD0000000  }
0x3: {  	_ = 	snop  }
0x4: {  	_ = 	snop  }
0x5: {  	_ = 	snop  }
0x6: {  	_ = 	snop  }
0x7: {  	_ = 	snop  }
__scs_overlays_trampoline_lowered:
0x8: {  	[smem:$0x3FA6] =	sst s0  }
0x9: {  	[smem:$0x3FA7] =	sst s1  }
0xa: {  	[smem:$0x3FA8] =	sst s2  }
0xb: {  	[smem:$0x3FA9] =	sst s3  }
0xc: {  	[smem:$0x3FAA] =	sst s4  }
0xd: {  	[smem:$0x3FAB] =	sst s5  }
0xe: {  	[smem:$0x3FAC] =	sst s6  }
0xf: {  	[smem:$0x3FAD] =	sst s7  }
0x10: {  	[smem:$0x3FAE] =	sst s8  }
0x11: {  	[smem:$0x3FAF] =	sst s9;
	s0 =	simm.s32 @!p0 $0x0  }
0x12: {  	s1 =	sld [smem:$0x3F95];
	s0 =	simm.s32 @p0 $0x1  }
0x13: {  	[smem:$0x3FB0] =	sst s0;
	s0 =	simm.s32 @!p1 $0x0  }
0x14: {  	s2 =	sld [smem:$0x3F94];
	s0 =	simm.s32 @p1 $0x1  }
0x15: {  	[smem:$0x3FB1] =	sst s0;
	s0 =	simm.s32 @!p2 $0x0  }
0x16: {  	s3 =	sld [smem:$0x3FDB];
	s0 =	simm.s32 @p2 $0x1  }
0x17: {  	s4 =	simm.s32 $0x1BF5;
	[smem:$0x3FB3] =	sst s0  }
0x18: {  	s0 =	sld [smem:$0x3F96];
	_ =	swait.ge [sflag:s4], $0x0  }
0x19: {  	s7 =	sld [smem:$0x3F97]  }
0x1a: {  	s8 =	sadd.s32 $0xFFFFE003, lr  }
0x1b: {  	s9 =	sadd.s32 $0xFFFFFEF7, lr;
	s5 =	simm.s32 $0xFFFFFFFF;
	p2 =	slt.u32 s8, $0xFFFFF086  }
0x1c: {  	p1 =	slt.u32 s9, $0xF7A;
	s5 =	simm.s32 @!p2 $0x0  }
0x1d: {  	s5 =	simm.s32 @p1 $0x1;
	p0 =	seq.s32 s7, s2  }
0x1e: {  	s7 =	smul.u32 @!p0 $0xF7A, s2;
	p2 =	seq.s32 @!p0 s5, $0x0  }
0x1f: {  	s9 =	smul.u32 $0xF7A, s1;
	s8 =	simm.s32 @!p0 $0x1BF5;
	p2 =	por !p2, p0  }
0x20: {  	[sflag:s8] =	ssyncset.s32 @!p0 $0xFFFFF086;
	s6 =	sadd.s32 @!p0 s3, s7;
	s7 =	simm.s32 @!p0 $0x108  }
0x21: {  	s3 =	sadd.s32 s3, s9;
	s6 =	sadd.s32 @!p0 $0x88, s6;
	s7 =	simm.s32 @p2 $0x1082  }
0x22: {  	[simem:s7], [sflag:s8] =	dma.local @!p0 [hbm:s6], $0xF7A  }
0x23: {  	s9 =	sor.u32 $0xD0000000, s2;
	s6 =	simm.s32 $0x108;
	_ =	swait.ge @!p0 [sflag:s8], $0x0  }
0x24: {  	s3 =	sadd.s32 $0x88, s3;
	s6 =	simm.s32 @!p1 $0x1082;
	[sflag:s4] =	ssyncset.s32 $0xFFFFF086  }
0x25: {  	[simem:s6], [sflag:s4] =	dma.local [hbm:s3], $0xF7A  }
0x26: {  	[smem:$0x3F97] =	sst s1;
	(tag) =	ssettag s2;
	_ =	strace s9  }
0x27: {  	s1 =	sld [smem:$0x3FA7]  }
0x28: {  	s2 =	sld [smem:$0x3FA8]  }
0x29: {  	s4 =	sld [smem:$0x3FAA]  }
0x2a: {  	p0 =	seq.s32 s5, $0x0;
	s5 =	sld [smem:$0x3FAB]  }
0x2b: {  	s6 =	sld [smem:$0x3FAC]  }
0x2c: {  	s7 =	sld [smem:$0x3FAD]  }
0x2d: {  	s3 =	simm.s32 $0x108;
	s8 =	sld [smem:$0x3FAE]  }
0x2e: {  	s3 =	simm.s32 @!p0 $0x1082;
	s9 =	sld [smem:$0x3FAF]  }
0x2f: {  	lr =	sadd.s32 s0, s3;
	s0 =	sld [smem:$0x3FA6]  }
0x30: {  	s3 =	sld [smem:$0x3FA9]  }
0x31: {  	[smem:$0x3FB2] =	sst s10  }
0x32: {  	s10 =	sld [smem:$0x3FB0];
	_ =	sdelay $0x3  }
0x33: {  	p0 =	seq.s32 s10, $0x1;
	s10 =	sld [smem:$0x3FB2];
	_ =	sdelay $0x3  }
0x34: {  	[smem:$0x3FB2] =	sst s10  }
0x35: {  	s10 =	sld [smem:$0x3FB1];
	_ =	sdelay $0x3  }
0x36: {  	p1 =	seq.s32 s10, $0x1;
	s10 =	sld [smem:$0x3FB2];
	_ =	sdelay $0x3  }
0x37: {  	[smem:$0x3FB2] =	sst s10  }
0x38: {  	s10 =	sld [smem:$0x3FB3]  }
0x39: {  	_ = 	snop;
	(pc) =	sbr.ind lr, $3  }
0x3a: {  	_ = 	snop  }
0x3b: {  	_ = 	snop  }
0x3c: {  	p2 =	seq.s32 s10, $0x1;
	s10 =	sld [smem:$0x3FB2]  }
0x3d: {  	_ =	shalt  }
0x3e: {  	_ =	shalt  }
0x3f: {  	_ =	shalt  }
0x40: {  	_ =	shalt  }
0x41: {  	_ =	shalt  }
0x42: {  	_ =	shalt  }
0x43: {  	_ =	shalt  }
0x44: {  	_ =	shalt  }
0x45: {  	_ =	shalt  }
0x46: {  	_ =	shalt  }
0x47: {  	_ =	shalt  }
0x48: {  	_ =	shalt  }
0x49: {  	_ =	shalt  }
0x4a: {  	_ =	shalt  }
0x4b: {  	_ =	shalt  }
0x4c: {  	_ =	shalt  }
0x4d: {  	_ =	shalt  }
0x4e: {  	_ =	shalt  }
0x4f: {  	_ =	shalt  }
0x50: {  	_ =	shalt  }
0x51: {  	_ =	shalt  }
0x52: {  	_ =	shalt  }
0x53: {  	_ =	shalt  }
0x54: {  	_ =	shalt  }
0x55: {  	_ =	shalt  }
0x56: {  	_ =	shalt  }
0x57: {  	_ =	shalt  }
0x58: {  	_ =	shalt  }
0x59: {  	_ =	shalt  }
0x5a: {  	_ =	shalt  }
0x5b: {  	_ =	shalt  }
0x5c: {  	_ =	shalt  }
0x5d: {  	_ =	shalt  }
0x5e: {  	_ =	shalt  }
0x5f: {  	_ =	shalt  }
0x60: {  	_ =	shalt  }
0x61: {  	_ =	shalt  }
0x62: {  	_ =	shalt  }
0x63: {  	_ =	shalt  }
0x64: {  	_ =	shalt  }
0x65: {  	_ =	shalt  }
0x66: {  	_ =	shalt  }
0x67: {  	_ =	shalt  }
0x68: {  	_ =	shalt  }
0x69: {  	_ =	shalt  }
0x6a: {  	_ =	shalt  }
0x6b: {  	_ =	shalt  }
0x6c: {  	_ =	shalt  }
0x6d: {  	_ =	shalt  }
0x6e: {  	_ =	shalt  }
0x6f: {  	_ =	shalt  }
0x70: {  	_ =	shalt  }
0x71: {  	_ =	shalt  }
0x72: {  	_ =	shalt  }
0x73: {  	_ =	shalt  }
0x74: {  	_ =	shalt  }
0x75: {  	_ =	shalt  }
0x76: {  	_ =	shalt  }
0x77: {  	_ =	shalt  }
0x78: {  	_ =	shalt  }
0x79: {  	_ =	shalt  }
0x7a: {  	_ =	shalt  }
0x7b: {  	_ =	shalt  }
0x7c: {  	_ =	shalt  }
0x7d: {  	_ =	shalt  }
0x7e: {  	_ =	shalt  }
0x7f: {  	_ =	shalt  }
0x80: {  	_ =	shalt  }
0x81: {  	_ =	shalt  }
0x82: {  	_ =	shalt  }
0x83: {  	_ =	shalt  }
0x84: {  	_ =	shalt  }
0x85: {  	_ =	shalt  }
0x86: {  	_ =	shalt  }
0x87: {  	_ =	shalt  }
.Lfunc_end0:
.L_simem_size_0:
called_computation.5_lowered:
.L_overlay_start_0:
0x88: {  	s2 =	sld [smem:$0x3FD9]  }
0x89: {  	s3 =	sld [smem:$0x3FFE];
	_ =	sdelay $0x1  }
0x8a: {  	s1 =	srdreg.scid  }
0x8b: {  	s0 =	sand.u32 $0x1, s1  }
0x8c: {  	s17 =	sshll.u32 s0, $0xA;
	s2 =	sadd.s32 s3, s2  }
0x8d: {  	s2 =	sadd.s32 s2, s17  }
0x8e: {  	[smem:$0x3FBE] =	sst s2  }
0x8f: {  	_ = 	snop  }
0x90: {  	s18 =	sld [smem:$0x3FD0];
	(tm) =	ssettm $0x1  }
0x91: {  	s19 =	sld [smem:$0x3FFB];
	_ =	sdelay $0x3  }
0x92: {  	_ =	strace s19  }
0x93: {  	s2 =	sld [smem:$0x3FFC];
	_ =	sdelay $0x3  }
0x94: {  	_ =	strace s2  }
0x95: {  	s2 =	sld [smem:$0x3FFD];
	_ =	sdelay $0x3  }
0x96: {  	_ =	strace s2  }
0x97: {  	_ =	strace $0x8FFFFFFF  }
0x98: {  	s20 =	sld [smem:$0x3FDB];
	_ =	sdelay $0x1  }
0x99: {  	s4 =	simm.s32 $_scs_section_size  }
0x9a: {  	s5 =	simm.s32 $_size__tile_overlayer_lowered;
	s6 =	simm.s32 $_tile_overlayer_lowered  }
0x9b: {  	s7 =	simm.s32 $0x1BFF;
	s21 =	sshll.u32 s6, $0x1;
	s4 =	sadd.s32 s4, s20  }
0x9c: {  	s22 =	simm.s32 $0x0;
	s5 =	sshll.u32 s5, $0x1;
	s6 =	sadd.s32 s21, s4  }
0x9d: {  	[timem:s22], [sflag:s7] =	dma.local [hbm:s6], s5  }
0x9e: {  	_ =	swait.ge [sflag:s7], s5  }
0x9f: {  	s5 =	ssub.s32 $0x0, s5;
	[sflag:s7] =	ssyncset.done $0x0  }
0xa0: {  	[sflag:s7] =	ssyncadd.s32 s5;
	_ =	sdelay $0x1  }
0xa1: {  	s23 =	simm.s32 $0x1B8B  }
0xa2: {  	_ =	swait.ge [sflag:s23], $0x1  }
0xa3: {  	[sflag:s23] =	ssyncset.done $0x0  }
0xa4: {  	[sflag:s23] =	ssyncadd.s32 $0xFFFFFFFF  }
0xa5: {  	s5 =	sld [smem:$0x0]  }
0xa6: {  	s6 =	sand.u32 $0xFFFFFFFE, s1  }
0xa7: {  	p0 =	sne.s32 s1, s6  }
0xa8: {  	s6 =	sshll.u32 @p0 s6, $0xE  }
0xa9: {  	s6 =	sadd.s32 @p0 $0x11B8D, s6;
	s7 =	sshll.u32 @p0 s5, $0x11  }
0xaa: {  	s6 =	sor.u32 @p0 s7, s6  }
0xab: {  	[sflag:s6] =	ssyncadd.remote.s32 @p0 $0x1;
	_ =	sdelay $0x1  }
0xac: {  	s6 =	simm.s32 @p0 $0x1B8D  }
0xad: {  	_ =	swait.eq @p0 [sflag:s6], $0x1  }
0xae: {  	[sflag:s6] =	ssyncadd.s32 @p0 $0xFFFFFFFF  }
0xaf: {  	s7 =	sshll.u32 @!p0 s1, $0xE  }
0xb0: {  	s7 =	sor.u32 @!p0 $0x4000, s7;
	s6 =	simm.s32 @!p0 $0x1B8D  }
0xb1: {  	s5 =	sshll.u32 @!p0 s5, $0x11;
	s7 =	sadd.s32 @!p0 $0x11B8D, s7;
	_ =	swait.eq @!p0 [sflag:s6], $0x1  }
0xb2: {  	s5 =	sor.u32 @!p0 s5, s7;
	[sflag:s6] =	ssyncadd.s32 @!p0 $0xFFFFFFFF  }
0xb3: {  	s25 =	simm.s32 $0x1B8E;
	s24 =	sld [smem:$0x3FFE];
	[sflag:s5] =	ssyncadd.remote.s32 @!p0 $0x1  }
0xb4: {  	s26 =	simm.s32 $execute0_lowered;
	[smem:$0x3FD2] =	sst s25  }
0xb5: {  	s6 =	sshll.u32 s26, $0x1;
	_ =	strace $0x80000052;
	[dreg:$0x1] =	wrdreg $0xFFFFFFFF  }
0xb6: {  	s28 =	simm.s32 $_size_execute0_lowered;
	s4 =	sadd.s32 s4, s6;
	[dreg:$0x0] =	wrdreg $0x0  }
0xb7: {  	s6 =	sshll.u32 s28, $0x1;
	[dreg:$0x2] =	wrdreg s4  }
0xb8: {  	[dreg:$0x3] =	wrdreg s6  }
0xb9: {  	[dreg:$0x4] =	wrdreg $0xC0  }
0xba: {  	_ =	task [dreg:s22], $0x5FFFF  }
0xbb: {  	[dreg:$0x1] =	wrdreg $0xFFFFFFFF  }
0xbc: {  	[dreg:$0x0] =	wrdreg $0x60  }
0xbd: {  	[dreg:$0x2] =	wrdreg s24  }
0xbe: {  	[dreg:$0x3] =	wrdreg s18  }
0xbf: {  	[dreg:$0x4] =	wrdreg $0x85000  }
0xc0: {  	[dreg:$0x5] =	wrdreg $0xB  }
0xc1: {  	_ =	task.clear_ibuf [dreg:s22], $0x6FFFF;
	_ =	strace $0x90000052  }
0xc2: {  	s29 =	simm.s32 $0xB;
	_ =	strace $0x80000054  }
0xc3: {  	_ =	swait.ge [sflag:s29], $0x1  }
0xc4: {  	[sflag:s29] =	ssyncadd.s32 $0xFFFFFFFF  }
0xc5: {  	_ =	strace $0x90000054  }
0xc6: {  	_ =	sfence  }
0xc7: {  	s30 =	sld [smem:$0x0];
	_ =	sdelay $0x2  }
0xc8: {  	s31 =	sshll.u32 s1, $0xD;
	s1 =	sshrl.u32 s1, $0x2  }
0xc9: {  	s4 =	sand.u32 $0x4000, s31;
	s1 =	sadd.s32 s1, s30  }
0xca: {  	s0 =	sor.u32 s4, s0;
	s1 =	sshll.u32 s1, $0x11  }
0xcb: {  	s0 =	sor.u32 s1, s0  }
0xcc: {  	s0 =	sadd.s32 $0x8F2B, s0  }
0xcd: {  	[sflag:s0] =	ssyncadd.remote.s32 $0x1  }
0xce: {  	_ =	sfence.sel $0xFFFF  }
0xcf: {  	[dreg:$0x0] =	wrdreg $0xFFFFFFFF;
	(pc) =	sbr.abs _section_cstart, $3  }
0xd0: {  	[dreg:$0x1] =	wrdreg $0xFFFFFFFF  }
0xd1: {  	_ =	task.clear_ibuf [dreg:s22], $0x2FFFF;
	_ =	strace $0x9FFFFFFF  }
0xd2: {  	(tm) =	ssettm $0x7FFFFFFF  }
0xd3: {  	_ =	shalt  }
tec
execute0_lowered:
.L_overlay_start_1:
0x0: {  	(tag) =	ssettag $0x1  }
0x1: {  	s4 =	rddreg [dreg:$0x0]  }
0x2: {  	s5 =	rddreg [dreg:$0x1]  }
0x3: {  	s2 =	rddreg [dreg:$0x2]  }
0x4: {  	s0 =	srdreg.scid;
	s3 =	simm.s32 $0x0;
	s1 =	stileid.u32  }
0x5: {  	s0 =	sand.u32 $0x1, s0;
	s6 =	sshll.u32 s1, $0x5;
	s8 =	smul.u32 $0x9C40, s1  }
0x6: {  	[smem:$0x7FF] =	sst s3;
	s7 =	sshll.u32 s0, $0x4;
	s19 =	smul.u32 $0x9C400, s0  }
0x7: {  	_ =	strace $0x80000053;
	s6 =	sor.u32 s7, s6;
	s10 =	sshrl.u32 s8, $0x3  }
0x8: {  	s9 =	sshll.u32 s6, $0x4;
	s6 =	smul.u32 $0x7D0, s6;
	s7 =	sadd.s32 s8, s19  }
0x9: {  	s5 =	sadd.s32 s5, s10;
	s9 =	sadd.s32 s9, s4;
	s7 =	sshrl.u32 s7, $0x3  }
0xa: {  	[dreg:$0x5] =	wrdreg s5;
	s9 =	sadd.s32 $0x2A3E00, s9;
	s7 =	sadd.s32 s7, s4  }
0xb: {  	[dreg:$0x4] =	wrdreg s9;
	s20 =	sadd.s32 $0x57000, s7  }
0xc: {  	s26 =	sadd.s32 s6, s4;
	[dreg:$0x6] =	wrdreg s20  }
0xd: {  	s4 =	sadd.s32 $0x39FE00, s26;
	s21 =	rddreg [dreg:$0x4]  }
0xe: {  	s22 =	sadd.s32 $0x3A1D40, s26;
	[dreg:$0x7] =	wrdreg s4  }
0xf: {  	[dreg:$0x8] =	wrdreg s22;
	s4 =	simm.s32 $0x2  }
0x10: {  	[tilespmem:s3], [sflag:$0x2] =	stream.linear.gather [hbm4b:s21+s3], $0x800, $0x38;
	[tilespmem:$0x12140] =	vst v63  }
0x11: {  	s25 =	sshll.u32 s1, $0x6;
	_ =	swait.ge [sflag:s4], $0x800  }
0x12: {  	s24 =	sadd.s32 s8, s2;
	s5 =	sor.u32 $0x1C02, s25;
	[sflag:s4] =	ssyncset.done $0x0  }
0x13: {  	s6 =	sshrl.u32 s24, $0x3;
	s23 =	rddreg [dreg:$0x5];
	[sflag:s4] =	ssyncadd.s32 $0xFFFFF800  }
0x14: {  	[spmem:s6], [sflag:s5] =	dma.local [hbm:s23], $0x1388  }
0x15: {  	_ =	swait.ge [sflag:s4], $0x1388  }
0x16: {  	[sflag:s4] =	ssyncset.done $0x0  }
0x17: {  	[sflag:s4] =	ssyncadd.s32 $0xFFFFEC78  }
0x18: {  	s8 =	simm.s32 $0x80;
	s10 =	simm.s32 $0x1;
	[bflag:$0x0] =	sbarrier.arrive $0xFFFF  }
0x19: {  	s7 =	simm.s32 $0x40;
	s9 =	simm.s32 $0x800;
	s11 =	rddreg [dreg:$0x7]  }
0x1a: {  	[tilespmem:s9], [sflag:$0x1] =	stream.strided.gather [hbm4b:s11+s7], $0x7D00, s8, s7, $0x38;
	[tilespmem:$0x12140] =	vst v63  }
0x1b: {  	_ =	swait.ge [sflag:s10], $0x7D00  }
0x1c: {  	[sflag:s10] =	ssyncset.done $0x0  }
0x1d: {  	s11 =	simm.s32 $0x7D;
	[sflag:s10] =	ssyncadd.s32 $0xFFFF8300  }
0x1e: {  	[spmem:s2] =	stream.indirect.scatter.add.f32 [tilespmem:s9], [sflag:$0x2], $0x40, s3, s11, $0xb8;
	[tilespmem:$0x12140] =	vst v63  }
0x1f: {  	_ =	swait.ge [sflag:s4], $0x1F40  }
0x20: {  	[sflag:s4] =	ssyncset.done $0x0  }
0x21: {  	s12 =	simm.s32 $0x2740;
	[sflag:s4] =	ssyncadd.s32 $0xFFFFE0C0  }
0x22: {  	[spmem:s2] =	stream.indirect.scatter.add.f32 [tilespmem:s12], [sflag:$0x2], $0x40, s8, s11, $0xb8;
	[tilespmem:$0x12140] =	vst v63  }
0x23: {  	_ =	swait.ge [sflag:s4], $0x1F40  }
0x24: {  	[sflag:s4] =	ssyncset.done $0x0  }
0x25: {  	s13 =	simm.s32 $0x100;
	s14 =	simm.s32 $0x4680;
	[sflag:s4] =	ssyncadd.s32 $0xFFFFE0C0  }
0x26: {  	[spmem:s2] =	stream.indirect.scatter.add.f32 [tilespmem:s14], [sflag:$0x2], $0x40, s13, s11, $0xb8;
	[tilespmem:$0x12140] =	vst v63  }
0x27: {  	_ =	swait.ge [sflag:s4], $0x1F40  }
0x28: {  	[sflag:s4] =	ssyncset.done $0x0  }
0x29: {  	s15 =	simm.s32 $0x180;
	s16 =	simm.s32 $0x65C0;
	[sflag:s4] =	ssyncadd.s32 $0xFFFFE0C0  }
0x2a: {  	[spmem:s2] =	stream.indirect.scatter.add.f32 [tilespmem:s16], [sflag:$0x2], $0x40, s15, s11, $0xb8;
	[tilespmem:$0x12140] =	vst v63  }
0x2b: {  	_ =	swait.ge [sflag:s4], $0x1F40  }
0x2c: {  	[sflag:s4] =	ssyncset.done $0x0  }
0x2d: {  	s17 =	rddreg [dreg:$0x8];
	[sflag:s4] =	ssyncadd.s32 $0xFFFFE0C0  }
0x2e: {  	[tilespmem:s9], [sflag:$0x1] =	stream.strided.gather [hbm4b:s17+s7], $0x7D00, s8, s7, $0x38;
	[tilespmem:$0x12140] =	vst v63  }
0x2f: {  	_ =	swait.ge [sflag:s10], $0x7D00  }
0x30: {  	[sflag:s10] =	ssyncset.done $0x0  }
0x31: {  	s17 =	simm.s32 $0x200;
	[sflag:s10] =	ssyncadd.s32 $0xFFFF8300  }
0x32: {  	[spmem:s2] =	stream.indirect.scatter.add.f32 [tilespmem:s9], [sflag:$0x2], $0x40, s17, s11, $0xb8;
	[tilespmem:$0x12140] =	vst v63  }
0x33: {  	_ =	swait.ge [sflag:s4], $0x1F40  }
0x34: {  	[sflag:s4] =	ssyncset.done $0x0  }
0x35: {  	s18 =	simm.s32 $0x280;
	[sflag:s4] =	ssyncadd.s32 $0xFFFFE0C0  }
0x36: {  	[spmem:s2] =	stream.indirect.scatter.add.f32 [tilespmem:s12], [sflag:$0x2], $0x40, s18, s11, $0xb8;
	[tilespmem:$0x12140] =	vst v63  }
0x37: {  	_ =	swait.ge [sflag:s4], $0x1F40  }
0x38: {  	[sflag:s4] =	ssyncset.done $0x0  }
0x39: {  	s19 =	simm.s32 $0x300;
	[sflag:s4] =	ssyncadd.s32 $0xFFFFE0C0  }
0x3a: {  	[spmem:s2] =	stream.indirect.scatter.add.f32 [tilespmem:s14], [sflag:$0x2], $0x40, s19, s11, $0xb8;
	[tilespmem:$0x12140] =	vst v63  }
0x3b: {  	_ =	swait.ge [sflag:s4], $0x1F40  }
0x3c: {  	[sflag:s4] =	ssyncset.done $0x0  }
0x3d: {  	s20 =	simm.s32 $0x380;
	[sflag:s4] =	ssyncadd.s32 $0xFFFFE0C0  }
0x3e: {  	[spmem:s2] =	stream.indirect.scatter.add.f32 [tilespmem:s16], [sflag:$0x2], $0x40, s20, s11, $0xb8;
	[tilespmem:$0x12140] =	vst v63  }
0x3f: {  	_ =	swait.ge [sflag:s4], $0x1F40  }
0x40: {  	[sflag:s4] =	ssyncset.done $0x0  }
0x41: {  	s21 =	sadd.s32 $0x3A3C80, s26;
	[sflag:s4] =	ssyncadd.s32 $0xFFFFE0C0  }
0x42: {  	[tilespmem:s9], [sflag:$0x1] =	stream.strided.gather [hbm4b:s21+s7], $0x7D00, s8, s7, $0x38;
	[tilespmem:$0x12140] =	vst v63  }
0x43: {  	_ =	swait.ge [sflag:s10], $0x7D00  }
0x44: {  	[sflag:s10] =	ssyncset.done $0x0  }
0x45: {  	s22 =	simm.s32 $0x400;
	[sflag:s10] =	ssyncadd.s32 $0xFFFF8300  }
0x46: {  	[spmem:s2] =	stream.indirect.scatter.add.f32 [tilespmem:s9], [sflag:$0x2], $0x40, s22, s11, $0xb8;
	[tilespmem:$0x12140] =	vst v63  }
0x47: {  	_ =	swait.ge [sflag:s4], $0x1F40  }
0x48: {  	[sflag:s4] =	ssyncset.done $0x0  }
0x49: {  	s23 =	simm.s32 $0x480;
	[sflag:s4] =	ssyncadd.s32 $0xFFFFE0C0  }
0x4a: {  	[spmem:s2] =	stream.indirect.scatter.add.f32 [tilespmem:s12], [sflag:$0x2], $0x40, s23, s11, $0xb8;
	[tilespmem:$0x12140] =	vst v63  }
0x4b: {  	_ =	swait.ge [sflag:s4], $0x1F40  }
0x4c: {  	[sflag:s4] =	ssyncset.done $0x0  }
0x4d: {  	s24 =	simm.s32 $0x500;
	[sflag:s4] =	ssyncadd.s32 $0xFFFFE0C0  }
0x4e: {  	[spmem:s2] =	stream.indirect.scatter.add.f32 [tilespmem:s14], [sflag:$0x2], $0x40, s24, s11, $0xb8;
	[tilespmem:$0x12140] =	vst v63  }
0x4f: {  	_ =	swait.ge [sflag:s4], $0x1F40  }
0x50: {  	[sflag:s4] =	ssyncset.done $0x0  }
0x51: {  	s25 =	simm.s32 $0x580;
	[sflag:s4] =	ssyncadd.s32 $0xFFFFE0C0  }
0x52: {  	[spmem:s2] =	stream.indirect.scatter.add.f32 [tilespmem:s16], [sflag:$0x2], $0x40, s25, s11, $0xb8;
	[tilespmem:$0x12140] =	vst v63  }
0x53: {  	_ =	swait.ge [sflag:s4], $0x1F40  }
0x54: {  	[sflag:s4] =	ssyncset.done $0x0  }
0x55: {  	s26 =	sadd.s32 $0x3A5BC0, s26;
	[sflag:s4] =	ssyncadd.s32 $0xFFFFE0C0  }
0x56: {  	[tilespmem:s9], [sflag:$0x1] =	stream.strided.gather [hbm4b:s26+s7], $0x7D00, s8, s7, $0x38;
	[tilespmem:$0x12140] =	vst v63  }
0x57: {  	_ =	swait.ge [sflag:s10], $0x7D00  }
0x58: {  	[sflag:s10] =	ssyncset.done $0x0  }
0x59: {  	s28 =	simm.s32 $0x600;
	[sflag:s10] =	ssyncadd.s32 $0xFFFF8300  }
0x5a: {  	[spmem:s2] =	stream.indirect.scatter.add.f32 [tilespmem:s9], [sflag:$0x2], $0x40, s28, s11, $0xb8;
	[tilespmem:$0x12140] =	vst v63  }
0x5b: {  	_ =	swait.ge [sflag:s4], $0x1F40  }
0x5c: {  	[sflag:s4] =	ssyncset.done $0x0  }
0x5d: {  	s29 =	simm.s32 $0x680;
	[sflag:s4] =	ssyncadd.s32 $0xFFFFE0C0  }
0x5e: {  	[spmem:s2] =	stream.indirect.scatter.add.f32 [tilespmem:s12], [sflag:$0x2], $0x40, s29, s11, $0xb8;
	[tilespmem:$0x12140] =	vst v63  }
0x5f: {  	_ =	swait.ge [sflag:s4], $0x1F40  }
0x60: {  	[sflag:s4] =	ssyncset.done $0x0  }
0x61: {  	s30 =	simm.s32 $0x700;
	[sflag:s4] =	ssyncadd.s32 $0xFFFFE0C0  }
0x62: {  	[spmem:s2] =	stream.indirect.scatter.add.f32 [tilespmem:s14], [sflag:$0x2], $0x40, s30, s11, $0xb8;
	[tilespmem:$0x12140] =	vst v63  }
0x63: {  	_ =	swait.ge [sflag:s4], $0x1F40  }
0x64: {  	[sflag:s4] =	ssyncset.done $0x0  }
0x65: {  	s31 =	simm.s32 $0x780;
	[sflag:s4] =	ssyncadd.s32 $0xFFFFE0C0  }
0x66: {  	[spmem:s2] =	stream.indirect.scatter.add.f32 [tilespmem:s16], [sflag:$0x2], $0x40, s31, s11, $0xb8;
	[tilespmem:$0x12140] =	vst v63  }
0x67: {  	_ =	swait.ge [sflag:s4], $0x1F40  }
0x68: {  	[sflag:s4] =	ssyncset.done $0x0  }
0x69: {  	[sflag:s4] =	ssyncadd.s32 $0xFFFFE0C0  }
0x6a: {  	[bflag:$0x0] =	sbarrier.arrive $0xFFFF  }
0x6b: {  	s0 =	ssub.s32 $0x2, s0;
	s1 =	rddreg [dreg:$0x6]  }
0x6c: {  	[dreg:$0x9] =	wrdreg s1;
	s1 =	sshrl.u32 s0, $0x1  }
0x6d: {  	s0 =	ssub.s32 s0, s1  }
0x6e: {  	s0 =	smax.u32 s0, $0x1  }
0x6f: {  	p0 =	sne.s32 s0, $0x1  }
.Ltmp0:
0x70: {  	_ = 	snop;
	(pc) =	sbr.rel @!p0 .LBB2_2-.Ltmp0, $4  }
0x71: {  	_ = 	snop  }
0x72: {  	s1 =	rddreg [dreg:$0x9]  }
0x73: {  	[hbm:s1], [sflag:s5] =	dma.local [spmem:s6], $0x1388  }
0x74: {  	s0 =	sadd.s32 $0xFFFFFFFF, s0;
	_ =	swait.ge [sflag:s4], $0x1388  }
.LBB2_1:
0x75: {  	[sflag:s4] =	ssyncset.done $0x0  }
0x76: {  	s1 =	rddreg [dreg:$0x4];
	[sflag:s4] =	ssyncadd.s32 $0xFFFFEC78  }
0x77: {  	[tilespmem:s3], [sflag:$0x2] =	stream.linear.gather [hbm4b:s1+s3], $0x800, $0x38;
	[tilespmem:$0x12140] =	vst v63  }
0x78: {  	_ =	swait.ge [sflag:s4], $0x800  }
0x79: {  	[sflag:s4] =	ssyncset.done $0x0  }
0x7a: {  	s1 =	rddreg [dreg:$0x5];
	[sflag:s4] =	ssyncadd.s32 $0xFFFFF800  }
0x7b: {  	[spmem:s6], [sflag:s5] =	dma.local [hbm:s1], $0x1388  }
0x7c: {  	_ =	swait.ge [sflag:s4], $0x1388  }
0x7d: {  	[sflag:s4] =	ssyncset.done $0x0  }
0x7e: {  	[sflag:s4] =	ssyncadd.s32 $0xFFFFEC78  }
0x7f: {  	[bflag:$0x0] =	sbarrier.arrive $0xFFFF  }
0x80: {  	s1 =	rddreg [dreg:$0x7]  }
0x81: {  	[tilespmem:s9], [sflag:$0x1] =	stream.strided.gather [hbm4b:s1+s7], $0x7D00, s8, s7, $0x38;
	[tilespmem:$0x12140] =	vst v63  }
0x82: {  	_ =	swait.ge [sflag:s10], $0x7D00  }
0x83: {  	[sflag:s10] =	ssyncset.done $0x0  }
0x84: {  	[sflag:s10] =	ssyncadd.s32 $0xFFFF8300  }
0x85: {  	[spmem:s2] =	stream.indirect.scatter.add.f32 [tilespmem:s9], [sflag:$0x2], $0x40, s3, s11, $0xb8;
	[tilespmem:$0x12140] =	vst v63  }
0x86: {  	_ =	swait.ge [sflag:s4], $0x1F40  }
0x87: {  	[sflag:s4] =	ssyncset.done $0x0  }
0x88: {  	[sflag:s4] =	ssyncadd.s32 $0xFFFFE0C0  }
0x89: {  	[spmem:s2] =	stream.indirect.scatter.add.f32 [tilespmem:s12], [sflag:$0x2], $0x40, s8, s11, $0xb8;
	[tilespmem:$0x12140] =	vst v63  }
0x8a: {  	_ =	swait.ge [sflag:s4], $0x1F40  }
0x8b: {  	[sflag:s4] =	ssyncset.done $0x0  }
0x8c: {  	[sflag:s4] =	ssyncadd.s32 $0xFFFFE0C0  }
0x8d: {  	[spmem:s2] =	stream.indirect.scatter.add.f32 [tilespmem:s14], [sflag:$0x2], $0x40, s13, s11, $0xb8;
	[tilespmem:$0x12140] =	vst v63  }
0x8e: {  	_ =	swait.ge [sflag:s4], $0x1F40  }
0x8f: {  	[sflag:s4] =	ssyncset.done $0x0  }
0x90: {  	[sflag:s4] =	ssyncadd.s32 $0xFFFFE0C0  }
0x91: {  	[spmem:s2] =	stream.indirect.scatter.add.f32 [tilespmem:s16], [sflag:$0x2], $0x40, s15, s11, $0xb8;
	[tilespmem:$0x12140] =	vst v63  }
0x92: {  	_ =	swait.ge [sflag:s4], $0x1F40  }
0x93: {  	[sflag:s4] =	ssyncset.done $0x0  }
0x94: {  	s1 =	rddreg [dreg:$0x8];
	[sflag:s4] =	ssyncadd.s32 $0xFFFFE0C0  }
0x95: {  	[tilespmem:s9], [sflag:$0x1] =	stream.strided.gather [hbm4b:s1+s7], $0x7D00, s8, s7, $0x38;
	[tilespmem:$0x12140] =	vst v63  }
0x96: {  	_ =	swait.ge [sflag:s10], $0x7D00  }
0x97: {  	[sflag:s10] =	ssyncset.done $0x0  }
0x98: {  	[sflag:s10] =	ssyncadd.s32 $0xFFFF8300  }
0x99: {  	[spmem:s2] =	stream.indirect.scatter.add.f32 [tilespmem:s9], [sflag:$0x2], $0x40, s17, s11, $0xb8;
	[tilespmem:$0x12140] =	vst v63  }
0x9a: {  	_ =	swait.ge [sflag:s4], $0x1F40  }
0x9b: {  	[sflag:s4] =	ssyncset.done $0x0  }
0x9c: {  	[sflag:s4] =	ssyncadd.s32 $0xFFFFE0C0  }
0x9d: {  	[spmem:s2] =	stream.indirect.scatter.add.f32 [tilespmem:s12], [sflag:$0x2], $0x40, s18, s11, $0xb8;
	[tilespmem:$0x12140] =	vst v63  }
0x9e: {  	_ =	swait.ge [sflag:s4], $0x1F40  }
0x9f: {  	[sflag:s4] =	ssyncset.done $0x0  }
0xa0: {  	[sflag:s4] =	ssyncadd.s32 $0xFFFFE0C0  }
0xa1: {  	[spmem:s2] =	stream.indirect.scatter.add.f32 [tilespmem:s14], [sflag:$0x2], $0x40, s19, s11, $0xb8;
	[tilespmem:$0x12140] =	vst v63  }
0xa2: {  	_ =	swait.ge [sflag:s4], $0x1F40  }
0xa3: {  	[sflag:s4] =	ssyncset.done $0x0  }
0xa4: {  	[sflag:s4] =	ssyncadd.s32 $0xFFFFE0C0  }
0xa5: {  	[spmem:s2] =	stream.indirect.scatter.add.f32 [tilespmem:s16], [sflag:$0x2], $0x40, s20, s11, $0xb8;
	[tilespmem:$0x12140] =	vst v63  }
0xa6: {  	_ =	swait.ge [sflag:s4], $0x1F40  }
0xa7: {  	[sflag:s4] =	ssyncset.done $0x0  }
0xa8: {  	[sflag:s4] =	ssyncadd.s32 $0xFFFFE0C0  }
0xa9: {  	[tilespmem:s9], [sflag:$0x1] =	stream.strided.gather [hbm4b:s21+s7], $0x7D00, s8, s7, $0x38;
	[tilespmem:$0x12140] =	vst v63  }
0xaa: {  	_ =	swait.ge [sflag:s10], $0x7D00  }
0xab: {  	[sflag:s10] =	ssyncset.done $0x0  }
0xac: {  	[sflag:s10] =	ssyncadd.s32 $0xFFFF8300  }
0xad: {  	[spmem:s2] =	stream.indirect.scatter.add.f32 [tilespmem:s9], [sflag:$0x2], $0x40, s22, s11, $0xb8;
	[tilespmem:$0x12140] =	vst v63  }
0xae: {  	_ =	swait.ge [sflag:s4], $0x1F40  }
0xaf: {  	[sflag:s4] =	ssyncset.done $0x0  }
0xb0: {  	[sflag:s4] =	ssyncadd.s32 $0xFFFFE0C0  }
0xb1: {  	[spmem:s2] =	stream.indirect.scatter.add.f32 [tilespmem:s12], [sflag:$0x2], $0x40, s23, s11, $0xb8;
	[tilespmem:$0x12140] =	vst v63  }
0xb2: {  	_ =	swait.ge [sflag:s4], $0x1F40  }
0xb3: {  	[sflag:s4] =	ssyncset.done $0x0  }
0xb4: {  	[sflag:s4] =	ssyncadd.s32 $0xFFFFE0C0  }
0xb5: {  	[spmem:s2] =	stream.indirect.scatter.add.f32 [tilespmem:s14], [sflag:$0x2], $0x40, s24, s11, $0xb8;
	[tilespmem:$0x12140] =	vst v63  }
0xb6: {  	_ =	swait.ge [sflag:s4], $0x1F40  }
0xb7: {  	[sflag:s4] =	ssyncset.done $0x0  }
0xb8: {  	[sflag:s4] =	ssyncadd.s32 $0xFFFFE0C0  }
0xb9: {  	[spmem:s2] =	stream.indirect.scatter.add.f32 [tilespmem:s16], [sflag:$0x2], $0x40, s25, s11, $0xb8;
	[tilespmem:$0x12140] =	vst v63  }
0xba: {  	_ =	swait.ge [sflag:s4], $0x1F40  }
0xbb: {  	[sflag:s4] =	ssyncset.done $0x0  }
0xbc: {  	[sflag:s4] =	ssyncadd.s32 $0xFFFFE0C0  }
0xbd: {  	[tilespmem:s9], [sflag:$0x1] =	stream.strided.gather [hbm4b:s26+s7], $0x7D00, s8, s7, $0x38;
	[tilespmem:$0x12140] =	vst v63  }
0xbe: {  	_ =	swait.ge [sflag:s10], $0x7D00  }
0xbf: {  	[sflag:s10] =	ssyncset.done $0x0  }
0xc0: {  	[sflag:s10] =	ssyncadd.s32 $0xFFFF8300  }
0xc1: {  	[spmem:s2] =	stream.indirect.scatter.add.f32 [tilespmem:s9], [sflag:$0x2], $0x40, s28, s11, $0xb8;
	[tilespmem:$0x12140] =	vst v63  }
0xc2: {  	_ =	swait.ge [sflag:s4], $0x1F40  }
0xc3: {  	[sflag:s4] =	ssyncset.done $0x0  }
0xc4: {  	[sflag:s4] =	ssyncadd.s32 $0xFFFFE0C0  }
0xc5: {  	[spmem:s2] =	stream.indirect.scatter.add.f32 [tilespmem:s12], [sflag:$0x2], $0x40, s29, s11, $0xb8;
	[tilespmem:$0x12140] =	vst v63  }
0xc6: {  	_ =	swait.ge [sflag:s4], $0x1F40  }
0xc7: {  	[sflag:s4] =	ssyncset.done $0x0  }
0xc8: {  	[sflag:s4] =	ssyncadd.s32 $0xFFFFE0C0  }
0xc9: {  	[spmem:s2] =	stream.indirect.scatter.add.f32 [tilespmem:s14], [sflag:$0x2], $0x40, s30, s11, $0xb8;
	[tilespmem:$0x12140] =	vst v63  }
0xca: {  	_ =	swait.ge [sflag:s4], $0x1F40  }
0xcb: {  	[sflag:s4] =	ssyncset.done $0x0  }
0xcc: {  	[sflag:s4] =	ssyncadd.s32 $0xFFFFE0C0  }
0xcd: {  	[spmem:s2] =	stream.indirect.scatter.add.f32 [tilespmem:s16], [sflag:$0x2], $0x40, s31, s11, $0xb8;
	[tilespmem:$0x12140] =	vst v63  }
0xce: {  	_ =	swait.ge [sflag:s4], $0x1F40  }
0xcf: {  	p0 =	sne.s32 s0, $0x1;
	[sflag:s4] =	ssyncset.done $0x0  }
.Ltmp1:
0xd0: {  	[sflag:s4] =	ssyncadd.s32 $0xFFFFE0C0;
	(pc) =	sbr.rel @p0 .LBB2_1-.Ltmp1, $4  }
0xd1: {  	[bflag:$0x0] =	sbarrier.arrive $0xFFFF  }
0xd2: {  	s1 =	rddreg [dreg:$0x6]  }
0xd3: {  	[hbm:s1], [sflag:s5] =	dma.local [spmem:s6], $0x1388  }
0xd4: {  	s0 =	sadd.s32 $0xFFFFFFFF, s0;
	_ =	swait.ge [sflag:s4], $0x1388  }
.LBB2_2:
0xd5: {  	[sflag:s4] =	ssyncset.done $0x0  }
0xd6: {  	[sflag:s4] =	ssyncadd.s32 $0xFFFFEC78  }
0xd7: {  	_ =	sfence.sel $0x180000  }
0xd8: {  	[bflag:$0x0] =	sbarrier.arrive $0xFFFF  }
0xd9: {  	_ =	strace $0x90000053  }
0xda: {  	s0 =	stileid.u32;
	[bflag:$0x2] =	sbarrier.arrive $0xFFFF  }
0xdb: {  	p0 =	sne.s32 s0, $0x0;
	s0 =	rddreg [dreg:$0x3]  }
0xdc: {  	s0 =	sadd.s32 @!p0 $0x100000, s0  }
0xdd: {  	[sflag:s0] =	ssyncadd.tile.s32 @!p0 $0x1;
	_ =	shalt  }
.Lfunc_end2:
_tile_overlayer_lowered:
.L_overlay_start_2:
0xde: {  	(tag) =	ssettag $0x2  }
0xdf: {  	s0 =	rddreg [dreg:$0x0];
	s2 =	stileid.u32  }
0xe0: {  	s1 =	rddreg [dreg:$0x1];
	p0 =	sne.s32 s2, $0x0  }
0xe1: {  	s3 =	rddreg [dreg:$0x2];
	[bflag:$0x3] =	sbarrier.arrive $0xFFFF;
	s2 =	simm.s32 @!p0 $0x1C02  }
0xe2: {  	[timem:s3], [sflag:s2] =	dma.local @!p0 [hbm:s0], s1  }
0xe3: {  	s0 =	simm.s32 @!p0 $0x2  }
0xe4: {  	_ =	swait.ge @!p0 [sflag:s0], s1  }
0xe5: {  	s1 =	ssub.s32 @!p0 $0x0, s1;
	[sflag:s0] =	ssyncset.done @!p0 $0x0  }
0xe6: {  	[sflag:s0] =	ssyncadd.s32 @!p0 s1  }
0xe7: {  	[bflag:$0x3] =	sbarrier.arrive $0xFFFF  }
0xe8: {  	_ =	shalt  }

</sc_bundles>
